<compile_context>
chip_gen: v7x
topology: tpu7x:2x2x1
jax: 0.10.2.dev20260603
libtpu: 0.0.44.dev20260713+nightly
codegen_flags: <defaults>
</compile_context>

<pallas_src>
import functools

import jax
import jax.numpy as jnp
from jax import lax
from jax.experimental import pallas as pl
from jax.experimental.pallas import tpu as pltpu
from jax.experimental.pallas import tpu_sc as plsc

N_SIDE = 5000
NP = 6144
D = 128
E = 160000
NT = 16
EPT = E // NT
EC = 80
NCH = EPT // EC
EC2 = 112
NCH2 = -(-EPT // EC2)
RPT = NP // NT
RB = 768


def _f32(shape):
    return jax.ShapeDtypeStruct(shape, jnp.float32)


@functools.partial(
    pl.kernel,
    out_type=(_f32((2 * NP,)), _f32((2 * NP,))),
    mesh=plsc.VectorSubcoreMesh(core_axis_name="c", subcore_axis_name="s"),
    scratch_types=[
        pltpu.VMEM((NCH, EC), jnp.int32),
        pltpu.VMEM((EC,), jnp.float32),
        pltpu.VMEM((RPT,), jnp.float32),
        pltpu.VMEM((RPT,), jnp.float32),
        pltpu.VMEM((RPT,), jnp.float32),
        [pltpu.SemaphoreType.DMA] * 8,
        pltpu.VMEM_SHARED((NP,), jnp.float32),
    ],
)
def _sc_stats(idx_all, ones1, zeros1,
              dinv, dinv2,
              idx_v, ones_v, degbuf, dvb, dv2b, ssems, degacc):
    tid = lax.axis_index("s")
    cid = lax.axis_index("c")
    r0 = tid * RPT

    pltpu.sync_copy(zeros1, degbuf)
    pltpu.sync_copy(degbuf, degacc.at[pl.ds(r0, RPT)])
    pltpu.sync_copy(ones1, ones_v)
    pltpu.sync_copy(idx_all.at[cid, tid], idx_v)

    plsc.subcore_barrier()

    def sdrain(b):
        pltpu.make_async_copy(ones_v, degacc.at[pl.ds(0, EC)],
                              ssems[b]).wait()

    def scat8(q, carry):
        for j in range(8):
            @pl.when(q > 0)
            def _():
                sdrain(j)

            pltpu.async_copy(ones_v, degacc.at[idx_v.at[q * 8 + j]],
                             ssems[j], add=True)
        return carry

    lax.fori_loop(0, NCH // 8, scat8, 0)
    for c in range(NCH - NCH % 8, NCH):
        sdrain(c % 8)
        pltpu.async_copy(ones_v, degacc.at[idx_v.at[c]], ssems[c % 8],
                         add=True)
    for b in range(8):
        sdrain(b)

    plsc.subcore_barrier()

    pltpu.sync_copy(degacc.at[pl.ds(r0, RPT)], degbuf)

    def conv(k, carry):
        deg = degbuf[pl.ds(k * 16, 16)]
        bits = lax.bitcast_convert_type(deg, jnp.int32)
        bits = jnp.int32(0x5F3759DF) - (bits >> 1)
        y = lax.bitcast_convert_type(bits, jnp.float32)
        for _ in range(3):
            y = y * (1.5 - 0.5 * deg * y * y)
        y = jnp.where(deg >= 0.5, y, 0.0)
        dvb[pl.ds(k * 16, 16)] = y
        dv2b[pl.ds(k * 16, 16)] = y * y
        return carry

    lax.fori_loop(0, RPT // 16, conv, 0)

    out0 = cid * NP + r0
    pltpu.sync_copy(dvb, dinv.at[pl.ds(out0, RPT)])
    pltpu.sync_copy(dv2b, dinv2.at[pl.ds(out0, RPT)])


@functools.partial(
    pl.kernel,
    out_type=(_f32((NP, D)), _f32((NP, D))),
    mesh=plsc.VectorSubcoreMesh(core_axis_name="c", subcore_axis_name="s"),
    scratch_types=[
        pltpu.VMEM((NCH2, EC2), jnp.int32),
        pltpu.VMEM((NCH2, EC2), jnp.int32),
        [pltpu.VMEM((EC2, D), jnp.float32)] * 4,
        [pltpu.SemaphoreType.DMA] * 4,
        [pltpu.SemaphoreType.DMA] * 4,
        pltpu.VMEM_SHARED((NP, D), jnp.float32),
    ],
)
def _sc_prop(didx, sidx, z_d, z_s, zrows,
             y_d, y_s,
             idx_g, idx_sc, bufs, gsems, ssems, acc):
    tid = lax.axis_index("s")
    cid = lax.axis_index("c")
    r0 = tid * RPT

    pltpu.sync_copy(zrows, acc.at[pl.ds(r0, RPT)])

    @pl.when(cid == 0)
    def _():
        pltpu.sync_copy(sidx.at[tid], idx_g)
        pltpu.sync_copy(didx.at[tid], idx_sc)

    @pl.when(cid == 1)
    def _():
        pltpu.sync_copy(didx.at[tid], idx_g)
        pltpu.sync_copy(sidx.at[tid], idx_sc)

    plsc.subcore_barrier()

    def one_side(src):
        def start_g(c, b):
            pltpu.async_copy(src.at[idx_g.at[c]], bufs[b], gsems[b])

        def start_s(c, b):
            pltpu.async_copy(bufs[b], acc.at[idx_sc.at[c]], ssems[b],
                             add=True)

        def drain(b, sems):
            pltpu.make_async_copy(src.at[pl.ds(0, EC2)], bufs[b], sems[b]).wait()

        for c in range(3):
            start_g(c, c)

        def quad(q, carry):
            c0 = 4 * q
            for j in range(4):
                c = c0 + j
                drain(j, gsems)
                start_s(c, j)
                bn = (j + 3) % 4

                @pl.when(c > 0)
                def _():
                    drain(bn, ssems)

                start_g(c + 3, bn)
            return carry

        q4 = ((NCH2 - 3) // 4) * 4
        lax.fori_loop(0, (NCH2 - 3) // 4, quad, 0)
        for c in range(q4, NCH2):
            drain(c % 4, gsems)
            start_s(c, c % 4)
            if c + 3 < NCH2:
                drain((c + 3) % 4, ssems)
                start_g(c + 3, (c + 3) % 4)
        for c in range(NCH2 - 4, NCH2):
            drain(c % 4, ssems)

    @pl.when(cid == 0)
    def _():
        one_side(z_s)

    @pl.when(cid == 1)
    def _():
        one_side(z_d)

    plsc.subcore_barrier()

    @pl.when(cid == 0)
    def _():
        pltpu.sync_copy(acc.at[pl.ds(r0, RPT)], y_d.at[pl.ds(r0, RPT)])

    @pl.when(cid == 1)
    def _():
        pltpu.sync_copy(acc.at[pl.ds(r0, RPT)], y_s.at[pl.ds(r0, RPT)])


_mat = pl.BlockSpec((RB, D), lambda i: (i, 0))
_col = pl.BlockSpec((RB, 1), lambda i: (i, 0))
_G = NP // RB


def _prep_body(ego_d, dv_d, ego_s, dv_s, z_d, z_s):
    z_d[...] = ego_d[...] * dv_d[...]
    z_s[...] = ego_s[...] * dv_s[...]


_tc_prep = pl.pallas_call(
    _prep_body, grid=(_G,),
    in_specs=[_mat, _col, _mat, _col],
    out_specs=[_mat, _mat],
    out_shape=(_f32((NP, D)), _f32((NP, D))),
)


def _first_body(y_d, d2_d, y_s, d2_s, z_d, ys_d, z_s, ys_s):
    yv = y_d[...]
    z_d[...] = yv * d2_d[...]
    ys_d[...] = yv
    yv = y_s[...]
    z_s[...] = yv * d2_s[...]
    ys_s[...] = yv


_tc_first = pl.pallas_call(
    _first_body, grid=(_G,),
    in_specs=[_mat, _col, _mat, _col],
    out_specs=[_mat, _mat, _mat, _mat],
    out_shape=(_f32((NP, D)),) * 4,
)


def _mid_body(y_d, d2_d, ysi_d, y_s, d2_s, ysi_s, z_d, yso_d, z_s, yso_s):
    yv = y_d[...]
    z_d[...] = yv * d2_d[...]
    yso_d[...] = ysi_d[...] + yv
    yv = y_s[...]
    z_s[...] = yv * d2_s[...]
    yso_s[...] = ysi_s[...] + yv


_tc_mid = pl.pallas_call(
    _mid_body, grid=(_G,),
    in_specs=[_mat, _col, _mat, _mat, _col, _mat],
    out_specs=[_mat, _mat, _mat, _mat],
    out_shape=(_f32((NP, D)),) * 4,
)


def _final_body(y_d, dv_d, ysi_d, y_s, dv_s, ysi_s, o_d, o_s):
    o_d[...] = (ysi_d[...] + y_d[...]) * dv_d[...]
    o_s[...] = (ysi_s[...] + y_s[...]) * dv_s[...]


_tc_final = pl.pallas_call(
    _final_body, grid=(_G,),
    in_specs=[_mat, _col, _mat, _mat, _col, _mat],
    out_specs=[_mat, _mat],
    out_shape=(_f32((NP, D)), _f32((NP, D))),
)


def kernel(drug_emb, disease_emb, drug_idx, disease_idx):
    di = drug_idx.astype(jnp.int32).reshape(NT, NCH, EC)
    si = disease_idx.astype(jnp.int32).reshape(NT, NCH, EC)
    pad_n = NCH2 * EC2 - EPT
    pad_rows = jnp.broadcast_to(
        N_SIDE + jnp.arange(pad_n, dtype=jnp.int32) % (NP - N_SIDE),
        (NT, pad_n))
    di2 = jnp.concatenate(
        [drug_idx.astype(jnp.int32).reshape(NT, EPT), pad_rows],
        axis=1).reshape(NT, NCH2, EC2)
    si2 = jnp.concatenate(
        [disease_idx.astype(jnp.int32).reshape(NT, EPT), pad_rows],
        axis=1).reshape(NT, NCH2, EC2)
    ego_d = jnp.pad(drug_emb.astype(jnp.float32), ((0, NP - N_SIDE), (0, 0)))
    ego_s = jnp.pad(disease_emb.astype(jnp.float32), ((0, NP - N_SIDE), (0, 0)))

    ones1 = jnp.ones((EC,), jnp.float32)
    zeros1 = jnp.zeros((RPT,), jnp.float32)
    zrows = jnp.zeros((RPT, D), jnp.float32)

    dinv, dinv2 = _sc_stats(jnp.stack([di, si]), ones1, zeros1)
    dv_d = dinv[:NP].reshape(NP, 1)
    dv_s = dinv[NP:].reshape(NP, 1)
    d2_d = dinv2[:NP].reshape(NP, 1)
    d2_s = dinv2[NP:].reshape(NP, 1)

    z_d, z_s = _tc_prep(ego_d, dv_d, ego_s, dv_s)

    y_d, y_s = _sc_prop(di2, si2, z_d, z_s, zrows)
    z_d, ys_d, z_s, ys_s = _tc_first(y_d, d2_d, y_s, d2_s)

    y_d, y_s = _sc_prop(di2, si2, z_d, z_s, zrows)
    z_d, ys_d, z_s, ys_s = _tc_mid(y_d, d2_d, ys_d, y_s, d2_s, ys_s)

    y_d, y_s = _sc_prop(di2, si2, z_d, z_s, zrows)
    out_d, out_s = _tc_final(y_d, dv_d, ys_d, y_s, dv_s, ys_s)

    return out_d[:N_SIDE], out_s[:N_SIDE]

# --- scband reference (transcript-rebuilt; emitter-appended) ---
"""Pipeline reference for scband-anti-viral-dl-encoder-42554535969296 (READ-ONLY COPY).

The authoritative reference and input builder live on the scoring server;
editing this copy changes nothing except your own understanding.
"""

import jax, jax.numpy as jnp
import numpy as np

NUM_DRUGS = 5000
NUM_DISEASES = 5000
EMB_SIZE = 128
N_PAIRS = 160000
N_LAYERS = 3
EPS = 0.1  # unused when perturbed=False


def setup_inputs(seed: int = 0) -> dict:
    key = jax.random.key(seed)
    k1, k2, k3, k4 = jax.random.split(key, 4)
    # Glorot uniform init for embedding tables (learned params)
    limit_d = float(np.sqrt(6.0 / (NUM_DRUGS + EMB_SIZE)))
    limit_s = float(np.sqrt(6.0 / (NUM_DISEASES + EMB_SIZE)))
    drug_emb = jax.random.uniform(k1, (NUM_DRUGS, EMB_SIZE), jnp.float32, -limit_d, limit_d)
    disease_emb = jax.random.uniform(k2, (NUM_DISEASES, EMB_SIZE), jnp.float32, -limit_s, limit_s)
    drug_idx = jax.random.randint(k3, (N_PAIRS,), 0, NUM_DRUGS, dtype=jnp.int64) if jax.config.jax_enable_x64 else jax.random.randint(k3, (N_PAIRS,), 0, NUM_DRUGS, dtype=jnp.int32)
    disease_idx = jax.random.randint(k4, (N_PAIRS,), 0, NUM_DISEASES, dtype=drug_idx.dtype)
    return {"drug_emb": drug_emb, "disease_emb": disease_emb, "drug_idx": drug_idx, "disease_idx": disease_idx}


def reference(drug_emb, disease_emb, drug_idx, disease_idx):
    num_drugs = drug_emb.shape[0]
    num_diseases = disease_emb.shape[0]
    n_nodes = num_drugs + num_diseases
    # Symmetrized bipartite adjacency: tmp_adj + tmp_adj.T (duplicates sum, as in scipy csr)
    row = jnp.concatenate([drug_idx, disease_idx + num_drugs])
    col = jnp.concatenate([disease_idx + num_drugs, drug_idx])
    # Symmetric degree normalization D^-1/2 A D^-1/2
    deg = jnp.zeros((n_nodes,), jnp.float32).at[row].add(1.0)
    d_inv = jnp.where(deg > 0.0, jax.lax.rsqrt(deg), 0.0)
    w = d_inv[row] * d_inv[col]
    # LightGCN propagation: sum of layer outputs (perturbed=False)
    ego = jnp.concatenate([drug_emb, disease_emb], axis=0)
    acc = jnp.zeros_like(ego)
    for _ in range(N_LAYERS):
        msg = ego[col] * w[:, None]
        ego = jnp.zeros_like(ego).at[row].add(msg)
        acc = acc + ego
    return acc[:num_drugs], acc[num_drugs:]

if __name__ == "__main__":
    import jax
    _d = setup_inputs()
    print(jax.jit(kernel)(*tuple(_d.values())))

</pallas_src>

<mosaic_0001>
#map = affine_map<(d0, d1) -> (0, 0, 0)>
#map1 = affine_map<(d0, d1) -> (0, 0)>
module attributes {stable_mosaic.version = 14 : i64} {
  func.func @_sc_prop(%arg0: i32, %arg1: i32, %arg2: memref<16x90x112xi32, #tpu.memory_space<hbm>>, %arg3: memref<16x90x112xi32, #tpu.memory_space<hbm>>, %arg4: memref<6144x128xf32, #tpu.memory_space<hbm>>, %arg5: memref<6144x128xf32, #tpu.memory_space<hbm>>, %arg6: memref<384x128xf32, #tpu.memory_space<hbm>>, %arg7: memref<6144x128xf32, #tpu.memory_space<hbm>>, %arg8: memref<6144x128xf32, #tpu.memory_space<hbm>>, %arg9: memref<90x112xi32, #tpu.memory_space<vmem>>, %arg10: memref<90x112xi32, #tpu.memory_space<vmem>>, %arg11: memref<112x128xf32, #tpu.memory_space<vmem>>, %arg12: memref<112x128xf32, #tpu.memory_space<vmem>>, %arg13: memref<112x128xf32, #tpu.memory_space<vmem>>, %arg14: memref<112x128xf32, #tpu.memory_space<vmem>>, %arg15: memref<!tpu.dma_semaphore, #tpu.memory_space<semaphore_mem>>, %arg16: memref<!tpu.dma_semaphore, #tpu.memory_space<semaphore_mem>>, %arg17: memref<!tpu.dma_semaphore, #tpu.memory_space<semaphore_mem>>, %arg18: memref<!tpu.dma_semaphore, #tpu.memory_space<semaphore_mem>>, %arg19: memref<!tpu.dma_semaphore, #tpu.memory_space<semaphore_mem>>, %arg20: memref<!tpu.dma_semaphore, #tpu.memory_space<semaphore_mem>>, %arg21: memref<!tpu.dma_semaphore, #tpu.memory_space<semaphore_mem>>, %arg22: memref<!tpu.dma_semaphore, #tpu.memory_space<semaphore_mem>>, %arg23: memref<6144x128xf32, #tpu.memory_space<vmem_shared>>) attributes {dimension_semantics = [#tpu.dimension_semantics<core_parallel>, #tpu.dimension_semantics<subcore_parallel>], iteration_bounds = array<i64: 2, 16>, scalar_prefetch = 0 : i64, scratch_operands = 15 : i64, tpu.core_type = #tpu.core_type<sc_vector_subcore>, window_params = [{transform_indices = #map}, {transform_indices = #map}, {transform_indices = #map1}, {transform_indices = #map1}, {transform_indices = #map1}, {transform_indices = #map1}, {transform_indices = #map1}]} {
    %mul3A = arith.constant 384 : i32
    %mul3A_0 = arith.muli %arg1, %mul3A : i32
    "tpu.region"() ({
      %run_scoped3A = tpu.sem_alloc : memref<!tpu.dma_semaphore, #tpu.memory_space<semaphore_mem>>
      %dma_start3A = arith.constant 0 : i32
      %dma_start3A_29 = tpu.memref_slice %arg23[%mul3A_0, %dma_start3A] : memref<6144x128xf32, #tpu.memory_space<vmem_shared>> -> memref<384x128xf32, #tpu.memory_space<vmem_shared>>
      tpu.enqueue_dma source(%arg6 : memref<384x128xf32, #tpu.memory_space<hbm>>) target(%dma_start3A_29 : memref<384x128xf32, #tpu.memory_space<vmem_shared>>) target_semaphore(%run_scoped3A : memref<!tpu.dma_semaphore, #tpu.memory_space<semaphore_mem>>)
      %dma_wait3A = arith.constant 0 : i32
      %dma_wait3A_30 = tpu.memref_slice %arg23[%mul3A_0, %dma_wait3A] : memref<6144x128xf32, #tpu.memory_space<vmem_shared>> -> memref<384x128xf32, #tpu.memory_space<vmem_shared>>
      tpu.wait_dma2 semaphore(%run_scoped3A : memref<!tpu.dma_semaphore, #tpu.memory_space<semaphore_mem>>) src(%arg6 : memref<384x128xf32, #tpu.memory_space<hbm>>) dst(%dma_wait3A_30 : memref<384x128xf32, #tpu.memory_space<vmem_shared>>)
      tpu.yield
    }) : () -> ()
    %eq3A = arith.constant 0 : i32
    %eq3A_1 = arith.cmpi eq, %arg0, %eq3A : i32
    %convert_element_type3A = arith.extui %eq3A_1 : i1 to i32
    %cond3A = arith.constant 0 : i32
    %cond3A_2 = arith.cmpi ne, %convert_element_type3A, %cond3A : i32
    scf.if %cond3A_2 {
      "tpu.region"() ({
        %run_scoped3A = tpu.sem_alloc : memref<!tpu.dma_semaphore, #tpu.memory_space<semaphore_mem>>
        %dma_start3A = arith.constant 0 : i32
        %dma_start3A_29 = arith.constant 0 : i32
        %dma_start3A_30 = tpu.memref_slice %arg3[%arg1, %dma_start3A, %dma_start3A_29] : memref<16x90x112xi32, #tpu.memory_space<hbm>> -> memref<1x90x112xi32, #tpu.memory_space<hbm>>
        %dma_start3A_31 = tpu.memref_squeeze %dma_start3A_30 : memref<1x90x112xi32, #tpu.memory_space<hbm>> -> memref<90x112xi32, #tpu.memory_space<hbm>>
        %dma_start3A_32 = arith.constant 0 : i32
        %dma_start3A_33 = arith.constant 0 : i32
        %dma_start3A_34 = tpu.memref_slice %arg3[%arg1, %dma_start3A_32, %dma_start3A_33] : memref<16x90x112xi32, #tpu.memory_space<hbm>> -> memref<1x90x112xi32, #tpu.memory_space<hbm>>
        %dma_start3A_35 = tpu.memref_squeeze %dma_start3A_34 : memref<1x90x112xi32, #tpu.memory_space<hbm>> -> memref<90x112xi32, #tpu.memory_space<hbm>>
        tpu.enqueue_dma source(%dma_start3A_35 : memref<90x112xi32, #tpu.memory_space<hbm>>) target(%arg9 : memref<90x112xi32, #tpu.memory_space<vmem>>) target_semaphore(%run_scoped3A : memref<!tpu.dma_semaphore, #tpu.memory_space<semaphore_mem>>)
        %dma_wait3A = arith.constant 0 : i32
        %dma_wait3A_36 = arith.constant 0 : i32
        %dma_wait3A_37 = tpu.memref_slice %arg3[%arg1, %dma_wait3A, %dma_wait3A_36] : memref<16x90x112xi32, #tpu.memory_space<hbm>> -> memref<1x90x112xi32, #tpu.memory_space<hbm>>
        %dma_wait3A_38 = tpu.memref_squeeze %dma_wait3A_37 : memref<1x90x112xi32, #tpu.memory_space<hbm>> -> memref<90x112xi32, #tpu.memory_space<hbm>>
        %dma_wait3A_39 = arith.constant 0 : i32
        %dma_wait3A_40 = arith.constant 0 : i32
        %dma_wait3A_41 = tpu.memref_slice %arg3[%arg1, %dma_wait3A_39, %dma_wait3A_40] : memref<16x90x112xi32, #tpu.memory_space<hbm>> -> memref<1x90x112xi32, #tpu.memory_space<hbm>>
        %dma_wait3A_42 = tpu.memref_squeeze %dma_wait3A_41 : memref<1x90x112xi32, #tpu.memory_space<hbm>> -> memref<90x112xi32, #tpu.memory_space<hbm>>
        tpu.wait_dma2 semaphore(%run_scoped3A : memref<!tpu.dma_semaphore, #tpu.memory_space<semaphore_mem>>) src(%dma_wait3A_42 : memref<90x112xi32, #tpu.memory_space<hbm>>) dst(%arg9 : memref<90x112xi32, #tpu.memory_space<vmem>>)
        tpu.yield
      }) : () -> ()
      "tpu.region"() ({
        %run_scoped3A = tpu.sem_alloc : memref<!tpu.dma_semaphore, #tpu.memory_space<semaphore_mem>>
        %dma_start3A = arith.constant 0 : i32
        %dma_start3A_29 = arith.constant 0 : i32
        %dma_start3A_30 = tpu.memref_slice %arg2[%arg1, %dma_start3A, %dma_start3A_29] : memref<16x90x112xi32, #tpu.memory_space<hbm>> -> memref<1x90x112xi32, #tpu.memory_space<hbm>>
        %dma_start3A_31 = tpu.memref_squeeze %dma_start3A_30 : memref<1x90x112xi32, #tpu.memory_space<hbm>> -> memref<90x112xi32, #tpu.memory_space<hbm>>
        %dma_start3A_32 = arith.constant 0 : i32
        %dma_start3A_33 = arith.constant 0 : i32
        %dma_start3A_34 = tpu.memref_slice %arg2[%arg1, %dma_start3A_32, %dma_start3A_33] : memref<16x90x112xi32, #tpu.memory_space<hbm>> -> memref<1x90x112xi32, #tpu.memory_space<hbm>>
        %dma_start3A_35 = tpu.memref_squeeze %dma_start3A_34 : memref<1x90x112xi32, #tpu.memory_space<hbm>> -> memref<90x112xi32, #tpu.memory_space<hbm>>
        tpu.enqueue_dma source(%dma_start3A_35 : memref<90x112xi32, #tpu.memory_space<hbm>>) target(%arg10 : memref<90x112xi32, #tpu.memory_space<vmem>>) target_semaphore(%run_scoped3A : memref<!tpu.dma_semaphore, #tpu.memory_space<semaphore_mem>>)
        %dma_wait3A = arith.constant 0 : i32
        %dma_wait3A_36 = arith.constant 0 : i32
        %dma_wait3A_37 = tpu.memref_slice %arg2[%arg1, %dma_wait3A, %dma_wait3A_36] : memref<16x90x112xi32, #tpu.memory_space<hbm>> -> memref<1x90x112xi32, #tpu.memory_space<hbm>>
        %dma_wait3A_38 = tpu.memref_squeeze %dma_wait3A_37 : memref<1x90x112xi32, #tpu.memory_space<hbm>> -> memref<90x112xi32, #tpu.memory_space<hbm>>
        %dma_wait3A_39 = arith.constant 0 : i32
        %dma_wait3A_40 = arith.constant 0 : i32
        %dma_wait3A_41 = tpu.memref_slice %arg2[%arg1, %dma_wait3A_39, %dma_wait3A_40] : memref<16x90x112xi32, #tpu.memory_space<hbm>> -> memref<1x90x112xi32, #tpu.memory_space<hbm>>
        %dma_wait3A_42 = tpu.memref_squeeze %dma_wait3A_41 : memref<1x90x112xi32, #tpu.memory_space<hbm>> -> memref<90x112xi32, #tpu.memory_space<hbm>>
        tpu.wait_dma2 semaphore(%run_scoped3A : memref<!tpu.dma_semaphore, #tpu.memory_space<semaphore_mem>>) src(%dma_wait3A_42 : memref<90x112xi32, #tpu.memory_space<hbm>>) dst(%arg10 : memref<90x112xi32, #tpu.memory_space<vmem>>)
        tpu.yield
      }) : () -> ()
    } else {
    }
    %eq3A_3 = arith.constant 1 : i32
    %eq3A_4 = arith.cmpi eq, %arg0, %eq3A_3 : i32
    %convert_element_type3A_5 = arith.extui %eq3A_4 : i1 to i32
    %cond3A_6 = arith.constant 0 : i32
    %cond3A_7 = arith.cmpi ne, %convert_element_type3A_5, %cond3A_6 : i32
    scf.if %cond3A_7 {
      "tpu.region"() ({
        %run_scoped3A = tpu.sem_alloc : memref<!tpu.dma_semaphore, #tpu.memory_space<semaphore_mem>>
        %dma_start3A = arith.constant 0 : i32
        %dma_start3A_29 = arith.constant 0 : i32
        %dma_start3A_30 = tpu.memref_slice %arg2[%arg1, %dma_start3A, %dma_start3A_29] : memref<16x90x112xi32, #tpu.memory_space<hbm>> -> memref<1x90x112xi32, #tpu.memory_space<hbm>>
        %dma_start3A_31 = tpu.memref_squeeze %dma_start3A_30 : memref<1x90x112xi32, #tpu.memory_space<hbm>> -> memref<90x112xi32, #tpu.memory_space<hbm>>
        %dma_start3A_32 = arith.constant 0 : i32
        %dma_start3A_33 = arith.constant 0 : i32
        %dma_start3A_34 = tpu.memref_slice %arg2[%arg1, %dma_start3A_32, %dma_start3A_33] : memref<16x90x112xi32, #tpu.memory_space<hbm>> -> memref<1x90x112xi32, #tpu.memory_space<hbm>>
        %dma_start3A_35 = tpu.memref_squeeze %dma_start3A_34 : memref<1x90x112xi32, #tpu.memory_space<hbm>> -> memref<90x112xi32, #tpu.memory_space<hbm>>
        tpu.enqueue_dma source(%dma_start3A_35 : memref<90x112xi32, #tpu.memory_space<hbm>>) target(%arg9 : memref<90x112xi32, #tpu.memory_space<vmem>>) target_semaphore(%run_scoped3A : memref<!tpu.dma_semaphore, #tpu.memory_space<semaphore_mem>>)
        %dma_wait3A = arith.constant 0 : i32
        %dma_wait3A_36 = arith.constant 0 : i32
        %dma_wait3A_37 = tpu.memref_slice %arg2[%arg1, %dma_wait3A, %dma_wait3A_36] : memref<16x90x112xi32, #tpu.memory_space<hbm>> -> memref<1x90x112xi32, #tpu.memory_space<hbm>>
        %dma_wait3A_38 = tpu.memref_squeeze %dma_wait3A_37 : memref<1x90x112xi32, #tpu.memory_space<hbm>> -> memref<90x112xi32, #tpu.memory_space<hbm>>
        %dma_wait3A_39 = arith.constant 0 : i32
        %dma_wait3A_40 = arith.constant 0 : i32
        %dma_wait3A_41 = tpu.memref_slice %arg2[%arg1, %dma_wait3A_39, %dma_wait3A_40] : memref<16x90x112xi32, #tpu.memory_space<hbm>> -> memref<1x90x112xi32, #tpu.memory_space<hbm>>
        %dma_wait3A_42 = tpu.memref_squeeze %dma_wait3A_41 : memref<1x90x112xi32, #tpu.memory_space<hbm>> -> memref<90x112xi32, #tpu.memory_space<hbm>>
        tpu.wait_dma2 semaphore(%run_scoped3A : memref<!tpu.dma_semaphore, #tpu.memory_space<semaphore_mem>>) src(%dma_wait3A_42 : memref<90x112xi32, #tpu.memory_space<hbm>>) dst(%arg9 : memref<90x112xi32, #tpu.memory_space<vmem>>)
        tpu.yield
      }) : () -> ()
      "tpu.region"() ({
        %run_scoped3A = tpu.sem_alloc : memref<!tpu.dma_semaphore, #tpu.memory_space<semaphore_mem>>
        %dma_start3A = arith.constant 0 : i32
        %dma_start3A_29 = arith.constant 0 : i32
        %dma_start3A_30 = tpu.memref_slice %arg3[%arg1, %dma_start3A, %dma_start3A_29] : memref<16x90x112xi32, #tpu.memory_space<hbm>> -> memref<1x90x112xi32, #tpu.memory_space<hbm>>
        %dma_start3A_31 = tpu.memref_squeeze %dma_start3A_30 : memref<1x90x112xi32, #tpu.memory_space<hbm>> -> memref<90x112xi32, #tpu.memory_space<hbm>>
        %dma_start3A_32 = arith.constant 0 : i32
        %dma_start3A_33 = arith.constant 0 : i32
        %dma_start3A_34 = tpu.memref_slice %arg3[%arg1, %dma_start3A_32, %dma_start3A_33] : memref<16x90x112xi32, #tpu.memory_space<hbm>> -> memref<1x90x112xi32, #tpu.memory_space<hbm>>
        %dma_start3A_35 = tpu.memref_squeeze %dma_start3A_34 : memref<1x90x112xi32, #tpu.memory_space<hbm>> -> memref<90x112xi32, #tpu.memory_space<hbm>>
        tpu.enqueue_dma source(%dma_start3A_35 : memref<90x112xi32, #tpu.memory_space<hbm>>) target(%arg10 : memref<90x112xi32, #tpu.memory_space<vmem>>) target_semaphore(%run_scoped3A : memref<!tpu.dma_semaphore, #tpu.memory_space<semaphore_mem>>)
        %dma_wait3A = arith.constant 0 : i32
        %dma_wait3A_36 = arith.constant 0 : i32
        %dma_wait3A_37 = tpu.memref_slice %arg3[%arg1, %dma_wait3A, %dma_wait3A_36] : memref<16x90x112xi32, #tpu.memory_space<hbm>> -> memref<1x90x112xi32, #tpu.memory_space<hbm>>
        %dma_wait3A_38 = tpu.memref_squeeze %dma_wait3A_37 : memref<1x90x112xi32, #tpu.memory_space<hbm>> -> memref<90x112xi32, #tpu.memory_space<hbm>>
        %dma_wait3A_39 = arith.constant 0 : i32
        %dma_wait3A_40 = arith.constant 0 : i32
        %dma_wait3A_41 = tpu.memref_slice %arg3[%arg1, %dma_wait3A_39, %dma_wait3A_40] : memref<16x90x112xi32, #tpu.memory_space<hbm>> -> memref<1x90x112xi32, #tpu.memory_space<hbm>>
        %dma_wait3A_42 = tpu.memref_squeeze %dma_wait3A_41 : memref<1x90x112xi32, #tpu.memory_space<hbm>> -> memref<90x112xi32, #tpu.memory_space<hbm>>
        tpu.wait_dma2 semaphore(%run_scoped3A : memref<!tpu.dma_semaphore, #tpu.memory_space<semaphore_mem>>) src(%dma_wait3A_42 : memref<90x112xi32, #tpu.memory_space<hbm>>) dst(%arg10 : memref<90x112xi32, #tpu.memory_space<vmem>>)
        tpu.yield
      }) : () -> ()
    } else {
    }
    %barrier3A = arith.constant 0 : index
    tpu.barrier barrier_id(%barrier3A)
    %eq3A_8 = arith.constant 0 : i32
    %eq3A_9 = arith.cmpi eq, %arg0, %eq3A_8 : i32
    %convert_element_type3A_10 = arith.extui %eq3A_9 : i1 to i32
    %cond3A_11 = arith.constant 0 : i32
    %cond3A_12 = arith.cmpi ne, %convert_element_type3A_10, %cond3A_11 : i32
    scf.if %cond3A_12 {
      %dma_start3A = arith.constant 0 : i32
      %dma_start3A_29 = arith.constant 0 : i32
      %dma_start3A_30 = tpu.memref_slice %arg9[%dma_start3A, %dma_start3A_29] : memref<90x112xi32, #tpu.memory_space<vmem>> -> memref<1x112xi32, #tpu.memory_space<vmem>>
      %dma_start3A_31 = tpu.memref_squeeze %dma_start3A_30 : memref<1x112xi32, #tpu.memory_space<vmem>> -> memref<112xi32, #tpu.memory_space<vmem>>
      %dma_start3A_32 = arith.constant 0 : i32
      %dma_start3A_33 = arith.constant 0 : i32
      %dma_start3A_34 = tpu.memref_slice %arg5[%dma_start3A_32, %dma_start3A_33] : memref<6144x128xf32, #tpu.memory_space<hbm>> -> memref<6144x128xf32, #tpu.memory_space<hbm>>
      tpu.enqueue_indirect_dma source(%dma_start3A_34 : memref<6144x128xf32, #tpu.memory_space<hbm>>) target(%arg11 : memref<112x128xf32, #tpu.memory_space<vmem>>) offsets(%dma_start3A_31 : memref<112xi32, #tpu.memory_space<vmem>>) semaphore(%arg15 : memref<!tpu.dma_semaphore, #tpu.memory_space<semaphore_mem>>)
      %dma_start3A_35 = arith.constant 1 : i32
      %dma_start3A_36 = arith.constant 0 : i32
      %dma_start3A_37 = tpu.memref_slice %arg9[%dma_start3A_35, %dma_start3A_36] : memref<90x112xi32, #tpu.memory_space<vmem>> -> memref<1x112xi32, #tpu.memory_space<vmem>>
      %dma_start3A_38 = tpu.memref_squeeze %dma_start3A_37 : memref<1x112xi32, #tpu.memory_space<vmem>> -> memref<112xi32, #tpu.memory_space<vmem>>
      %dma_start3A_39 = arith.constant 0 : i32
      %dma_start3A_40 = arith.constant 0 : i32
      %dma_start3A_41 = tpu.memref_slice %arg5[%dma_start3A_39, %dma_start3A_40] : memref<6144x128xf32, #tpu.memory_space<hbm>> -> memref<6144x128xf32, #tpu.memory_space<hbm>>
      tpu.enqueue_indirect_dma source(%dma_start3A_41 : memref<6144x128xf32, #tpu.memory_space<hbm>>) target(%arg12 : memref<112x128xf32, #tpu.memory_space<vmem>>) offsets(%dma_start3A_38 : memref<112xi32, #tpu.memory_space<vmem>>) semaphore(%arg16 : memref<!tpu.dma_semaphore, #tpu.memory_space<semaphore_mem>>)
      %dma_start3A_42 = arith.constant 2 : i32
      %dma_start3A_43 = arith.constant 0 : i32
      %dma_start3A_44 = tpu.memref_slice %arg9[%dma_start3A_42, %dma_start3A_43] : memref<90x112xi32, #tpu.memory_space<vmem>> -> memref<1x112xi32, #tpu.memory_space<vmem>>
      %dma_start3A_45 = tpu.memref_squeeze %dma_start3A_44 : memref<1x112xi32, #tpu.memory_space<vmem>> -> memref<112xi32, #tpu.memory_space<vmem>>
      %dma_start3A_46 = arith.constant 0 : i32
      %dma_start3A_47 = arith.constant 0 : i32
      %dma_start3A_48 = tpu.memref_slice %arg5[%dma_start3A_46, %dma_start3A_47] : memref<6144x128xf32, #tpu.memory_space<hbm>> -> memref<6144x128xf32, #tpu.memory_space<hbm>>
      tpu.enqueue_indirect_dma source(%dma_start3A_48 : memref<6144x128xf32, #tpu.memory_space<hbm>>) target(%arg13 : memref<112x128xf32, #tpu.memory_space<vmem>>) offsets(%dma_start3A_45 : memref<112xi32, #tpu.memory_space<vmem>>) semaphore(%arg17 : memref<!tpu.dma_semaphore, #tpu.memory_space<semaphore_mem>>)
      %scan3A = arith.constant 0 : i32
      %scan3A_49 = arith.constant 0 : i32
      %scan3A_50 = arith.constant 21 : i32
      %scan3A_51 = arith.addi %scan3A_49, %scan3A_50 : i32
      %scan3A_52 = arith.constant 1 : i32
      scf.for %scan3A_194 = %scan3A_49 to %scan3A_51 step %scan3A_52  : i32 {
        %mul3A_195 = arith.constant 4 : i32
        %mul3A_196 = arith.muli %mul3A_195, %scan3A_194 : i32
        %add3A = arith.constant 0 : i32
        %add3A_197 = arith.addi %mul3A_196, %add3A : i32
        %dma_wait3A_198 = arith.constant 0 : i32
        %dma_wait3A_199 = arith.constant 0 : i32
        %dma_wait3A_200 = tpu.memref_slice %arg5[%dma_wait3A_198, %dma_wait3A_199] : memref<6144x128xf32, #tpu.memory_space<hbm>> -> memref<112x128xf32, #tpu.memory_space<hbm>>
        %dma_wait3A_201 = arith.constant 0 : i32
        %dma_wait3A_202 = arith.constant 0 : i32
        %dma_wait3A_203 = tpu.memref_slice %arg5[%dma_wait3A_201, %dma_wait3A_202] : memref<6144x128xf32, #tpu.memory_space<hbm>> -> memref<112x128xf32, #tpu.memory_space<hbm>>
        tpu.wait_dma2 semaphore(%arg15 : memref<!tpu.dma_semaphore, #tpu.memory_space<semaphore_mem>>) src(%dma_wait3A_203 : memref<112x128xf32, #tpu.memory_space<hbm>>) dst(%arg11 : memref<112x128xf32, #tpu.memory_space<vmem>>)
        %dma_start3A_204 = arith.constant 0 : i32
        %dma_start3A_205 = tpu.memref_slice %arg10[%add3A_197, %dma_start3A_204] : memref<90x112xi32, #tpu.memory_space<vmem>> -> memref<1x112xi32, #tpu.memory_space<vmem>>
        %dma_start3A_206 = tpu.memref_squeeze %dma_start3A_205 : memref<1x112xi32, #tpu.memory_space<vmem>> -> memref<112xi32, #tpu.memory_space<vmem>>
        %dma_start3A_207 = arith.constant 0 : i32
        %dma_start3A_208 = arith.constant 0 : i32
        %dma_start3A_209 = tpu.memref_slice %arg23[%dma_start3A_207, %dma_start3A_208] : memref<6144x128xf32, #tpu.memory_space<vmem_shared>> -> memref<6144x128xf32, #tpu.memory_space<vmem_shared>>
        tpu.enqueue_indirect_dma source(%arg11 : memref<112x128xf32, #tpu.memory_space<vmem>>) target(%dma_start3A_209 : memref<6144x128xf32, #tpu.memory_space<vmem_shared>>) offsets(%dma_start3A_206 : memref<112xi32, #tpu.memory_space<vmem>>) semaphore(%arg19 : memref<!tpu.dma_semaphore, #tpu.memory_space<semaphore_mem>>) {add = true}
        %gt3A = arith.constant 0 : i32
        %gt3A_210 = arith.cmpi sgt, %add3A_197, %gt3A : i32
        %convert_element_type3A_211 = arith.extui %gt3A_210 : i1 to i32
        %cond3A_212 = arith.constant 0 : i32
        %cond3A_213 = arith.cmpi ne, %convert_element_type3A_211, %cond3A_212 : i32
        scf.if %cond3A_213 {
          %dma_wait3A_303 = arith.constant 0 : i32
          %dma_wait3A_304 = arith.constant 0 : i32
          %dma_wait3A_305 = tpu.memref_slice %arg5[%dma_wait3A_303, %dma_wait3A_304] : memref<6144x128xf32, #tpu.memory_space<hbm>> -> memref<112x128xf32, #tpu.memory_space<hbm>>
          %dma_wait3A_306 = arith.constant 0 : i32
          %dma_wait3A_307 = arith.constant 0 : i32
          %dma_wait3A_308 = tpu.memref_slice %arg5[%dma_wait3A_306, %dma_wait3A_307] : memref<6144x128xf32, #tpu.memory_space<hbm>> -> memref<112x128xf32, #tpu.memory_space<hbm>>
          tpu.wait_dma2 semaphore(%arg22 : memref<!tpu.dma_semaphore, #tpu.memory_space<semaphore_mem>>) src(%dma_wait3A_308 : memref<112x128xf32, #tpu.memory_space<hbm>>) dst(%arg14 : memref<112x128xf32, #tpu.memory_space<vmem>>)
        } else {
        }
        %add3A_214 = arith.constant 3 : i32
        %add3A_215 = arith.addi %add3A_197, %add3A_214 : i32
        %dma_start3A_216 = arith.constant 0 : i32
        %dma_start3A_217 = tpu.memref_slice %arg9[%add3A_215, %dma_start3A_216] : memref<90x112xi32, #tpu.memory_space<vmem>> -> memref<1x112xi32, #tpu.memory_space<vmem>>
        %dma_start3A_218 = tpu.memref_squeeze %dma_start3A_217 : memref<1x112xi32, #tpu.memory_space<vmem>> -> memref<112xi32, #tpu.memory_space<vmem>>
        %dma_start3A_219 = arith.constant 0 : i32
        %dma_start3A_220 = arith.constant 0 : i32
        %dma_start3A_221 = tpu.memref_slice %arg5[%dma_start3A_219, %dma_start3A_220] : memref<6144x128xf32, #tpu.memory_space<hbm>> -> memref<6144x128xf32, #tpu.memory_space<hbm>>
        tpu.enqueue_indirect_dma source(%dma_start3A_221 : memref<6144x128xf32, #tpu.memory_space<hbm>>) target(%arg14 : memref<112x128xf32, #tpu.memory_space<vmem>>) offsets(%dma_start3A_218 : memref<112xi32, #tpu.memory_space<vmem>>) semaphore(%arg18 : memref<!tpu.dma_semaphore, #tpu.memory_space<semaphore_mem>>)
        %add3A_222 = arith.constant 1 : i32
        %add3A_223 = arith.addi %mul3A_196, %add3A_222 : i32
        %dma_wait3A_224 = arith.constant 0 : i32
        %dma_wait3A_225 = arith.constant 0 : i32
        %dma_wait3A_226 = tpu.memref_slice %arg5[%dma_wait3A_224, %dma_wait3A_225] : memref<6144x128xf32, #tpu.memory_space<hbm>> -> memref<112x128xf32, #tpu.memory_space<hbm>>
        %dma_wait3A_227 = arith.constant 0 : i32
        %dma_wait3A_228 = arith.constant 0 : i32
        %dma_wait3A_229 = tpu.memref_slice %arg5[%dma_wait3A_227, %dma_wait3A_228] : memref<6144x128xf32, #tpu.memory_space<hbm>> -> memref<112x128xf32, #tpu.memory_space<hbm>>
        tpu.wait_dma2 semaphore(%arg16 : memref<!tpu.dma_semaphore, #tpu.memory_space<semaphore_mem>>) src(%dma_wait3A_229 : memref<112x128xf32, #tpu.memory_space<hbm>>) dst(%arg12 : memref<112x128xf32, #tpu.memory_space<vmem>>)
        %dma_start3A_230 = arith.constant 0 : i32
        %dma_start3A_231 = tpu.memref_slice %arg10[%add3A_223, %dma_start3A_230] : memref<90x112xi32, #tpu.memory_space<vmem>> -> memref<1x112xi32, #tpu.memory_space<vmem>>
        %dma_start3A_232 = tpu.memref_squeeze %dma_start3A_231 : memref<1x112xi32, #tpu.memory_space<vmem>> -> memref<112xi32, #tpu.memory_space<vmem>>
        %dma_start3A_233 = arith.constant 0 : i32
        %dma_start3A_234 = arith.constant 0 : i32
        %dma_start3A_235 = tpu.memref_slice %arg23[%dma_start3A_233, %dma_start3A_234] : memref<6144x128xf32, #tpu.memory_space<vmem_shared>> -> memref<6144x128xf32, #tpu.memory_space<vmem_shared>>
        tpu.enqueue_indirect_dma source(%arg12 : memref<112x128xf32, #tpu.memory_space<vmem>>) target(%dma_start3A_235 : memref<6144x128xf32, #tpu.memory_space<vmem_shared>>) offsets(%dma_start3A_232 : memref<112xi32, #tpu.memory_space<vmem>>) semaphore(%arg20 : memref<!tpu.dma_semaphore, #tpu.memory_space<semaphore_mem>>) {add = true}
        %gt3A_236 = arith.constant 0 : i32
        %gt3A_237 = arith.cmpi sgt, %add3A_223, %gt3A_236 : i32
        %convert_element_type3A_238 = arith.extui %gt3A_237 : i1 to i32
        %cond3A_239 = arith.constant 0 : i32
        %cond3A_240 = arith.cmpi ne, %convert_element_type3A_238, %cond3A_239 : i32
        scf.if %cond3A_240 {
          %dma_wait3A_303 = arith.constant 0 : i32
          %dma_wait3A_304 = arith.constant 0 : i32
          %dma_wait3A_305 = tpu.memref_slice %arg5[%dma_wait3A_303, %dma_wait3A_304] : memref<6144x128xf32, #tpu.memory_space<hbm>> -> memref<112x128xf32, #tpu.memory_space<hbm>>
          %dma_wait3A_306 = arith.constant 0 : i32
          %dma_wait3A_307 = arith.constant 0 : i32
          %dma_wait3A_308 = tpu.memref_slice %arg5[%dma_wait3A_306, %dma_wait3A_307] : memref<6144x128xf32, #tpu.memory_space<hbm>> -> memref<112x128xf32, #tpu.memory_space<hbm>>
          tpu.wait_dma2 semaphore(%arg19 : memref<!tpu.dma_semaphore, #tpu.memory_space<semaphore_mem>>) src(%dma_wait3A_308 : memref<112x128xf32, #tpu.memory_space<hbm>>) dst(%arg11 : memref<112x128xf32, #tpu.memory_space<vmem>>)
        } else {
        }
        %add3A_241 = arith.constant 3 : i32
        %add3A_242 = arith.addi %add3A_223, %add3A_241 : i32
        %dma_start3A_243 = arith.constant 0 : i32
        %dma_start3A_244 = tpu.memref_slice %arg9[%add3A_242, %dma_start3A_243] : memref<90x112xi32, #tpu.memory_space<vmem>> -> memref<1x112xi32, #tpu.memory_space<vmem>>
        %dma_start3A_245 = tpu.memref_squeeze %dma_start3A_244 : memref<1x112xi32, #tpu.memory_space<vmem>> -> memref<112xi32, #tpu.memory_space<vmem>>
        %dma_start3A_246 = arith.constant 0 : i32
        %dma_start3A_247 = arith.constant 0 : i32
        %dma_start3A_248 = tpu.memref_slice %arg5[%dma_start3A_246, %dma_start3A_247] : memref<6144x128xf32, #tpu.memory_space<hbm>> -> memref<6144x128xf32, #tpu.memory_space<hbm>>
        tpu.enqueue_indirect_dma source(%dma_start3A_248 : memref<6144x128xf32, #tpu.memory_space<hbm>>) target(%arg11 : memref<112x128xf32, #tpu.memory_space<vmem>>) offsets(%dma_start3A_245 : memref<112xi32, #tpu.memory_space<vmem>>) semaphore(%arg15 : memref<!tpu.dma_semaphore, #tpu.memory_space<semaphore_mem>>)
        %add3A_249 = arith.constant 2 : i32
        %add3A_250 = arith.addi %mul3A_196, %add3A_249 : i32
        %dma_wait3A_251 = arith.constant 0 : i32
        %dma_wait3A_252 = arith.constant 0 : i32
        %dma_wait3A_253 = tpu.memref_slice %arg5[%dma_wait3A_251, %dma_wait3A_252] : memref<6144x128xf32, #tpu.memory_space<hbm>> -> memref<112x128xf32, #tpu.memory_space<hbm>>
        %dma_wait3A_254 = arith.constant 0 : i32
        %dma_wait3A_255 = arith.constant 0 : i32
        %dma_wait3A_256 = tpu.memref_slice %arg5[%dma_wait3A_254, %dma_wait3A_255] : memref<6144x128xf32, #tpu.memory_space<hbm>> -> memref<112x128xf32, #tpu.memory_space<hbm>>
        tpu.wait_dma2 semaphore(%arg17 : memref<!tpu.dma_semaphore, #tpu.memory_space<semaphore_mem>>) src(%dma_wait3A_256 : memref<112x128xf32, #tpu.memory_space<hbm>>) dst(%arg13 : memref<112x128xf32, #tpu.memory_space<vmem>>)
        %dma_start3A_257 = arith.constant 0 : i32
        %dma_start3A_258 = tpu.memref_slice %arg10[%add3A_250, %dma_start3A_257] : memref<90x112xi32, #tpu.memory_space<vmem>> -> memref<1x112xi32, #tpu.memory_space<vmem>>
        %dma_start3A_259 = tpu.memref_squeeze %dma_start3A_258 : memref<1x112xi32, #tpu.memory_space<vmem>> -> memref<112xi32, #tpu.memory_space<vmem>>
        %dma_start3A_260 = arith.constant 0 : i32
        %dma_start3A_261 = arith.constant 0 : i32
        %dma_start3A_262 = tpu.memref_slice %arg23[%dma_start3A_260, %dma_start3A_261] : memref<6144x128xf32, #tpu.memory_space<vmem_shared>> -> memref<6144x128xf32, #tpu.memory_space<vmem_shared>>
        tpu.enqueue_indirect_dma source(%arg13 : memref<112x128xf32, #tpu.memory_space<vmem>>) target(%dma_start3A_262 : memref<6144x128xf32, #tpu.memory_space<vmem_shared>>) offsets(%dma_start3A_259 : memref<112xi32, #tpu.memory_space<vmem>>) semaphore(%arg21 : memref<!tpu.dma_semaphore, #tpu.memory_space<semaphore_mem>>) {add = true}
        %gt3A_263 = arith.constant 0 : i32
        %gt3A_264 = arith.cmpi sgt, %add3A_250, %gt3A_263 : i32
        %convert_element_type3A_265 = arith.extui %gt3A_264 : i1 to i32
        %cond3A_266 = arith.constant 0 : i32
        %cond3A_267 = arith.cmpi ne, %convert_element_type3A_265, %cond3A_266 : i32
        scf.if %cond3A_267 {
          %dma_wait3A_303 = arith.constant 0 : i32
          %dma_wait3A_304 = arith.constant 0 : i32
          %dma_wait3A_305 = tpu.memref_slice %arg5[%dma_wait3A_303, %dma_wait3A_304] : memref<6144x128xf32, #tpu.memory_space<hbm>> -> memref<112x128xf32, #tpu.memory_space<hbm>>
          %dma_wait3A_306 = arith.constant 0 : i32
          %dma_wait3A_307 = arith.constant 0 : i32
          %dma_wait3A_308 = tpu.memref_slice %arg5[%dma_wait3A_306, %dma_wait3A_307] : memref<6144x128xf32, #tpu.memory_space<hbm>> -> memref<112x128xf32, #tpu.memory_space<hbm>>
          tpu.wait_dma2 semaphore(%arg20 : memref<!tpu.dma_semaphore, #tpu.memory_space<semaphore_mem>>) src(%dma_wait3A_308 : memref<112x128xf32, #tpu.memory_space<hbm>>) dst(%arg12 : memref<112x128xf32, #tpu.memory_space<vmem>>)
        } else {
        }
        %add3A_268 = arith.constant 3 : i32
        %add3A_269 = arith.addi %add3A_250, %add3A_268 : i32
        %dma_start3A_270 = arith.constant 0 : i32
        %dma_start3A_271 = tpu.memref_slice %arg9[%add3A_269, %dma_start3A_270] : memref<90x112xi32, #tpu.memory_space<vmem>> -> memref<1x112xi32, #tpu.memory_space<vmem>>
        %dma_start3A_272 = tpu.memref_squeeze %dma_start3A_271 : memref<1x112xi32, #tpu.memory_space<vmem>> -> memref<112xi32, #tpu.memory_space<vmem>>
        %dma_start3A_273 = arith.constant 0 : i32
        %dma_start3A_274 = arith.constant 0 : i32
        %dma_start3A_275 = tpu.memref_slice %arg5[%dma_start3A_273, %dma_start3A_274] : memref<6144x128xf32, #tpu.memory_space<hbm>> -> memref<6144x128xf32, #tpu.memory_space<hbm>>
        tpu.enqueue_indirect_dma source(%dma_start3A_275 : memref<6144x128xf32, #tpu.memory_space<hbm>>) target(%arg12 : memref<112x128xf32, #tpu.memory_space<vmem>>) offsets(%dma_start3A_272 : memref<112xi32, #tpu.memory_space<vmem>>) semaphore(%arg16 : memref<!tpu.dma_semaphore, #tpu.memory_space<semaphore_mem>>)
        %add3A_276 = arith.constant 3 : i32
        %add3A_277 = arith.addi %mul3A_196, %add3A_276 : i32
        %dma_wait3A_278 = arith.constant 0 : i32
        %dma_wait3A_279 = arith.constant 0 : i32
        %dma_wait3A_280 = tpu.memref_slice %arg5[%dma_wait3A_278, %dma_wait3A_279] : memref<6144x128xf32, #tpu.memory_space<hbm>> -> memref<112x128xf32, #tpu.memory_space<hbm>>
        %dma_wait3A_281 = arith.constant 0 : i32
        %dma_wait3A_282 = arith.constant 0 : i32
        %dma_wait3A_283 = tpu.memref_slice %arg5[%dma_wait3A_281, %dma_wait3A_282] : memref<6144x128xf32, #tpu.memory_space<hbm>> -> memref<112x128xf32, #tpu.memory_space<hbm>>
        tpu.wait_dma2 semaphore(%arg18 : memref<!tpu.dma_semaphore, #tpu.memory_space<semaphore_mem>>) src(%dma_wait3A_283 : memref<112x128xf32, #tpu.memory_space<hbm>>) dst(%arg14 : memref<112x128xf32, #tpu.memory_space<vmem>>)
        %dma_start3A_284 = arith.constant 0 : i32
        %dma_start3A_285 = tpu.memref_slice %arg10[%add3A_277, %dma_start3A_284] : memref<90x112xi32, #tpu.memory_space<vmem>> -> memref<1x112xi32, #tpu.memory_space<vmem>>
        %dma_start3A_286 = tpu.memref_squeeze %dma_start3A_285 : memref<1x112xi32, #tpu.memory_space<vmem>> -> memref<112xi32, #tpu.memory_space<vmem>>
        %dma_start3A_287 = arith.constant 0 : i32
        %dma_start3A_288 = arith.constant 0 : i32
        %dma_start3A_289 = tpu.memref_slice %arg23[%dma_start3A_287, %dma_start3A_288] : memref<6144x128xf32, #tpu.memory_space<vmem_shared>> -> memref<6144x128xf32, #tpu.memory_space<vmem_shared>>
        tpu.enqueue_indirect_dma source(%arg14 : memref<112x128xf32, #tpu.memory_space<vmem>>) target(%dma_start3A_289 : memref<6144x128xf32, #tpu.memory_space<vmem_shared>>) offsets(%dma_start3A_286 : memref<112xi32, #tpu.memory_space<vmem>>) semaphore(%arg22 : memref<!tpu.dma_semaphore, #tpu.memory_space<semaphore_mem>>) {add = true}
        %gt3A_290 = arith.constant 0 : i32
        %gt3A_291 = arith.cmpi sgt, %add3A_277, %gt3A_290 : i32
        %convert_element_type3A_292 = arith.extui %gt3A_291 : i1 to i32
        %cond3A_293 = arith.constant 0 : i32
        %cond3A_294 = arith.cmpi ne, %convert_element_type3A_292, %cond3A_293 : i32
        scf.if %cond3A_294 {
          %dma_wait3A_303 = arith.constant 0 : i32
          %dma_wait3A_304 = arith.constant 0 : i32
          %dma_wait3A_305 = tpu.memref_slice %arg5[%dma_wait3A_303, %dma_wait3A_304] : memref<6144x128xf32, #tpu.memory_space<hbm>> -> memref<112x128xf32, #tpu.memory_space<hbm>>
          %dma_wait3A_306 = arith.constant 0 : i32
          %dma_wait3A_307 = arith.constant 0 : i32
          %dma_wait3A_308 = tpu.memref_slice %arg5[%dma_wait3A_306, %dma_wait3A_307] : memref<6144x128xf32, #tpu.memory_space<hbm>> -> memref<112x128xf32, #tpu.memory_space<hbm>>
          tpu.wait_dma2 semaphore(%arg21 : memref<!tpu.dma_semaphore, #tpu.memory_space<semaphore_mem>>) src(%dma_wait3A_308 : memref<112x128xf32, #tpu.memory_space<hbm>>) dst(%arg13 : memref<112x128xf32, #tpu.memory_space<vmem>>)
        } else {
        }
        %add3A_295 = arith.constant 3 : i32
        %add3A_296 = arith.addi %add3A_277, %add3A_295 : i32
        %dma_start3A_297 = arith.constant 0 : i32
        %dma_start3A_298 = tpu.memref_slice %arg9[%add3A_296, %dma_start3A_297] : memref<90x112xi32, #tpu.memory_space<vmem>> -> memref<1x112xi32, #tpu.memory_space<vmem>>
        %dma_start3A_299 = tpu.memref_squeeze %dma_start3A_298 : memref<1x112xi32, #tpu.memory_space<vmem>> -> memref<112xi32, #tpu.memory_space<vmem>>
        %dma_start3A_300 = arith.constant 0 : i32
        %dma_start3A_301 = arith.constant 0 : i32
        %dma_start3A_302 = tpu.memref_slice %arg5[%dma_start3A_300, %dma_start3A_301] : memref<6144x128xf32, #tpu.memory_space<hbm>> -> memref<6144x128xf32, #tpu.memory_space<hbm>>
        tpu.enqueue_indirect_dma source(%dma_start3A_302 : memref<6144x128xf32, #tpu.memory_space<hbm>>) target(%arg13 : memref<112x128xf32, #tpu.memory_space<vmem>>) offsets(%dma_start3A_299 : memref<112xi32, #tpu.memory_space<vmem>>) semaphore(%arg17 : memref<!tpu.dma_semaphore, #tpu.memory_space<semaphore_mem>>)
      }
      %scan3A_53 = arith.constant 21 : i32
      %dma_wait3A = arith.constant 0 : i32
      %dma_wait3A_54 = arith.constant 0 : i32
      %dma_wait3A_55 = tpu.memref_slice %arg5[%dma_wait3A, %dma_wait3A_54] : memref<6144x128xf32, #tpu.memory_space<hbm>> -> memref<112x128xf32, #tpu.memory_space<hbm>>
      %dma_wait3A_56 = arith.constant 0 : i32
      %dma_wait3A_57 = arith.constant 0 : i32
      %dma_wait3A_58 = tpu.memref_slice %arg5[%dma_wait3A_56, %dma_wait3A_57] : memref<6144x128xf32, #tpu.memory_space<hbm>> -> memref<112x128xf32, #tpu.memory_space<hbm>>
      tpu.wait_dma2 semaphore(%arg15 : memref<!tpu.dma_semaphore, #tpu.memory_space<semaphore_mem>>) src(%dma_wait3A_58 : memref<112x128xf32, #tpu.memory_space<hbm>>) dst(%arg11 : memref<112x128xf32, #tpu.memory_space<vmem>>)
      %dma_start3A_59 = arith.constant 84 : i32
      %dma_start3A_60 = arith.constant 0 : i32
      %dma_start3A_61 = tpu.memref_slice %arg10[%dma_start3A_59, %dma_start3A_60] : memref<90x112xi32, #tpu.memory_space<vmem>> -> memref<1x112xi32, #tpu.memory_space<vmem>>
      %dma_start3A_62 = tpu.memref_squeeze %dma_start3A_61 : memref<1x112xi32, #tpu.memory_space<vmem>> -> memref<112xi32, #tpu.memory_space<vmem>>
      %dma_start3A_63 = arith.constant 0 : i32
      %dma_start3A_64 = arith.constant 0 : i32
      %dma_start3A_65 = tpu.memref_slice %arg23[%dma_start3A_63, %dma_start3A_64] : memref<6144x128xf32, #tpu.memory_space<vmem_shared>> -> memref<6144x128xf32, #tpu.memory_space<vmem_shared>>
      tpu.enqueue_indirect_dma source(%arg11 : memref<112x128xf32, #tpu.memory_space<vmem>>) target(%dma_start3A_65 : memref<6144x128xf32, #tpu.memory_space<vmem_shared>>) offsets(%dma_start3A_62 : memref<112xi32, #tpu.memory_space<vmem>>) semaphore(%arg19 : memref<!tpu.dma_semaphore, #tpu.memory_space<semaphore_mem>>) {add = true}
      %dma_wait3A_66 = arith.constant 0 : i32
      %dma_wait3A_67 = arith.constant 0 : i32
      %dma_wait3A_68 = tpu.memref_slice %arg5[%dma_wait3A_66, %dma_wait3A_67] : memref<6144x128xf32, #tpu.memory_space<hbm>> -> memref<112x128xf32, #tpu.memory_space<hbm>>
      %dma_wait3A_69 = arith.constant 0 : i32
      %dma_wait3A_70 = arith.constant 0 : i32
      %dma_wait3A_71 = tpu.memref_slice %arg5[%dma_wait3A_69, %dma_wait3A_70] : memref<6144x128xf32, #tpu.memory_space<hbm>> -> memref<112x128xf32, #tpu.memory_space<hbm>>
      tpu.wait_dma2 semaphore(%arg22 : memref<!tpu.dma_semaphore, #tpu.memory_space<semaphore_mem>>) src(%dma_wait3A_71 : memref<112x128xf32, #tpu.memory_space<hbm>>) dst(%arg14 : memref<112x128xf32, #tpu.memory_space<vmem>>)
      %dma_start3A_72 = arith.constant 87 : i32
      %dma_start3A_73 = arith.constant 0 : i32
      %dma_start3A_74 = tpu.memref_slice %arg9[%dma_start3A_72, %dma_start3A_73] : memref<90x112xi32, #tpu.memory_space<vmem>> -> memref<1x112xi32, #tpu.memory_space<vmem>>
      %dma_start3A_75 = tpu.memref_squeeze %dma_start3A_74 : memref<1x112xi32, #tpu.memory_space<vmem>> -> memref<112xi32, #tpu.memory_space<vmem>>
      %dma_start3A_76 = arith.constant 0 : i32
      %dma_start3A_77 = arith.constant 0 : i32
      %dma_start3A_78 = tpu.memref_slice %arg5[%dma_start3A_76, %dma_start3A_77] : memref<6144x128xf32, #tpu.memory_space<hbm>> -> memref<6144x128xf32, #tpu.memory_space<hbm>>
      tpu.enqueue_indirect_dma source(%dma_start3A_78 : memref<6144x128xf32, #tpu.memory_space<hbm>>) target(%arg14 : memref<112x128xf32, #tpu.memory_space<vmem>>) offsets(%dma_start3A_75 : memref<112xi32, #tpu.memory_space<vmem>>) semaphore(%arg18 : memref<!tpu.dma_semaphore, #tpu.memory_space<semaphore_mem>>)
      %dma_wait3A_79 = arith.constant 0 : i32
      %dma_wait3A_80 = arith.constant 0 : i32
      %dma_wait3A_81 = tpu.memref_slice %arg5[%dma_wait3A_79, %dma_wait3A_80] : memref<6144x128xf32, #tpu.memory_space<hbm>> -> memref<112x128xf32, #tpu.memory_space<hbm>>
      %dma_wait3A_82 = arith.constant 0 : i32
      %dma_wait3A_83 = arith.constant 0 : i32
      %dma_wait3A_84 = tpu.memref_slice %arg5[%dma_wait3A_82, %dma_wait3A_83] : memref<6144x128xf32, #tpu.memory_space<hbm>> -> memref<112x128xf32, #tpu.memory_space<hbm>>
      tpu.wait_dma2 semaphore(%arg16 : memref<!tpu.dma_semaphore, #tpu.memory_space<semaphore_mem>>) src(%dma_wait3A_84 : memref<112x128xf32, #tpu.memory_space<hbm>>) dst(%arg12 : memref<112x128xf32, #tpu.memory_space<vmem>>)
      %dma_start3A_85 = arith.constant 85 : i32
      %dma_start3A_86 = arith.constant 0 : i32
      %dma_start3A_87 = tpu.memref_slice %arg10[%dma_start3A_85, %dma_start3A_86] : memref<90x112xi32, #tpu.memory_space<vmem>> -> memref<1x112xi32, #tpu.memory_space<vmem>>
      %dma_start3A_88 = tpu.memref_squeeze %dma_start3A_87 : memref<1x112xi32, #tpu.memory_space<vmem>> -> memref<112xi32, #tpu.memory_space<vmem>>
      %dma_start3A_89 = arith.constant 0 : i32
      %dma_start3A_90 = arith.constant 0 : i32
      %dma_start3A_91 = tpu.memref_slice %arg23[%dma_start3A_89, %dma_start3A_90] : memref<6144x128xf32, #tpu.memory_space<vmem_shared>> -> memref<6144x128xf32, #tpu.memory_space<vmem_shared>>
      tpu.enqueue_indirect_dma source(%arg12 : memref<112x128xf32, #tpu.memory_space<vmem>>) target(%dma_start3A_91 : memref<6144x128xf32, #tpu.memory_space<vmem_shared>>) offsets(%dma_start3A_88 : memref<112xi32, #tpu.memory_space<vmem>>) semaphore(%arg20 : memref<!tpu.dma_semaphore, #tpu.memory_space<semaphore_mem>>) {add = true}
      %dma_wait3A_92 = arith.constant 0 : i32
      %dma_wait3A_93 = arith.constant 0 : i32
      %dma_wait3A_94 = tpu.memref_slice %arg5[%dma_wait3A_92, %dma_wait3A_93] : memref<6144x128xf32, #tpu.memory_space<hbm>> -> memref<112x128xf32, #tpu.memory_space<hbm>>
      %dma_wait3A_95 = arith.constant 0 : i32
      %dma_wait3A_96 = arith.constant 0 : i32
      %dma_wait3A_97 = tpu.memref_slice %arg5[%dma_wait3A_95, %dma_wait3A_96] : memref<6144x128xf32, #tpu.memory_space<hbm>> -> memref<112x128xf32, #tpu.memory_space<hbm>>
      tpu.wait_dma2 semaphore(%arg19 : memref<!tpu.dma_semaphore, #tpu.memory_space<semaphore_mem>>) src(%dma_wait3A_97 : memref<112x128xf32, #tpu.memory_space<hbm>>) dst(%arg11 : memref<112x128xf32, #tpu.memory_space<vmem>>)
      %dma_start3A_98 = arith.constant 88 : i32
      %dma_start3A_99 = arith.constant 0 : i32
      %dma_start3A_100 = tpu.memref_slice %arg9[%dma_start3A_98, %dma_start3A_99] : memref<90x112xi32, #tpu.memory_space<vmem>> -> memref<1x112xi32, #tpu.memory_space<vmem>>
      %dma_start3A_101 = tpu.memref_squeeze %dma_start3A_100 : memref<1x112xi32, #tpu.memory_space<vmem>> -> memref<112xi32, #tpu.memory_space<vmem>>
      %dma_start3A_102 = arith.constant 0 : i32
      %dma_start3A_103 = arith.constant 0 : i32
      %dma_start3A_104 = tpu.memref_slice %arg5[%dma_start3A_102, %dma_start3A_103] : memref<6144x128xf32, #tpu.memory_space<hbm>> -> memref<6144x128xf32, #tpu.memory_space<hbm>>
      tpu.enqueue_indirect_dma source(%dma_start3A_104 : memref<6144x128xf32, #tpu.memory_space<hbm>>) target(%arg11 : memref<112x128xf32, #tpu.memory_space<vmem>>) offsets(%dma_start3A_101 : memref<112xi32, #tpu.memory_space<vmem>>) semaphore(%arg15 : memref<!tpu.dma_semaphore, #tpu.memory_space<semaphore_mem>>)
      %dma_wait3A_105 = arith.constant 0 : i32
      %dma_wait3A_106 = arith.constant 0 : i32
      %dma_wait3A_107 = tpu.memref_slice %arg5[%dma_wait3A_105, %dma_wait3A_106] : memref<6144x128xf32, #tpu.memory_space<hbm>> -> memref<112x128xf32, #tpu.memory_space<hbm>>
      %dma_wait3A_108 = arith.constant 0 : i32
      %dma_wait3A_109 = arith.constant 0 : i32
      %dma_wait3A_110 = tpu.memref_slice %arg5[%dma_wait3A_108, %dma_wait3A_109] : memref<6144x128xf32, #tpu.memory_space<hbm>> -> memref<112x128xf32, #tpu.memory_space<hbm>>
      tpu.wait_dma2 semaphore(%arg17 : memref<!tpu.dma_semaphore, #tpu.memory_space<semaphore_mem>>) src(%dma_wait3A_110 : memref<112x128xf32, #tpu.memory_space<hbm>>) dst(%arg13 : memref<112x128xf32, #tpu.memory_space<vmem>>)
      %dma_start3A_111 = arith.constant 86 : i32
      %dma_start3A_112 = arith.constant 0 : i32
      %dma_start3A_113 = tpu.memref_slice %arg10[%dma_start3A_111, %dma_start3A_112] : memref<90x112xi32, #tpu.memory_space<vmem>> -> memref<1x112xi32, #tpu.memory_space<vmem>>
      %dma_start3A_114 = tpu.memref_squeeze %dma_start3A_113 : memref<1x112xi32, #tpu.memory_space<vmem>> -> memref<112xi32, #tpu.memory_space<vmem>>
      %dma_start3A_115 = arith.constant 0 : i32
      %dma_start3A_116 = arith.constant 0 : i32
      %dma_start3A_117 = tpu.memref_slice %arg23[%dma_start3A_115, %dma_start3A_116] : memref<6144x128xf32, #tpu.memory_space<vmem_shared>> -> memref<6144x128xf32, #tpu.memory_space<vmem_shared>>
      tpu.enqueue_indirect_dma source(%arg13 : memref<112x128xf32, #tpu.memory_space<vmem>>) target(%dma_start3A_117 : memref<6144x128xf32, #tpu.memory_space<vmem_shared>>) offsets(%dma_start3A_114 : memref<112xi32, #tpu.memory_space<vmem>>) semaphore(%arg21 : memref<!tpu.dma_semaphore, #tpu.memory_space<semaphore_mem>>) {add = true}
      %dma_wait3A_118 = arith.constant 0 : i32
      %dma_wait3A_119 = arith.constant 0 : i32
      %dma_wait3A_120 = tpu.memref_slice %arg5[%dma_wait3A_118, %dma_wait3A_119] : memref<6144x128xf32, #tpu.memory_space<hbm>> -> memref<112x128xf32, #tpu.memory_space<hbm>>
      %dma_wait3A_121 = arith.constant 0 : i32
      %dma_wait3A_122 = arith.constant 0 : i32
      %dma_wait3A_123 = tpu.memref_slice %arg5[%dma_wait3A_121, %dma_wait3A_122] : memref<6144x128xf32, #tpu.memory_space<hbm>> -> memref<112x128xf32, #tpu.memory_space<hbm>>
      tpu.wait_dma2 semaphore(%arg20 : memref<!tpu.dma_semaphore, #tpu.memory_space<semaphore_mem>>) src(%dma_wait3A_123 : memref<112x128xf32, #tpu.memory_space<hbm>>) dst(%arg12 : memref<112x128xf32, #tpu.memory_space<vmem>>)
      %dma_start3A_124 = arith.constant 89 : i32
      %dma_start3A_125 = arith.constant 0 : i32
      %dma_start3A_126 = tpu.memref_slice %arg9[%dma_start3A_124, %dma_start3A_125] : memref<90x112xi32, #tpu.memory_space<vmem>> -> memref<1x112xi32, #tpu.memory_space<vmem>>
      %dma_start3A_127 = tpu.memref_squeeze %dma_start3A_126 : memref<1x112xi32, #tpu.memory_space<vmem>> -> memref<112xi32, #tpu.memory_space<vmem>>
      %dma_start3A_128 = arith.constant 0 : i32
      %dma_start3A_129 = arith.constant 0 : i32
      %dma_start3A_130 = tpu.memref_slice %arg5[%dma_start3A_128, %dma_start3A_129] : memref<6144x128xf32, #tpu.memory_space<hbm>> -> memref<6144x128xf32, #tpu.memory_space<hbm>>
      tpu.enqueue_indirect_dma source(%dma_start3A_130 : memref<6144x128xf32, #tpu.memory_space<hbm>>) target(%arg12 : memref<112x128xf32, #tpu.memory_space<vmem>>) offsets(%dma_start3A_127 : memref<112xi32, #tpu.memory_space<vmem>>) semaphore(%arg16 : memref<!tpu.dma_semaphore, #tpu.memory_space<semaphore_mem>>)
      %dma_wait3A_131 = arith.constant 0 : i32
      %dma_wait3A_132 = arith.constant 0 : i32
      %dma_wait3A_133 = tpu.memref_slice %arg5[%dma_wait3A_131, %dma_wait3A_132] : memref<6144x128xf32, #tpu.memory_space<hbm>> -> memref<112x128xf32, #tpu.memory_space<hbm>>
      %dma_wait3A_134 = arith.constant 0 : i32
      %dma_wait3A_135 = arith.constant 0 : i32
      %dma_wait3A_136 = tpu.memref_slice %arg5[%dma_wait3A_134, %dma_wait3A_135] : memref<6144x128xf32, #tpu.memory_space<hbm>> -> memref<112x128xf32, #tpu.memory_space<hbm>>
      tpu.wait_dma2 semaphore(%arg18 : memref<!tpu.dma_semaphore, #tpu.memory_space<semaphore_mem>>) src(%dma_wait3A_136 : memref<112x128xf32, #tpu.memory_space<hbm>>) dst(%arg14 : memref<112x128xf32, #tpu.memory_space<vmem>>)
      %dma_start3A_137 = arith.constant 87 : i32
      %dma_start3A_138 = arith.constant 0 : i32
      %dma_start3A_139 = tpu.memref_slice %arg10[%dma_start3A_137, %dma_start3A_138] : memref<90x112xi32, #tpu.memory_space<vmem>> -> memref<1x112xi32, #tpu.memory_space<vmem>>
      %dma_start3A_140 = tpu.memref_squeeze %dma_start3A_139 : memref<1x112xi32, #tpu.memory_space<vmem>> -> memref<112xi32, #tpu.memory_space<vmem>>
      %dma_start3A_141 = arith.constant 0 : i32
      %dma_start3A_142 = arith.constant 0 : i32
      %dma_start3A_143 = tpu.memref_slice %arg23[%dma_start3A_141, %dma_start3A_142] : memref<6144x128xf32, #tpu.memory_space<vmem_shared>> -> memref<6144x128xf32, #tpu.memory_space<vmem_shared>>
      tpu.enqueue_indirect_dma source(%arg14 : memref<112x128xf32, #tpu.memory_space<vmem>>) target(%dma_start3A_143 : memref<6144x128xf32, #tpu.memory_space<vmem_shared>>) offsets(%dma_start3A_140 : memref<112xi32, #tpu.memory_space<vmem>>) semaphore(%arg22 : memref<!tpu.dma_semaphore, #tpu.memory_space<semaphore_mem>>) {add = true}
      %dma_wait3A_144 = arith.constant 0 : i32
      %dma_wait3A_145 = arith.constant 0 : i32
      %dma_wait3A_146 = tpu.memref_slice %arg5[%dma_wait3A_144, %dma_wait3A_145] : memref<6144x128xf32, #tpu.memory_space<hbm>> -> memref<112x128xf32, #tpu.memory_space<hbm>>
      %dma_wait3A_147 = arith.constant 0 : i32
      %dma_wait3A_148 = arith.constant 0 : i32
      %dma_wait3A_149 = tpu.memref_slice %arg5[%dma_wait3A_147, %dma_wait3A_148] : memref<6144x128xf32, #tpu.memory_space<hbm>> -> memref<112x128xf32, #tpu.memory_space<hbm>>
      tpu.wait_dma2 semaphore(%arg15 : memref<!tpu.dma_semaphore, #tpu.memory_space<semaphore_mem>>) src(%dma_wait3A_149 : memref<112x128xf32, #tpu.memory_space<hbm>>) dst(%arg11 : memref<112x128xf32, #tpu.memory_space<vmem>>)
      %dma_start3A_150 = arith.constant 88 : i32
      %dma_start3A_151 = arith.constant 0 : i32
      %dma_start3A_152 = tpu.memref_slice %arg10[%dma_start3A_150, %dma_start3A_151] : memref<90x112xi32, #tpu.memory_space<vmem>> -> memref<1x112xi32, #tpu.memory_space<vmem>>
      %dma_start3A_153 = tpu.memref_squeeze %dma_start3A_152 : memref<1x112xi32, #tpu.memory_space<vmem>> -> memref<112xi32, #tpu.memory_space<vmem>>
      %dma_start3A_154 = arith.constant 0 : i32
      %dma_start3A_155 = arith.constant 0 : i32
      %dma_start3A_156 = tpu.memref_slice %arg23[%dma_start3A_154, %dma_start3A_155] : memref<6144x128xf32, #tpu.memory_space<vmem_shared>> -> memref<6144x128xf32, #tpu.memory_space<vmem_shared>>
      tpu.enqueue_indirect_dma source(%arg11 : memref<112x128xf32, #tpu.memory_space<vmem>>) target(%dma_start3A_156 : memref<6144x128xf32, #tpu.memory_space<vmem_shared>>) offsets(%dma_start3A_153 : memref<112xi32, #tpu.memory_space<vmem>>) semaphore(%arg19 : memref<!tpu.dma_semaphore, #tpu.memory_space<semaphore_mem>>) {add = true}
      %dma_wait3A_157 = arith.constant 0 : i32
      %dma_wait3A_158 = arith.constant 0 : i32
      %dma_wait3A_159 = tpu.memref_slice %arg5[%dma_wait3A_157, %dma_wait3A_158] : memref<6144x128xf32, #tpu.memory_space<hbm>> -> memref<112x128xf32, #tpu.memory_space<hbm>>
      %dma_wait3A_160 = arith.constant 0 : i32
      %dma_wait3A_161 = arith.constant 0 : i32
      %dma_wait3A_162 = tpu.memref_slice %arg5[%dma_wait3A_160, %dma_wait3A_161] : memref<6144x128xf32, #tpu.memory_space<hbm>> -> memref<112x128xf32, #tpu.memory_space<hbm>>
      tpu.wait_dma2 semaphore(%arg16 : memref<!tpu.dma_semaphore, #tpu.memory_space<semaphore_mem>>) src(%dma_wait3A_162 : memref<112x128xf32, #tpu.memory_space<hbm>>) dst(%arg12 : memref<112x128xf32, #tpu.memory_space<vmem>>)
      %dma_start3A_163 = arith.constant 89 : i32
      %dma_start3A_164 = arith.constant 0 : i32
      %dma_start3A_165 = tpu.memref_slice %arg10[%dma_start3A_163, %dma_start3A_164] : memref<90x112xi32, #tpu.memory_space<vmem>> -> memref<1x112xi32, #tpu.memory_space<vmem>>
      %dma_start3A_166 = tpu.memref_squeeze %dma_start3A_165 : memref<1x112xi32, #tpu.memory_space<vmem>> -> memref<112xi32, #tpu.memory_space<vmem>>
      %dma_start3A_167 = arith.constant 0 : i32
      %dma_start3A_168 = arith.constant 0 : i32
      %dma_start3A_169 = tpu.memref_slice %arg23[%dma_start3A_167, %dma_start3A_168] : memref<6144x128xf32, #tpu.memory_space<vmem_shared>> -> memref<6144x128xf32, #tpu.memory_space<vmem_shared>>
      tpu.enqueue_indirect_dma source(%arg12 : memref<112x128xf32, #tpu.memory_space<vmem>>) target(%dma_start3A_169 : memref<6144x128xf32, #tpu.memory_space<vmem_shared>>) offsets(%dma_start3A_166 : memref<112xi32, #tpu.memory_space<vmem>>) semaphore(%arg20 : memref<!tpu.dma_semaphore, #tpu.memory_space<semaphore_mem>>) {add = true}
      %dma_wait3A_170 = arith.constant 0 : i32
      %dma_wait3A_171 = arith.constant 0 : i32
      %dma_wait3A_172 = tpu.memref_slice %arg5[%dma_wait3A_170, %dma_wait3A_171] : memref<6144x128xf32, #tpu.memory_space<hbm>> -> memref<112x128xf32, #tpu.memory_space<hbm>>
      %dma_wait3A_173 = arith.constant 0 : i32
      %dma_wait3A_174 = arith.constant 0 : i32
      %dma_wait3A_175 = tpu.memref_slice %arg5[%dma_wait3A_173, %dma_wait3A_174] : memref<6144x128xf32, #tpu.memory_space<hbm>> -> memref<112x128xf32, #tpu.memory_space<hbm>>
      tpu.wait_dma2 semaphore(%arg21 : memref<!tpu.dma_semaphore, #tpu.memory_space<semaphore_mem>>) src(%dma_wait3A_175 : memref<112x128xf32, #tpu.memory_space<hbm>>) dst(%arg13 : memref<112x128xf32, #tpu.memory_space<vmem>>)
      %dma_wait3A_176 = arith.constant 0 : i32
      %dma_wait3A_177 = arith.constant 0 : i32
      %dma_wait3A_178 = tpu.memref_slice %arg5[%dma_wait3A_176, %dma_wait3A_177] : memref<6144x128xf32, #tpu.memory_space<hbm>> -> memref<112x128xf32, #tpu.memory_space<hbm>>
      %dma_wait3A_179 = arith.constant 0 : i32
      %dma_wait3A_180 = arith.constant 0 : i32
      %dma_wait3A_181 = tpu.memref_slice %arg5[%dma_wait3A_179, %dma_wait3A_180] : memref<6144x128xf32, #tpu.memory_space<hbm>> -> memref<112x128xf32, #tpu.memory_space<hbm>>
      tpu.wait_dma2 semaphore(%arg22 : memref<!tpu.dma_semaphore, #tpu.memory_space<semaphore_mem>>) src(%dma_wait3A_181 : memref<112x128xf32, #tpu.memory_space<hbm>>) dst(%arg14 : memref<112x128xf32, #tpu.memory_space<vmem>>)
      %dma_wait3A_182 = arith.constant 0 : i32
      %dma_wait3A_183 = arith.constant 0 : i32
      %dma_wait3A_184 = tpu.memref_slice %arg5[%dma_wait3A_182, %dma_wait3A_183] : memref<6144x128xf32, #tpu.memory_space<hbm>> -> memref<112x128xf32, #tpu.memory_space<hbm>>
      %dma_wait3A_185 = arith.constant 0 : i32
      %dma_wait3A_186 = arith.constant 0 : i32
      %dma_wait3A_187 = tpu.memref_slice %arg5[%dma_wait3A_185, %dma_wait3A_186] : memref<6144x128xf32, #tpu.memory_space<hbm>> -> memref<112x128xf32, #tpu.memory_space<hbm>>
      tpu.wait_dma2 semaphore(%arg19 : memref<!tpu.dma_semaphore, #tpu.memory_space<semaphore_mem>>) src(%dma_wait3A_187 : memref<112x128xf32, #tpu.memory_space<hbm>>) dst(%arg11 : memref<112x128xf32, #tpu.memory_space<vmem>>)
      %dma_wait3A_188 = arith.constant 0 : i32
      %dma_wait3A_189 = arith.constant 0 : i32
      %dma_wait3A_190 = tpu.memref_slice %arg5[%dma_wait3A_188, %dma_wait3A_189] : memref<6144x128xf32, #tpu.memory_space<hbm>> -> memref<112x128xf32, #tpu.memory_space<hbm>>
      %dma_wait3A_191 = arith.constant 0 : i32
      %dma_wait3A_192 = arith.constant 0 : i32
      %dma_wait3A_193 = tpu.memref_slice %arg5[%dma_wait3A_191, %dma_wait3A_192] : memref<6144x128xf32, #tpu.memory_space<hbm>> -> memref<112x128xf32, #tpu.memory_space<hbm>>
      tpu.wait_dma2 semaphore(%arg20 : memref<!tpu.dma_semaphore, #tpu.memory_space<semaphore_mem>>) src(%dma_wait3A_193 : memref<112x128xf32, #tpu.memory_space<hbm>>) dst(%arg12 : memref<112x128xf32, #tpu.memory_space<vmem>>)
    } else {
    }
    %eq3A_13 = arith.constant 1 : i32
    %eq3A_14 = arith.cmpi eq, %arg0, %eq3A_13 : i32
    %convert_element_type3A_15 = arith.extui %eq3A_14 : i1 to i32
    %cond3A_16 = arith.constant 0 : i32
    %cond3A_17 = arith.cmpi ne, %convert_element_type3A_15, %cond3A_16 : i32
    scf.if %cond3A_17 {
      %dma_start3A = arith.constant 0 : i32
      %dma_start3A_29 = arith.constant 0 : i32
      %dma_start3A_30 = tpu.memref_slice %arg9[%dma_start3A, %dma_start3A_29] : memref<90x112xi32, #tpu.memory_space<vmem>> -> memref<1x112xi32, #tpu.memory_space<vmem>>
      %dma_start3A_31 = tpu.memref_squeeze %dma_start3A_30 : memref<1x112xi32, #tpu.memory_space<vmem>> -> memref<112xi32, #tpu.memory_space<vmem>>
      %dma_start3A_32 = arith.constant 0 : i32
      %dma_start3A_33 = arith.constant 0 : i32
      %dma_start3A_34 = tpu.memref_slice %arg4[%dma_start3A_32, %dma_start3A_33] : memref<6144x128xf32, #tpu.memory_space<hbm>> -> memref<6144x128xf32, #tpu.memory_space<hbm>>
      tpu.enqueue_indirect_dma source(%dma_start3A_34 : memref<6144x128xf32, #tpu.memory_space<hbm>>) target(%arg11 : memref<112x128xf32, #tpu.memory_space<vmem>>) offsets(%dma_start3A_31 : memref<112xi32, #tpu.memory_space<vmem>>) semaphore(%arg15 : memref<!tpu.dma_semaphore, #tpu.memory_space<semaphore_mem>>)
      %dma_start3A_35 = arith.constant 1 : i32
      %dma_start3A_36 = arith.constant 0 : i32
      %dma_start3A_37 = tpu.memref_slice %arg9[%dma_start3A_35, %dma_start3A_36] : memref<90x112xi32, #tpu.memory_space<vmem>> -> memref<1x112xi32, #tpu.memory_space<vmem>>
      %dma_start3A_38 = tpu.memref_squeeze %dma_start3A_37 : memref<1x112xi32, #tpu.memory_space<vmem>> -> memref<112xi32, #tpu.memory_space<vmem>>
      %dma_start3A_39 = arith.constant 0 : i32
      %dma_start3A_40 = arith.constant 0 : i32
      %dma_start3A_41 = tpu.memref_slice %arg4[%dma_start3A_39, %dma_start3A_40] : memref<6144x128xf32, #tpu.memory_space<hbm>> -> memref<6144x128xf32, #tpu.memory_space<hbm>>
      tpu.enqueue_indirect_dma source(%dma_start3A_41 : memref<6144x128xf32, #tpu.memory_space<hbm>>) target(%arg12 : memref<112x128xf32, #tpu.memory_space<vmem>>) offsets(%dma_start3A_38 : memref<112xi32, #tpu.memory_space<vmem>>) semaphore(%arg16 : memref<!tpu.dma_semaphore, #tpu.memory_space<semaphore_mem>>)
      %dma_start3A_42 = arith.constant 2 : i32
      %dma_start3A_43 = arith.constant 0 : i32
      %dma_start3A_44 = tpu.memref_slice %arg9[%dma_start3A_42, %dma_start3A_43] : memref<90x112xi32, #tpu.memory_space<vmem>> -> memref<1x112xi32, #tpu.memory_space<vmem>>
      %dma_start3A_45 = tpu.memref_squeeze %dma_start3A_44 : memref<1x112xi32, #tpu.memory_space<vmem>> -> memref<112xi32, #tpu.memory_space<vmem>>
      %dma_start3A_46 = arith.constant 0 : i32
      %dma_start3A_47 = arith.constant 0 : i32
      %dma_start3A_48 = tpu.memref_slice %arg4[%dma_start3A_46, %dma_start3A_47] : memref<6144x128xf32, #tpu.memory_space<hbm>> -> memref<6144x128xf32, #tpu.memory_space<hbm>>
      tpu.enqueue_indirect_dma source(%dma_start3A_48 : memref<6144x128xf32, #tpu.memory_space<hbm>>) target(%arg13 : memref<112x128xf32, #tpu.memory_space<vmem>>) offsets(%dma_start3A_45 : memref<112xi32, #tpu.memory_space<vmem>>) semaphore(%arg17 : memref<!tpu.dma_semaphore, #tpu.memory_space<semaphore_mem>>)
      %scan3A = arith.constant 0 : i32
      %scan3A_49 = arith.constant 0 : i32
      %scan3A_50 = arith.constant 21 : i32
      %scan3A_51 = arith.addi %scan3A_49, %scan3A_50 : i32
      %scan3A_52 = arith.constant 1 : i32
      scf.for %scan3A_194 = %scan3A_49 to %scan3A_51 step %scan3A_52  : i32 {
        %mul3A_195 = arith.constant 4 : i32
        %mul3A_196 = arith.muli %mul3A_195, %scan3A_194 : i32
        %add3A = arith.constant 0 : i32
        %add3A_197 = arith.addi %mul3A_196, %add3A : i32
        %dma_wait3A_198 = arith.constant 0 : i32
        %dma_wait3A_199 = arith.constant 0 : i32
        %dma_wait3A_200 = tpu.memref_slice %arg4[%dma_wait3A_198, %dma_wait3A_199] : memref<6144x128xf32, #tpu.memory_space<hbm>> -> memref<112x128xf32, #tpu.memory_space<hbm>>
        %dma_wait3A_201 = arith.constant 0 : i32
        %dma_wait3A_202 = arith.constant 0 : i32
        %dma_wait3A_203 = tpu.memref_slice %arg4[%dma_wait3A_201, %dma_wait3A_202] : memref<6144x128xf32, #tpu.memory_space<hbm>> -> memref<112x128xf32, #tpu.memory_space<hbm>>
        tpu.wait_dma2 semaphore(%arg15 : memref<!tpu.dma_semaphore, #tpu.memory_space<semaphore_mem>>) src(%dma_wait3A_203 : memref<112x128xf32, #tpu.memory_space<hbm>>) dst(%arg11 : memref<112x128xf32, #tpu.memory_space<vmem>>)
        %dma_start3A_204 = arith.constant 0 : i32
        %dma_start3A_205 = tpu.memref_slice %arg10[%add3A_197, %dma_start3A_204] : memref<90x112xi32, #tpu.memory_space<vmem>> -> memref<1x112xi32, #tpu.memory_space<vmem>>
        %dma_start3A_206 = tpu.memref_squeeze %dma_start3A_205 : memref<1x112xi32, #tpu.memory_space<vmem>> -> memref<112xi32, #tpu.memory_space<vmem>>
        %dma_start3A_207 = arith.constant 0 : i32
        %dma_start3A_208 = arith.constant 0 : i32
        %dma_start3A_209 = tpu.memref_slice %arg23[%dma_start3A_207, %dma_start3A_208] : memref<6144x128xf32, #tpu.memory_space<vmem_shared>> -> memref<6144x128xf32, #tpu.memory_space<vmem_shared>>
        tpu.enqueue_indirect_dma source(%arg11 : memref<112x128xf32, #tpu.memory_space<vmem>>) target(%dma_start3A_209 : memref<6144x128xf32, #tpu.memory_space<vmem_shared>>) offsets(%dma_start3A_206 : memref<112xi32, #tpu.memory_space<vmem>>) semaphore(%arg19 : memref<!tpu.dma_semaphore, #tpu.memory_space<semaphore_mem>>) {add = true}
        %gt3A = arith.constant 0 : i32
        %gt3A_210 = arith.cmpi sgt, %add3A_197, %gt3A : i32
        %convert_element_type3A_211 = arith.extui %gt3A_210 : i1 to i32
        %cond3A_212 = arith.constant 0 : i32
        %cond3A_213 = arith.cmpi ne, %convert_element_type3A_211, %cond3A_212 : i32
        scf.if %cond3A_213 {
          %dma_wait3A_303 = arith.constant 0 : i32
          %dma_wait3A_304 = arith.constant 0 : i32
          %dma_wait3A_305 = tpu.memref_slice %arg4[%dma_wait3A_303, %dma_wait3A_304] : memref<6144x128xf32, #tpu.memory_space<hbm>> -> memref<112x128xf32, #tpu.memory_space<hbm>>
          %dma_wait3A_306 = arith.constant 0 : i32
          %dma_wait3A_307 = arith.constant 0 : i32
          %dma_wait3A_308 = tpu.memref_slice %arg4[%dma_wait3A_306, %dma_wait3A_307] : memref<6144x128xf32, #tpu.memory_space<hbm>> -> memref<112x128xf32, #tpu.memory_space<hbm>>
          tpu.wait_dma2 semaphore(%arg22 : memref<!tpu.dma_semaphore, #tpu.memory_space<semaphore_mem>>) src(%dma_wait3A_308 : memref<112x128xf32, #tpu.memory_space<hbm>>) dst(%arg14 : memref<112x128xf32, #tpu.memory_space<vmem>>)
        } else {
        }
        %add3A_214 = arith.constant 3 : i32
        %add3A_215 = arith.addi %add3A_197, %add3A_214 : i32
        %dma_start3A_216 = arith.constant 0 : i32
        %dma_start3A_217 = tpu.memref_slice %arg9[%add3A_215, %dma_start3A_216] : memref<90x112xi32, #tpu.memory_space<vmem>> -> memref<1x112xi32, #tpu.memory_space<vmem>>
        %dma_start3A_218 = tpu.memref_squeeze %dma_start3A_217 : memref<1x112xi32, #tpu.memory_space<vmem>> -> memref<112xi32, #tpu.memory_space<vmem>>
        %dma_start3A_219 = arith.constant 0 : i32
        %dma_start3A_220 = arith.constant 0 : i32
        %dma_start3A_221 = tpu.memref_slice %arg4[%dma_start3A_219, %dma_start3A_220] : memref<6144x128xf32, #tpu.memory_space<hbm>> -> memref<6144x128xf32, #tpu.memory_space<hbm>>
        tpu.enqueue_indirect_dma source(%dma_start3A_221 : memref<6144x128xf32, #tpu.memory_space<hbm>>) target(%arg14 : memref<112x128xf32, #tpu.memory_space<vmem>>) offsets(%dma_start3A_218 : memref<112xi32, #tpu.memory_space<vmem>>) semaphore(%arg18 : memref<!tpu.dma_semaphore, #tpu.memory_space<semaphore_mem>>)
        %add3A_222 = arith.constant 1 : i32
        %add3A_223 = arith.addi %mul3A_196, %add3A_222 : i32
        %dma_wait3A_224 = arith.constant 0 : i32
        %dma_wait3A_225 = arith.constant 0 : i32
        %dma_wait3A_226 = tpu.memref_slice %arg4[%dma_wait3A_224, %dma_wait3A_225] : memref<6144x128xf32, #tpu.memory_space<hbm>> -> memref<112x128xf32, #tpu.memory_space<hbm>>
        %dma_wait3A_227 = arith.constant 0 : i32
        %dma_wait3A_228 = arith.constant 0 : i32
        %dma_wait3A_229 = tpu.memref_slice %arg4[%dma_wait3A_227, %dma_wait3A_228] : memref<6144x128xf32, #tpu.memory_space<hbm>> -> memref<112x128xf32, #tpu.memory_space<hbm>>
        tpu.wait_dma2 semaphore(%arg16 : memref<!tpu.dma_semaphore, #tpu.memory_space<semaphore_mem>>) src(%dma_wait3A_229 : memref<112x128xf32, #tpu.memory_space<hbm>>) dst(%arg12 : memref<112x128xf32, #tpu.memory_space<vmem>>)
        %dma_start3A_230 = arith.constant 0 : i32
        %dma_start3A_231 = tpu.memref_slice %arg10[%add3A_223, %dma_start3A_230] : memref<90x112xi32, #tpu.memory_space<vmem>> -> memref<1x112xi32, #tpu.memory_space<vmem>>
        %dma_start3A_232 = tpu.memref_squeeze %dma_start3A_231 : memref<1x112xi32, #tpu.memory_space<vmem>> -> memref<112xi32, #tpu.memory_space<vmem>>
        %dma_start3A_233 = arith.constant 0 : i32
        %dma_start3A_234 = arith.constant 0 : i32
        %dma_start3A_235 = tpu.memref_slice %arg23[%dma_start3A_233, %dma_start3A_234] : memref<6144x128xf32, #tpu.memory_space<vmem_shared>> -> memref<6144x128xf32, #tpu.memory_space<vmem_shared>>
        tpu.enqueue_indirect_dma source(%arg12 : memref<112x128xf32, #tpu.memory_space<vmem>>) target(%dma_start3A_235 : memref<6144x128xf32, #tpu.memory_space<vmem_shared>>) offsets(%dma_start3A_232 : memref<112xi32, #tpu.memory_space<vmem>>) semaphore(%arg20 : memref<!tpu.dma_semaphore, #tpu.memory_space<semaphore_mem>>) {add = true}
        %gt3A_236 = arith.constant 0 : i32
        %gt3A_237 = arith.cmpi sgt, %add3A_223, %gt3A_236 : i32
        %convert_element_type3A_238 = arith.extui %gt3A_237 : i1 to i32
        %cond3A_239 = arith.constant 0 : i32
        %cond3A_240 = arith.cmpi ne, %convert_element_type3A_238, %cond3A_239 : i32
        scf.if %cond3A_240 {
          %dma_wait3A_303 = arith.constant 0 : i32
          %dma_wait3A_304 = arith.constant 0 : i32
          %dma_wait3A_305 = tpu.memref_slice %arg4[%dma_wait3A_303, %dma_wait3A_304] : memref<6144x128xf32, #tpu.memory_space<hbm>> -> memref<112x128xf32, #tpu.memory_space<hbm>>
          %dma_wait3A_306 = arith.constant 0 : i32
          %dma_wait3A_307 = arith.constant 0 : i32
          %dma_wait3A_308 = tpu.memref_slice %arg4[%dma_wait3A_306, %dma_wait3A_307] : memref<6144x128xf32, #tpu.memory_space<hbm>> -> memref<112x128xf32, #tpu.memory_space<hbm>>
          tpu.wait_dma2 semaphore(%arg19 : memref<!tpu.dma_semaphore, #tpu.memory_space<semaphore_mem>>) src(%dma_wait3A_308 : memref<112x128xf32, #tpu.memory_space<hbm>>) dst(%arg11 : memref<112x128xf32, #tpu.memory_space<vmem>>)
        } else {
        }
        %add3A_241 = arith.constant 3 : i32
        %add3A_242 = arith.addi %add3A_223, %add3A_241 : i32
        %dma_start3A_243 = arith.constant 0 : i32
        %dma_start3A_244 = tpu.memref_slice %arg9[%add3A_242, %dma_start3A_243] : memref<90x112xi32, #tpu.memory_space<vmem>> -> memref<1x112xi32, #tpu.memory_space<vmem>>
        %dma_start3A_245 = tpu.memref_squeeze %dma_start3A_244 : memref<1x112xi32, #tpu.memory_space<vmem>> -> memref<112xi32, #tpu.memory_space<vmem>>
        %dma_start3A_246 = arith.constant 0 : i32
        %dma_start3A_247 = arith.constant 0 : i32
        %dma_start3A_248 = tpu.memref_slice %arg4[%dma_start3A_246, %dma_start3A_247] : memref<6144x128xf32, #tpu.memory_space<hbm>> -> memref<6144x128xf32, #tpu.memory_space<hbm>>
        tpu.enqueue_indirect_dma source(%dma_start3A_248 : memref<6144x128xf32, #tpu.memory_space<hbm>>) target(%arg11 : memref<112x128xf32, #tpu.memory_space<vmem>>) offsets(%dma_start3A_245 : memref<112xi32, #tpu.memory_space<vmem>>) semaphore(%arg15 : memref<!tpu.dma_semaphore, #tpu.memory_space<semaphore_mem>>)
        %add3A_249 = arith.constant 2 : i32
        %add3A_250 = arith.addi %mul3A_196, %add3A_249 : i32
        %dma_wait3A_251 = arith.constant 0 : i32
        %dma_wait3A_252 = arith.constant 0 : i32
        %dma_wait3A_253 = tpu.memref_slice %arg4[%dma_wait3A_251, %dma_wait3A_252] : memref<6144x128xf32, #tpu.memory_space<hbm>> -> memref<112x128xf32, #tpu.memory_space<hbm>>
        %dma_wait3A_254 = arith.constant 0 : i32
        %dma_wait3A_255 = arith.constant 0 : i32
        %dma_wait3A_256 = tpu.memref_slice %arg4[%dma_wait3A_254, %dma_wait3A_255] : memref<6144x128xf32, #tpu.memory_space<hbm>> -> memref<112x128xf32, #tpu.memory_space<hbm>>
        tpu.wait_dma2 semaphore(%arg17 : memref<!tpu.dma_semaphore, #tpu.memory_space<semaphore_mem>>) src(%dma_wait3A_256 : memref<112x128xf32, #tpu.memory_space<hbm>>) dst(%arg13 : memref<112x128xf32, #tpu.memory_space<vmem>>)
        %dma_start3A_257 = arith.constant 0 : i32
        %dma_start3A_258 = tpu.memref_slice %arg10[%add3A_250, %dma_start3A_257] : memref<90x112xi32, #tpu.memory_space<vmem>> -> memref<1x112xi32, #tpu.memory_space<vmem>>
        %dma_start3A_259 = tpu.memref_squeeze %dma_start3A_258 : memref<1x112xi32, #tpu.memory_space<vmem>> -> memref<112xi32, #tpu.memory_space<vmem>>
        %dma_start3A_260 = arith.constant 0 : i32
        %dma_start3A_261 = arith.constant 0 : i32
        %dma_start3A_262 = tpu.memref_slice %arg23[%dma_start3A_260, %dma_start3A_261] : memref<6144x128xf32, #tpu.memory_space<vmem_shared>> -> memref<6144x128xf32, #tpu.memory_space<vmem_shared>>
        tpu.enqueue_indirect_dma source(%arg13 : memref<112x128xf32, #tpu.memory_space<vmem>>) target(%dma_start3A_262 : memref<6144x128xf32, #tpu.memory_space<vmem_shared>>) offsets(%dma_start3A_259 : memref<112xi32, #tpu.memory_space<vmem>>) semaphore(%arg21 : memref<!tpu.dma_semaphore, #tpu.memory_space<semaphore_mem>>) {add = true}
        %gt3A_263 = arith.constant 0 : i32
        %gt3A_264 = arith.cmpi sgt, %add3A_250, %gt3A_263 : i32
        %convert_element_type3A_265 = arith.extui %gt3A_264 : i1 to i32
        %cond3A_266 = arith.constant 0 : i32
        %cond3A_267 = arith.cmpi ne, %convert_element_type3A_265, %cond3A_266 : i32
        scf.if %cond3A_267 {
          %dma_wait3A_303 = arith.constant 0 : i32
          %dma_wait3A_304 = arith.constant 0 : i32
          %dma_wait3A_305 = tpu.memref_slice %arg4[%dma_wait3A_303, %dma_wait3A_304] : memref<6144x128xf32, #tpu.memory_space<hbm>> -> memref<112x128xf32, #tpu.memory_space<hbm>>
          %dma_wait3A_306 = arith.constant 0 : i32
          %dma_wait3A_307 = arith.constant 0 : i32
          %dma_wait3A_308 = tpu.memref_slice %arg4[%dma_wait3A_306, %dma_wait3A_307] : memref<6144x128xf32, #tpu.memory_space<hbm>> -> memref<112x128xf32, #tpu.memory_space<hbm>>
          tpu.wait_dma2 semaphore(%arg20 : memref<!tpu.dma_semaphore, #tpu.memory_space<semaphore_mem>>) src(%dma_wait3A_308 : memref<112x128xf32, #tpu.memory_space<hbm>>) dst(%arg12 : memref<112x128xf32, #tpu.memory_space<vmem>>)
        } else {
        }
        %add3A_268 = arith.constant 3 : i32
        %add3A_269 = arith.addi %add3A_250, %add3A_268 : i32
        %dma_start3A_270 = arith.constant 0 : i32
        %dma_start3A_271 = tpu.memref_slice %arg9[%add3A_269, %dma_start3A_270] : memref<90x112xi32, #tpu.memory_space<vmem>> -> memref<1x112xi32, #tpu.memory_space<vmem>>
        %dma_start3A_272 = tpu.memref_squeeze %dma_start3A_271 : memref<1x112xi32, #tpu.memory_space<vmem>> -> memref<112xi32, #tpu.memory_space<vmem>>
        %dma_start3A_273 = arith.constant 0 : i32
        %dma_start3A_274 = arith.constant 0 : i32
        %dma_start3A_275 = tpu.memref_slice %arg4[%dma_start3A_273, %dma_start3A_274] : memref<6144x128xf32, #tpu.memory_space<hbm>> -> memref<6144x128xf32, #tpu.memory_space<hbm>>
        tpu.enqueue_indirect_dma source(%dma_start3A_275 : memref<6144x128xf32, #tpu.memory_space<hbm>>) target(%arg12 : memref<112x128xf32, #tpu.memory_space<vmem>>) offsets(%dma_start3A_272 : memref<112xi32, #tpu.memory_space<vmem>>) semaphore(%arg16 : memref<!tpu.dma_semaphore, #tpu.memory_space<semaphore_mem>>)
        %add3A_276 = arith.constant 3 : i32
        %add3A_277 = arith.addi %mul3A_196, %add3A_276 : i32
        %dma_wait3A_278 = arith.constant 0 : i32
        %dma_wait3A_279 = arith.constant 0 : i32
        %dma_wait3A_280 = tpu.memref_slice %arg4[%dma_wait3A_278, %dma_wait3A_279] : memref<6144x128xf32, #tpu.memory_space<hbm>> -> memref<112x128xf32, #tpu.memory_space<hbm>>
        %dma_wait3A_281 = arith.constant 0 : i32
        %dma_wait3A_282 = arith.constant 0 : i32
        %dma_wait3A_283 = tpu.memref_slice %arg4[%dma_wait3A_281, %dma_wait3A_282] : memref<6144x128xf32, #tpu.memory_space<hbm>> -> memref<112x128xf32, #tpu.memory_space<hbm>>
        tpu.wait_dma2 semaphore(%arg18 : memref<!tpu.dma_semaphore, #tpu.memory_space<semaphore_mem>>) src(%dma_wait3A_283 : memref<112x128xf32, #tpu.memory_space<hbm>>) dst(%arg14 : memref<112x128xf32, #tpu.memory_space<vmem>>)
        %dma_start3A_284 = arith.constant 0 : i32
        %dma_start3A_285 = tpu.memref_slice %arg10[%add3A_277, %dma_start3A_284] : memref<90x112xi32, #tpu.memory_space<vmem>> -> memref<1x112xi32, #tpu.memory_space<vmem>>
        %dma_start3A_286 = tpu.memref_squeeze %dma_start3A_285 : memref<1x112xi32, #tpu.memory_space<vmem>> -> memref<112xi32, #tpu.memory_space<vmem>>
        %dma_start3A_287 = arith.constant 0 : i32
        %dma_start3A_288 = arith.constant 0 : i32
        %dma_start3A_289 = tpu.memref_slice %arg23[%dma_start3A_287, %dma_start3A_288] : memref<6144x128xf32, #tpu.memory_space<vmem_shared>> -> memref<6144x128xf32, #tpu.memory_space<vmem_shared>>
        tpu.enqueue_indirect_dma source(%arg14 : memref<112x128xf32, #tpu.memory_space<vmem>>) target(%dma_start3A_289 : memref<6144x128xf32, #tpu.memory_space<vmem_shared>>) offsets(%dma_start3A_286 : memref<112xi32, #tpu.memory_space<vmem>>) semaphore(%arg22 : memref<!tpu.dma_semaphore, #tpu.memory_space<semaphore_mem>>) {add = true}
        %gt3A_290 = arith.constant 0 : i32
        %gt3A_291 = arith.cmpi sgt, %add3A_277, %gt3A_290 : i32
        %convert_element_type3A_292 = arith.extui %gt3A_291 : i1 to i32
        %cond3A_293 = arith.constant 0 : i32
        %cond3A_294 = arith.cmpi ne, %convert_element_type3A_292, %cond3A_293 : i32
        scf.if %cond3A_294 {
          %dma_wait3A_303 = arith.constant 0 : i32
          %dma_wait3A_304 = arith.constant 0 : i32
          %dma_wait3A_305 = tpu.memref_slice %arg4[%dma_wait3A_303, %dma_wait3A_304] : memref<6144x128xf32, #tpu.memory_space<hbm>> -> memref<112x128xf32, #tpu.memory_space<hbm>>
          %dma_wait3A_306 = arith.constant 0 : i32
          %dma_wait3A_307 = arith.constant 0 : i32
          %dma_wait3A_308 = tpu.memref_slice %arg4[%dma_wait3A_306, %dma_wait3A_307] : memref<6144x128xf32, #tpu.memory_space<hbm>> -> memref<112x128xf32, #tpu.memory_space<hbm>>
          tpu.wait_dma2 semaphore(%arg21 : memref<!tpu.dma_semaphore, #tpu.memory_space<semaphore_mem>>) src(%dma_wait3A_308 : memref<112x128xf32, #tpu.memory_space<hbm>>) dst(%arg13 : memref<112x128xf32, #tpu.memory_space<vmem>>)
        } else {
        }
        %add3A_295 = arith.constant 3 : i32
        %add3A_296 = arith.addi %add3A_277, %add3A_295 : i32
        %dma_start3A_297 = arith.constant 0 : i32
        %dma_start3A_298 = tpu.memref_slice %arg9[%add3A_296, %dma_start3A_297] : memref<90x112xi32, #tpu.memory_space<vmem>> -> memref<1x112xi32, #tpu.memory_space<vmem>>
        %dma_start3A_299 = tpu.memref_squeeze %dma_start3A_298 : memref<1x112xi32, #tpu.memory_space<vmem>> -> memref<112xi32, #tpu.memory_space<vmem>>
        %dma_start3A_300 = arith.constant 0 : i32
        %dma_start3A_301 = arith.constant 0 : i32
        %dma_start3A_302 = tpu.memref_slice %arg4[%dma_start3A_300, %dma_start3A_301] : memref<6144x128xf32, #tpu.memory_space<hbm>> -> memref<6144x128xf32, #tpu.memory_space<hbm>>
        tpu.enqueue_indirect_dma source(%dma_start3A_302 : memref<6144x128xf32, #tpu.memory_space<hbm>>) target(%arg13 : memref<112x128xf32, #tpu.memory_space<vmem>>) offsets(%dma_start3A_299 : memref<112xi32, #tpu.memory_space<vmem>>) semaphore(%arg17 : memref<!tpu.dma_semaphore, #tpu.memory_space<semaphore_mem>>)
      }
      %scan3A_53 = arith.constant 21 : i32
      %dma_wait3A = arith.constant 0 : i32
      %dma_wait3A_54 = arith.constant 0 : i32
      %dma_wait3A_55 = tpu.memref_slice %arg4[%dma_wait3A, %dma_wait3A_54] : memref<6144x128xf32, #tpu.memory_space<hbm>> -> memref<112x128xf32, #tpu.memory_space<hbm>>
      %dma_wait3A_56 = arith.constant 0 : i32
      %dma_wait3A_57 = arith.constant 0 : i32
      %dma_wait3A_58 = tpu.memref_slice %arg4[%dma_wait3A_56, %dma_wait3A_57] : memref<6144x128xf32, #tpu.memory_space<hbm>> -> memref<112x128xf32, #tpu.memory_space<hbm>>
      tpu.wait_dma2 semaphore(%arg15 : memref<!tpu.dma_semaphore, #tpu.memory_space<semaphore_mem>>) src(%dma_wait3A_58 : memref<112x128xf32, #tpu.memory_space<hbm>>) dst(%arg11 : memref<112x128xf32, #tpu.memory_space<vmem>>)
      %dma_start3A_59 = arith.constant 84 : i32
      %dma_start3A_60 = arith.constant 0 : i32
      %dma_start3A_61 = tpu.memref_slice %arg10[%dma_start3A_59, %dma_start3A_60] : memref<90x112xi32, #tpu.memory_space<vmem>> -> memref<1x112xi32, #tpu.memory_space<vmem>>
      %dma_start3A_62 = tpu.memref_squeeze %dma_start3A_61 : memref<1x112xi32, #tpu.memory_space<vmem>> -> memref<112xi32, #tpu.memory_space<vmem>>
      %dma_start3A_63 = arith.constant 0 : i32
      %dma_start3A_64 = arith.constant 0 : i32
      %dma_start3A_65 = tpu.memref_slice %arg23[%dma_start3A_63, %dma_start3A_64] : memref<6144x128xf32, #tpu.memory_space<vmem_shared>> -> memref<6144x128xf32, #tpu.memory_space<vmem_shared>>
      tpu.enqueue_indirect_dma source(%arg11 : memref<112x128xf32, #tpu.memory_space<vmem>>) target(%dma_start3A_65 : memref<6144x128xf32, #tpu.memory_space<vmem_shared>>) offsets(%dma_start3A_62 : memref<112xi32, #tpu.memory_space<vmem>>) semaphore(%arg19 : memref<!tpu.dma_semaphore, #tpu.memory_space<semaphore_mem>>) {add = true}
      %dma_wait3A_66 = arith.constant 0 : i32
      %dma_wait3A_67 = arith.constant 0 : i32
      %dma_wait3A_68 = tpu.memref_slice %arg4[%dma_wait3A_66, %dma_wait3A_67] : memref<6144x128xf32, #tpu.memory_space<hbm>> -> memref<112x128xf32, #tpu.memory_space<hbm>>
      %dma_wait3A_69 = arith.constant 0 : i32
      %dma_wait3A_70 = arith.constant 0 : i32
      %dma_wait3A_71 = tpu.memref_slice %arg4[%dma_wait3A_69, %dma_wait3A_70] : memref<6144x128xf32, #tpu.memory_space<hbm>> -> memref<112x128xf32, #tpu.memory_space<hbm>>
      tpu.wait_dma2 semaphore(%arg22 : memref<!tpu.dma_semaphore, #tpu.memory_space<semaphore_mem>>) src(%dma_wait3A_71 : memref<112x128xf32, #tpu.memory_space<hbm>>) dst(%arg14 : memref<112x128xf32, #tpu.memory_space<vmem>>)
      %dma_start3A_72 = arith.constant 87 : i32
      %dma_start3A_73 = arith.constant 0 : i32
      %dma_start3A_74 = tpu.memref_slice %arg9[%dma_start3A_72, %dma_start3A_73] : memref<90x112xi32, #tpu.memory_space<vmem>> -> memref<1x112xi32, #tpu.memory_space<vmem>>
      %dma_start3A_75 = tpu.memref_squeeze %dma_start3A_74 : memref<1x112xi32, #tpu.memory_space<vmem>> -> memref<112xi32, #tpu.memory_space<vmem>>
      %dma_start3A_76 = arith.constant 0 : i32
      %dma_start3A_77 = arith.constant 0 : i32
      %dma_start3A_78 = tpu.memref_slice %arg4[%dma_start3A_76, %dma_start3A_77] : memref<6144x128xf32, #tpu.memory_space<hbm>> -> memref<6144x128xf32, #tpu.memory_space<hbm>>
      tpu.enqueue_indirect_dma source(%dma_start3A_78 : memref<6144x128xf32, #tpu.memory_space<hbm>>) target(%arg14 : memref<112x128xf32, #tpu.memory_space<vmem>>) offsets(%dma_start3A_75 : memref<112xi32, #tpu.memory_space<vmem>>) semaphore(%arg18 : memref<!tpu.dma_semaphore, #tpu.memory_space<semaphore_mem>>)
      %dma_wait3A_79 = arith.constant 0 : i32
      %dma_wait3A_80 = arith.constant 0 : i32
      %dma_wait3A_81 = tpu.memref_slice %arg4[%dma_wait3A_79, %dma_wait3A_80] : memref<6144x128xf32, #tpu.memory_space<hbm>> -> memref<112x128xf32, #tpu.memory_space<hbm>>
      %dma_wait3A_82 = arith.constant 0 : i32
      %dma_wait3A_83 = arith.constant 0 : i32
      %dma_wait3A_84 = tpu.memref_slice %arg4[%dma_wait3A_82, %dma_wait3A_83] : memref<6144x128xf32, #tpu.memory_space<hbm>> -> memref<112x128xf32, #tpu.memory_space<hbm>>
      tpu.wait_dma2 semaphore(%arg16 : memref<!tpu.dma_semaphore, #tpu.memory_space<semaphore_mem>>) src(%dma_wait3A_84 : memref<112x128xf32, #tpu.memory_space<hbm>>) dst(%arg12 : memref<112x128xf32, #tpu.memory_space<vmem>>)
      %dma_start3A_85 = arith.constant 85 : i32
      %dma_start3A_86 = arith.constant 0 : i32
      %dma_start3A_87 = tpu.memref_slice %arg10[%dma_start3A_85, %dma_start3A_86] : memref<90x112xi32, #tpu.memory_space<vmem>> -> memref<1x112xi32, #tpu.memory_space<vmem>>
      %dma_start3A_88 = tpu.memref_squeeze %dma_start3A_87 : memref<1x112xi32, #tpu.memory_space<vmem>> -> memref<112xi32, #tpu.memory_space<vmem>>
      %dma_start3A_89 = arith.constant 0 : i32
      %dma_start3A_90 = arith.constant 0 : i32
      %dma_start3A_91 = tpu.memref_slice %arg23[%dma_start3A_89, %dma_start3A_90] : memref<6144x128xf32, #tpu.memory_space<vmem_shared>> -> memref<6144x128xf32, #tpu.memory_space<vmem_shared>>
      tpu.enqueue_indirect_dma source(%arg12 : memref<112x128xf32, #tpu.memory_space<vmem>>) target(%dma_start3A_91 : memref<6144x128xf32, #tpu.memory_space<vmem_shared>>) offsets(%dma_start3A_88 : memref<112xi32, #tpu.memory_space<vmem>>) semaphore(%arg20 : memref<!tpu.dma_semaphore, #tpu.memory_space<semaphore_mem>>) {add = true}
      %dma_wait3A_92 = arith.constant 0 : i32
      %dma_wait3A_93 = arith.constant 0 : i32
      %dma_wait3A_94 = tpu.memref_slice %arg4[%dma_wait3A_92, %dma_wait3A_93] : memref<6144x128xf32, #tpu.memory_space<hbm>> -> memref<112x128xf32, #tpu.memory_space<hbm>>
      %dma_wait3A_95 = arith.constant 0 : i32
      %dma_wait3A_96 = arith.constant 0 : i32
      %dma_wait3A_97 = tpu.memref_slice %arg4[%dma_wait3A_95, %dma_wait3A_96] : memref<6144x128xf32, #tpu.memory_space<hbm>> -> memref<112x128xf32, #tpu.memory_space<hbm>>
      tpu.wait_dma2 semaphore(%arg19 : memref<!tpu.dma_semaphore, #tpu.memory_space<semaphore_mem>>) src(%dma_wait3A_97 : memref<112x128xf32, #tpu.memory_space<hbm>>) dst(%arg11 : memref<112x128xf32, #tpu.memory_space<vmem>>)
      %dma_start3A_98 = arith.constant 88 : i32
      %dma_start3A_99 = arith.constant 0 : i32
      %dma_start3A_100 = tpu.memref_slice %arg9[%dma_start3A_98, %dma_start3A_99] : memref<90x112xi32, #tpu.memory_space<vmem>> -> memref<1x112xi32, #tpu.memory_space<vmem>>
      %dma_start3A_101 = tpu.memref_squeeze %dma_start3A_100 : memref<1x112xi32, #tpu.memory_space<vmem>> -> memref<112xi32, #tpu.memory_space<vmem>>
      %dma_start3A_102 = arith.constant 0 : i32
      %dma_start3A_103 = arith.constant 0 : i32
      %dma_start3A_104 = tpu.memref_slice %arg4[%dma_start3A_102, %dma_start3A_103] : memref<6144x128xf32, #tpu.memory_space<hbm>> -> memref<6144x128xf32, #tpu.memory_space<hbm>>
      tpu.enqueue_indirect_dma source(%dma_start3A_104 : memref<6144x128xf32, #tpu.memory_space<hbm>>) target(%arg11 : memref<112x128xf32, #tpu.memory_space<vmem>>) offsets(%dma_start3A_101 : memref<112xi32, #tpu.memory_space<vmem>>) semaphore(%arg15 : memref<!tpu.dma_semaphore, #tpu.memory_space<semaphore_mem>>)
      %dma_wait3A_105 = arith.constant 0 : i32
      %dma_wait3A_106 = arith.constant 0 : i32
      %dma_wait3A_107 = tpu.memref_slice %arg4[%dma_wait3A_105, %dma_wait3A_106] : memref<6144x128xf32, #tpu.memory_space<hbm>> -> memref<112x128xf32, #tpu.memory_space<hbm>>
      %dma_wait3A_108 = arith.constant 0 : i32
      %dma_wait3A_109 = arith.constant 0 : i32
      %dma_wait3A_110 = tpu.memref_slice %arg4[%dma_wait3A_108, %dma_wait3A_109] : memref<6144x128xf32, #tpu.memory_space<hbm>> -> memref<112x128xf32, #tpu.memory_space<hbm>>
      tpu.wait_dma2 semaphore(%arg17 : memref<!tpu.dma_semaphore, #tpu.memory_space<semaphore_mem>>) src(%dma_wait3A_110 : memref<112x128xf32, #tpu.memory_space<hbm>>) dst(%arg13 : memref<112x128xf32, #tpu.memory_space<vmem>>)
      %dma_start3A_111 = arith.constant 86 : i32
      %dma_start3A_112 = arith.constant 0 : i32
      %dma_start3A_113 = tpu.memref_slice %arg10[%dma_start3A_111, %dma_start3A_112] : memref<90x112xi32, #tpu.memory_space<vmem>> -> memref<1x112xi32, #tpu.memory_space<vmem>>
      %dma_start3A_114 = tpu.memref_squeeze %dma_start3A_113 : memref<1x112xi32, #tpu.memory_space<vmem>> -> memref<112xi32, #tpu.memory_space<vmem>>
      %dma_start3A_115 = arith.constant 0 : i32
      %dma_start3A_116 = arith.constant 0 : i32
      %dma_start3A_117 = tpu.memref_slice %arg23[%dma_start3A_115, %dma_start3A_116] : memref<6144x128xf32, #tpu.memory_space<vmem_shared>> -> memref<6144x128xf32, #tpu.memory_space<vmem_shared>>
      tpu.enqueue_indirect_dma source(%arg13 : memref<112x128xf32, #tpu.memory_space<vmem>>) target(%dma_start3A_117 : memref<6144x128xf32, #tpu.memory_space<vmem_shared>>) offsets(%dma_start3A_114 : memref<112xi32, #tpu.memory_space<vmem>>) semaphore(%arg21 : memref<!tpu.dma_semaphore, #tpu.memory_space<semaphore_mem>>) {add = true}
      %dma_wait3A_118 = arith.constant 0 : i32
      %dma_wait3A_119 = arith.constant 0 : i32
      %dma_wait3A_120 = tpu.memref_slice %arg4[%dma_wait3A_118, %dma_wait3A_119] : memref<6144x128xf32, #tpu.memory_space<hbm>> -> memref<112x128xf32, #tpu.memory_space<hbm>>
      %dma_wait3A_121 = arith.constant 0 : i32
      %dma_wait3A_122 = arith.constant 0 : i32
      %dma_wait3A_123 = tpu.memref_slice %arg4[%dma_wait3A_121, %dma_wait3A_122] : memref<6144x128xf32, #tpu.memory_space<hbm>> -> memref<112x128xf32, #tpu.memory_space<hbm>>
      tpu.wait_dma2 semaphore(%arg20 : memref<!tpu.dma_semaphore, #tpu.memory_space<semaphore_mem>>) src(%dma_wait3A_123 : memref<112x128xf32, #tpu.memory_space<hbm>>) dst(%arg12 : memref<112x128xf32, #tpu.memory_space<vmem>>)
      %dma_start3A_124 = arith.constant 89 : i32
      %dma_start3A_125 = arith.constant 0 : i32
      %dma_start3A_126 = tpu.memref_slice %arg9[%dma_start3A_124, %dma_start3A_125] : memref<90x112xi32, #tpu.memory_space<vmem>> -> memref<1x112xi32, #tpu.memory_space<vmem>>
      %dma_start3A_127 = tpu.memref_squeeze %dma_start3A_126 : memref<1x112xi32, #tpu.memory_space<vmem>> -> memref<112xi32, #tpu.memory_space<vmem>>
      %dma_start3A_128 = arith.constant 0 : i32
      %dma_start3A_129 = arith.constant 0 : i32
      %dma_start3A_130 = tpu.memref_slice %arg4[%dma_start3A_128, %dma_start3A_129] : memref<6144x128xf32, #tpu.memory_space<hbm>> -> memref<6144x128xf32, #tpu.memory_space<hbm>>
      tpu.enqueue_indirect_dma source(%dma_start3A_130 : memref<6144x128xf32, #tpu.memory_space<hbm>>) target(%arg12 : memref<112x128xf32, #tpu.memory_space<vmem>>) offsets(%dma_start3A_127 : memref<112xi32, #tpu.memory_space<vmem>>) semaphore(%arg16 : memref<!tpu.dma_semaphore, #tpu.memory_space<semaphore_mem>>)
      %dma_wait3A_131 = arith.constant 0 : i32
      %dma_wait3A_132 = arith.constant 0 : i32
      %dma_wait3A_133 = tpu.memref_slice %arg4[%dma_wait3A_131, %dma_wait3A_132] : memref<6144x128xf32, #tpu.memory_space<hbm>> -> memref<112x128xf32, #tpu.memory_space<hbm>>
      %dma_wait3A_134 = arith.constant 0 : i32
      %dma_wait3A_135 = arith.constant 0 : i32
      %dma_wait3A_136 = tpu.memref_slice %arg4[%dma_wait3A_134, %dma_wait3A_135] : memref<6144x128xf32, #tpu.memory_space<hbm>> -> memref<112x128xf32, #tpu.memory_space<hbm>>
      tpu.wait_dma2 semaphore(%arg18 : memref<!tpu.dma_semaphore, #tpu.memory_space<semaphore_mem>>) src(%dma_wait3A_136 : memref<112x128xf32, #tpu.memory_space<hbm>>) dst(%arg14 : memref<112x128xf32, #tpu.memory_space<vmem>>)
      %dma_start3A_137 = arith.constant 87 : i32
      %dma_start3A_138 = arith.constant 0 : i32
      %dma_start3A_139 = tpu.memref_slice %arg10[%dma_start3A_137, %dma_start3A_138] : memref<90x112xi32, #tpu.memory_space<vmem>> -> memref<1x112xi32, #tpu.memory_space<vmem>>
      %dma_start3A_140 = tpu.memref_squeeze %dma_start3A_139 : memref<1x112xi32, #tpu.memory_space<vmem>> -> memref<112xi32, #tpu.memory_space<vmem>>
      %dma_start3A_141 = arith.constant 0 : i32
      %dma_start3A_142 = arith.constant 0 : i32
      %dma_start3A_143 = tpu.memref_slice %arg23[%dma_start3A_141, %dma_start3A_142] : memref<6144x128xf32, #tpu.memory_space<vmem_shared>> -> memref<6144x128xf32, #tpu.memory_space<vmem_shared>>
      tpu.enqueue_indirect_dma source(%arg14 : memref<112x128xf32, #tpu.memory_space<vmem>>) target(%dma_start3A_143 : memref<6144x128xf32, #tpu.memory_space<vmem_shared>>) offsets(%dma_start3A_140 : memref<112xi32, #tpu.memory_space<vmem>>) semaphore(%arg22 : memref<!tpu.dma_semaphore, #tpu.memory_space<semaphore_mem>>) {add = true}
      %dma_wait3A_144 = arith.constant 0 : i32
      %dma_wait3A_145 = arith.constant 0 : i32
      %dma_wait3A_146 = tpu.memref_slice %arg4[%dma_wait3A_144, %dma_wait3A_145] : memref<6144x128xf32, #tpu.memory_space<hbm>> -> memref<112x128xf32, #tpu.memory_space<hbm>>
      %dma_wait3A_147 = arith.constant 0 : i32
      %dma_wait3A_148 = arith.constant 0 : i32
      %dma_wait3A_149 = tpu.memref_slice %arg4[%dma_wait3A_147, %dma_wait3A_148] : memref<6144x128xf32, #tpu.memory_space<hbm>> -> memref<112x128xf32, #tpu.memory_space<hbm>>
      tpu.wait_dma2 semaphore(%arg15 : memref<!tpu.dma_semaphore, #tpu.memory_space<semaphore_mem>>) src(%dma_wait3A_149 : memref<112x128xf32, #tpu.memory_space<hbm>>) dst(%arg11 : memref<112x128xf32, #tpu.memory_space<vmem>>)
      %dma_start3A_150 = arith.constant 88 : i32
      %dma_start3A_151 = arith.constant 0 : i32
      %dma_start3A_152 = tpu.memref_slice %arg10[%dma_start3A_150, %dma_start3A_151] : memref<90x112xi32, #tpu.memory_space<vmem>> -> memref<1x112xi32, #tpu.memory_space<vmem>>
      %dma_start3A_153 = tpu.memref_squeeze %dma_start3A_152 : memref<1x112xi32, #tpu.memory_space<vmem>> -> memref<112xi32, #tpu.memory_space<vmem>>
      %dma_start3A_154 = arith.constant 0 : i32
      %dma_start3A_155 = arith.constant 0 : i32
      %dma_start3A_156 = tpu.memref_slice %arg23[%dma_start3A_154, %dma_start3A_155] : memref<6144x128xf32, #tpu.memory_space<vmem_shared>> -> memref<6144x128xf32, #tpu.memory_space<vmem_shared>>
      tpu.enqueue_indirect_dma source(%arg11 : memref<112x128xf32, #tpu.memory_space<vmem>>) target(%dma_start3A_156 : memref<6144x128xf32, #tpu.memory_space<vmem_shared>>) offsets(%dma_start3A_153 : memref<112xi32, #tpu.memory_space<vmem>>) semaphore(%arg19 : memref<!tpu.dma_semaphore, #tpu.memory_space<semaphore_mem>>) {add = true}
      %dma_wait3A_157 = arith.constant 0 : i32
      %dma_wait3A_158 = arith.constant 0 : i32
      %dma_wait3A_159 = tpu.memref_slice %arg4[%dma_wait3A_157, %dma_wait3A_158] : memref<6144x128xf32, #tpu.memory_space<hbm>> -> memref<112x128xf32, #tpu.memory_space<hbm>>
      %dma_wait3A_160 = arith.constant 0 : i32
      %dma_wait3A_161 = arith.constant 0 : i32
      %dma_wait3A_162 = tpu.memref_slice %arg4[%dma_wait3A_160, %dma_wait3A_161] : memref<6144x128xf32, #tpu.memory_space<hbm>> -> memref<112x128xf32, #tpu.memory_space<hbm>>
      tpu.wait_dma2 semaphore(%arg16 : memref<!tpu.dma_semaphore, #tpu.memory_space<semaphore_mem>>) src(%dma_wait3A_162 : memref<112x128xf32, #tpu.memory_space<hbm>>) dst(%arg12 : memref<112x128xf32, #tpu.memory_space<vmem>>)
      %dma_start3A_163 = arith.constant 89 : i32
      %dma_start3A_164 = arith.constant 0 : i32
      %dma_start3A_165 = tpu.memref_slice %arg10[%dma_start3A_163, %dma_start3A_164] : memref<90x112xi32, #tpu.memory_space<vmem>> -> memref<1x112xi32, #tpu.memory_space<vmem>>
      %dma_start3A_166 = tpu.memref_squeeze %dma_start3A_165 : memref<1x112xi32, #tpu.memory_space<vmem>> -> memref<112xi32, #tpu.memory_space<vmem>>
      %dma_start3A_167 = arith.constant 0 : i32
      %dma_start3A_168 = arith.constant 0 : i32
      %dma_start3A_169 = tpu.memref_slice %arg23[%dma_start3A_167, %dma_start3A_168] : memref<6144x128xf32, #tpu.memory_space<vmem_shared>> -> memref<6144x128xf32, #tpu.memory_space<vmem_shared>>
      tpu.enqueue_indirect_dma source(%arg12 : memref<112x128xf32, #tpu.memory_space<vmem>>) target(%dma_start3A_169 : memref<6144x128xf32, #tpu.memory_space<vmem_shared>>) offsets(%dma_start3A_166 : memref<112xi32, #tpu.memory_space<vmem>>) semaphore(%arg20 : memref<!tpu.dma_semaphore, #tpu.memory_space<semaphore_mem>>) {add = true}
      %dma_wait3A_170 = arith.constant 0 : i32
      %dma_wait3A_171 = arith.constant 0 : i32
      %dma_wait3A_172 = tpu.memref_slice %arg4[%dma_wait3A_170, %dma_wait3A_171] : memref<6144x128xf32, #tpu.memory_space<hbm>> -> memref<112x128xf32, #tpu.memory_space<hbm>>
      %dma_wait3A_173 = arith.constant 0 : i32
      %dma_wait3A_174 = arith.constant 0 : i32
      %dma_wait3A_175 = tpu.memref_slice %arg4[%dma_wait3A_173, %dma_wait3A_174] : memref<6144x128xf32, #tpu.memory_space<hbm>> -> memref<112x128xf32, #tpu.memory_space<hbm>>
      tpu.wait_dma2 semaphore(%arg21 : memref<!tpu.dma_semaphore, #tpu.memory_space<semaphore_mem>>) src(%dma_wait3A_175 : memref<112x128xf32, #tpu.memory_space<hbm>>) dst(%arg13 : memref<112x128xf32, #tpu.memory_space<vmem>>)
      %dma_wait3A_176 = arith.constant 0 : i32
      %dma_wait3A_177 = arith.constant 0 : i32
      %dma_wait3A_178 = tpu.memref_slice %arg4[%dma_wait3A_176, %dma_wait3A_177] : memref<6144x128xf32, #tpu.memory_space<hbm>> -> memref<112x128xf32, #tpu.memory_space<hbm>>
      %dma_wait3A_179 = arith.constant 0 : i32
      %dma_wait3A_180 = arith.constant 0 : i32
      %dma_wait3A_181 = tpu.memref_slice %arg4[%dma_wait3A_179, %dma_wait3A_180] : memref<6144x128xf32, #tpu.memory_space<hbm>> -> memref<112x128xf32, #tpu.memory_space<hbm>>
      tpu.wait_dma2 semaphore(%arg22 : memref<!tpu.dma_semaphore, #tpu.memory_space<semaphore_mem>>) src(%dma_wait3A_181 : memref<112x128xf32, #tpu.memory_space<hbm>>) dst(%arg14 : memref<112x128xf32, #tpu.memory_space<vmem>>)
      %dma_wait3A_182 = arith.constant 0 : i32
      %dma_wait3A_183 = arith.constant 0 : i32
      %dma_wait3A_184 = tpu.memref_slice %arg4[%dma_wait3A_182, %dma_wait3A_183] : memref<6144x128xf32, #tpu.memory_space<hbm>> -> memref<112x128xf32, #tpu.memory_space<hbm>>
      %dma_wait3A_185 = arith.constant 0 : i32
      %dma_wait3A_186 = arith.constant 0 : i32
      %dma_wait3A_187 = tpu.memref_slice %arg4[%dma_wait3A_185, %dma_wait3A_186] : memref<6144x128xf32, #tpu.memory_space<hbm>> -> memref<112x128xf32, #tpu.memory_space<hbm>>
      tpu.wait_dma2 semaphore(%arg19 : memref<!tpu.dma_semaphore, #tpu.memory_space<semaphore_mem>>) src(%dma_wait3A_187 : memref<112x128xf32, #tpu.memory_space<hbm>>) dst(%arg11 : memref<112x128xf32, #tpu.memory_space<vmem>>)
      %dma_wait3A_188 = arith.constant 0 : i32
      %dma_wait3A_189 = arith.constant 0 : i32
      %dma_wait3A_190 = tpu.memref_slice %arg4[%dma_wait3A_188, %dma_wait3A_189] : memref<6144x128xf32, #tpu.memory_space<hbm>> -> memref<112x128xf32, #tpu.memory_space<hbm>>
      %dma_wait3A_191 = arith.constant 0 : i32
      %dma_wait3A_192 = arith.constant 0 : i32
      %dma_wait3A_193 = tpu.memref_slice %arg4[%dma_wait3A_191, %dma_wait3A_192] : memref<6144x128xf32, #tpu.memory_space<hbm>> -> memref<112x128xf32, #tpu.memory_space<hbm>>
      tpu.wait_dma2 semaphore(%arg20 : memref<!tpu.dma_semaphore, #tpu.memory_space<semaphore_mem>>) src(%dma_wait3A_193 : memref<112x128xf32, #tpu.memory_space<hbm>>) dst(%arg12 : memref<112x128xf32, #tpu.memory_space<vmem>>)
    } else {
    }
    %barrier3A_18 = arith.constant 0 : index
    tpu.barrier barrier_id(%barrier3A_18)
    %eq3A_19 = arith.constant 0 : i32
    %eq3A_20 = arith.cmpi eq, %arg0, %eq3A_19 : i32
    %convert_element_type3A_21 = arith.extui %eq3A_20 : i1 to i32
    %cond3A_22 = arith.constant 0 : i32
    %cond3A_23 = arith.cmpi ne, %convert_element_type3A_21, %cond3A_22 : i32
    scf.if %cond3A_23 {
      "tpu.region"() ({
        %run_scoped3A = tpu.sem_alloc : memref<!tpu.dma_semaphore, #tpu.memory_space<semaphore_mem>>
        %dma_start3A = arith.constant 0 : i32
        %dma_start3A_29 = tpu.memref_slice %arg7[%mul3A_0, %dma_start3A] : memref<6144x128xf32, #tpu.memory_space<hbm>> -> memref<384x128xf32, #tpu.memory_space<hbm>>
        %dma_start3A_30 = arith.constant 0 : i32
        %dma_start3A_31 = tpu.memref_slice %arg23[%mul3A_0, %dma_start3A_30] : memref<6144x128xf32, #tpu.memory_space<vmem_shared>> -> memref<384x128xf32, #tpu.memory_space<vmem_shared>>
        tpu.enqueue_dma source(%dma_start3A_31 : memref<384x128xf32, #tpu.memory_space<vmem_shared>>) target(%dma_start3A_29 : memref<384x128xf32, #tpu.memory_space<hbm>>) target_semaphore(%run_scoped3A : memref<!tpu.dma_semaphore, #tpu.memory_space<semaphore_mem>>)
        %dma_wait3A = arith.constant 0 : i32
        %dma_wait3A_32 = tpu.memref_slice %arg7[%mul3A_0, %dma_wait3A] : memref<6144x128xf32, #tpu.memory_space<hbm>> -> memref<384x128xf32, #tpu.memory_space<hbm>>
        %dma_wait3A_33 = arith.constant 0 : i32
        %dma_wait3A_34 = tpu.memref_slice %arg23[%mul3A_0, %dma_wait3A_33] : memref<6144x128xf32, #tpu.memory_space<vmem_shared>> -> memref<384x128xf32, #tpu.memory_space<vmem_shared>>
        tpu.wait_dma2 semaphore(%run_scoped3A : memref<!tpu.dma_semaphore, #tpu.memory_space<semaphore_mem>>) src(%dma_wait3A_34 : memref<384x128xf32, #tpu.memory_space<vmem_shared>>) dst(%dma_wait3A_32 : memref<384x128xf32, #tpu.memory_space<hbm>>)
        tpu.yield
      }) : () -> ()
    } else {
    }
    %eq3A_24 = arith.constant 1 : i32
    %eq3A_25 = arith.cmpi eq, %arg0, %eq3A_24 : i32
    %convert_element_type3A_26 = arith.extui %eq3A_25 : i1 to i32
    %cond3A_27 = arith.constant 0 : i32
    %cond3A_28 = arith.cmpi ne, %convert_element_type3A_26, %cond3A_27 : i32
    scf.if %cond3A_28 {
      "tpu.region"() ({
        %run_scoped3A = tpu.sem_alloc : memref<!tpu.dma_semaphore, #tpu.memory_space<semaphore_mem>>
        %dma_start3A = arith.constant 0 : i32
        %dma_start3A_29 = tpu.memref_slice %arg8[%mul3A_0, %dma_start3A] : memref<6144x128xf32, #tpu.memory_space<hbm>> -> memref<384x128xf32, #tpu.memory_space<hbm>>
        %dma_start3A_30 = arith.constant 0 : i32
        %dma_start3A_31 = tpu.memref_slice %arg23[%mul3A_0, %dma_start3A_30] : memref<6144x128xf32, #tpu.memory_space<vmem_shared>> -> memref<384x128xf32, #tpu.memory_space<vmem_shared>>
        tpu.enqueue_dma source(%dma_start3A_31 : memref<384x128xf32, #tpu.memory_space<vmem_shared>>) target(%dma_start3A_29 : memref<384x128xf32, #tpu.memory_space<hbm>>) target_semaphore(%run_scoped3A : memref<!tpu.dma_semaphore, #tpu.memory_space<semaphore_mem>>)
        %dma_wait3A = arith.constant 0 : i32
        %dma_wait3A_32 = tpu.memref_slice %arg8[%mul3A_0, %dma_wait3A] : memref<6144x128xf32, #tpu.memory_space<hbm>> -> memref<384x128xf32, #tpu.memory_space<hbm>>
        %dma_wait3A_33 = arith.constant 0 : i32
        %dma_wait3A_34 = tpu.memref_slice %arg23[%mul3A_0, %dma_wait3A_33] : memref<6144x128xf32, #tpu.memory_space<vmem_shared>> -> memref<384x128xf32, #tpu.memory_space<vmem_shared>>
        tpu.wait_dma2 semaphore(%run_scoped3A : memref<!tpu.dma_semaphore, #tpu.memory_space<semaphore_mem>>) src(%dma_wait3A_34 : memref<384x128xf32, #tpu.memory_space<vmem_shared>>) dst(%dma_wait3A_32 : memref<384x128xf32, #tpu.memory_space<hbm>>)
        tpu.yield
      }) : () -> ()
    } else {
    }
    return
  }
}

#map = affine_map<(d0, d1) -> (0, 0, 0)>
#map1 = affine_map<(d0, d1) -> (0, 0)>
module attributes {stable_mosaic.version = 14 : i64} {
  func.func @_sc_prop(%arg0: i32, %arg1: i32, %arg2: memref<16x90x112xi32, #tpu.memory_space<hbm>>, %arg3: memref<16x90x112xi32, #tpu.memory_space<hbm>>, %arg4: memref<6144x128xf32, #tpu.memory_space<hbm>>, %arg5: memref<6144x128xf32, #tpu.memory_space<hbm>>, %arg6: memref<384x128xf32, #tpu.memory_space<hbm>>, %arg7: memref<6144x128xf32, #tpu.memory_space<hbm>>, %arg8: memref<6144x128xf32, #tpu.memory_space<hbm>>, %arg9: memref<90x112xi32, #tpu.memory_space<vmem>>, %arg10: memref<90x112xi32, #tpu.memory_space<vmem>>, %arg11: memref<112x128xf32, #tpu.memory_space<vmem>>, %arg12: memref<112x128xf32, #tpu.memory_space<vmem>>, %arg13: memref<112x128xf32, #tpu.memory_space<vmem>>, %arg14: memref<112x128xf32, #tpu.memory_space<vmem>>, %arg15: memref<!tpu.dma_semaphore, #tpu.memory_space<semaphore_mem>>, %arg16: memref<!tpu.dma_semaphore, #tpu.memory_space<semaphore_mem>>, %arg17: memref<!tpu.dma_semaphore, #tpu.memory_space<semaphore_mem>>, %arg18: memref<!tpu.dma_semaphore, #tpu.memory_space<semaphore_mem>>, %arg19: memref<!tpu.dma_semaphore, #tpu.memory_space<semaphore_mem>>, %arg20: memref<!tpu.dma_semaphore, #tpu.memory_space<semaphore_mem>>, %arg21: memref<!tpu.dma_semaphore, #tpu.memory_space<semaphore_mem>>, %arg22: memref<!tpu.dma_semaphore, #tpu.memory_space<semaphore_mem>>, %arg23: memref<6144x128xf32, #tpu.memory_space<vmem_shared>>) attributes {dimension_semantics = [#tpu.dimension_semantics<core_parallel>, #tpu.dimension_semantics<subcore_parallel>], iteration_bounds = array<i64: 2, 16>, scalar_prefetch = 0 : i64, scratch_operands = 15 : i64, tpu.core_type = #tpu.core_type<sc_vector_subcore>, window_params = [{transform_indices = #map}, {transform_indices = #map}, {transform_indices = #map1}, {transform_indices = #map1}, {transform_indices = #map1}, {transform_indices = #map1}, {transform_indices = #map1}]} {
    %mul3A = arith.constant 384 : i32
    %mul3A_0 = arith.muli %arg1, %mul3A : i32
    "tpu.region"() ({
      %run_scoped3A = tpu.sem_alloc : memref<!tpu.dma_semaphore, #tpu.memory_space<semaphore_mem>>
      %dma_start3A = arith.constant 0 : i32
      %dma_start3A_29 = tpu.memref_slice %arg23[%mul3A_0, %dma_start3A] : memref<6144x128xf32, #tpu.memory_space<vmem_shared>> -> memref<384x128xf32, #tpu.memory_space<vmem_shared>>
      tpu.enqueue_dma source(%arg6 : memref<384x128xf32, #tpu.memory_space<hbm>>) target(%dma_start3A_29 : memref<384x128xf32, #tpu.memory_space<vmem_shared>>) target_semaphore(%run_scoped3A : memref<!tpu.dma_semaphore, #tpu.memory_space<semaphore_mem>>)
      %dma_wait3A = arith.constant 0 : i32
      %dma_wait3A_30 = tpu.memref_slice %arg23[%mul3A_0, %dma_wait3A] : memref<6144x128xf32, #tpu.memory_space<vmem_shared>> -> memref<384x128xf32, #tpu.memory_space<vmem_shared>>
      tpu.wait_dma2 semaphore(%run_scoped3A : memref<!tpu.dma_semaphore, #tpu.memory_space<semaphore_mem>>) src(%arg6 : memref<384x128xf32, #tpu.memory_space<hbm>>) dst(%dma_wait3A_30 : memref<384x128xf32, #tpu.memory_space<vmem_shared>>)
      tpu.yield
    }) : () -> ()
    %eq3A = arith.constant 0 : i32
    %eq3A_1 = arith.cmpi eq, %arg0, %eq3A : i32
    %convert_element_type3A = arith.extui %eq3A_1 : i1 to i32
    %cond3A = arith.constant 0 : i32
    %cond3A_2 = arith.cmpi ne, %convert_element_type3A, %cond3A : i32
    scf.if %cond3A_2 {
      "tpu.region"() ({
        %run_scoped3A = tpu.sem_alloc : memref<!tpu.dma_semaphore, #tpu.memory_space<semaphore_mem>>
        %dma_start3A = arith.constant 0 : i32
        %dma_start3A_29 = arith.constant 0 : i32
        %dma_start3A_30 = tpu.memref_slice %arg3[%arg1, %dma_start3A, %dma_start3A_29] : memref<16x90x112xi32, #tpu.memory_space<hbm>> -> memref<1x90x112xi32, #tpu.memory_space<hbm>>
        %dma_start3A_31 = tpu.memref_squeeze %dma_start3A_30 : memref<1x90x112xi32, #tpu.memory_space<hbm>> -> memref<90x112xi32, #tpu.memory_space<hbm>>
        %dma_start3A_32 = arith.constant 0 : i32
        %dma_start3A_33 = arith.constant 0 : i32
        %dma_start3A_34 = tpu.memref_slice %arg3[%arg1, %dma_start3A_32, %dma_start3A_33] : memref<16x90x112xi32, #tpu.memory_space<hbm>> -> memref<1x90x112xi32, #tpu.memory_space<hbm>>
        %dma_start3A_35 = tpu.memref_squeeze %dma_start3A_34 : memref<1x90x112xi32, #tpu.memory_space<hbm>> -> memref<90x112xi32, #tpu.memory_space<hbm>>
        tpu.enqueue_dma source(%dma_start3A_35 : memref<90x112xi32, #tpu.memory_space<hbm>>) target(%arg9 : memref<90x112xi32, #tpu.memory_space<vmem>>) target_semaphore(%run_scoped3A : memref<!tpu.dma_semaphore, #tpu.memory_space<semaphore_mem>>)
        %dma_wait3A = arith.constant 0 : i32
        %dma_wait3A_36 = arith.constant 0 : i32
        %dma_wait3A_37 = tpu.memref_slice %arg3[%arg1, %dma_wait3A, %dma_wait3A_36] : memref<16x90x112xi32, #tpu.memory_space<hbm>> -> memref<1x90x112xi32, #tpu.memory_space<hbm>>
        %dma_wait3A_38 = tpu.memref_squeeze %dma_wait3A_37 : memref<1x90x112xi32, #tpu.memory_space<hbm>> -> memref<90x112xi32, #tpu.memory_space<hbm>>
        %dma_wait3A_39 = arith.constant 0 : i32
        %dma_wait3A_40 = arith.constant 0 : i32
        %dma_wait3A_41 = tpu.memref_slice %arg3[%arg1, %dma_wait3A_39, %dma_wait3A_40] : memref<16x90x112xi32, #tpu.memory_space<hbm>> -> memref<1x90x112xi32, #tpu.memory_space<hbm>>
        %dma_wait3A_42 = tpu.memref_squeeze %dma_wait3A_41 : memref<1x90x112xi32, #tpu.memory_space<hbm>> -> memref<90x112xi32, #tpu.memory_space<hbm>>
        tpu.wait_dma2 semaphore(%run_scoped3A : memref<!tpu.dma_semaphore, #tpu.memory_space<semaphore_mem>>) src(%dma_wait3A_42 : memref<90x112xi32, #tpu.memory_space<hbm>>) dst(%arg9 : memref<90x112xi32, #tpu.memory_space<vmem>>)
        tpu.yield
      }) : () -> ()
      "tpu.region"() ({
        %run_scoped3A = tpu.sem_alloc : memref<!tpu.dma_semaphore, #tpu.memory_space<semaphore_mem>>
        %dma_start3A = arith.constant 0 : i32
        %dma_start3A_29 = arith.constant 0 : i32
        %dma_start3A_30 = tpu.memref_slice %arg2[%arg1, %dma_start3A, %dma_start3A_29] : memref<16x90x112xi32, #tpu.memory_space<hbm>> -> memref<1x90x112xi32, #tpu.memory_space<hbm>>
        %dma_start3A_31 = tpu.memref_squeeze %dma_start3A_30 : memref<1x90x112xi32, #tpu.memory_space<hbm>> -> memref<90x112xi32, #tpu.memory_space<hbm>>
        %dma_start3A_32 = arith.constant 0 : i32
        %dma_start3A_33 = arith.constant 0 : i32
        %dma_start3A_34 = tpu.memref_slice %arg2[%arg1, %dma_start3A_32, %dma_start3A_33] : memref<16x90x112xi32, #tpu.memory_space<hbm>> -> memref<1x90x112xi32, #tpu.memory_space<hbm>>
        %dma_start3A_35 = tpu.memref_squeeze %dma_start3A_34 : memref<1x90x112xi32, #tpu.memory_space<hbm>> -> memref<90x112xi32, #tpu.memory_space<hbm>>
        tpu.enqueue_dma source(%dma_start3A_35 : memref<90x112xi32, #tpu.memory_space<hbm>>) target(%arg10 : memref<90x112xi32, #tpu.memory_space<vmem>>) target_semaphore(%run_scoped3A : memref<!tpu.dma_semaphore, #tpu.memory_space<semaphore_mem>>)
        %dma_wait3A = arith.constant 0 : i32
        %dma_wait3A_36 = arith.constant 0 : i32
        %dma_wait3A_37 = tpu.memref_slice %arg2[%arg1, %dma_wait3A, %dma_wait3A_36] : memref<16x90x112xi32, #tpu.memory_space<hbm>> -> memref<1x90x112xi32, #tpu.memory_space<hbm>>
        %dma_wait3A_38 = tpu.memref_squeeze %dma_wait3A_37 : memref<1x90x112xi32, #tpu.memory_space<hbm>> -> memref<90x112xi32, #tpu.memory_space<hbm>>
        %dma_wait3A_39 = arith.constant 0 : i32
        %dma_wait3A_40 = arith.constant 0 : i32
        %dma_wait3A_41 = tpu.memref_slice %arg2[%arg1, %dma_wait3A_39, %dma_wait3A_40] : memref<16x90x112xi32, #tpu.memory_space<hbm>> -> memref<1x90x112xi32, #tpu.memory_space<hbm>>
        %dma_wait3A_42 = tpu.memref_squeeze %dma_wait3A_41 : memref<1x90x112xi32, #tpu.memory_space<hbm>> -> memref<90x112xi32, #tpu.memory_space<hbm>>
        tpu.wait_dma2 semaphore(%run_scoped3A : memref<!tpu.dma_semaphore, #tpu.memory_space<semaphore_mem>>) src(%dma_wait3A_42 : memref<90x112xi32, #tpu.memory_space<hbm>>) dst(%arg10 : memref<90x112xi32, #tpu.memory_space<vmem>>)
        tpu.yield
      }) : () -> ()
    } else {
    }
    %eq3A_3 = arith.constant 1 : i32
    %eq3A_4 = arith.cmpi eq, %arg0, %eq3A_3 : i32
    %convert_element_type3A_5 = arith.extui %eq3A_4 : i1 to i32
    %cond3A_6 = arith.constant 0 : i32
    %cond3A_7 = arith.cmpi ne, %convert_element_type3A_5, %cond3A_6 : i32
    scf.if %cond3A_7 {
      "tpu.region"() ({
        %run_scoped3A = tpu.sem_alloc : memref<!tpu.dma_semaphore, #tpu.memory_space<semaphore_mem>>
        %dma_start3A = arith.constant 0 : i32
        %dma_start3A_29 = arith.constant 0 : i32
        %dma_start3A_30 = tpu.memref_slice %arg2[%arg1, %dma_start3A, %dma_start3A_29] : memref<16x90x112xi32, #tpu.memory_space<hbm>> -> memref<1x90x112xi32, #tpu.memory_space<hbm>>
        %dma_start3A_31 = tpu.memref_squeeze %dma_start3A_30 : memref<1x90x112xi32, #tpu.memory_space<hbm>> -> memref<90x112xi32, #tpu.memory_space<hbm>>
        %dma_start3A_32 = arith.constant 0 : i32
        %dma_start3A_33 = arith.constant 0 : i32
        %dma_start3A_34 = tpu.memref_slice %arg2[%arg1, %dma_start3A_32, %dma_start3A_33] : memref<16x90x112xi32, #tpu.memory_space<hbm>> -> memref<1x90x112xi32, #tpu.memory_space<hbm>>
        %dma_start3A_35 = tpu.memref_squeeze %dma_start3A_34 : memref<1x90x112xi32, #tpu.memory_space<hbm>> -> memref<90x112xi32, #tpu.memory_space<hbm>>
        tpu.enqueue_dma source(%dma_start3A_35 : memref<90x112xi32, #tpu.memory_space<hbm>>) target(%arg9 : memref<90x112xi32, #tpu.memory_space<vmem>>) target_semaphore(%run_scoped3A : memref<!tpu.dma_semaphore, #tpu.memory_space<semaphore_mem>>)
        %dma_wait3A = arith.constant 0 : i32
        %dma_wait3A_36 = arith.constant 0 : i32
        %dma_wait3A_37 = tpu.memref_slice %arg2[%arg1, %dma_wait3A, %dma_wait3A_36] : memref<16x90x112xi32, #tpu.memory_space<hbm>> -> memref<1x90x112xi32, #tpu.memory_space<hbm>>
        %dma_wait3A_38 = tpu.memref_squeeze %dma_wait3A_37 : memref<1x90x112xi32, #tpu.memory_space<hbm>> -> memref<90x112xi32, #tpu.memory_space<hbm>>
        %dma_wait3A_39 = arith.constant 0 : i32
        %dma_wait3A_40 = arith.constant 0 : i32
        %dma_wait3A_41 = tpu.memref_slice %arg2[%arg1, %dma_wait3A_39, %dma_wait3A_40] : memref<16x90x112xi32, #tpu.memory_space<hbm>> -> memref<1x90x112xi32, #tpu.memory_space<hbm>>
        %dma_wait3A_42 = tpu.memref_squeeze %dma_wait3A_41 : memref<1x90x112xi32, #tpu.memory_space<hbm>> -> memref<90x112xi32, #tpu.memory_space<hbm>>
        tpu.wait_dma2 semaphore(%run_scoped3A : memref<!tpu.dma_semaphore, #tpu.memory_space<semaphore_mem>>) src(%dma_wait3A_42 : memref<90x112xi32, #tpu.memory_space<hbm>>) dst(%arg9 : memref<90x112xi32, #tpu.memory_space<vmem>>)
        tpu.yield
      }) : () -> ()
      "tpu.region"() ({
        %run_scoped3A = tpu.sem_alloc : memref<!tpu.dma_semaphore, #tpu.memory_space<semaphore_mem>>
        %dma_start3A = arith.constant 0 : i32
        %dma_start3A_29 = arith.constant 0 : i32
        %dma_start3A_30 = tpu.memref_slice %arg3[%arg1, %dma_start3A, %dma_start3A_29] : memref<16x90x112xi32, #tpu.memory_space<hbm>> -> memref<1x90x112xi32, #tpu.memory_space<hbm>>
        %dma_start3A_31 = tpu.memref_squeeze %dma_start3A_30 : memref<1x90x112xi32, #tpu.memory_space<hbm>> -> memref<90x112xi32, #tpu.memory_space<hbm>>
        %dma_start3A_32 = arith.constant 0 : i32
        %dma_start3A_33 = arith.constant 0 : i32
        %dma_start3A_34 = tpu.memref_slice %arg3[%arg1, %dma_start3A_32, %dma_start3A_33] : memref<16x90x112xi32, #tpu.memory_space<hbm>> -> memref<1x90x112xi32, #tpu.memory_space<hbm>>
        %dma_start3A_35 = tpu.memref_squeeze %dma_start3A_34 : memref<1x90x112xi32, #tpu.memory_space<hbm>> -> memref<90x112xi32, #tpu.memory_space<hbm>>
        tpu.enqueue_dma source(%dma_start3A_35 : memref<90x112xi32, #tpu.memory_space<hbm>>) target(%arg10 : memref<90x112xi32, #tpu.memory_space<vmem>>) target_semaphore(%run_scoped3A : memref<!tpu.dma_semaphore, #tpu.memory_space<semaphore_mem>>)
        %dma_wait3A = arith.constant 0 : i32
        %dma_wait3A_36 = arith.constant 0 : i32
        %dma_wait3A_37 = tpu.memref_slice %arg3[%arg1, %dma_wait3A, %dma_wait3A_36] : memref<16x90x112xi32, #tpu.memory_space<hbm>> -> memref<1x90x112xi32, #tpu.memory_space<hbm>>
        %dma_wait3A_38 = tpu.memref_squeeze %dma_wait3A_37 : memref<1x90x112xi32, #tpu.memory_space<hbm>> -> memref<90x112xi32, #tpu.memory_space<hbm>>
        %dma_wait3A_39 = arith.constant 0 : i32
        %dma_wait3A_40 = arith.constant 0 : i32
        %dma_wait3A_41 = tpu.memref_slice %arg3[%arg1, %dma_wait3A_39, %dma_wait3A_40] : memref<16x90x112xi32, #tpu.memory_space<hbm>> -> memref<1x90x112xi32, #tpu.memory_space<hbm>>
        %dma_wait3A_42 = tpu.memref_squeeze %dma_wait3A_41 : memref<1x90x112xi32, #tpu.memory_space<hbm>> -> memref<90x112xi32, #tpu.memory_space<hbm>>
        tpu.wait_dma2 semaphore(%run_scoped3A : memref<!tpu.dma_semaphore, #tpu.memory_space<semaphore_mem>>) src(%dma_wait3A_42 : memref<90x112xi32, #tpu.memory_space<hbm>>) dst(%arg10 : memref<90x112xi32, #tpu.memory_space<vmem>>)
        tpu.yield
      }) : () -> ()
    } else {
    }
    %barrier3A = arith.constant 0 : index
    tpu.barrier barrier_id(%barrier3A)
    %eq3A_8 = arith.constant 0 : i32
    %eq3A_9 = arith.cmpi eq, %arg0, %eq3A_8 : i32
    %convert_element_type3A_10 = arith.extui %eq3A_9 : i1 to i32
    %cond3A_11 = arith.constant 0 : i32
    %cond3A_12 = arith.cmpi ne, %convert_element_type3A_10, %cond3A_11 : i32
    scf.if %cond3A_12 {
      %dma_start3A = arith.constant 0 : i32
      %dma_start3A_29 = arith.constant 0 : i32
      %dma_start3A_30 = tpu.memref_slice %arg9[%dma_start3A, %dma_start3A_29] : memref<90x112xi32, #tpu.memory_space<vmem>> -> memref<1x112xi32, #tpu.memory_space<vmem>>
      %dma_start3A_31 = tpu.memref_squeeze %dma_start3A_30 : memref<1x112xi32, #tpu.memory_space<vmem>> -> memref<112xi32, #tpu.memory_space<vmem>>
      %dma_start3A_32 = arith.constant 0 : i32
      %dma_start3A_33 = arith.constant 0 : i32
      %dma_start3A_34 = tpu.memref_slice %arg5[%dma_start3A_32, %dma_start3A_33] : memref<6144x128xf32, #tpu.memory_space<hbm>> -> memref<6144x128xf32, #tpu.memory_space<hbm>>
      tpu.enqueue_indirect_dma source(%dma_start3A_34 : memref<6144x128xf32, #tpu.memory_space<hbm>>) target(%arg11 : memref<112x128xf32, #tpu.memory_space<vmem>>) offsets(%dma_start3A_31 : memref<112xi32, #tpu.memory_space<vmem>>) semaphore(%arg15 : memref<!tpu.dma_semaphore, #tpu.memory_space<semaphore_mem>>)
      %dma_start3A_35 = arith.constant 1 : i32
      %dma_start3A_36 = arith.constant 0 : i32
      %dma_start3A_37 = tpu.memref_slice %arg9[%dma_start3A_35, %dma_start3A_36] : memref<90x112xi32, #tpu.memory_space<vmem>> -> memref<1x112xi32, #tpu.memory_space<vmem>>
      %dma_start3A_38 = tpu.memref_squeeze %dma_start3A_37 : memref<1x112xi32, #tpu.memory_space<vmem>> -> memref<112xi32, #tpu.memory_space<vmem>>
      %dma_start3A_39 = arith.constant 0 : i32
      %dma_start3A_40 = arith.constant 0 : i32
      %dma_start3A_41 = tpu.memref_slice %arg5[%dma_start3A_39, %dma_start3A_40] : memref<6144x128xf32, #tpu.memory_space<hbm>> -> memref<6144x128xf32, #tpu.memory_space<hbm>>
      tpu.enqueue_indirect_dma source(%dma_start3A_41 : memref<6144x128xf32, #tpu.memory_space<hbm>>) target(%arg12 : memref<112x128xf32, #tpu.memory_space<vmem>>) offsets(%dma_start3A_38 : memref<112xi32, #tpu.memory_space<vmem>>) semaphore(%arg16 : memref<!tpu.dma_semaphore, #tpu.memory_space<semaphore_mem>>)
      %dma_start3A_42 = arith.constant 2 : i32
      %dma_start3A_43 = arith.constant 0 : i32
      %dma_start3A_44 = tpu.memref_slice %arg9[%dma_start3A_42, %dma_start3A_43] : memref<90x112xi32, #tpu.memory_space<vmem>> -> memref<1x112xi32, #tpu.memory_space<vmem>>
      %dma_start3A_45 = tpu.memref_squeeze %dma_start3A_44 : memref<1x112xi32, #tpu.memory_space<vmem>> -> memref<112xi32, #tpu.memory_space<vmem>>
      %dma_start3A_46 = arith.constant 0 : i32
      %dma_start3A_47 = arith.constant 0 : i32
      %dma_start3A_48 = tpu.memref_slice %arg5[%dma_start3A_46, %dma_start3A_47] : memref<6144x128xf32, #tpu.memory_space<hbm>> -> memref<6144x128xf32, #tpu.memory_space<hbm>>
      tpu.enqueue_indirect_dma source(%dma_start3A_48 : memref<6144x128xf32, #tpu.memory_space<hbm>>) target(%arg13 : memref<112x128xf32, #tpu.memory_space<vmem>>) offsets(%dma_start3A_45 : memref<112xi32, #tpu.memory_space<vmem>>) semaphore(%arg17 : memref<!tpu.dma_semaphore, #tpu.memory_space<semaphore_mem>>)
      %scan3A = arith.constant 0 : i32
      %scan3A_49 = arith.constant 0 : i32
      %scan3A_50 = arith.constant 21 : i32
      %scan3A_51 = arith.addi %scan3A_49, %scan3A_50 : i32
      %scan3A_52 = arith.constant 1 : i32
      scf.for %scan3A_194 = %scan3A_49 to %scan3A_51 step %scan3A_52  : i32 {
        %mul3A_195 = arith.constant 4 : i32
        %mul3A_196 = arith.muli %mul3A_195, %scan3A_194 : i32
        %add3A = arith.constant 0 : i32
        %add3A_197 = arith.addi %mul3A_196, %add3A : i32
        %dma_wait3A_198 = arith.constant 0 : i32
        %dma_wait3A_199 = arith.constant 0 : i32
        %dma_wait3A_200 = tpu.memref_slice %arg5[%dma_wait3A_198, %dma_wait3A_199] : memref<6144x128xf32, #tpu.memory_space<hbm>> -> memref<112x128xf32, #tpu.memory_space<hbm>>
        %dma_wait3A_201 = arith.constant 0 : i32
        %dma_wait3A_202 = arith.constant 0 : i32
        %dma_wait3A_203 = tpu.memref_slice %arg5[%dma_wait3A_201, %dma_wait3A_202] : memref<6144x128xf32, #tpu.memory_space<hbm>> -> memref<112x128xf32, #tpu.memory_space<hbm>>
        tpu.wait_dma2 semaphore(%arg15 : memref<!tpu.dma_semaphore, #tpu.memory_space<semaphore_mem>>) src(%dma_wait3A_203 : memref<112x128xf32, #tpu.memory_space<hbm>>) dst(%arg11 : memref<112x128xf32, #tpu.memory_space<vmem>>)
        %dma_start3A_204 = arith.constant 0 : i32
        %dma_start3A_205 = tpu.memref_slice %arg10[%add3A_197, %dma_start3A_204] : memref<90x112xi32, #tpu.memory_space<vmem>> -> memref<1x112xi32, #tpu.memory_space<vmem>>
        %dma_start3A_206 = tpu.memref_squeeze %dma_start3A_205 : memref<1x112xi32, #tpu.memory_space<vmem>> -> memref<112xi32, #tpu.memory_space<vmem>>
        %dma_start3A_207 = arith.constant 0 : i32
        %dma_start3A_208 = arith.constant 0 : i32
        %dma_start3A_209 = tpu.memref_slice %arg23[%dma_start3A_207, %dma_start3A_208] : memref<6144x128xf32, #tpu.memory_space<vmem_shared>> -> memref<6144x128xf32, #tpu.memory_space<vmem_shared>>
        tpu.enqueue_indirect_dma source(%arg11 : memref<112x128xf32, #tpu.memory_space<vmem>>) target(%dma_start3A_209 : memref<6144x128xf32, #tpu.memory_space<vmem_shared>>) offsets(%dma_start3A_206 : memref<112xi32, #tpu.memory_space<vmem>>) semaphore(%arg19 : memref<!tpu.dma_semaphore, #tpu.memory_space<semaphore_mem>>) {add = true}
        %gt3A = arith.constant 0 : i32
        %gt3A_210 = arith.cmpi sgt, %add3A_197, %gt3A : i32
        %convert_element_type3A_211 = arith.extui %gt3A_210 : i1 to i32
        %cond3A_212 = arith.constant 0 : i32
        %cond3A_213 = arith.cmpi ne, %convert_element_type3A_211, %cond3A_212 : i32
        scf.if %cond3A_213 {
          %dma_wait3A_303 = arith.constant 0 : i32
          %dma_wait3A_304 = arith.constant 0 : i32
          %dma_wait3A_305 = tpu.memref_slice %arg5[%dma_wait3A_303, %dma_wait3A_304] : memref<6144x128xf32, #tpu.memory_space<hbm>> -> memref<112x128xf32, #tpu.memory_space<hbm>>
          %dma_wait3A_306 = arith.constant 0 : i32
          %dma_wait3A_307 = arith.constant 0 : i32
          %dma_wait3A_308 = tpu.memref_slice %arg5[%dma_wait3A_306, %dma_wait3A_307] : memref<6144x128xf32, #tpu.memory_space<hbm>> -> memref<112x128xf32, #tpu.memory_space<hbm>>
          tpu.wait_dma2 semaphore(%arg22 : memref<!tpu.dma_semaphore, #tpu.memory_space<semaphore_mem>>) src(%dma_wait3A_308 : memref<112x128xf32, #tpu.memory_space<hbm>>) dst(%arg14 : memref<112x128xf32, #tpu.memory_space<vmem>>)
        } else {
        }
        %add3A_214 = arith.constant 3 : i32
        %add3A_215 = arith.addi %add3A_197, %add3A_214 : i32
        %dma_start3A_216 = arith.constant 0 : i32
        %dma_start3A_217 = tpu.memref_slice %arg9[%add3A_215, %dma_start3A_216] : memref<90x112xi32, #tpu.memory_space<vmem>> -> memref<1x112xi32, #tpu.memory_space<vmem>>
        %dma_start3A_218 = tpu.memref_squeeze %dma_start3A_217 : memref<1x112xi32, #tpu.memory_space<vmem>> -> memref<112xi32, #tpu.memory_space<vmem>>
        %dma_start3A_219 = arith.constant 0 : i32
        %dma_start3A_220 = arith.constant 0 : i32
        %dma_start3A_221 = tpu.memref_slice %arg5[%dma_start3A_219, %dma_start3A_220] : memref<6144x128xf32, #tpu.memory_space<hbm>> -> memref<6144x128xf32, #tpu.memory_space<hbm>>
        tpu.enqueue_indirect_dma source(%dma_start3A_221 : memref<6144x128xf32, #tpu.memory_space<hbm>>) target(%arg14 : memref<112x128xf32, #tpu.memory_space<vmem>>) offsets(%dma_start3A_218 : memref<112xi32, #tpu.memory_space<vmem>>) semaphore(%arg18 : memref<!tpu.dma_semaphore, #tpu.memory_space<semaphore_mem>>)
        %add3A_222 = arith.constant 1 : i32
        %add3A_223 = arith.addi %mul3A_196, %add3A_222 : i32
        %dma_wait3A_224 = arith.constant 0 : i32
        %dma_wait3A_225 = arith.constant 0 : i32
        %dma_wait3A_226 = tpu.memref_slice %arg5[%dma_wait3A_224, %dma_wait3A_225] : memref<6144x128xf32, #tpu.memory_space<hbm>> -> memref<112x128xf32, #tpu.memory_space<hbm>>
        %dma_wait3A_227 = arith.constant 0 : i32
        %dma_wait3A_228 = arith.constant 0 : i32
        %dma_wait3A_229 = tpu.memref_slice %arg5[%dma_wait3A_227, %dma_wait3A_228] : memref<6144x128xf32, #tpu.memory_space<hbm>> -> memref<112x128xf32, #tpu.memory_space<hbm>>
        tpu.wait_dma2 semaphore(%arg16 : memref<!tpu.dma_semaphore, #tpu.memory_space<semaphore_mem>>) src(%dma_wait3A_229 : memref<112x128xf32, #tpu.memory_space<hbm>>) dst(%arg12 : memref<112x128xf32, #tpu.memory_space<vmem>>)
        %dma_start3A_230 = arith.constant 0 : i32
        %dma_start3A_231 = tpu.memref_slice %arg10[%add3A_223, %dma_start3A_230] : memref<90x112xi32, #tpu.memory_space<vmem>> -> memref<1x112xi32, #tpu.memory_space<vmem>>
        %dma_start3A_232 = tpu.memref_squeeze %dma_start3A_231 : memref<1x112xi32, #tpu.memory_space<vmem>> -> memref<112xi32, #tpu.memory_space<vmem>>
        %dma_start3A_233 = arith.constant 0 : i32
        %dma_start3A_234 = arith.constant 0 : i32
        %dma_start3A_235 = tpu.memref_slice %arg23[%dma_start3A_233, %dma_start3A_234] : memref<6144x128xf32, #tpu.memory_space<vmem_shared>> -> memref<6144x128xf32, #tpu.memory_space<vmem_shared>>
        tpu.enqueue_indirect_dma source(%arg12 : memref<112x128xf32, #tpu.memory_space<vmem>>) target(%dma_start3A_235 : memref<6144x128xf32, #tpu.memory_space<vmem_shared>>) offsets(%dma_start3A_232 : memref<112xi32, #tpu.memory_space<vmem>>) semaphore(%arg20 : memref<!tpu.dma_semaphore, #tpu.memory_space<semaphore_mem>>) {add = true}
        %gt3A_236 = arith.constant 0 : i32
        %gt3A_237 = arith.cmpi sgt, %add3A_223, %gt3A_236 : i32
        %convert_element_type3A_238 = arith.extui %gt3A_237 : i1 to i32
        %cond3A_239 = arith.constant 0 : i32
        %cond3A_240 = arith.cmpi ne, %convert_element_type3A_238, %cond3A_239 : i32
        scf.if %cond3A_240 {
          %dma_wait3A_303 = arith.constant 0 : i32
          %dma_wait3A_304 = arith.constant 0 : i32
          %dma_wait3A_305 = tpu.memref_slice %arg5[%dma_wait3A_303, %dma_wait3A_304] : memref<6144x128xf32, #tpu.memory_space<hbm>> -> memref<112x128xf32, #tpu.memory_space<hbm>>
          %dma_wait3A_306 = arith.constant 0 : i32
          %dma_wait3A_307 = arith.constant 0 : i32
          %dma_wait3A_308 = tpu.memref_slice %arg5[%dma_wait3A_306, %dma_wait3A_307] : memref<6144x128xf32, #tpu.memory_space<hbm>> -> memref<112x128xf32, #tpu.memory_space<hbm>>
          tpu.wait_dma2 semaphore(%arg19 : memref<!tpu.dma_semaphore, #tpu.memory_space<semaphore_mem>>) src(%dma_wait3A_308 : memref<112x128xf32, #tpu.memory_space<hbm>>) dst(%arg11 : memref<112x128xf32, #tpu.memory_space<vmem>>)
        } else {
        }
        %add3A_241 = arith.constant 3 : i32
        %add3A_242 = arith.addi %add3A_223, %add3A_241 : i32
        %dma_start3A_243 = arith.constant 0 : i32
        %dma_start3A_244 = tpu.memref_slice %arg9[%add3A_242, %dma_start3A_243] : memref<90x112xi32, #tpu.memory_space<vmem>> -> memref<1x112xi32, #tpu.memory_space<vmem>>
        %dma_start3A_245 = tpu.memref_squeeze %dma_start3A_244 : memref<1x112xi32, #tpu.memory_space<vmem>> -> memref<112xi32, #tpu.memory_space<vmem>>
        %dma_start3A_246 = arith.constant 0 : i32
        %dma_start3A_247 = arith.constant 0 : i32
        %dma_start3A_248 = tpu.memref_slice %arg5[%dma_start3A_246, %dma_start3A_247] : memref<6144x128xf32, #tpu.memory_space<hbm>> -> memref<6144x128xf32, #tpu.memory_space<hbm>>
        tpu.enqueue_indirect_dma source(%dma_start3A_248 : memref<6144x128xf32, #tpu.memory_space<hbm>>) target(%arg11 : memref<112x128xf32, #tpu.memory_space<vmem>>) offsets(%dma_start3A_245 : memref<112xi32, #tpu.memory_space<vmem>>) semaphore(%arg15 : memref<!tpu.dma_semaphore, #tpu.memory_space<semaphore_mem>>)
        %add3A_249 = arith.constant 2 : i32
        %add3A_250 = arith.addi %mul3A_196, %add3A_249 : i32
        %dma_wait3A_251 = arith.constant 0 : i32
        %dma_wait3A_252 = arith.constant 0 : i32
        %dma_wait3A_253 = tpu.memref_slice %arg5[%dma_wait3A_251, %dma_wait3A_252] : memref<6144x128xf32, #tpu.memory_space<hbm>> -> memref<112x128xf32, #tpu.memory_space<hbm>>
        %dma_wait3A_254 = arith.constant 0 : i32
        %dma_wait3A_255 = arith.constant 0 : i32
        %dma_wait3A_256 = tpu.memref_slice %arg5[%dma_wait3A_254, %dma_wait3A_255] : memref<6144x128xf32, #tpu.memory_space<hbm>> -> memref<112x128xf32, #tpu.memory_space<hbm>>
        tpu.wait_dma2 semaphore(%arg17 : memref<!tpu.dma_semaphore, #tpu.memory_space<semaphore_mem>>) src(%dma_wait3A_256 : memref<112x128xf32, #tpu.memory_space<hbm>>) dst(%arg13 : memref<112x128xf32, #tpu.memory_space<vmem>>)
        %dma_start3A_257 = arith.constant 0 : i32
        %dma_start3A_258 = tpu.memref_slice %arg10[%add3A_250, %dma_start3A_257] : memref<90x112xi32, #tpu.memory_space<vmem>> -> memref<1x112xi32, #tpu.memory_space<vmem>>
        %dma_start3A_259 = tpu.memref_squeeze %dma_start3A_258 : memref<1x112xi32, #tpu.memory_space<vmem>> -> memref<112xi32, #tpu.memory_space<vmem>>
        %dma_start3A_260 = arith.constant 0 : i32
        %dma_start3A_261 = arith.constant 0 : i32
        %dma_start3A_262 = tpu.memref_slice %arg23[%dma_start3A_260, %dma_start3A_261] : memref<6144x128xf32, #tpu.memory_space<vmem_shared>> -> memref<6144x128xf32, #tpu.memory_space<vmem_shared>>
        tpu.enqueue_indirect_dma source(%arg13 : memref<112x128xf32, #tpu.memory_space<vmem>>) target(%dma_start3A_262 : memref<6144x128xf32, #tpu.memory_space<vmem_shared>>) offsets(%dma_start3A_259 : memref<112xi32, #tpu.memory_space<vmem>>) semaphore(%arg21 : memref<!tpu.dma_semaphore, #tpu.memory_space<semaphore_mem>>) {add = true}
        %gt3A_263 = arith.constant 0 : i32
        %gt3A_264 = arith.cmpi sgt, %add3A_250, %gt3A_263 : i32
        %convert_element_type3A_265 = arith.extui %gt3A_264 : i1 to i32
        %cond3A_266 = arith.constant 0 : i32
        %cond3A_267 = arith.cmpi ne, %convert_element_type3A_265, %cond3A_266 : i32
        scf.if %cond3A_267 {
          %dma_wait3A_303 = arith.constant 0 : i32
          %dma_wait3A_304 = arith.constant 0 : i32
          %dma_wait3A_305 = tpu.memref_slice %arg5[%dma_wait3A_303, %dma_wait3A_304] : memref<6144x128xf32, #tpu.memory_space<hbm>> -> memref<112x128xf32, #tpu.memory_space<hbm>>
          %dma_wait3A_306 = arith.constant 0 : i32
          %dma_wait3A_307 = arith.constant 0 : i32
          %dma_wait3A_308 = tpu.memref_slice %arg5[%dma_wait3A_306, %dma_wait3A_307] : memref<6144x128xf32, #tpu.memory_space<hbm>> -> memref<112x128xf32, #tpu.memory_space<hbm>>
          tpu.wait_dma2 semaphore(%arg20 : memref<!tpu.dma_semaphore, #tpu.memory_space<semaphore_mem>>) src(%dma_wait3A_308 : memref<112x128xf32, #tpu.memory_space<hbm>>) dst(%arg12 : memref<112x128xf32, #tpu.memory_space<vmem>>)
        } else {
        }
        %add3A_268 = arith.constant 3 : i32
        %add3A_269 = arith.addi %add3A_250, %add3A_268 : i32
        %dma_start3A_270 = arith.constant 0 : i32
        %dma_start3A_271 = tpu.memref_slice %arg9[%add3A_269, %dma_start3A_270] : memref<90x112xi32, #tpu.memory_space<vmem>> -> memref<1x112xi32, #tpu.memory_space<vmem>>
        %dma_start3A_272 = tpu.memref_squeeze %dma_start3A_271 : memref<1x112xi32, #tpu.memory_space<vmem>> -> memref<112xi32, #tpu.memory_space<vmem>>
        %dma_start3A_273 = arith.constant 0 : i32
        %dma_start3A_274 = arith.constant 0 : i32
        %dma_start3A_275 = tpu.memref_slice %arg5[%dma_start3A_273, %dma_start3A_274] : memref<6144x128xf32, #tpu.memory_space<hbm>> -> memref<6144x128xf32, #tpu.memory_space<hbm>>
        tpu.enqueue_indirect_dma source(%dma_start3A_275 : memref<6144x128xf32, #tpu.memory_space<hbm>>) target(%arg12 : memref<112x128xf32, #tpu.memory_space<vmem>>) offsets(%dma_start3A_272 : memref<112xi32, #tpu.memory_space<vmem>>) semaphore(%arg16 : memref<!tpu.dma_semaphore, #tpu.memory_space<semaphore_mem>>)
        %add3A_276 = arith.constant 3 : i32
        %add3A_277 = arith.addi %mul3A_196, %add3A_276 : i32
        %dma_wait3A_278 = arith.constant 0 : i32
        %dma_wait3A_279 = arith.constant 0 : i32
        %dma_wait3A_280 = tpu.memref_slice %arg5[%dma_wait3A_278, %dma_wait3A_279] : memref<6144x128xf32, #tpu.memory_space<hbm>> -> memref<112x128xf32, #tpu.memory_space<hbm>>
        %dma_wait3A_281 = arith.constant 0 : i32
        %dma_wait3A_282 = arith.constant 0 : i32
        %dma_wait3A_283 = tpu.memref_slice %arg5[%dma_wait3A_281, %dma_wait3A_282] : memref<6144x128xf32, #tpu.memory_space<hbm>> -> memref<112x128xf32, #tpu.memory_space<hbm>>
        tpu.wait_dma2 semaphore(%arg18 : memref<!tpu.dma_semaphore, #tpu.memory_space<semaphore_mem>>) src(%dma_wait3A_283 : memref<112x128xf32, #tpu.memory_space<hbm>>) dst(%arg14 : memref<112x128xf32, #tpu.memory_space<vmem>>)
        %dma_start3A_284 = arith.constant 0 : i32
        %dma_start3A_285 = tpu.memref_slice %arg10[%add3A_277, %dma_start3A_284] : memref<90x112xi32, #tpu.memory_space<vmem>> -> memref<1x112xi32, #tpu.memory_space<vmem>>
        %dma_start3A_286 = tpu.memref_squeeze %dma_start3A_285 : memref<1x112xi32, #tpu.memory_space<vmem>> -> memref<112xi32, #tpu.memory_space<vmem>>
        %dma_start3A_287 = arith.constant 0 : i32
        %dma_start3A_288 = arith.constant 0 : i32
        %dma_start3A_289 = tpu.memref_slice %arg23[%dma_start3A_287, %dma_start3A_288] : memref<6144x128xf32, #tpu.memory_space<vmem_shared>> -> memref<6144x128xf32, #tpu.memory_space<vmem_shared>>
        tpu.enqueue_indirect_dma source(%arg14 : memref<112x128xf32, #tpu.memory_space<vmem>>) target(%dma_start3A_289 : memref<6144x128xf32, #tpu.memory_space<vmem_shared>>) offsets(%dma_start3A_286 : memref<112xi32, #tpu.memory_space<vmem>>) semaphore(%arg22 : memref<!tpu.dma_semaphore, #tpu.memory_space<semaphore_mem>>) {add = true}
        %gt3A_290 = arith.constant 0 : i32
        %gt3A_291 = arith.cmpi sgt, %add3A_277, %gt3A_290 : i32
        %convert_element_type3A_292 = arith.extui %gt3A_291 : i1 to i32
        %cond3A_293 = arith.constant 0 : i32
        %cond3A_294 = arith.cmpi ne, %convert_element_type3A_292, %cond3A_293 : i32
        scf.if %cond3A_294 {
          %dma_wait3A_303 = arith.constant 0 : i32
          %dma_wait3A_304 = arith.constant 0 : i32
          %dma_wait3A_305 = tpu.memref_slice %arg5[%dma_wait3A_303, %dma_wait3A_304] : memref<6144x128xf32, #tpu.memory_space<hbm>> -> memref<112x128xf32, #tpu.memory_space<hbm>>
          %dma_wait3A_306 = arith.constant 0 : i32
          %dma_wait3A_307 = arith.constant 0 : i32
          %dma_wait3A_308 = tpu.memref_slice %arg5[%dma_wait3A_306, %dma_wait3A_307] : memref<6144x128xf32, #tpu.memory_space<hbm>> -> memref<112x128xf32, #tpu.memory_space<hbm>>
          tpu.wait_dma2 semaphore(%arg21 : memref<!tpu.dma_semaphore, #tpu.memory_space<semaphore_mem>>) src(%dma_wait3A_308 : memref<112x128xf32, #tpu.memory_space<hbm>>) dst(%arg13 : memref<112x128xf32, #tpu.memory_space<vmem>>)
        } else {
        }
        %add3A_295 = arith.constant 3 : i32
        %add3A_296 = arith.addi %add3A_277, %add3A_295 : i32
        %dma_start3A_297 = arith.constant 0 : i32
        %dma_start3A_298 = tpu.memref_slice %arg9[%add3A_296, %dma_start3A_297] : memref<90x112xi32, #tpu.memory_space<vmem>> -> memref<1x112xi32, #tpu.memory_space<vmem>>
        %dma_start3A_299 = tpu.memref_squeeze %dma_start3A_298 : memref<1x112xi32, #tpu.memory_space<vmem>> -> memref<112xi32, #tpu.memory_space<vmem>>
        %dma_start3A_300 = arith.constant 0 : i32
        %dma_start3A_301 = arith.constant 0 : i32
        %dma_start3A_302 = tpu.memref_slice %arg5[%dma_start3A_300, %dma_start3A_301] : memref<6144x128xf32, #tpu.memory_space<hbm>> -> memref<6144x128xf32, #tpu.memory_space<hbm>>
        tpu.enqueue_indirect_dma source(%dma_start3A_302 : memref<6144x128xf32, #tpu.memory_space<hbm>>) target(%arg13 : memref<112x128xf32, #tpu.memory_space<vmem>>) offsets(%dma_start3A_299 : memref<112xi32, #tpu.memory_space<vmem>>) semaphore(%arg17 : memref<!tpu.dma_semaphore, #tpu.memory_space<semaphore_mem>>)
      }
      %scan3A_53 = arith.constant 21 : i32
      %dma_wait3A = arith.constant 0 : i32
      %dma_wait3A_54 = arith.constant 0 : i32
      %dma_wait3A_55 = tpu.memref_slice %arg5[%dma_wait3A, %dma_wait3A_54] : memref<6144x128xf32, #tpu.memory_space<hbm>> -> memref<112x128xf32, #tpu.memory_space<hbm>>
      %dma_wait3A_56 = arith.constant 0 : i32
      %dma_wait3A_57 = arith.constant 0 : i32
      %dma_wait3A_58 = tpu.memref_slice %arg5[%dma_wait3A_56, %dma_wait3A_57] : memref<6144x128xf32, #tpu.memory_space<hbm>> -> memref<112x128xf32, #tpu.memory_space<hbm>>
      tpu.wait_dma2 semaphore(%arg15 : memref<!tpu.dma_semaphore, #tpu.memory_space<semaphore_mem>>) src(%dma_wait3A_58 : memref<112x128xf32, #tpu.memory_space<hbm>>) dst(%arg11 : memref<112x128xf32, #tpu.memory_space<vmem>>)
      %dma_start3A_59 = arith.constant 84 : i32
      %dma_start3A_60 = arith.constant 0 : i32
      %dma_start3A_61 = tpu.memref_slice %arg10[%dma_start3A_59, %dma_start3A_60] : memref<90x112xi32, #tpu.memory_space<vmem>> -> memref<1x112xi32, #tpu.memory_space<vmem>>
      %dma_start3A_62 = tpu.memref_squeeze %dma_start3A_61 : memref<1x112xi32, #tpu.memory_space<vmem>> -> memref<112xi32, #tpu.memory_space<vmem>>
      %dma_start3A_63 = arith.constant 0 : i32
      %dma_start3A_64 = arith.constant 0 : i32
      %dma_start3A_65 = tpu.memref_slice %arg23[%dma_start3A_63, %dma_start3A_64] : memref<6144x128xf32, #tpu.memory_space<vmem_shared>> -> memref<6144x128xf32, #tpu.memory_space<vmem_shared>>
      tpu.enqueue_indirect_dma source(%arg11 : memref<112x128xf32, #tpu.memory_space<vmem>>) target(%dma_start3A_65 : memref<6144x128xf32, #tpu.memory_space<vmem_shared>>) offsets(%dma_start3A_62 : memref<112xi32, #tpu.memory_space<vmem>>) semaphore(%arg19 : memref<!tpu.dma_semaphore, #tpu.memory_space<semaphore_mem>>) {add = true}
      %dma_wait3A_66 = arith.constant 0 : i32
      %dma_wait3A_67 = arith.constant 0 : i32
      %dma_wait3A_68 = tpu.memref_slice %arg5[%dma_wait3A_66, %dma_wait3A_67] : memref<6144x128xf32, #tpu.memory_space<hbm>> -> memref<112x128xf32, #tpu.memory_space<hbm>>
      %dma_wait3A_69 = arith.constant 0 : i32
      %dma_wait3A_70 = arith.constant 0 : i32
      %dma_wait3A_71 = tpu.memref_slice %arg5[%dma_wait3A_69, %dma_wait3A_70] : memref<6144x128xf32, #tpu.memory_space<hbm>> -> memref<112x128xf32, #tpu.memory_space<hbm>>
      tpu.wait_dma2 semaphore(%arg22 : memref<!tpu.dma_semaphore, #tpu.memory_space<semaphore_mem>>) src(%dma_wait3A_71 : memref<112x128xf32, #tpu.memory_space<hbm>>) dst(%arg14 : memref<112x128xf32, #tpu.memory_space<vmem>>)
      %dma_start3A_72 = arith.constant 87 : i32
      %dma_start3A_73 = arith.constant 0 : i32
      %dma_start3A_74 = tpu.memref_slice %arg9[%dma_start3A_72, %dma_start3A_73] : memref<90x112xi32, #tpu.memory_space<vmem>> -> memref<1x112xi32, #tpu.memory_space<vmem>>
      %dma_start3A_75 = tpu.memref_squeeze %dma_start3A_74 : memref<1x112xi32, #tpu.memory_space<vmem>> -> memref<112xi32, #tpu.memory_space<vmem>>
      %dma_start3A_76 = arith.constant 0 : i32
      %dma_start3A_77 = arith.constant 0 : i32
      %dma_start3A_78 = tpu.memref_slice %arg5[%dma_start3A_76, %dma_start3A_77] : memref<6144x128xf32, #tpu.memory_space<hbm>> -> memref<6144x128xf32, #tpu.memory_space<hbm>>
      tpu.enqueue_indirect_dma source(%dma_start3A_78 : memref<6144x128xf32, #tpu.memory_space<hbm>>) target(%arg14 : memref<112x128xf32, #tpu.memory_space<vmem>>) offsets(%dma_start3A_75 : memref<112xi32, #tpu.memory_space<vmem>>) semaphore(%arg18 : memref<!tpu.dma_semaphore, #tpu.memory_space<semaphore_mem>>)
      %dma_wait3A_79 = arith.constant 0 : i32
      %dma_wait3A_80 = arith.constant 0 : i32
      %dma_wait3A_81 = tpu.memref_slice %arg5[%dma_wait3A_79, %dma_wait3A_80] : memref<6144x128xf32, #tpu.memory_space<hbm>> -> memref<112x128xf32, #tpu.memory_space<hbm>>
      %dma_wait3A_82 = arith.constant 0 : i32
      %dma_wait3A_83 = arith.constant 0 : i32
      %dma_wait3A_84 = tpu.memref_slice %arg5[%dma_wait3A_82, %dma_wait3A_83] : memref<6144x128xf32, #tpu.memory_space<hbm>> -> memref<112x128xf32, #tpu.memory_space<hbm>>
      tpu.wait_dma2 semaphore(%arg16 : memref<!tpu.dma_semaphore, #tpu.memory_space<semaphore_mem>>) src(%dma_wait3A_84 : memref<112x128xf32, #tpu.memory_space<hbm>>) dst(%arg12 : memref<112x128xf32, #tpu.memory_space<vmem>>)
      %dma_start3A_85 = arith.constant 85 : i32
      %dma_start3A_86 = arith.constant 0 : i32
      %dma_start3A_87 = tpu.memref_slice %arg10[%dma_start3A_85, %dma_start3A_86] : memref<90x112xi32, #tpu.memory_space<vmem>> -> memref<1x112xi32, #tpu.memory_space<vmem>>
      %dma_start3A_88 = tpu.memref_squeeze %dma_start3A_87 : memref<1x112xi32, #tpu.memory_space<vmem>> -> memref<112xi32, #tpu.memory_space<vmem>>
      %dma_start3A_89 = arith.constant 0 : i32
      %dma_start3A_90 = arith.constant 0 : i32
      %dma_start3A_91 = tpu.memref_slice %arg23[%dma_start3A_89, %dma_start3A_90] : memref<6144x128xf32, #tpu.memory_space<vmem_shared>> -> memref<6144x128xf32, #tpu.memory_space<vmem_shared>>
      tpu.enqueue_indirect_dma source(%arg12 : memref<112x128xf32, #tpu.memory_space<vmem>>) target(%dma_start3A_91 : memref<6144x128xf32, #tpu.memory_space<vmem_shared>>) offsets(%dma_start3A_88 : memref<112xi32, #tpu.memory_space<vmem>>) semaphore(%arg20 : memref<!tpu.dma_semaphore, #tpu.memory_space<semaphore_mem>>) {add = true}
      %dma_wait3A_92 = arith.constant 0 : i32
      %dma_wait3A_93 = arith.constant 0 : i32
      %dma_wait3A_94 = tpu.memref_slice %arg5[%dma_wait3A_92, %dma_wait3A_93] : memref<6144x128xf32, #tpu.memory_space<hbm>> -> memref<112x128xf32, #tpu.memory_space<hbm>>
      %dma_wait3A_95 = arith.constant 0 : i32
      %dma_wait3A_96 = arith.constant 0 : i32
      %dma_wait3A_97 = tpu.memref_slice %arg5[%dma_wait3A_95, %dma_wait3A_96] : memref<6144x128xf32, #tpu.memory_space<hbm>> -> memref<112x128xf32, #tpu.memory_space<hbm>>
      tpu.wait_dma2 semaphore(%arg19 : memref<!tpu.dma_semaphore, #tpu.memory_space<semaphore_mem>>) src(%dma_wait3A_97 : memref<112x128xf32, #tpu.memory_space<hbm>>) dst(%arg11 : memref<112x128xf32, #tpu.memory_space<vmem>>)
      %dma_start3A_98 = arith.constant 88 : i32
      %dma_start3A_99 = arith.constant 0 : i32
      %dma_start3A_100 = tpu.memref_slice %arg9[%dma_start3A_98, %dma_start3A_99] : memref<90x112xi32, #tpu.memory_space<vmem>> -> memref<1x112xi32, #tpu.memory_space<vmem>>
      %dma_start3A_101 = tpu.memref_squeeze %dma_start3A_100 : memref<1x112xi32, #tpu.memory_space<vmem>> -> memref<112xi32, #tpu.memory_space<vmem>>
      %dma_start3A_102 = arith.constant 0 : i32
      %dma_start3A_103 = arith.constant 0 : i32
      %dma_start3A_104 = tpu.memref_slice %arg5[%dma_start3A_102, %dma_start3A_103] : memref<6144x128xf32, #tpu.memory_space<hbm>> -> memref<6144x128xf32, #tpu.memory_space<hbm>>
      tpu.enqueue_indirect_dma source(%dma_start3A_104 : memref<6144x128xf32, #tpu.memory_space<hbm>>) target(%arg11 : memref<112x128xf32, #tpu.memory_space<vmem>>) offsets(%dma_start3A_101 : memref<112xi32, #tpu.memory_space<vmem>>) semaphore(%arg15 : memref<!tpu.dma_semaphore, #tpu.memory_space<semaphore_mem>>)
      %dma_wait3A_105 = arith.constant 0 : i32
      %dma_wait3A_106 = arith.constant 0 : i32
      %dma_wait3A_107 = tpu.memref_slice %arg5[%dma_wait3A_105, %dma_wait3A_106] : memref<6144x128xf32, #tpu.memory_space<hbm>> -> memref<112x128xf32, #tpu.memory_space<hbm>>
      %dma_wait3A_108 = arith.constant 0 : i32
      %dma_wait3A_109 = arith.constant 0 : i32
      %dma_wait3A_110 = tpu.memref_slice %arg5[%dma_wait3A_108, %dma_wait3A_109] : memref<6144x128xf32, #tpu.memory_space<hbm>> -> memref<112x128xf32, #tpu.memory_space<hbm>>
      tpu.wait_dma2 semaphore(%arg17 : memref<!tpu.dma_semaphore, #tpu.memory_space<semaphore_mem>>) src(%dma_wait3A_110 : memref<112x128xf32, #tpu.memory_space<hbm>>) dst(%arg13 : memref<112x128xf32, #tpu.memory_space<vmem>>)
      %dma_start3A_111 = arith.constant 86 : i32
      %dma_start3A_112 = arith.constant 0 : i32
      %dma_start3A_113 = tpu.memref_slice %arg10[%dma_start3A_111, %dma_start3A_112] : memref<90x112xi32, #tpu.memory_space<vmem>> -> memref<1x112xi32, #tpu.memory_space<vmem>>
      %dma_start3A_114 = tpu.memref_squeeze %dma_start3A_113 : memref<1x112xi32, #tpu.memory_space<vmem>> -> memref<112xi32, #tpu.memory_space<vmem>>
      %dma_start3A_115 = arith.constant 0 : i32
      %dma_start3A_116 = arith.constant 0 : i32
      %dma_start3A_117 = tpu.memref_slice %arg23[%dma_start3A_115, %dma_start3A_116] : memref<6144x128xf32, #tpu.memory_space<vmem_shared>> -> memref<6144x128xf32, #tpu.memory_space<vmem_shared>>
      tpu.enqueue_indirect_dma source(%arg13 : memref<112x128xf32, #tpu.memory_space<vmem>>) target(%dma_start3A_117 : memref<6144x128xf32, #tpu.memory_space<vmem_shared>>) offsets(%dma_start3A_114 : memref<112xi32, #tpu.memory_space<vmem>>) semaphore(%arg21 : memref<!tpu.dma_semaphore, #tpu.memory_space<semaphore_mem>>) {add = true}
      %dma_wait3A_118 = arith.constant 0 : i32
      %dma_wait3A_119 = arith.constant 0 : i32
      %dma_wait3A_120 = tpu.memref_slice %arg5[%dma_wait3A_118, %dma_wait3A_119] : memref<6144x128xf32, #tpu.memory_space<hbm>> -> memref<112x128xf32, #tpu.memory_space<hbm>>
      %dma_wait3A_121 = arith.constant 0 : i32
      %dma_wait3A_122 = arith.constant 0 : i32
      %dma_wait3A_123 = tpu.memref_slice %arg5[%dma_wait3A_121, %dma_wait3A_122] : memref<6144x128xf32, #tpu.memory_space<hbm>> -> memref<112x128xf32, #tpu.memory_space<hbm>>
      tpu.wait_dma2 semaphore(%arg20 : memref<!tpu.dma_semaphore, #tpu.memory_space<semaphore_mem>>) src(%dma_wait3A_123 : memref<112x128xf32, #tpu.memory_space<hbm>>) dst(%arg12 : memref<112x128xf32, #tpu.memory_space<vmem>>)
      %dma_start3A_124 = arith.constant 89 : i32
      %dma_start3A_125 = arith.constant 0 : i32
      %dma_start3A_126 = tpu.memref_slice %arg9[%dma_start3A_124, %dma_start3A_125] : memref<90x112xi32, #tpu.memory_space<vmem>> -> memref<1x112xi32, #tpu.memory_space<vmem>>
      %dma_start3A_127 = tpu.memref_squeeze %dma_start3A_126 : memref<1x112xi32, #tpu.memory_space<vmem>> -> memref<112xi32, #tpu.memory_space<vmem>>
      %dma_start3A_128 = arith.constant 0 : i32
      %dma_start3A_129 = arith.constant 0 : i32
      %dma_start3A_130 = tpu.memref_slice %arg5[%dma_start3A_128, %dma_start3A_129] : memref<6144x128xf32, #tpu.memory_space<hbm>> -> memref<6144x128xf32, #tpu.memory_space<hbm>>
      tpu.enqueue_indirect_dma source(%dma_start3A_130 : memref<6144x128xf32, #tpu.memory_space<hbm>>) target(%arg12 : memref<112x128xf32, #tpu.memory_space<vmem>>) offsets(%dma_start3A_127 : memref<112xi32, #tpu.memory_space<vmem>>) semaphore(%arg16 : memref<!tpu.dma_semaphore, #tpu.memory_space<semaphore_mem>>)
      %dma_wait3A_131 = arith.constant 0 : i32
      %dma_wait3A_132 = arith.constant 0 : i32
      %dma_wait3A_133 = tpu.memref_slice %arg5[%dma_wait3A_131, %dma_wait3A_132] : memref<6144x128xf32, #tpu.memory_space<hbm>> -> memref<112x128xf32, #tpu.memory_space<hbm>>
      %dma_wait3A_134 = arith.constant 0 : i32
      %dma_wait3A_135 = arith.constant 0 : i32
      %dma_wait3A_136 = tpu.memref_slice %arg5[%dma_wait3A_134, %dma_wait3A_135] : memref<6144x128xf32, #tpu.memory_space<hbm>> -> memref<112x128xf32, #tpu.memory_space<hbm>>
      tpu.wait_dma2 semaphore(%arg18 : memref<!tpu.dma_semaphore, #tpu.memory_space<semaphore_mem>>) src(%dma_wait3A_136 : memref<112x128xf32, #tpu.memory_space<hbm>>) dst(%arg14 : memref<112x128xf32, #tpu.memory_space<vmem>>)
      %dma_start3A_137 = arith.constant 87 : i32
      %dma_start3A_138 = arith.constant 0 : i32
      %dma_start3A_139 = tpu.memref_slice %arg10[%dma_start3A_137, %dma_start3A_138] : memref<90x112xi32, #tpu.memory_space<vmem>> -> memref<1x112xi32, #tpu.memory_space<vmem>>
      %dma_start3A_140 = tpu.memref_squeeze %dma_start3A_139 : memref<1x112xi32, #tpu.memory_space<vmem>> -> memref<112xi32, #tpu.memory_space<vmem>>
      %dma_start3A_141 = arith.constant 0 : i32
      %dma_start3A_142 = arith.constant 0 : i32
      %dma_start3A_143 = tpu.memref_slice %arg23[%dma_start3A_141, %dma_start3A_142] : memref<6144x128xf32, #tpu.memory_space<vmem_shared>> -> memref<6144x128xf32, #tpu.memory_space<vmem_shared>>
      tpu.enqueue_indirect_dma source(%arg14 : memref<112x128xf32, #tpu.memory_space<vmem>>) target(%dma_start3A_143 : memref<6144x128xf32, #tpu.memory_space<vmem_shared>>) offsets(%dma_start3A_140 : memref<112xi32, #tpu.memory_space<vmem>>) semaphore(%arg22 : memref<!tpu.dma_semaphore, #tpu.memory_space<semaphore_mem>>) {add = true}
      %dma_wait3A_144 = arith.constant 0 : i32
      %dma_wait3A_145 = arith.constant 0 : i32
      %dma_wait3A_146 = tpu.memref_slice %arg5[%dma_wait3A_144, %dma_wait3A_145] : memref<6144x128xf32, #tpu.memory_space<hbm>> -> memref<112x128xf32, #tpu.memory_space<hbm>>
      %dma_wait3A_147 = arith.constant 0 : i32
      %dma_wait3A_148 = arith.constant 0 : i32
      %dma_wait3A_149 = tpu.memref_slice %arg5[%dma_wait3A_147, %dma_wait3A_148] : memref<6144x128xf32, #tpu.memory_space<hbm>> -> memref<112x128xf32, #tpu.memory_space<hbm>>
      tpu.wait_dma2 semaphore(%arg15 : memref<!tpu.dma_semaphore, #tpu.memory_space<semaphore_mem>>) src(%dma_wait3A_149 : memref<112x128xf32, #tpu.memory_space<hbm>>) dst(%arg11 : memref<112x128xf32, #tpu.memory_space<vmem>>)
      %dma_start3A_150 = arith.constant 88 : i32
      %dma_start3A_151 = arith.constant 0 : i32
      %dma_start3A_152 = tpu.memref_slice %arg10[%dma_start3A_150, %dma_start3A_151] : memref<90x112xi32, #tpu.memory_space<vmem>> -> memref<1x112xi32, #tpu.memory_space<vmem>>
      %dma_start3A_153 = tpu.memref_squeeze %dma_start3A_152 : memref<1x112xi32, #tpu.memory_space<vmem>> -> memref<112xi32, #tpu.memory_space<vmem>>
      %dma_start3A_154 = arith.constant 0 : i32
      %dma_start3A_155 = arith.constant 0 : i32
      %dma_start3A_156 = tpu.memref_slice %arg23[%dma_start3A_154, %dma_start3A_155] : memref<6144x128xf32, #tpu.memory_space<vmem_shared>> -> memref<6144x128xf32, #tpu.memory_space<vmem_shared>>
      tpu.enqueue_indirect_dma source(%arg11 : memref<112x128xf32, #tpu.memory_space<vmem>>) target(%dma_start3A_156 : memref<6144x128xf32, #tpu.memory_space<vmem_shared>>) offsets(%dma_start3A_153 : memref<112xi32, #tpu.memory_space<vmem>>) semaphore(%arg19 : memref<!tpu.dma_semaphore, #tpu.memory_space<semaphore_mem>>) {add = true}
      %dma_wait3A_157 = arith.constant 0 : i32
      %dma_wait3A_158 = arith.constant 0 : i32
      %dma_wait3A_159 = tpu.memref_slice %arg5[%dma_wait3A_157, %dma_wait3A_158] : memref<6144x128xf32, #tpu.memory_space<hbm>> -> memref<112x128xf32, #tpu.memory_space<hbm>>
      %dma_wait3A_160 = arith.constant 0 : i32
      %dma_wait3A_161 = arith.constant 0 : i32
      %dma_wait3A_162 = tpu.memref_slice %arg5[%dma_wait3A_160, %dma_wait3A_161] : memref<6144x128xf32, #tpu.memory_space<hbm>> -> memref<112x128xf32, #tpu.memory_space<hbm>>
      tpu.wait_dma2 semaphore(%arg16 : memref<!tpu.dma_semaphore, #tpu.memory_space<semaphore_mem>>) src(%dma_wait3A_162 : memref<112x128xf32, #tpu.memory_space<hbm>>) dst(%arg12 : memref<112x128xf32, #tpu.memory_space<vmem>>)
      %dma_start3A_163 = arith.constant 89 : i32
      %dma_start3A_164 = arith.constant 0 : i32
      %dma_start3A_165 = tpu.memref_slice %arg10[%dma_start3A_163, %dma_start3A_164] : memref<90x112xi32, #tpu.memory_space<vmem>> -> memref<1x112xi32, #tpu.memory_space<vmem>>
      %dma_start3A_166 = tpu.memref_squeeze %dma_start3A_165 : memref<1x112xi32, #tpu.memory_space<vmem>> -> memref<112xi32, #tpu.memory_space<vmem>>
      %dma_start3A_167 = arith.constant 0 : i32
      %dma_start3A_168 = arith.constant 0 : i32
      %dma_start3A_169 = tpu.memref_slice %arg23[%dma_start3A_167, %dma_start3A_168] : memref<6144x128xf32, #tpu.memory_space<vmem_shared>> -> memref<6144x128xf32, #tpu.memory_space<vmem_shared>>
      tpu.enqueue_indirect_dma source(%arg12 : memref<112x128xf32, #tpu.memory_space<vmem>>) target(%dma_start3A_169 : memref<6144x128xf32, #tpu.memory_space<vmem_shared>>) offsets(%dma_start3A_166 : memref<112xi32, #tpu.memory_space<vmem>>) semaphore(%arg20 : memref<!tpu.dma_semaphore, #tpu.memory_space<semaphore_mem>>) {add = true}
      %dma_wait3A_170 = arith.constant 0 : i32
      %dma_wait3A_171 = arith.constant 0 : i32
      %dma_wait3A_172 = tpu.memref_slice %arg5[%dma_wait3A_170, %dma_wait3A_171] : memref<6144x128xf32, #tpu.memory_space<hbm>> -> memref<112x128xf32, #tpu.memory_space<hbm>>
      %dma_wait3A_173 = arith.constant 0 : i32
      %dma_wait3A_174 = arith.constant 0 : i32
      %dma_wait3A_175 = tpu.memref_slice %arg5[%dma_wait3A_173, %dma_wait3A_174] : memref<6144x128xf32, #tpu.memory_space<hbm>> -> memref<112x128xf32, #tpu.memory_space<hbm>>
      tpu.wait_dma2 semaphore(%arg21 : memref<!tpu.dma_semaphore, #tpu.memory_space<semaphore_mem>>) src(%dma_wait3A_175 : memref<112x128xf32, #tpu.memory_space<hbm>>) dst(%arg13 : memref<112x128xf32, #tpu.memory_space<vmem>>)
      %dma_wait3A_176 = arith.constant 0 : i32
      %dma_wait3A_177 = arith.constant 0 : i32
      %dma_wait3A_178 = tpu.memref_slice %arg5[%dma_wait3A_176, %dma_wait3A_177] : memref<6144x128xf32, #tpu.memory_space<hbm>> -> memref<112x128xf32, #tpu.memory_space<hbm>>
      %dma_wait3A_179 = arith.constant 0 : i32
      %dma_wait3A_180 = arith.constant 0 : i32
      %dma_wait3A_181 = tpu.memref_slice %arg5[%dma_wait3A_179, %dma_wait3A_180] : memref<6144x128xf32, #tpu.memory_space<hbm>> -> memref<112x128xf32, #tpu.memory_space<hbm>>
      tpu.wait_dma2 semaphore(%arg22 : memref<!tpu.dma_semaphore, #tpu.memory_space<semaphore_mem>>) src(%dma_wait3A_181 : memref<112x128xf32, #tpu.memory_space<hbm>>) dst(%arg14 : memref<112x128xf32, #tpu.memory_space<vmem>>)
      %dma_wait3A_182 = arith.constant 0 : i32
      %dma_wait3A_183 = arith.constant 0 : i32
      %dma_wait3A_184 = tpu.memref_slice %arg5[%dma_wait3A_182, %dma_wait3A_183] : memref<6144x128xf32, #tpu.memory_space<hbm>> -> memref<112x128xf32, #tpu.memory_space<hbm>>
      %dma_wait3A_185 = arith.constant 0 : i32
      %dma_wait3A_186 = arith.constant 0 : i32
      %dma_wait3A_187 = tpu.memref_slice %arg5[%dma_wait3A_185, %dma_wait3A_186] : memref<6144x128xf32, #tpu.memory_space<hbm>> -> memref<112x128xf32, #tpu.memory_space<hbm>>
      tpu.wait_dma2 semaphore(%arg19 : memref<!tpu.dma_semaphore, #tpu.memory_space<semaphore_mem>>) src(%dma_wait3A_187 : memref<112x128xf32, #tpu.memory_space<hbm>>) dst(%arg11 : memref<112x128xf32, #tpu.memory_space<vmem>>)
      %dma_wait3A_188 = arith.constant 0 : i32
      %dma_wait3A_189 = arith.constant 0 : i32
      %dma_wait3A_190 = tpu.memref_slice %arg5[%dma_wait3A_188, %dma_wait3A_189] : memref<6144x128xf32, #tpu.memory_space<hbm>> -> memref<112x128xf32, #tpu.memory_space<hbm>>
      %dma_wait3A_191 = arith.constant 0 : i32
      %dma_wait3A_192 = arith.constant 0 : i32
      %dma_wait3A_193 = tpu.memref_slice %arg5[%dma_wait3A_191, %dma_wait3A_192] : memref<6144x128xf32, #tpu.memory_space<hbm>> -> memref<112x128xf32, #tpu.memory_space<hbm>>
      tpu.wait_dma2 semaphore(%arg20 : memref<!tpu.dma_semaphore, #tpu.memory_space<semaphore_mem>>) src(%dma_wait3A_193 : memref<112x128xf32, #tpu.memory_space<hbm>>) dst(%arg12 : memref<112x128xf32, #tpu.memory_space<vmem>>)
    } else {
    }
    %eq3A_13 = arith.constant 1 : i32
    %eq3A_14 = arith.cmpi eq, %arg0, %eq3A_13 : i32
    %convert_element_type3A_15 = arith.extui %eq3A_14 : i1 to i32
    %cond3A_16 = arith.constant 0 : i32
    %cond3A_17 = arith.cmpi ne, %convert_element_type3A_15, %cond3A_16 : i32
    scf.if %cond3A_17 {
      %dma_start3A = arith.constant 0 : i32
      %dma_start3A_29 = arith.constant 0 : i32
      %dma_start3A_30 = tpu.memref_slice %arg9[%dma_start3A, %dma_start3A_29] : memref<90x112xi32, #tpu.memory_space<vmem>> -> memref<1x112xi32, #tpu.memory_space<vmem>>
      %dma_start3A_31 = tpu.memref_squeeze %dma_start3A_30 : memref<1x112xi32, #tpu.memory_space<vmem>> -> memref<112xi32, #tpu.memory_space<vmem>>
      %dma_start3A_32 = arith.constant 0 : i32
      %dma_start3A_33 = arith.constant 0 : i32
      %dma_start3A_34 = tpu.memref_slice %arg4[%dma_start3A_32, %dma_start3A_33] : memref<6144x128xf32, #tpu.memory_space<hbm>> -> memref<6144x128xf32, #tpu.memory_space<hbm>>
      tpu.enqueue_indirect_dma source(%dma_start3A_34 : memref<6144x128xf32, #tpu.memory_space<hbm>>) target(%arg11 : memref<112x128xf32, #tpu.memory_space<vmem>>) offsets(%dma_start3A_31 : memref<112xi32, #tpu.memory_space<vmem>>) semaphore(%arg15 : memref<!tpu.dma_semaphore, #tpu.memory_space<semaphore_mem>>)
      %dma_start3A_35 = arith.constant 1 : i32
      %dma_start3A_36 = arith.constant 0 : i32
      %dma_start3A_37 = tpu.memref_slice %arg9[%dma_start3A_35, %dma_start3A_36] : memref<90x112xi32, #tpu.memory_space<vmem>> -> memref<1x112xi32, #tpu.memory_space<vmem>>
      %dma_start3A_38 = tpu.memref_squeeze %dma_start3A_37 : memref<1x112xi32, #tpu.memory_space<vmem>> -> memref<112xi32, #tpu.memory_space<vmem>>
      %dma_start3A_39 = arith.constant 0 : i32
      %dma_start3A_40 = arith.constant 0 : i32
      %dma_start3A_41 = tpu.memref_slice %arg4[%dma_start3A_39, %dma_start3A_40] : memref<6144x128xf32, #tpu.memory_space<hbm>> -> memref<6144x128xf32, #tpu.memory_space<hbm>>
      tpu.enqueue_indirect_dma source(%dma_start3A_41 : memref<6144x128xf32, #tpu.memory_space<hbm>>) target(%arg12 : memref<112x128xf32, #tpu.memory_space<vmem>>) offsets(%dma_start3A_38 : memref<112xi32, #tpu.memory_space<vmem>>) semaphore(%arg16 : memref<!tpu.dma_semaphore, #tpu.memory_space<semaphore_mem>>)
      %dma_start3A_42 = arith.constant 2 : i32
      %dma_start3A_43 = arith.constant 0 : i32
      %dma_start3A_44 = tpu.memref_slice %arg9[%dma_start3A_42, %dma_start3A_43] : memref<90x112xi32, #tpu.memory_space<vmem>> -> memref<1x112xi32, #tpu.memory_space<vmem>>
      %dma_start3A_45 = tpu.memref_squeeze %dma_start3A_44 : memref<1x112xi32, #tpu.memory_space<vmem>> -> memref<112xi32, #tpu.memory_space<vmem>>
      %dma_start3A_46 = arith.constant 0 : i32
      %dma_start3A_47 = arith.constant 0 : i32
      %dma_start3A_48 = tpu.memref_slice %arg4[%dma_start3A_46, %dma_start3A_47] : memref<6144x128xf32, #tpu.memory_space<hbm>> -> memref<6144x128xf32, #tpu.memory_space<hbm>>
      tpu.enqueue_indirect_dma source(%dma_start3A_48 : memref<6144x128xf32, #tpu.memory_space<hbm>>) target(%arg13 : memref<112x128xf32, #tpu.memory_space<vmem>>) offsets(%dma_start3A_45 : memref<112xi32, #tpu.memory_space<vmem>>) semaphore(%arg17 : memref<!tpu.dma_semaphore, #tpu.memory_space<semaphore_mem>>)
      %scan3A = arith.constant 0 : i32
      %scan3A_49 = arith.constant 0 : i32
      %scan3A_50 = arith.constant 21 : i32
      %scan3A_51 = arith.addi %scan3A_49, %scan3A_50 : i32
      %scan3A_52 = arith.constant 1 : i32
      scf.for %scan3A_194 = %scan3A_49 to %scan3A_51 step %scan3A_52  : i32 {
        %mul3A_195 = arith.constant 4 : i32
        %mul3A_196 = arith.muli %mul3A_195, %scan3A_194 : i32
        %add3A = arith.constant 0 : i32
        %add3A_197 = arith.addi %mul3A_196, %add3A : i32
        %dma_wait3A_198 = arith.constant 0 : i32
        %dma_wait3A_199 = arith.constant 0 : i32
        %dma_wait3A_200 = tpu.memref_slice %arg4[%dma_wait3A_198, %dma_wait3A_199] : memref<6144x128xf32, #tpu.memory_space<hbm>> -> memref<112x128xf32, #tpu.memory_space<hbm>>
        %dma_wait3A_201 = arith.constant 0 : i32
        %dma_wait3A_202 = arith.constant 0 : i32
        %dma_wait3A_203 = tpu.memref_slice %arg4[%dma_wait3A_201, %dma_wait3A_202] : memref<6144x128xf32, #tpu.memory_space<hbm>> -> memref<112x128xf32, #tpu.memory_space<hbm>>
        tpu.wait_dma2 semaphore(%arg15 : memref<!tpu.dma_semaphore, #tpu.memory_space<semaphore_mem>>) src(%dma_wait3A_203 : memref<112x128xf32, #tpu.memory_space<hbm>>) dst(%arg11 : memref<112x128xf32, #tpu.memory_space<vmem>>)
        %dma_start3A_204 = arith.constant 0 : i32
        %dma_start3A_205 = tpu.memref_slice %arg10[%add3A_197, %dma_start3A_204] : memref<90x112xi32, #tpu.memory_space<vmem>> -> memref<1x112xi32, #tpu.memory_space<vmem>>
        %dma_start3A_206 = tpu.memref_squeeze %dma_start3A_205 : memref<1x112xi32, #tpu.memory_space<vmem>> -> memref<112xi32, #tpu.memory_space<vmem>>
        %dma_start3A_207 = arith.constant 0 : i32
        %dma_start3A_208 = arith.constant 0 : i32
        %dma_start3A_209 = tpu.memref_slice %arg23[%dma_start3A_207, %dma_start3A_208] : memref<6144x128xf32, #tpu.memory_space<vmem_shared>> -> memref<6144x128xf32, #tpu.memory_space<vmem_shared>>
        tpu.enqueue_indirect_dma source(%arg11 : memref<112x128xf32, #tpu.memory_space<vmem>>) target(%dma_start3A_209 : memref<6144x128xf32, #tpu.memory_space<vmem_shared>>) offsets(%dma_start3A_206 : memref<112xi32, #tpu.memory_space<vmem>>) semaphore(%arg19 : memref<!tpu.dma_semaphore, #tpu.memory_space<semaphore_mem>>) {add = true}
        %gt3A = arith.constant 0 : i32
        %gt3A_210 = arith.cmpi sgt, %add3A_197, %gt3A : i32
        %convert_element_type3A_211 = arith.extui %gt3A_210 : i1 to i32
        %cond3A_212 = arith.constant 0 : i32
        %cond3A_213 = arith.cmpi ne, %convert_element_type3A_211, %cond3A_212 : i32
        scf.if %cond3A_213 {
          %dma_wait3A_303 = arith.constant 0 : i32
          %dma_wait3A_304 = arith.constant 0 : i32
          %dma_wait3A_305 = tpu.memref_slice %arg4[%dma_wait3A_303, %dma_wait3A_304] : memref<6144x128xf32, #tpu.memory_space<hbm>> -> memref<112x128xf32, #tpu.memory_space<hbm>>
          %dma_wait3A_306 = arith.constant 0 : i32
          %dma_wait3A_307 = arith.constant 0 : i32
          %dma_wait3A_308 = tpu.memref_slice %arg4[%dma_wait3A_306, %dma_wait3A_307] : memref<6144x128xf32, #tpu.memory_space<hbm>> -> memref<112x128xf32, #tpu.memory_space<hbm>>
          tpu.wait_dma2 semaphore(%arg22 : memref<!tpu.dma_semaphore, #tpu.memory_space<semaphore_mem>>) src(%dma_wait3A_308 : memref<112x128xf32, #tpu.memory_space<hbm>>) dst(%arg14 : memref<112x128xf32, #tpu.memory_space<vmem>>)
        } else {
        }
        %add3A_214 = arith.constant 3 : i32
        %add3A_215 = arith.addi %add3A_197, %add3A_214 : i32
        %dma_start3A_216 = arith.constant 0 : i32
        %dma_start3A_217 = tpu.memref_slice %arg9[%add3A_215, %dma_start3A_216] : memref<90x112xi32, #tpu.memory_space<vmem>> -> memref<1x112xi32, #tpu.memory_space<vmem>>
        %dma_start3A_218 = tpu.memref_squeeze %dma_start3A_217 : memref<1x112xi32, #tpu.memory_space<vmem>> -> memref<112xi32, #tpu.memory_space<vmem>>
        %dma_start3A_219 = arith.constant 0 : i32
        %dma_start3A_220 = arith.constant 0 : i32
        %dma_start3A_221 = tpu.memref_slice %arg4[%dma_start3A_219, %dma_start3A_220] : memref<6144x128xf32, #tpu.memory_space<hbm>> -> memref<6144x128xf32, #tpu.memory_space<hbm>>
        tpu.enqueue_indirect_dma source(%dma_start3A_221 : memref<6144x128xf32, #tpu.memory_space<hbm>>) target(%arg14 : memref<112x128xf32, #tpu.memory_space<vmem>>) offsets(%dma_start3A_218 : memref<112xi32, #tpu.memory_space<vmem>>) semaphore(%arg18 : memref<!tpu.dma_semaphore, #tpu.memory_space<semaphore_mem>>)
        %add3A_222 = arith.constant 1 : i32
        %add3A_223 = arith.addi %mul3A_196, %add3A_222 : i32
        %dma_wait3A_224 = arith.constant 0 : i32
        %dma_wait3A_225 = arith.constant 0 : i32
        %dma_wait3A_226 = tpu.memref_slice %arg4[%dma_wait3A_224, %dma_wait3A_225] : memref<6144x128xf32, #tpu.memory_space<hbm>> -> memref<112x128xf32, #tpu.memory_space<hbm>>
        %dma_wait3A_227 = arith.constant 0 : i32
        %dma_wait3A_228 = arith.constant 0 : i32
        %dma_wait3A_229 = tpu.memref_slice %arg4[%dma_wait3A_227, %dma_wait3A_228] : memref<6144x128xf32, #tpu.memory_space<hbm>> -> memref<112x128xf32, #tpu.memory_space<hbm>>
        tpu.wait_dma2 semaphore(%arg16 : memref<!tpu.dma_semaphore, #tpu.memory_space<semaphore_mem>>) src(%dma_wait3A_229 : memref<112x128xf32, #tpu.memory_space<hbm>>) dst(%arg12 : memref<112x128xf32, #tpu.memory_space<vmem>>)
        %dma_start3A_230 = arith.constant 0 : i32
        %dma_start3A_231 = tpu.memref_slice %arg10[%add3A_223, %dma_start3A_230] : memref<90x112xi32, #tpu.memory_space<vmem>> -> memref<1x112xi32, #tpu.memory_space<vmem>>
        %dma_start3A_232 = tpu.memref_squeeze %dma_start3A_231 : memref<1x112xi32, #tpu.memory_space<vmem>> -> memref<112xi32, #tpu.memory_space<vmem>>
        %dma_start3A_233 = arith.constant 0 : i32
        %dma_start3A_234 = arith.constant 0 : i32
        %dma_start3A_235 = tpu.memref_slice %arg23[%dma_start3A_233, %dma_start3A_234] : memref<6144x128xf32, #tpu.memory_space<vmem_shared>> -> memref<6144x128xf32, #tpu.memory_space<vmem_shared>>
        tpu.enqueue_indirect_dma source(%arg12 : memref<112x128xf32, #tpu.memory_space<vmem>>) target(%dma_start3A_235 : memref<6144x128xf32, #tpu.memory_space<vmem_shared>>) offsets(%dma_start3A_232 : memref<112xi32, #tpu.memory_space<vmem>>) semaphore(%arg20 : memref<!tpu.dma_semaphore, #tpu.memory_space<semaphore_mem>>) {add = true}
        %gt3A_236 = arith.constant 0 : i32
        %gt3A_237 = arith.cmpi sgt, %add3A_223, %gt3A_236 : i32
        %convert_element_type3A_238 = arith.extui %gt3A_237 : i1 to i32
        %cond3A_239 = arith.constant 0 : i32
        %cond3A_240 = arith.cmpi ne, %convert_element_type3A_238, %cond3A_239 : i32
        scf.if %cond3A_240 {
          %dma_wait3A_303 = arith.constant 0 : i32
          %dma_wait3A_304 = arith.constant 0 : i32
          %dma_wait3A_305 = tpu.memref_slice %arg4[%dma_wait3A_303, %dma_wait3A_304] : memref<6144x128xf32, #tpu.memory_space<hbm>> -> memref<112x128xf32, #tpu.memory_space<hbm>>
          %dma_wait3A_306 = arith.constant 0 : i32
          %dma_wait3A_307 = arith.constant 0 : i32
          %dma_wait3A_308 = tpu.memref_slice %arg4[%dma_wait3A_306, %dma_wait3A_307] : memref<6144x128xf32, #tpu.memory_space<hbm>> -> memref<112x128xf32, #tpu.memory_space<hbm>>
          tpu.wait_dma2 semaphore(%arg19 : memref<!tpu.dma_semaphore, #tpu.memory_space<semaphore_mem>>) src(%dma_wait3A_308 : memref<112x128xf32, #tpu.memory_space<hbm>>) dst(%arg11 : memref<112x128xf32, #tpu.memory_space<vmem>>)
        } else {
        }
        %add3A_241 = arith.constant 3 : i32
        %add3A_242 = arith.addi %add3A_223, %add3A_241 : i32
        %dma_start3A_243 = arith.constant 0 : i32
        %dma_start3A_244 = tpu.memref_slice %arg9[%add3A_242, %dma_start3A_243] : memref<90x112xi32, #tpu.memory_space<vmem>> -> memref<1x112xi32, #tpu.memory_space<vmem>>
        %dma_start3A_245 = tpu.memref_squeeze %dma_start3A_244 : memref<1x112xi32, #tpu.memory_space<vmem>> -> memref<112xi32, #tpu.memory_space<vmem>>
        %dma_start3A_246 = arith.constant 0 : i32
        %dma_start3A_247 = arith.constant 0 : i32
        %dma_start3A_248 = tpu.memref_slice %arg4[%dma_start3A_246, %dma_start3A_247] : memref<6144x128xf32, #tpu.memory_space<hbm>> -> memref<6144x128xf32, #tpu.memory_space<hbm>>
        tpu.enqueue_indirect_dma source(%dma_start3A_248 : memref<6144x128xf32, #tpu.memory_space<hbm>>) target(%arg11 : memref<112x128xf32, #tpu.memory_space<vmem>>) offsets(%dma_start3A_245 : memref<112xi32, #tpu.memory_space<vmem>>) semaphore(%arg15 : memref<!tpu.dma_semaphore, #tpu.memory_space<semaphore_mem>>)
        %add3A_249 = arith.constant 2 : i32
        %add3A_250 = arith.addi %mul3A_196, %add3A_249 : i32
        %dma_wait3A_251 = arith.constant 0 : i32
        %dma_wait3A_252 = arith.constant 0 : i32
        %dma_wait3A_253 = tpu.memref_slice %arg4[%dma_wait3A_251, %dma_wait3A_252] : memref<6144x128xf32, #tpu.memory_space<hbm>> -> memref<112x128xf32, #tpu.memory_space<hbm>>
        %dma_wait3A_254 = arith.constant 0 : i32
        %dma_wait3A_255 = arith.constant 0 : i32
        %dma_wait3A_256 = tpu.memref_slice %arg4[%dma_wait3A_254, %dma_wait3A_255] : memref<6144x128xf32, #tpu.memory_space<hbm>> -> memref<112x128xf32, #tpu.memory_space<hbm>>
        tpu.wait_dma2 semaphore(%arg17 : memref<!tpu.dma_semaphore, #tpu.memory_space<semaphore_mem>>) src(%dma_wait3A_256 : memref<112x128xf32, #tpu.memory_space<hbm>>) dst(%arg13 : memref<112x128xf32, #tpu.memory_space<vmem>>)
        %dma_start3A_257 = arith.constant 0 : i32
        %dma_start3A_258 = tpu.memref_slice %arg10[%add3A_250, %dma_start3A_257] : memref<90x112xi32, #tpu.memory_space<vmem>> -> memref<1x112xi32, #tpu.memory_space<vmem>>
        %dma_start3A_259 = tpu.memref_squeeze %dma_start3A_258 : memref<1x112xi32, #tpu.memory_space<vmem>> -> memref<112xi32, #tpu.memory_space<vmem>>
        %dma_start3A_260 = arith.constant 0 : i32
        %dma_start3A_261 = arith.constant 0 : i32
        %dma_start3A_262 = tpu.memref_slice %arg23[%dma_start3A_260, %dma_start3A_261] : memref<6144x128xf32, #tpu.memory_space<vmem_shared>> -> memref<6144x128xf32, #tpu.memory_space<vmem_shared>>
        tpu.enqueue_indirect_dma source(%arg13 : memref<112x128xf32, #tpu.memory_space<vmem>>) target(%dma_start3A_262 : memref<6144x128xf32, #tpu.memory_space<vmem_shared>>) offsets(%dma_start3A_259 : memref<112xi32, #tpu.memory_space<vmem>>) semaphore(%arg21 : memref<!tpu.dma_semaphore, #tpu.memory_space<semaphore_mem>>) {add = true}
        %gt3A_263 = arith.constant 0 : i32
        %gt3A_264 = arith.cmpi sgt, %add3A_250, %gt3A_263 : i32
        %convert_element_type3A_265 = arith.extui %gt3A_264 : i1 to i32
        %cond3A_266 = arith.constant 0 : i32
        %cond3A_267 = arith.cmpi ne, %convert_element_type3A_265, %cond3A_266 : i32
        scf.if %cond3A_267 {
          %dma_wait3A_303 = arith.constant 0 : i32
          %dma_wait3A_304 = arith.constant 0 : i32
          %dma_wait3A_305 = tpu.memref_slice %arg4[%dma_wait3A_303, %dma_wait3A_304] : memref<6144x128xf32, #tpu.memory_space<hbm>> -> memref<112x128xf32, #tpu.memory_space<hbm>>
          %dma_wait3A_306 = arith.constant 0 : i32
          %dma_wait3A_307 = arith.constant 0 : i32
          %dma_wait3A_308 = tpu.memref_slice %arg4[%dma_wait3A_306, %dma_wait3A_307] : memref<6144x128xf32, #tpu.memory_space<hbm>> -> memref<112x128xf32, #tpu.memory_space<hbm>>
          tpu.wait_dma2 semaphore(%arg20 : memref<!tpu.dma_semaphore, #tpu.memory_space<semaphore_mem>>) src(%dma_wait3A_308 : memref<112x128xf32, #tpu.memory_space<hbm>>) dst(%arg12 : memref<112x128xf32, #tpu.memory_space<vmem>>)
        } else {
        }
        %add3A_268 = arith.constant 3 : i32
        %add3A_269 = arith.addi %add3A_250, %add3A_268 : i32
        %dma_start3A_270 = arith.constant 0 : i32
        %dma_start3A_271 = tpu.memref_slice %arg9[%add3A_269, %dma_start3A_270] : memref<90x112xi32, #tpu.memory_space<vmem>> -> memref<1x112xi32, #tpu.memory_space<vmem>>
        %dma_start3A_272 = tpu.memref_squeeze %dma_start3A_271 : memref<1x112xi32, #tpu.memory_space<vmem>> -> memref<112xi32, #tpu.memory_space<vmem>>
        %dma_start3A_273 = arith.constant 0 : i32
        %dma_start3A_274 = arith.constant 0 : i32
        %dma_start3A_275 = tpu.memref_slice %arg4[%dma_start3A_273, %dma_start3A_274] : memref<6144x128xf32, #tpu.memory_space<hbm>> -> memref<6144x128xf32, #tpu.memory_space<hbm>>
        tpu.enqueue_indirect_dma source(%dma_start3A_275 : memref<6144x128xf32, #tpu.memory_space<hbm>>) target(%arg12 : memref<112x128xf32, #tpu.memory_space<vmem>>) offsets(%dma_start3A_272 : memref<112xi32, #tpu.memory_space<vmem>>) semaphore(%arg16 : memref<!tpu.dma_semaphore, #tpu.memory_space<semaphore_mem>>)
        %add3A_276 = arith.constant 3 : i32
        %add3A_277 = arith.addi %mul3A_196, %add3A_276 : i32
        %dma_wait3A_278 = arith.constant 0 : i32
        %dma_wait3A_279 = arith.constant 0 : i32
        %dma_wait3A_280 = tpu.memref_slice %arg4[%dma_wait3A_278, %dma_wait3A_279] : memref<6144x128xf32, #tpu.memory_space<hbm>> -> memref<112x128xf32, #tpu.memory_space<hbm>>
        %dma_wait3A_281 = arith.constant 0 : i32
        %dma_wait3A_282 = arith.constant 0 : i32
        %dma_wait3A_283 = tpu.memref_slice %arg4[%dma_wait3A_281, %dma_wait3A_282] : memref<6144x128xf32, #tpu.memory_space<hbm>> -> memref<112x128xf32, #tpu.memory_space<hbm>>
        tpu.wait_dma2 semaphore(%arg18 : memref<!tpu.dma_semaphore, #tpu.memory_space<semaphore_mem>>) src(%dma_wait3A_283 : memref<112x128xf32, #tpu.memory_space<hbm>>) dst(%arg14 : memref<112x128xf32, #tpu.memory_space<vmem>>)
        %dma_start3A_284 = arith.constant 0 : i32
        %dma_start3A_285 = tpu.memref_slice %arg10[%add3A_277, %dma_start3A_284] : memref<90x112xi32, #tpu.memory_space<vmem>> -> memref<1x112xi32, #tpu.memory_space<vmem>>
        %dma_start3A_286 = tpu.memref_squeeze %dma_start3A_285 : memref<1x112xi32, #tpu.memory_space<vmem>> -> memref<112xi32, #tpu.memory_space<vmem>>
        %dma_start3A_287 = arith.constant 0 : i32
        %dma_start3A_288 = arith.constant 0 : i32
        %dma_start3A_289 = tpu.memref_slice %arg23[%dma_start3A_287, %dma_start3A_288] : memref<6144x128xf32, #tpu.memory_space<vmem_shared>> -> memref<6144x128xf32, #tpu.memory_space<vmem_shared>>
        tpu.enqueue_indirect_dma source(%arg14 : memref<112x128xf32, #tpu.memory_space<vmem>>) target(%dma_start3A_289 : memref<6144x128xf32, #tpu.memory_space<vmem_shared>>) offsets(%dma_start3A_286 : memref<112xi32, #tpu.memory_space<vmem>>) semaphore(%arg22 : memref<!tpu.dma_semaphore, #tpu.memory_space<semaphore_mem>>) {add = true}
        %gt3A_290 = arith.constant 0 : i32
        %gt3A_291 = arith.cmpi sgt, %add3A_277, %gt3A_290 : i32
        %convert_element_type3A_292 = arith.extui %gt3A_291 : i1 to i32
        %cond3A_293 = arith.constant 0 : i32
        %cond3A_294 = arith.cmpi ne, %convert_element_type3A_292, %cond3A_293 : i32
        scf.if %cond3A_294 {
          %dma_wait3A_303 = arith.constant 0 : i32
          %dma_wait3A_304 = arith.constant 0 : i32
          %dma_wait3A_305 = tpu.memref_slice %arg4[%dma_wait3A_303, %dma_wait3A_304] : memref<6144x128xf32, #tpu.memory_space<hbm>> -> memref<112x128xf32, #tpu.memory_space<hbm>>
          %dma_wait3A_306 = arith.constant 0 : i32
          %dma_wait3A_307 = arith.constant 0 : i32
          %dma_wait3A_308 = tpu.memref_slice %arg4[%dma_wait3A_306, %dma_wait3A_307] : memref<6144x128xf32, #tpu.memory_space<hbm>> -> memref<112x128xf32, #tpu.memory_space<hbm>>
          tpu.wait_dma2 semaphore(%arg21 : memref<!tpu.dma_semaphore, #tpu.memory_space<semaphore_mem>>) src(%dma_wait3A_308 : memref<112x128xf32, #tpu.memory_space<hbm>>) dst(%arg13 : memref<112x128xf32, #tpu.memory_space<vmem>>)
        } else {
        }
        %add3A_295 = arith.constant 3 : i32
        %add3A_296 = arith.addi %add3A_277, %add3A_295 : i32
        %dma_start3A_297 = arith.constant 0 : i32
        %dma_start3A_298 = tpu.memref_slice %arg9[%add3A_296, %dma_start3A_297] : memref<90x112xi32, #tpu.memory_space<vmem>> -> memref<1x112xi32, #tpu.memory_space<vmem>>
        %dma_start3A_299 = tpu.memref_squeeze %dma_start3A_298 : memref<1x112xi32, #tpu.memory_space<vmem>> -> memref<112xi32, #tpu.memory_space<vmem>>
        %dma_start3A_300 = arith.constant 0 : i32
        %dma_start3A_301 = arith.constant 0 : i32
        %dma_start3A_302 = tpu.memref_slice %arg4[%dma_start3A_300, %dma_start3A_301] : memref<6144x128xf32, #tpu.memory_space<hbm>> -> memref<6144x128xf32, #tpu.memory_space<hbm>>
        tpu.enqueue_indirect_dma source(%dma_start3A_302 : memref<6144x128xf32, #tpu.memory_space<hbm>>) target(%arg13 : memref<112x128xf32, #tpu.memory_space<vmem>>) offsets(%dma_start3A_299 : memref<112xi32, #tpu.memory_space<vmem>>) semaphore(%arg17 : memref<!tpu.dma_semaphore, #tpu.memory_space<semaphore_mem>>)
      }
      %scan3A_53 = arith.constant 21 : i32
      %dma_wait3A = arith.constant 0 : i32
      %dma_wait3A_54 = arith.constant 0 : i32
      %dma_wait3A_55 = tpu.memref_slice %arg4[%dma_wait3A, %dma_wait3A_54] : memref<6144x128xf32, #tpu.memory_space<hbm>> -> memref<112x128xf32, #tpu.memory_space<hbm>>
      %dma_wait3A_56 = arith.constant 0 : i32
      %dma_wait3A_57 = arith.constant 0 : i32
      %dma_wait3A_58 = tpu.memref_slice %arg4[%dma_wait3A_56, %dma_wait3A_57] : memref<6144x128xf32, #tpu.memory_space<hbm>> -> memref<112x128xf32, #tpu.memory_space<hbm>>
      tpu.wait_dma2 semaphore(%arg15 : memref<!tpu.dma_semaphore, #tpu.memory_space<semaphore_mem>>) src(%dma_wait3A_58 : memref<112x128xf32, #tpu.memory_space<hbm>>) dst(%arg11 : memref<112x128xf32, #tpu.memory_space<vmem>>)
      %dma_start3A_59 = arith.constant 84 : i32
      %dma_start3A_60 = arith.constant 0 : i32
      %dma_start3A_61 = tpu.memref_slice %arg10[%dma_start3A_59, %dma_start3A_60] : memref<90x112xi32, #tpu.memory_space<vmem>> -> memref<1x112xi32, #tpu.memory_space<vmem>>
      %dma_start3A_62 = tpu.memref_squeeze %dma_start3A_61 : memref<1x112xi32, #tpu.memory_space<vmem>> -> memref<112xi32, #tpu.memory_space<vmem>>
      %dma_start3A_63 = arith.constant 0 : i32
      %dma_start3A_64 = arith.constant 0 : i32
      %dma_start3A_65 = tpu.memref_slice %arg23[%dma_start3A_63, %dma_start3A_64] : memref<6144x128xf32, #tpu.memory_space<vmem_shared>> -> memref<6144x128xf32, #tpu.memory_space<vmem_shared>>
      tpu.enqueue_indirect_dma source(%arg11 : memref<112x128xf32, #tpu.memory_space<vmem>>) target(%dma_start3A_65 : memref<6144x128xf32, #tpu.memory_space<vmem_shared>>) offsets(%dma_start3A_62 : memref<112xi32, #tpu.memory_space<vmem>>) semaphore(%arg19 : memref<!tpu.dma_semaphore, #tpu.memory_space<semaphore_mem>>) {add = true}
      %dma_wait3A_66 = arith.constant 0 : i32
      %dma_wait3A_67 = arith.constant 0 : i32
      %dma_wait3A_68 = tpu.memref_slice %arg4[%dma_wait3A_66, %dma_wait3A_67] : memref<6144x128xf32, #tpu.memory_space<hbm>> -> memref<112x128xf32, #tpu.memory_space<hbm>>
      %dma_wait3A_69 = arith.constant 0 : i32
      %dma_wait3A_70 = arith.constant 0 : i32
      %dma_wait3A_71 = tpu.memref_slice %arg4[%dma_wait3A_69, %dma_wait3A_70] : memref<6144x128xf32, #tpu.memory_space<hbm>> -> memref<112x128xf32, #tpu.memory_space<hbm>>
      tpu.wait_dma2 semaphore(%arg22 : memref<!tpu.dma_semaphore, #tpu.memory_space<semaphore_mem>>) src(%dma_wait3A_71 : memref<112x128xf32, #tpu.memory_space<hbm>>) dst(%arg14 : memref<112x128xf32, #tpu.memory_space<vmem>>)
      %dma_start3A_72 = arith.constant 87 : i32
      %dma_start3A_73 = arith.constant 0 : i32
      %dma_start3A_74 = tpu.memref_slice %arg9[%dma_start3A_72, %dma_start3A_73] : memref<90x112xi32, #tpu.memory_space<vmem>> -> memref<1x112xi32, #tpu.memory_space<vmem>>
      %dma_start3A_75 = tpu.memref_squeeze %dma_start3A_74 : memref<1x112xi32, #tpu.memory_space<vmem>> -> memref<112xi32, #tpu.memory_space<vmem>>
      %dma_start3A_76 = arith.constant 0 : i32
      %dma_start3A_77 = arith.constant 0 : i32
      %dma_start3A_78 = tpu.memref_slice %arg4[%dma_start3A_76, %dma_start3A_77] : memref<6144x128xf32, #tpu.memory_space<hbm>> -> memref<6144x128xf32, #tpu.memory_space<hbm>>
      tpu.enqueue_indirect_dma source(%dma_start3A_78 : memref<6144x128xf32, #tpu.memory_space<hbm>>) target(%arg14 : memref<112x128xf32, #tpu.memory_space<vmem>>) offsets(%dma_start3A_75 : memref<112xi32, #tpu.memory_space<vmem>>) semaphore(%arg18 : memref<!tpu.dma_semaphore, #tpu.memory_space<semaphore_mem>>)
      %dma_wait3A_79 = arith.constant 0 : i32
      %dma_wait3A_80 = arith.constant 0 : i32
      %dma_wait3A_81 = tpu.memref_slice %arg4[%dma_wait3A_79, %dma_wait3A_80] : memref<6144x128xf32, #tpu.memory_space<hbm>> -> memref<112x128xf32, #tpu.memory_space<hbm>>
      %dma_wait3A_82 = arith.constant 0 : i32
      %dma_wait3A_83 = arith.constant 0 : i32
      %dma_wait3A_84 = tpu.memref_slice %arg4[%dma_wait3A_82, %dma_wait3A_83] : memref<6144x128xf32, #tpu.memory_space<hbm>> -> memref<112x128xf32, #tpu.memory_space<hbm>>
      tpu.wait_dma2 semaphore(%arg16 : memref<!tpu.dma_semaphore, #tpu.memory_space<semaphore_mem>>) src(%dma_wait3A_84 : memref<112x128xf32, #tpu.memory_space<hbm>>) dst(%arg12 : memref<112x128xf32, #tpu.memory_space<vmem>>)
      %dma_start3A_85 = arith.constant 85 : i32
      %dma_start3A_86 = arith.constant 0 : i32
      %dma_start3A_87 = tpu.memref_slice %arg10[%dma_start3A_85, %dma_start3A_86] : memref<90x112xi32, #tpu.memory_space<vmem>> -> memref<1x112xi32, #tpu.memory_space<vmem>>
      %dma_start3A_88 = tpu.memref_squeeze %dma_start3A_87 : memref<1x112xi32, #tpu.memory_space<vmem>> -> memref<112xi32, #tpu.memory_space<vmem>>
      %dma_start3A_89 = arith.constant 0 : i32
      %dma_start3A_90 = arith.constant 0 : i32
      %dma_start3A_91 = tpu.memref_slice %arg23[%dma_start3A_89, %dma_start3A_90] : memref<6144x128xf32, #tpu.memory_space<vmem_shared>> -> memref<6144x128xf32, #tpu.memory_space<vmem_shared>>
      tpu.enqueue_indirect_dma source(%arg12 : memref<112x128xf32, #tpu.memory_space<vmem>>) target(%dma_start3A_91 : memref<6144x128xf32, #tpu.memory_space<vmem_shared>>) offsets(%dma_start3A_88 : memref<112xi32, #tpu.memory_space<vmem>>) semaphore(%arg20 : memref<!tpu.dma_semaphore, #tpu.memory_space<semaphore_mem>>) {add = true}
      %dma_wait3A_92 = arith.constant 0 : i32
      %dma_wait3A_93 = arith.constant 0 : i32
      %dma_wait3A_94 = tpu.memref_slice %arg4[%dma_wait3A_92, %dma_wait3A_93] : memref<6144x128xf32, #tpu.memory_space<hbm>> -> memref<112x128xf32, #tpu.memory_space<hbm>>
      %dma_wait3A_95 = arith.constant 0 : i32
      %dma_wait3A_96 = arith.constant 0 : i32
      %dma_wait3A_97 = tpu.memref_slice %arg4[%dma_wait3A_95, %dma_wait3A_96] : memref<6144x128xf32, #tpu.memory_space<hbm>> -> memref<112x128xf32, #tpu.memory_space<hbm>>
      tpu.wait_dma2 semaphore(%arg19 : memref<!tpu.dma_semaphore, #tpu.memory_space<semaphore_mem>>) src(%dma_wait3A_97 : memref<112x128xf32, #tpu.memory_space<hbm>>) dst(%arg11 : memref<112x128xf32, #tpu.memory_space<vmem>>)
      %dma_start3A_98 = arith.constant 88 : i32
      %dma_start3A_99 = arith.constant 0 : i32
      %dma_start3A_100 = tpu.memref_slice %arg9[%dma_start3A_98, %dma_start3A_99] : memref<90x112xi32, #tpu.memory_space<vmem>> -> memref<1x112xi32, #tpu.memory_space<vmem>>
      %dma_start3A_101 = tpu.memref_squeeze %dma_start3A_100 : memref<1x112xi32, #tpu.memory_space<vmem>> -> memref<112xi32, #tpu.memory_space<vmem>>
      %dma_start3A_102 = arith.constant 0 : i32
      %dma_start3A_103 = arith.constant 0 : i32
      %dma_start3A_104 = tpu.memref_slice %arg4[%dma_start3A_102, %dma_start3A_103] : memref<6144x128xf32, #tpu.memory_space<hbm>> -> memref<6144x128xf32, #tpu.memory_space<hbm>>
      tpu.enqueue_indirect_dma source(%dma_start3A_104 : memref<6144x128xf32, #tpu.memory_space<hbm>>) target(%arg11 : memref<112x128xf32, #tpu.memory_space<vmem>>) offsets(%dma_start3A_101 : memref<112xi32, #tpu.memory_space<vmem>>) semaphore(%arg15 : memref<!tpu.dma_semaphore, #tpu.memory_space<semaphore_mem>>)
      %dma_wait3A_105 = arith.constant 0 : i32
      %dma_wait3A_106 = arith.constant 0 : i32
      %dma_wait3A_107 = tpu.memref_slice %arg4[%dma_wait3A_105, %dma_wait3A_106] : memref<6144x128xf32, #tpu.memory_space<hbm>> -> memref<112x128xf32, #tpu.memory_space<hbm>>
      %dma_wait3A_108 = arith.constant 0 : i32
      %dma_wait3A_109 = arith.constant 0 : i32
      %dma_wait3A_110 = tpu.memref_slice %arg4[%dma_wait3A_108, %dma_wait3A_109] : memref<6144x128xf32, #tpu.memory_space<hbm>> -> memref<112x128xf32, #tpu.memory_space<hbm>>
      tpu.wait_dma2 semaphore(%arg17 : memref<!tpu.dma_semaphore, #tpu.memory_space<semaphore_mem>>) src(%dma_wait3A_110 : memref<112x128xf32, #tpu.memory_space<hbm>>) dst(%arg13 : memref<112x128xf32, #tpu.memory_space<vmem>>)
      %dma_start3A_111 = arith.constant 86 : i32
      %dma_start3A_112 = arith.constant 0 : i32
      %dma_start3A_113 = tpu.memref_slice %arg10[%dma_start3A_111, %dma_start3A_112] : memref<90x112xi32, #tpu.memory_space<vmem>> -> memref<1x112xi32, #tpu.memory_space<vmem>>
      %dma_start3A_114 = tpu.memref_squeeze %dma_start3A_113 : memref<1x112xi32, #tpu.memory_space<vmem>> -> memref<112xi32, #tpu.memory_space<vmem>>
      %dma_start3A_115 = arith.constant 0 : i32
      %dma_start3A_116 = arith.constant 0 : i32
      %dma_start3A_117 = tpu.memref_slice %arg23[%dma_start3A_115, %dma_start3A_116] : memref<6144x128xf32, #tpu.memory_space<vmem_shared>> -> memref<6144x128xf32, #tpu.memory_space<vmem_shared>>
      tpu.enqueue_indirect_dma source(%arg13 : memref<112x128xf32, #tpu.memory_space<vmem>>) target(%dma_start3A_117 : memref<6144x128xf32, #tpu.memory_space<vmem_shared>>) offsets(%dma_start3A_114 : memref<112xi32, #tpu.memory_space<vmem>>) semaphore(%arg21 : memref<!tpu.dma_semaphore, #tpu.memory_space<semaphore_mem>>) {add = true}
      %dma_wait3A_118 = arith.constant 0 : i32
      %dma_wait3A_119 = arith.constant 0 : i32
      %dma_wait3A_120 = tpu.memref_slice %arg4[%dma_wait3A_118, %dma_wait3A_119] : memref<6144x128xf32, #tpu.memory_space<hbm>> -> memref<112x128xf32, #tpu.memory_space<hbm>>
      %dma_wait3A_121 = arith.constant 0 : i32
      %dma_wait3A_122 = arith.constant 0 : i32
      %dma_wait3A_123 = tpu.memref_slice %arg4[%dma_wait3A_121, %dma_wait3A_122] : memref<6144x128xf32, #tpu.memory_space<hbm>> -> memref<112x128xf32, #tpu.memory_space<hbm>>
      tpu.wait_dma2 semaphore(%arg20 : memref<!tpu.dma_semaphore, #tpu.memory_space<semaphore_mem>>) src(%dma_wait3A_123 : memref<112x128xf32, #tpu.memory_space<hbm>>) dst(%arg12 : memref<112x128xf32, #tpu.memory_space<vmem>>)
      %dma_start3A_124 = arith.constant 89 : i32
      %dma_start3A_125 = arith.constant 0 : i32
      %dma_start3A_126 = tpu.memref_slice %arg9[%dma_start3A_124, %dma_start3A_125] : memref<90x112xi32, #tpu.memory_space<vmem>> -> memref<1x112xi32, #tpu.memory_space<vmem>>
      %dma_start3A_127 = tpu.memref_squeeze %dma_start3A_126 : memref<1x112xi32, #tpu.memory_space<vmem>> -> memref<112xi32, #tpu.memory_space<vmem>>
      %dma_start3A_128 = arith.constant 0 : i32
      %dma_start3A_129 = arith.constant 0 : i32
      %dma_start3A_130 = tpu.memref_slice %arg4[%dma_start3A_128, %dma_start3A_129] : memref<6144x128xf32, #tpu.memory_space<hbm>> -> memref<6144x128xf32, #tpu.memory_space<hbm>>
      tpu.enqueue_indirect_dma source(%dma_start3A_130 : memref<6144x128xf32, #tpu.memory_space<hbm>>) target(%arg12 : memref<112x128xf32, #tpu.memory_space<vmem>>) offsets(%dma_start3A_127 : memref<112xi32, #tpu.memory_space<vmem>>) semaphore(%arg16 : memref<!tpu.dma_semaphore, #tpu.memory_space<semaphore_mem>>)
      %dma_wait3A_131 = arith.constant 0 : i32
      %dma_wait3A_132 = arith.constant 0 : i32
      %dma_wait3A_133 = tpu.memref_slice %arg4[%dma_wait3A_131, %dma_wait3A_132] : memref<6144x128xf32, #tpu.memory_space<hbm>> -> memref<112x128xf32, #tpu.memory_space<hbm>>
      %dma_wait3A_134 = arith.constant 0 : i32
      %dma_wait3A_135 = arith.constant 0 : i32
      %dma_wait3A_136 = tpu.memref_slice %arg4[%dma_wait3A_134, %dma_wait3A_135] : memref<6144x128xf32, #tpu.memory_space<hbm>> -> memref<112x128xf32, #tpu.memory_space<hbm>>
      tpu.wait_dma2 semaphore(%arg18 : memref<!tpu.dma_semaphore, #tpu.memory_space<semaphore_mem>>) src(%dma_wait3A_136 : memref<112x128xf32, #tpu.memory_space<hbm>>) dst(%arg14 : memref<112x128xf32, #tpu.memory_space<vmem>>)
      %dma_start3A_137 = arith.constant 87 : i32
      %dma_start3A_138 = arith.constant 0 : i32
      %dma_start3A_139 = tpu.memref_slice %arg10[%dma_start3A_137, %dma_start3A_138] : memref<90x112xi32, #tpu.memory_space<vmem>> -> memref<1x112xi32, #tpu.memory_space<vmem>>
      %dma_start3A_140 = tpu.memref_squeeze %dma_start3A_139 : memref<1x112xi32, #tpu.memory_space<vmem>> -> memref<112xi32, #tpu.memory_space<vmem>>
      %dma_start3A_141 = arith.constant 0 : i32
      %dma_start3A_142 = arith.constant 0 : i32
      %dma_start3A_143 = tpu.memref_slice %arg23[%dma_start3A_141, %dma_start3A_142] : memref<6144x128xf32, #tpu.memory_space<vmem_shared>> -> memref<6144x128xf32, #tpu.memory_space<vmem_shared>>
      tpu.enqueue_indirect_dma source(%arg14 : memref<112x128xf32, #tpu.memory_space<vmem>>) target(%dma_start3A_143 : memref<6144x128xf32, #tpu.memory_space<vmem_shared>>) offsets(%dma_start3A_140 : memref<112xi32, #tpu.memory_space<vmem>>) semaphore(%arg22 : memref<!tpu.dma_semaphore, #tpu.memory_space<semaphore_mem>>) {add = true}
      %dma_wait3A_144 = arith.constant 0 : i32
      %dma_wait3A_145 = arith.constant 0 : i32
      %dma_wait3A_146 = tpu.memref_slice %arg4[%dma_wait3A_144, %dma_wait3A_145] : memref<6144x128xf32, #tpu.memory_space<hbm>> -> memref<112x128xf32, #tpu.memory_space<hbm>>
      %dma_wait3A_147 = arith.constant 0 : i32
      %dma_wait3A_148 = arith.constant 0 : i32
      %dma_wait3A_149 = tpu.memref_slice %arg4[%dma_wait3A_147, %dma_wait3A_148] : memref<6144x128xf32, #tpu.memory_space<hbm>> -> memref<112x128xf32, #tpu.memory_space<hbm>>
      tpu.wait_dma2 semaphore(%arg15 : memref<!tpu.dma_semaphore, #tpu.memory_space<semaphore_mem>>) src(%dma_wait3A_149 : memref<112x128xf32, #tpu.memory_space<hbm>>) dst(%arg11 : memref<112x128xf32, #tpu.memory_space<vmem>>)
      %dma_start3A_150 = arith.constant 88 : i32
      %dma_start3A_151 = arith.constant 0 : i32
      %dma_start3A_152 = tpu.memref_slice %arg10[%dma_start3A_150, %dma_start3A_151] : memref<90x112xi32, #tpu.memory_space<vmem>> -> memref<1x112xi32, #tpu.memory_space<vmem>>
      %dma_start3A_153 = tpu.memref_squeeze %dma_start3A_152 : memref<1x112xi32, #tpu.memory_space<vmem>> -> memref<112xi32, #tpu.memory_space<vmem>>
      %dma_start3A_154 = arith.constant 0 : i32
      %dma_start3A_155 = arith.constant 0 : i32
      %dma_start3A_156 = tpu.memref_slice %arg23[%dma_start3A_154, %dma_start3A_155] : memref<6144x128xf32, #tpu.memory_space<vmem_shared>> -> memref<6144x128xf32, #tpu.memory_space<vmem_shared>>
      tpu.enqueue_indirect_dma source(%arg11 : memref<112x128xf32, #tpu.memory_space<vmem>>) target(%dma_start3A_156 : memref<6144x128xf32, #tpu.memory_space<vmem_shared>>) offsets(%dma_start3A_153 : memref<112xi32, #tpu.memory_space<vmem>>) semaphore(%arg19 : memref<!tpu.dma_semaphore, #tpu.memory_space<semaphore_mem>>) {add = true}
      %dma_wait3A_157 = arith.constant 0 : i32
      %dma_wait3A_158 = arith.constant 0 : i32
      %dma_wait3A_159 = tpu.memref_slice %arg4[%dma_wait3A_157, %dma_wait3A_158] : memref<6144x128xf32, #tpu.memory_space<hbm>> -> memref<112x128xf32, #tpu.memory_space<hbm>>
      %dma_wait3A_160 = arith.constant 0 : i32
      %dma_wait3A_161 = arith.constant 0 : i32
      %dma_wait3A_162 = tpu.memref_slice %arg4[%dma_wait3A_160, %dma_wait3A_161] : memref<6144x128xf32, #tpu.memory_space<hbm>> -> memref<112x128xf32, #tpu.memory_space<hbm>>
      tpu.wait_dma2 semaphore(%arg16 : memref<!tpu.dma_semaphore, #tpu.memory_space<semaphore_mem>>) src(%dma_wait3A_162 : memref<112x128xf32, #tpu.memory_space<hbm>>) dst(%arg12 : memref<112x128xf32, #tpu.memory_space<vmem>>)
      %dma_start3A_163 = arith.constant 89 : i32
      %dma_start3A_164 = arith.constant 0 : i32
      %dma_start3A_165 = tpu.memref_slice %arg10[%dma_start3A_163, %dma_start3A_164] : memref<90x112xi32, #tpu.memory_space<vmem>> -> memref<1x112xi32, #tpu.memory_space<vmem>>
      %dma_start3A_166 = tpu.memref_squeeze %dma_start3A_165 : memref<1x112xi32, #tpu.memory_space<vmem>> -> memref<112xi32, #tpu.memory_space<vmem>>
      %dma_start3A_167 = arith.constant 0 : i32
      %dma_start3A_168 = arith.constant 0 : i32
      %dma_start3A_169 = tpu.memref_slice %arg23[%dma_start3A_167, %dma_start3A_168] : memref<6144x128xf32, #tpu.memory_space<vmem_shared>> -> memref<6144x128xf32, #tpu.memory_space<vmem_shared>>
      tpu.enqueue_indirect_dma source(%arg12 : memref<112x128xf32, #tpu.memory_space<vmem>>) target(%dma_start3A_169 : memref<6144x128xf32, #tpu.memory_space<vmem_shared>>) offsets(%dma_start3A_166 : memref<112xi32, #tpu.memory_space<vmem>>) semaphore(%arg20 : memref<!tpu.dma_semaphore, #tpu.memory_space<semaphore_mem>>) {add = true}
      %dma_wait3A_170 = arith.constant 0 : i32
      %dma_wait3A_171 = arith.constant 0 : i32
      %dma_wait3A_172 = tpu.memref_slice %arg4[%dma_wait3A_170, %dma_wait3A_171] : memref<6144x128xf32, #tpu.memory_space<hbm>> -> memref<112x128xf32, #tpu.memory_space<hbm>>
      %dma_wait3A_173 = arith.constant 0 : i32
      %dma_wait3A_174 = arith.constant 0 : i32
      %dma_wait3A_175 = tpu.memref_slice %arg4[%dma_wait3A_173, %dma_wait3A_174] : memref<6144x128xf32, #tpu.memory_space<hbm>> -> memref<112x128xf32, #tpu.memory_space<hbm>>
      tpu.wait_dma2 semaphore(%arg21 : memref<!tpu.dma_semaphore, #tpu.memory_space<semaphore_mem>>) src(%dma_wait3A_175 : memref<112x128xf32, #tpu.memory_space<hbm>>) dst(%arg13 : memref<112x128xf32, #tpu.memory_space<vmem>>)
      %dma_wait3A_176 = arith.constant 0 : i32
      %dma_wait3A_177 = arith.constant 0 : i32
      %dma_wait3A_178 = tpu.memref_slice %arg4[%dma_wait3A_176, %dma_wait3A_177] : memref<6144x128xf32, #tpu.memory_space<hbm>> -> memref<112x128xf32, #tpu.memory_space<hbm>>
      %dma_wait3A_179 = arith.constant 0 : i32
      %dma_wait3A_180 = arith.constant 0 : i32
      %dma_wait3A_181 = tpu.memref_slice %arg4[%dma_wait3A_179, %dma_wait3A_180] : memref<6144x128xf32, #tpu.memory_space<hbm>> -> memref<112x128xf32, #tpu.memory_space<hbm>>
      tpu.wait_dma2 semaphore(%arg22 : memref<!tpu.dma_semaphore, #tpu.memory_space<semaphore_mem>>) src(%dma_wait3A_181 : memref<112x128xf32, #tpu.memory_space<hbm>>) dst(%arg14 : memref<112x128xf32, #tpu.memory_space<vmem>>)
      %dma_wait3A_182 = arith.constant 0 : i32
      %dma_wait3A_183 = arith.constant 0 : i32
      %dma_wait3A_184 = tpu.memref_slice %arg4[%dma_wait3A_182, %dma_wait3A_183] : memref<6144x128xf32, #tpu.memory_space<hbm>> -> memref<112x128xf32, #tpu.memory_space<hbm>>
      %dma_wait3A_185 = arith.constant 0 : i32
      %dma_wait3A_186 = arith.constant 0 : i32
      %dma_wait3A_187 = tpu.memref_slice %arg4[%dma_wait3A_185, %dma_wait3A_186] : memref<6144x128xf32, #tpu.memory_space<hbm>> -> memref<112x128xf32, #tpu.memory_space<hbm>>
      tpu.wait_dma2 semaphore(%arg19 : memref<!tpu.dma_semaphore, #tpu.memory_space<semaphore_mem>>) src(%dma_wait3A_187 : memref<112x128xf32, #tpu.memory_space<hbm>>) dst(%arg11 : memref<112x128xf32, #tpu.memory_space<vmem>>)
      %dma_wait3A_188 = arith.constant 0 : i32
      %dma_wait3A_189 = arith.constant 0 : i32
      %dma_wait3A_190 = tpu.memref_slice %arg4[%dma_wait3A_188, %dma_wait3A_189] : memref<6144x128xf32, #tpu.memory_space<hbm>> -> memref<112x128xf32, #tpu.memory_space<hbm>>
      %dma_wait3A_191 = arith.constant 0 : i32
      %dma_wait3A_192 = arith.constant 0 : i32
      %dma_wait3A_193 = tpu.memref_slice %arg4[%dma_wait3A_191, %dma_wait3A_192] : memref<6144x128xf32, #tpu.memory_space<hbm>> -> memref<112x128xf32, #tpu.memory_space<hbm>>
      tpu.wait_dma2 semaphore(%arg20 : memref<!tpu.dma_semaphore, #tpu.memory_space<semaphore_mem>>) src(%dma_wait3A_193 : memref<112x128xf32, #tpu.memory_space<hbm>>) dst(%arg12 : memref<112x128xf32, #tpu.memory_space<vmem>>)
    } else {
    }
    %barrier3A_18 = arith.constant 0 : index
    tpu.barrier barrier_id(%barrier3A_18)
    %eq3A_19 = arith.constant 0 : i32
    %eq3A_20 = arith.cmpi eq, %arg0, %eq3A_19 : i32
    %convert_element_type3A_21 = arith.extui %eq3A_20 : i1 to i32
    %cond3A_22 = arith.constant 0 : i32
    %cond3A_23 = arith.cmpi ne, %convert_element_type3A_21, %cond3A_22 : i32
    scf.if %cond3A_23 {
      "tpu.region"() ({
        %run_scoped3A = tpu.sem_alloc : memref<!tpu.dma_semaphore, #tpu.memory_space<semaphore_mem>>
        %dma_start3A = arith.constant 0 : i32
        %dma_start3A_29 = tpu.memref_slice %arg7[%mul3A_0, %dma_start3A] : memref<6144x128xf32, #tpu.memory_space<hbm>> -> memref<384x128xf32, #tpu.memory_space<hbm>>
        %dma_start3A_30 = arith.constant 0 : i32
        %dma_start3A_31 = tpu.memref_slice %arg23[%mul3A_0, %dma_start3A_30] : memref<6144x128xf32, #tpu.memory_space<vmem_shared>> -> memref<384x128xf32, #tpu.memory_space<vmem_shared>>
        tpu.enqueue_dma source(%dma_start3A_31 : memref<384x128xf32, #tpu.memory_space<vmem_shared>>) target(%dma_start3A_29 : memref<384x128xf32, #tpu.memory_space<hbm>>) target_semaphore(%run_scoped3A : memref<!tpu.dma_semaphore, #tpu.memory_space<semaphore_mem>>)
        %dma_wait3A = arith.constant 0 : i32
        %dma_wait3A_32 = tpu.memref_slice %arg7[%mul3A_0, %dma_wait3A] : memref<6144x128xf32, #tpu.memory_space<hbm>> -> memref<384x128xf32, #tpu.memory_space<hbm>>
        %dma_wait3A_33 = arith.constant 0 : i32
        %dma_wait3A_34 = tpu.memref_slice %arg23[%mul3A_0, %dma_wait3A_33] : memref<6144x128xf32, #tpu.memory_space<vmem_shared>> -> memref<384x128xf32, #tpu.memory_space<vmem_shared>>
        tpu.wait_dma2 semaphore(%run_scoped3A : memref<!tpu.dma_semaphore, #tpu.memory_space<semaphore_mem>>) src(%dma_wait3A_34 : memref<384x128xf32, #tpu.memory_space<vmem_shared>>) dst(%dma_wait3A_32 : memref<384x128xf32, #tpu.memory_space<hbm>>)
        tpu.yield
      }) : () -> ()
    } else {
    }
    %eq3A_24 = arith.constant 1 : i32
    %eq3A_25 = arith.cmpi eq, %arg0, %eq3A_24 : i32
    %convert_element_type3A_26 = arith.extui %eq3A_25 : i1 to i32
    %cond3A_27 = arith.constant 0 : i32
    %cond3A_28 = arith.cmpi ne, %convert_element_type3A_26, %cond3A_27 : i32
    scf.if %cond3A_28 {
      "tpu.region"() ({
        %run_scoped3A = tpu.sem_alloc : memref<!tpu.dma_semaphore, #tpu.memory_space<semaphore_mem>>
        %dma_start3A = arith.constant 0 : i32
        %dma_start3A_29 = tpu.memref_slice %arg8[%mul3A_0, %dma_start3A] : memref<6144x128xf32, #tpu.memory_space<hbm>> -> memref<384x128xf32, #tpu.memory_space<hbm>>
        %dma_start3A_30 = arith.constant 0 : i32
        %dma_start3A_31 = tpu.memref_slice %arg23[%mul3A_0, %dma_start3A_30] : memref<6144x128xf32, #tpu.memory_space<vmem_shared>> -> memref<384x128xf32, #tpu.memory_space<vmem_shared>>
        tpu.enqueue_dma source(%dma_start3A_31 : memref<384x128xf32, #tpu.memory_space<vmem_shared>>) target(%dma_start3A_29 : memref<384x128xf32, #tpu.memory_space<hbm>>) target_semaphore(%run_scoped3A : memref<!tpu.dma_semaphore, #tpu.memory_space<semaphore_mem>>)
        %dma_wait3A = arith.constant 0 : i32
        %dma_wait3A_32 = tpu.memref_slice %arg8[%mul3A_0, %dma_wait3A] : memref<6144x128xf32, #tpu.memory_space<hbm>> -> memref<384x128xf32, #tpu.memory_space<hbm>>
        %dma_wait3A_33 = arith.constant 0 : i32
        %dma_wait3A_34 = tpu.memref_slice %arg23[%mul3A_0, %dma_wait3A_33] : memref<6144x128xf32, #tpu.memory_space<vmem_shared>> -> memref<384x128xf32, #tpu.memory_space<vmem_shared>>
        tpu.wait_dma2 semaphore(%run_scoped3A : memref<!tpu.dma_semaphore, #tpu.memory_space<semaphore_mem>>) src(%dma_wait3A_34 : memref<384x128xf32, #tpu.memory_space<vmem_shared>>) dst(%dma_wait3A_32 : memref<384x128xf32, #tpu.memory_space<hbm>>)
        tpu.yield
      }) : () -> ()
    } else {
    }
    return
  }
}

#map = affine_map<(d0, d1) -> (0, 0, 0, 0)>
#map1 = affine_map<(d0, d1) -> (0)>
module attributes {stable_mosaic.version = 14 : i64} {
  func.func @_sc_stats(%arg0: i32, %arg1: i32, %arg2: memref<2x16x125x80xi32, #tpu.memory_space<hbm>>, %arg3: memref<80xf32, #tpu.memory_space<hbm>>, %arg4: memref<384xf32, #tpu.memory_space<hbm>>, %arg5: memref<12288xf32, #tpu.memory_space<hbm>>, %arg6: memref<12288xf32, #tpu.memory_space<hbm>>, %arg7: memref<125x80xi32, #tpu.memory_space<vmem>>, %arg8: memref<80xf32, #tpu.memory_space<vmem>>, %arg9: memref<384xf32, #tpu.memory_space<vmem>>, %arg10: memref<384xf32, #tpu.memory_space<vmem>>, %arg11: memref<384xf32, #tpu.memory_space<vmem>>, %arg12: memref<!tpu.dma_semaphore, #tpu.memory_space<semaphore_mem>>, %arg13: memref<!tpu.dma_semaphore, #tpu.memory_space<semaphore_mem>>, %arg14: memref<!tpu.dma_semaphore, #tpu.memory_space<semaphore_mem>>, %arg15: memref<!tpu.dma_semaphore, #tpu.memory_space<semaphore_mem>>, %arg16: memref<!tpu.dma_semaphore, #tpu.memory_space<semaphore_mem>>, %arg17: memref<!tpu.dma_semaphore, #tpu.memory_space<semaphore_mem>>, %arg18: memref<!tpu.dma_semaphore, #tpu.memory_space<semaphore_mem>>, %arg19: memref<!tpu.dma_semaphore, #tpu.memory_space<semaphore_mem>>, %arg20: memref<6144xf32, #tpu.memory_space<vmem_shared>>) attributes {dimension_semantics = [#tpu.dimension_semantics<core_parallel>, #tpu.dimension_semantics<subcore_parallel>], iteration_bounds = array<i64: 2, 16>, scalar_prefetch = 0 : i64, scratch_operands = 14 : i64, tpu.core_type = #tpu.core_type<sc_vector_subcore>, window_params = [{transform_indices = #map}, {transform_indices = #map1}, {transform_indices = #map1}, {transform_indices = #map1}, {transform_indices = #map1}]} {
    %mul3A = arith.constant 384 : i32
    %mul3A_0 = arith.muli %arg1, %mul3A : i32
    "tpu.region"() ({
      %run_scoped3A = tpu.sem_alloc : memref<!tpu.dma_semaphore, #tpu.memory_space<semaphore_mem>>
      tpu.enqueue_dma source(%arg4 : memref<384xf32, #tpu.memory_space<hbm>>) target(%arg9 : memref<384xf32, #tpu.memory_space<vmem>>) target_semaphore(%run_scoped3A : memref<!tpu.dma_semaphore, #tpu.memory_space<semaphore_mem>>)
      tpu.wait_dma2 semaphore(%run_scoped3A : memref<!tpu.dma_semaphore, #tpu.memory_space<semaphore_mem>>) src(%arg4 : memref<384xf32, #tpu.memory_space<hbm>>) dst(%arg9 : memref<384xf32, #tpu.memory_space<vmem>>)
      tpu.yield
    }) : () -> ()
    "tpu.region"() ({
      %run_scoped3A = tpu.sem_alloc : memref<!tpu.dma_semaphore, #tpu.memory_space<semaphore_mem>>
      %dma_start3A_95 = tpu.memref_slice %arg20[%mul3A_0] : memref<6144xf32, #tpu.memory_space<vmem_shared>> -> memref<384xf32, #tpu.memory_space<vmem_shared>>
      %dma_start3A_96 = tpu.memref_slice %arg20[%mul3A_0] : memref<6144xf32, #tpu.memory_space<vmem_shared>> -> memref<384xf32, #tpu.memory_space<vmem_shared>>
      tpu.enqueue_dma source(%arg9 : memref<384xf32, #tpu.memory_space<vmem>>) target(%dma_start3A_96 : memref<384xf32, #tpu.memory_space<vmem_shared>>) target_semaphore(%run_scoped3A : memref<!tpu.dma_semaphore, #tpu.memory_space<semaphore_mem>>)
      %dma_wait3A_97 = tpu.memref_slice %arg20[%mul3A_0] : memref<6144xf32, #tpu.memory_space<vmem_shared>> -> memref<384xf32, #tpu.memory_space<vmem_shared>>
      %dma_wait3A_98 = tpu.memref_slice %arg20[%mul3A_0] : memref<6144xf32, #tpu.memory_space<vmem_shared>> -> memref<384xf32, #tpu.memory_space<vmem_shared>>
      tpu.wait_dma2 semaphore(%run_scoped3A : memref<!tpu.dma_semaphore, #tpu.memory_space<semaphore_mem>>) src(%arg9 : memref<384xf32, #tpu.memory_space<vmem>>) dst(%dma_wait3A_98 : memref<384xf32, #tpu.memory_space<vmem_shared>>)
      tpu.yield
    }) : () -> ()
    "tpu.region"() ({
      %run_scoped3A = tpu.sem_alloc : memref<!tpu.dma_semaphore, #tpu.memory_space<semaphore_mem>>
      tpu.enqueue_dma source(%arg3 : memref<80xf32, #tpu.memory_space<hbm>>) target(%arg8 : memref<80xf32, #tpu.memory_space<vmem>>) target_semaphore(%run_scoped3A : memref<!tpu.dma_semaphore, #tpu.memory_space<semaphore_mem>>)
      tpu.wait_dma2 semaphore(%run_scoped3A : memref<!tpu.dma_semaphore, #tpu.memory_space<semaphore_mem>>) src(%arg3 : memref<80xf32, #tpu.memory_space<hbm>>) dst(%arg8 : memref<80xf32, #tpu.memory_space<vmem>>)
      tpu.yield
    }) : () -> ()
    "tpu.region"() ({
      %run_scoped3A = tpu.sem_alloc : memref<!tpu.dma_semaphore, #tpu.memory_space<semaphore_mem>>
      %dma_start3A_95 = arith.constant 0 : i32
      %dma_start3A_96 = arith.constant 0 : i32
      %dma_start3A_97 = tpu.memref_slice %arg2[%arg0, %arg1, %dma_start3A_95, %dma_start3A_96] : memref<2x16x125x80xi32, #tpu.memory_space<hbm>> -> memref<1x1x125x80xi32, #tpu.memory_space<hbm>>
      %dma_start3A_98 = tpu.memref_squeeze %dma_start3A_97 : memref<1x1x125x80xi32, #tpu.memory_space<hbm>> -> memref<125x80xi32, #tpu.memory_space<hbm>>
      %dma_start3A_99 = arith.constant 0 : i32
      %dma_start3A_100 = arith.constant 0 : i32
      %dma_start3A_101 = tpu.memref_slice %arg2[%arg0, %arg1, %dma_start3A_99, %dma_start3A_100] : memref<2x16x125x80xi32, #tpu.memory_space<hbm>> -> memref<1x1x125x80xi32, #tpu.memory_space<hbm>>
      %dma_start3A_102 = tpu.memref_squeeze %dma_start3A_101 : memref<1x1x125x80xi32, #tpu.memory_space<hbm>> -> memref<125x80xi32, #tpu.memory_space<hbm>>
      tpu.enqueue_dma source(%dma_start3A_102 : memref<125x80xi32, #tpu.memory_space<hbm>>) target(%arg7 : memref<125x80xi32, #tpu.memory_space<vmem>>) target_semaphore(%run_scoped3A : memref<!tpu.dma_semaphore, #tpu.memory_space<semaphore_mem>>)
      %dma_wait3A_103 = arith.constant 0 : i32
      %dma_wait3A_104 = arith.constant 0 : i32
      %dma_wait3A_105 = tpu.memref_slice %arg2[%arg0, %arg1, %dma_wait3A_103, %dma_wait3A_104] : memref<2x16x125x80xi32, #tpu.memory_space<hbm>> -> memref<1x1x125x80xi32, #tpu.memory_space<hbm>>
      %dma_wait3A_106 = tpu.memref_squeeze %dma_wait3A_105 : memref<1x1x125x80xi32, #tpu.memory_space<hbm>> -> memref<125x80xi32, #tpu.memory_space<hbm>>
      %dma_wait3A_107 = arith.constant 0 : i32
      %dma_wait3A_108 = arith.constant 0 : i32
      %dma_wait3A_109 = tpu.memref_slice %arg2[%arg0, %arg1, %dma_wait3A_107, %dma_wait3A_108] : memref<2x16x125x80xi32, #tpu.memory_space<hbm>> -> memref<1x1x125x80xi32, #tpu.memory_space<hbm>>
      %dma_wait3A_110 = tpu.memref_squeeze %dma_wait3A_109 : memref<1x1x125x80xi32, #tpu.memory_space<hbm>> -> memref<125x80xi32, #tpu.memory_space<hbm>>
      tpu.wait_dma2 semaphore(%run_scoped3A : memref<!tpu.dma_semaphore, #tpu.memory_space<semaphore_mem>>) src(%dma_wait3A_110 : memref<125x80xi32, #tpu.memory_space<hbm>>) dst(%arg7 : memref<125x80xi32, #tpu.memory_space<vmem>>)
      tpu.yield
    }) : () -> ()
    %barrier3A = arith.constant 0 : index
    tpu.barrier barrier_id(%barrier3A)
    %scan3A = arith.constant 0 : i32
    %scan3A_1 = arith.constant 0 : i32
    %scan3A_2 = arith.constant 15 : i32
    %scan3A_3 = arith.addi %scan3A_1, %scan3A_2 : i32
    %scan3A_4 = arith.constant 1 : i32
    scf.for %scan3A_95 = %scan3A_1 to %scan3A_3 step %scan3A_4  : i32 {
      %gt3A = arith.constant 0 : i32
      %gt3A_96 = arith.cmpi sgt, %scan3A_95, %gt3A : i32
      %convert_element_type3A = arith.extui %gt3A_96 : i1 to i32
      %cond3A = arith.constant 0 : i32
      %cond3A_97 = arith.cmpi ne, %convert_element_type3A, %cond3A : i32
      scf.if %cond3A_97 {
        %dma_wait3A_205 = arith.constant 0 : i32
        %dma_wait3A_206 = tpu.memref_slice %arg20[%dma_wait3A_205] : memref<6144xf32, #tpu.memory_space<vmem_shared>> -> memref<80xf32, #tpu.memory_space<vmem_shared>>
        %dma_wait3A_207 = arith.constant 0 : i32
        %dma_wait3A_208 = tpu.memref_slice %arg20[%dma_wait3A_207] : memref<6144xf32, #tpu.memory_space<vmem_shared>> -> memref<80xf32, #tpu.memory_space<vmem_shared>>
        tpu.wait_dma2 semaphore(%arg12 : memref<!tpu.dma_semaphore, #tpu.memory_space<semaphore_mem>>) src(%arg8 : memref<80xf32, #tpu.memory_space<vmem>>) dst(%dma_wait3A_208 : memref<80xf32, #tpu.memory_space<vmem_shared>>)
      } else {
      }
      %mul3A_98 = arith.constant 8 : i32
      %mul3A_99 = arith.muli %scan3A_95, %mul3A_98 : i32
      %add3A_100 = arith.constant 0 : i32
      %add3A_101 = arith.addi %mul3A_99, %add3A_100 : i32
      %dma_start3A_102 = arith.constant 0 : i32
      %dma_start3A_103 = tpu.memref_slice %arg7[%add3A_101, %dma_start3A_102] : memref<125x80xi32, #tpu.memory_space<vmem>> -> memref<1x80xi32, #tpu.memory_space<vmem>>
      %dma_start3A_104 = tpu.memref_squeeze %dma_start3A_103 : memref<1x80xi32, #tpu.memory_space<vmem>> -> memref<80xi32, #tpu.memory_space<vmem>>
      %dma_start3A_105 = arith.constant 0 : i32
      %dma_start3A_106 = tpu.memref_slice %arg20[%dma_start3A_105] : memref<6144xf32, #tpu.memory_space<vmem_shared>> -> memref<6144xf32, #tpu.memory_space<vmem_shared>>
      tpu.enqueue_indirect_dma source(%arg8 : memref<80xf32, #tpu.memory_space<vmem>>) target(%dma_start3A_106 : memref<6144xf32, #tpu.memory_space<vmem_shared>>) offsets(%dma_start3A_104 : memref<80xi32, #tpu.memory_space<vmem>>) semaphore(%arg12 : memref<!tpu.dma_semaphore, #tpu.memory_space<semaphore_mem>>) {add = true}
      %gt3A_107 = arith.constant 0 : i32
      %gt3A_108 = arith.cmpi sgt, %scan3A_95, %gt3A_107 : i32
      %convert_element_type3A_109 = arith.extui %gt3A_108 : i1 to i32
      %cond3A_110 = arith.constant 0 : i32
      %cond3A_111 = arith.cmpi ne, %convert_element_type3A_109, %cond3A_110 : i32
      scf.if %cond3A_111 {
        %dma_wait3A_205 = arith.constant 0 : i32
        %dma_wait3A_206 = tpu.memref_slice %arg20[%dma_wait3A_205] : memref<6144xf32, #tpu.memory_space<vmem_shared>> -> memref<80xf32, #tpu.memory_space<vmem_shared>>
        %dma_wait3A_207 = arith.constant 0 : i32
        %dma_wait3A_208 = tpu.memref_slice %arg20[%dma_wait3A_207] : memref<6144xf32, #tpu.memory_space<vmem_shared>> -> memref<80xf32, #tpu.memory_space<vmem_shared>>
        tpu.wait_dma2 semaphore(%arg13 : memref<!tpu.dma_semaphore, #tpu.memory_space<semaphore_mem>>) src(%arg8 : memref<80xf32, #tpu.memory_space<vmem>>) dst(%dma_wait3A_208 : memref<80xf32, #tpu.memory_space<vmem_shared>>)
      } else {
      }
      %mul3A_112 = arith.constant 8 : i32
      %mul3A_113 = arith.muli %scan3A_95, %mul3A_112 : i32
      %add3A_114 = arith.constant 1 : i32
      %add3A_115 = arith.addi %mul3A_113, %add3A_114 : i32
      %dma_start3A_116 = arith.constant 0 : i32
      %dma_start3A_117 = tpu.memref_slice %arg7[%add3A_115, %dma_start3A_116] : memref<125x80xi32, #tpu.memory_space<vmem>> -> memref<1x80xi32, #tpu.memory_space<vmem>>
      %dma_start3A_118 = tpu.memref_squeeze %dma_start3A_117 : memref<1x80xi32, #tpu.memory_space<vmem>> -> memref<80xi32, #tpu.memory_space<vmem>>
      %dma_start3A_119 = arith.constant 0 : i32
      %dma_start3A_120 = tpu.memref_slice %arg20[%dma_start3A_119] : memref<6144xf32, #tpu.memory_space<vmem_shared>> -> memref<6144xf32, #tpu.memory_space<vmem_shared>>
      tpu.enqueue_indirect_dma source(%arg8 : memref<80xf32, #tpu.memory_space<vmem>>) target(%dma_start3A_120 : memref<6144xf32, #tpu.memory_space<vmem_shared>>) offsets(%dma_start3A_118 : memref<80xi32, #tpu.memory_space<vmem>>) semaphore(%arg13 : memref<!tpu.dma_semaphore, #tpu.memory_space<semaphore_mem>>) {add = true}
      %gt3A_121 = arith.constant 0 : i32
      %gt3A_122 = arith.cmpi sgt, %scan3A_95, %gt3A_121 : i32
      %convert_element_type3A_123 = arith.extui %gt3A_122 : i1 to i32
      %cond3A_124 = arith.constant 0 : i32
      %cond3A_125 = arith.cmpi ne, %convert_element_type3A_123, %cond3A_124 : i32
      scf.if %cond3A_125 {
        %dma_wait3A_205 = arith.constant 0 : i32
        %dma_wait3A_206 = tpu.memref_slice %arg20[%dma_wait3A_205] : memref<6144xf32, #tpu.memory_space<vmem_shared>> -> memref<80xf32, #tpu.memory_space<vmem_shared>>
        %dma_wait3A_207 = arith.constant 0 : i32
        %dma_wait3A_208 = tpu.memref_slice %arg20[%dma_wait3A_207] : memref<6144xf32, #tpu.memory_space<vmem_shared>> -> memref<80xf32, #tpu.memory_space<vmem_shared>>
        tpu.wait_dma2 semaphore(%arg14 : memref<!tpu.dma_semaphore, #tpu.memory_space<semaphore_mem>>) src(%arg8 : memref<80xf32, #tpu.memory_space<vmem>>) dst(%dma_wait3A_208 : memref<80xf32, #tpu.memory_space<vmem_shared>>)
      } else {
      }
      %mul3A_126 = arith.constant 8 : i32
      %mul3A_127 = arith.muli %scan3A_95, %mul3A_126 : i32
      %add3A_128 = arith.constant 2 : i32
      %add3A_129 = arith.addi %mul3A_127, %add3A_128 : i32
      %dma_start3A_130 = arith.constant 0 : i32
      %dma_start3A_131 = tpu.memref_slice %arg7[%add3A_129, %dma_start3A_130] : memref<125x80xi32, #tpu.memory_space<vmem>> -> memref<1x80xi32, #tpu.memory_space<vmem>>
      %dma_start3A_132 = tpu.memref_squeeze %dma_start3A_131 : memref<1x80xi32, #tpu.memory_space<vmem>> -> memref<80xi32, #tpu.memory_space<vmem>>
      %dma_start3A_133 = arith.constant 0 : i32
      %dma_start3A_134 = tpu.memref_slice %arg20[%dma_start3A_133] : memref<6144xf32, #tpu.memory_space<vmem_shared>> -> memref<6144xf32, #tpu.memory_space<vmem_shared>>
      tpu.enqueue_indirect_dma source(%arg8 : memref<80xf32, #tpu.memory_space<vmem>>) target(%dma_start3A_134 : memref<6144xf32, #tpu.memory_space<vmem_shared>>) offsets(%dma_start3A_132 : memref<80xi32, #tpu.memory_space<vmem>>) semaphore(%arg14 : memref<!tpu.dma_semaphore, #tpu.memory_space<semaphore_mem>>) {add = true}
      %gt3A_135 = arith.constant 0 : i32
      %gt3A_136 = arith.cmpi sgt, %scan3A_95, %gt3A_135 : i32
      %convert_element_type3A_137 = arith.extui %gt3A_136 : i1 to i32
      %cond3A_138 = arith.constant 0 : i32
      %cond3A_139 = arith.cmpi ne, %convert_element_type3A_137, %cond3A_138 : i32
      scf.if %cond3A_139 {
        %dma_wait3A_205 = arith.constant 0 : i32
        %dma_wait3A_206 = tpu.memref_slice %arg20[%dma_wait3A_205] : memref<6144xf32, #tpu.memory_space<vmem_shared>> -> memref<80xf32, #tpu.memory_space<vmem_shared>>
        %dma_wait3A_207 = arith.constant 0 : i32
        %dma_wait3A_208 = tpu.memref_slice %arg20[%dma_wait3A_207] : memref<6144xf32, #tpu.memory_space<vmem_shared>> -> memref<80xf32, #tpu.memory_space<vmem_shared>>
        tpu.wait_dma2 semaphore(%arg15 : memref<!tpu.dma_semaphore, #tpu.memory_space<semaphore_mem>>) src(%arg8 : memref<80xf32, #tpu.memory_space<vmem>>) dst(%dma_wait3A_208 : memref<80xf32, #tpu.memory_space<vmem_shared>>)
      } else {
      }
      %mul3A_140 = arith.constant 8 : i32
      %mul3A_141 = arith.muli %scan3A_95, %mul3A_140 : i32
      %add3A_142 = arith.constant 3 : i32
      %add3A_143 = arith.addi %mul3A_141, %add3A_142 : i32
      %dma_start3A_144 = arith.constant 0 : i32
      %dma_start3A_145 = tpu.memref_slice %arg7[%add3A_143, %dma_start3A_144] : memref<125x80xi32, #tpu.memory_space<vmem>> -> memref<1x80xi32, #tpu.memory_space<vmem>>
      %dma_start3A_146 = tpu.memref_squeeze %dma_start3A_145 : memref<1x80xi32, #tpu.memory_space<vmem>> -> memref<80xi32, #tpu.memory_space<vmem>>
      %dma_start3A_147 = arith.constant 0 : i32
      %dma_start3A_148 = tpu.memref_slice %arg20[%dma_start3A_147] : memref<6144xf32, #tpu.memory_space<vmem_shared>> -> memref<6144xf32, #tpu.memory_space<vmem_shared>>
      tpu.enqueue_indirect_dma source(%arg8 : memref<80xf32, #tpu.memory_space<vmem>>) target(%dma_start3A_148 : memref<6144xf32, #tpu.memory_space<vmem_shared>>) offsets(%dma_start3A_146 : memref<80xi32, #tpu.memory_space<vmem>>) semaphore(%arg15 : memref<!tpu.dma_semaphore, #tpu.memory_space<semaphore_mem>>) {add = true}
      %gt3A_149 = arith.constant 0 : i32
      %gt3A_150 = arith.cmpi sgt, %scan3A_95, %gt3A_149 : i32
      %convert_element_type3A_151 = arith.extui %gt3A_150 : i1 to i32
      %cond3A_152 = arith.constant 0 : i32
      %cond3A_153 = arith.cmpi ne, %convert_element_type3A_151, %cond3A_152 : i32
      scf.if %cond3A_153 {
        %dma_wait3A_205 = arith.constant 0 : i32
        %dma_wait3A_206 = tpu.memref_slice %arg20[%dma_wait3A_205] : memref<6144xf32, #tpu.memory_space<vmem_shared>> -> memref<80xf32, #tpu.memory_space<vmem_shared>>
        %dma_wait3A_207 = arith.constant 0 : i32
        %dma_wait3A_208 = tpu.memref_slice %arg20[%dma_wait3A_207] : memref<6144xf32, #tpu.memory_space<vmem_shared>> -> memref<80xf32, #tpu.memory_space<vmem_shared>>
        tpu.wait_dma2 semaphore(%arg16 : memref<!tpu.dma_semaphore, #tpu.memory_space<semaphore_mem>>) src(%arg8 : memref<80xf32, #tpu.memory_space<vmem>>) dst(%dma_wait3A_208 : memref<80xf32, #tpu.memory_space<vmem_shared>>)
      } else {
      }
      %mul3A_154 = arith.constant 8 : i32
      %mul3A_155 = arith.muli %scan3A_95, %mul3A_154 : i32
      %add3A_156 = arith.constant 4 : i32
      %add3A_157 = arith.addi %mul3A_155, %add3A_156 : i32
      %dma_start3A_158 = arith.constant 0 : i32
      %dma_start3A_159 = tpu.memref_slice %arg7[%add3A_157, %dma_start3A_158] : memref<125x80xi32, #tpu.memory_space<vmem>> -> memref<1x80xi32, #tpu.memory_space<vmem>>
      %dma_start3A_160 = tpu.memref_squeeze %dma_start3A_159 : memref<1x80xi32, #tpu.memory_space<vmem>> -> memref<80xi32, #tpu.memory_space<vmem>>
      %dma_start3A_161 = arith.constant 0 : i32
      %dma_start3A_162 = tpu.memref_slice %arg20[%dma_start3A_161] : memref<6144xf32, #tpu.memory_space<vmem_shared>> -> memref<6144xf32, #tpu.memory_space<vmem_shared>>
      tpu.enqueue_indirect_dma source(%arg8 : memref<80xf32, #tpu.memory_space<vmem>>) target(%dma_start3A_162 : memref<6144xf32, #tpu.memory_space<vmem_shared>>) offsets(%dma_start3A_160 : memref<80xi32, #tpu.memory_space<vmem>>) semaphore(%arg16 : memref<!tpu.dma_semaphore, #tpu.memory_space<semaphore_mem>>) {add = true}
      %gt3A_163 = arith.constant 0 : i32
      %gt3A_164 = arith.cmpi sgt, %scan3A_95, %gt3A_163 : i32
      %convert_element_type3A_165 = arith.extui %gt3A_164 : i1 to i32
      %cond3A_166 = arith.constant 0 : i32
      %cond3A_167 = arith.cmpi ne, %convert_element_type3A_165, %cond3A_166 : i32
      scf.if %cond3A_167 {
        %dma_wait3A_205 = arith.constant 0 : i32
        %dma_wait3A_206 = tpu.memref_slice %arg20[%dma_wait3A_205] : memref<6144xf32, #tpu.memory_space<vmem_shared>> -> memref<80xf32, #tpu.memory_space<vmem_shared>>
        %dma_wait3A_207 = arith.constant 0 : i32
        %dma_wait3A_208 = tpu.memref_slice %arg20[%dma_wait3A_207] : memref<6144xf32, #tpu.memory_space<vmem_shared>> -> memref<80xf32, #tpu.memory_space<vmem_shared>>
        tpu.wait_dma2 semaphore(%arg17 : memref<!tpu.dma_semaphore, #tpu.memory_space<semaphore_mem>>) src(%arg8 : memref<80xf32, #tpu.memory_space<vmem>>) dst(%dma_wait3A_208 : memref<80xf32, #tpu.memory_space<vmem_shared>>)
      } else {
      }
      %mul3A_168 = arith.constant 8 : i32
      %mul3A_169 = arith.muli %scan3A_95, %mul3A_168 : i32
      %add3A_170 = arith.constant 5 : i32
      %add3A_171 = arith.addi %mul3A_169, %add3A_170 : i32
      %dma_start3A_172 = arith.constant 0 : i32
      %dma_start3A_173 = tpu.memref_slice %arg7[%add3A_171, %dma_start3A_172] : memref<125x80xi32, #tpu.memory_space<vmem>> -> memref<1x80xi32, #tpu.memory_space<vmem>>
      %dma_start3A_174 = tpu.memref_squeeze %dma_start3A_173 : memref<1x80xi32, #tpu.memory_space<vmem>> -> memref<80xi32, #tpu.memory_space<vmem>>
      %dma_start3A_175 = arith.constant 0 : i32
      %dma_start3A_176 = tpu.memref_slice %arg20[%dma_start3A_175] : memref<6144xf32, #tpu.memory_space<vmem_shared>> -> memref<6144xf32, #tpu.memory_space<vmem_shared>>
      tpu.enqueue_indirect_dma source(%arg8 : memref<80xf32, #tpu.memory_space<vmem>>) target(%dma_start3A_176 : memref<6144xf32, #tpu.memory_space<vmem_shared>>) offsets(%dma_start3A_174 : memref<80xi32, #tpu.memory_space<vmem>>) semaphore(%arg17 : memref<!tpu.dma_semaphore, #tpu.memory_space<semaphore_mem>>) {add = true}
      %gt3A_177 = arith.constant 0 : i32
      %gt3A_178 = arith.cmpi sgt, %scan3A_95, %gt3A_177 : i32
      %convert_element_type3A_179 = arith.extui %gt3A_178 : i1 to i32
      %cond3A_180 = arith.constant 0 : i32
      %cond3A_181 = arith.cmpi ne, %convert_element_type3A_179, %cond3A_180 : i32
      scf.if %cond3A_181 {
        %dma_wait3A_205 = arith.constant 0 : i32
        %dma_wait3A_206 = tpu.memref_slice %arg20[%dma_wait3A_205] : memref<6144xf32, #tpu.memory_space<vmem_shared>> -> memref<80xf32, #tpu.memory_space<vmem_shared>>
        %dma_wait3A_207 = arith.constant 0 : i32
        %dma_wait3A_208 = tpu.memref_slice %arg20[%dma_wait3A_207] : memref<6144xf32, #tpu.memory_space<vmem_shared>> -> memref<80xf32, #tpu.memory_space<vmem_shared>>
        tpu.wait_dma2 semaphore(%arg18 : memref<!tpu.dma_semaphore, #tpu.memory_space<semaphore_mem>>) src(%arg8 : memref<80xf32, #tpu.memory_space<vmem>>) dst(%dma_wait3A_208 : memref<80xf32, #tpu.memory_space<vmem_shared>>)
      } else {
      }
      %mul3A_182 = arith.constant 8 : i32
      %mul3A_183 = arith.muli %scan3A_95, %mul3A_182 : i32
      %add3A_184 = arith.constant 6 : i32
      %add3A_185 = arith.addi %mul3A_183, %add3A_184 : i32
      %dma_start3A_186 = arith.constant 0 : i32
      %dma_start3A_187 = tpu.memref_slice %arg7[%add3A_185, %dma_start3A_186] : memref<125x80xi32, #tpu.memory_space<vmem>> -> memref<1x80xi32, #tpu.memory_space<vmem>>
      %dma_start3A_188 = tpu.memref_squeeze %dma_start3A_187 : memref<1x80xi32, #tpu.memory_space<vmem>> -> memref<80xi32, #tpu.memory_space<vmem>>
      %dma_start3A_189 = arith.constant 0 : i32
      %dma_start3A_190 = tpu.memref_slice %arg20[%dma_start3A_189] : memref<6144xf32, #tpu.memory_space<vmem_shared>> -> memref<6144xf32, #tpu.memory_space<vmem_shared>>
      tpu.enqueue_indirect_dma source(%arg8 : memref<80xf32, #tpu.memory_space<vmem>>) target(%dma_start3A_190 : memref<6144xf32, #tpu.memory_space<vmem_shared>>) offsets(%dma_start3A_188 : memref<80xi32, #tpu.memory_space<vmem>>) semaphore(%arg18 : memref<!tpu.dma_semaphore, #tpu.memory_space<semaphore_mem>>) {add = true}
      %gt3A_191 = arith.constant 0 : i32
      %gt3A_192 = arith.cmpi sgt, %scan3A_95, %gt3A_191 : i32
      %convert_element_type3A_193 = arith.extui %gt3A_192 : i1 to i32
      %cond3A_194 = arith.constant 0 : i32
      %cond3A_195 = arith.cmpi ne, %convert_element_type3A_193, %cond3A_194 : i32
      scf.if %cond3A_195 {
        %dma_wait3A_205 = arith.constant 0 : i32
        %dma_wait3A_206 = tpu.memref_slice %arg20[%dma_wait3A_205] : memref<6144xf32, #tpu.memory_space<vmem_shared>> -> memref<80xf32, #tpu.memory_space<vmem_shared>>
        %dma_wait3A_207 = arith.constant 0 : i32
        %dma_wait3A_208 = tpu.memref_slice %arg20[%dma_wait3A_207] : memref<6144xf32, #tpu.memory_space<vmem_shared>> -> memref<80xf32, #tpu.memory_space<vmem_shared>>
        tpu.wait_dma2 semaphore(%arg19 : memref<!tpu.dma_semaphore, #tpu.memory_space<semaphore_mem>>) src(%arg8 : memref<80xf32, #tpu.memory_space<vmem>>) dst(%dma_wait3A_208 : memref<80xf32, #tpu.memory_space<vmem_shared>>)
      } else {
      }
      %mul3A_196 = arith.constant 8 : i32
      %mul3A_197 = arith.muli %scan3A_95, %mul3A_196 : i32
      %add3A_198 = arith.constant 7 : i32
      %add3A_199 = arith.addi %mul3A_197, %add3A_198 : i32
      %dma_start3A_200 = arith.constant 0 : i32
      %dma_start3A_201 = tpu.memref_slice %arg7[%add3A_199, %dma_start3A_200] : memref<125x80xi32, #tpu.memory_space<vmem>> -> memref<1x80xi32, #tpu.memory_space<vmem>>
      %dma_start3A_202 = tpu.memref_squeeze %dma_start3A_201 : memref<1x80xi32, #tpu.memory_space<vmem>> -> memref<80xi32, #tpu.memory_space<vmem>>
      %dma_start3A_203 = arith.constant 0 : i32
      %dma_start3A_204 = tpu.memref_slice %arg20[%dma_start3A_203] : memref<6144xf32, #tpu.memory_space<vmem_shared>> -> memref<6144xf32, #tpu.memory_space<vmem_shared>>
      tpu.enqueue_indirect_dma source(%arg8 : memref<80xf32, #tpu.memory_space<vmem>>) target(%dma_start3A_204 : memref<6144xf32, #tpu.memory_space<vmem_shared>>) offsets(%dma_start3A_202 : memref<80xi32, #tpu.memory_space<vmem>>) semaphore(%arg19 : memref<!tpu.dma_semaphore, #tpu.memory_space<semaphore_mem>>) {add = true}
    }
    %scan3A_5 = arith.constant 15 : i32
    %dma_wait3A = arith.constant 0 : i32
    %dma_wait3A_6 = tpu.memref_slice %arg20[%dma_wait3A] : memref<6144xf32, #tpu.memory_space<vmem_shared>> -> memref<80xf32, #tpu.memory_space<vmem_shared>>
    %dma_wait3A_7 = arith.constant 0 : i32
    %dma_wait3A_8 = tpu.memref_slice %arg20[%dma_wait3A_7] : memref<6144xf32, #tpu.memory_space<vmem_shared>> -> memref<80xf32, #tpu.memory_space<vmem_shared>>
    tpu.wait_dma2 semaphore(%arg12 : memref<!tpu.dma_semaphore, #tpu.memory_space<semaphore_mem>>) src(%arg8 : memref<80xf32, #tpu.memory_space<vmem>>) dst(%dma_wait3A_8 : memref<80xf32, #tpu.memory_space<vmem_shared>>)
    %dma_start3A = arith.constant 120 : i32
    %dma_start3A_9 = arith.constant 0 : i32
    %dma_start3A_10 = tpu.memref_slice %arg7[%dma_start3A, %dma_start3A_9] : memref<125x80xi32, #tpu.memory_space<vmem>> -> memref<1x80xi32, #tpu.memory_space<vmem>>
    %dma_start3A_11 = tpu.memref_squeeze %dma_start3A_10 : memref<1x80xi32, #tpu.memory_space<vmem>> -> memref<80xi32, #tpu.memory_space<vmem>>
    %dma_start3A_12 = arith.constant 0 : i32
    %dma_start3A_13 = tpu.memref_slice %arg20[%dma_start3A_12] : memref<6144xf32, #tpu.memory_space<vmem_shared>> -> memref<6144xf32, #tpu.memory_space<vmem_shared>>
    tpu.enqueue_indirect_dma source(%arg8 : memref<80xf32, #tpu.memory_space<vmem>>) target(%dma_start3A_13 : memref<6144xf32, #tpu.memory_space<vmem_shared>>) offsets(%dma_start3A_11 : memref<80xi32, #tpu.memory_space<vmem>>) semaphore(%arg12 : memref<!tpu.dma_semaphore, #tpu.memory_space<semaphore_mem>>) {add = true}
    %dma_wait3A_14 = arith.constant 0 : i32
    %dma_wait3A_15 = tpu.memref_slice %arg20[%dma_wait3A_14] : memref<6144xf32, #tpu.memory_space<vmem_shared>> -> memref<80xf32, #tpu.memory_space<vmem_shared>>
    %dma_wait3A_16 = arith.constant 0 : i32
    %dma_wait3A_17 = tpu.memref_slice %arg20[%dma_wait3A_16] : memref<6144xf32, #tpu.memory_space<vmem_shared>> -> memref<80xf32, #tpu.memory_space<vmem_shared>>
    tpu.wait_dma2 semaphore(%arg13 : memref<!tpu.dma_semaphore, #tpu.memory_space<semaphore_mem>>) src(%arg8 : memref<80xf32, #tpu.memory_space<vmem>>) dst(%dma_wait3A_17 : memref<80xf32, #tpu.memory_space<vmem_shared>>)
    %dma_start3A_18 = arith.constant 121 : i32
    %dma_start3A_19 = arith.constant 0 : i32
    %dma_start3A_20 = tpu.memref_slice %arg7[%dma_start3A_18, %dma_start3A_19] : memref<125x80xi32, #tpu.memory_space<vmem>> -> memref<1x80xi32, #tpu.memory_space<vmem>>
    %dma_start3A_21 = tpu.memref_squeeze %dma_start3A_20 : memref<1x80xi32, #tpu.memory_space<vmem>> -> memref<80xi32, #tpu.memory_space<vmem>>
    %dma_start3A_22 = arith.constant 0 : i32
    %dma_start3A_23 = tpu.memref_slice %arg20[%dma_start3A_22] : memref<6144xf32, #tpu.memory_space<vmem_shared>> -> memref<6144xf32, #tpu.memory_space<vmem_shared>>
    tpu.enqueue_indirect_dma source(%arg8 : memref<80xf32, #tpu.memory_space<vmem>>) target(%dma_start3A_23 : memref<6144xf32, #tpu.memory_space<vmem_shared>>) offsets(%dma_start3A_21 : memref<80xi32, #tpu.memory_space<vmem>>) semaphore(%arg13 : memref<!tpu.dma_semaphore, #tpu.memory_space<semaphore_mem>>) {add = true}
    %dma_wait3A_24 = arith.constant 0 : i32
    %dma_wait3A_25 = tpu.memref_slice %arg20[%dma_wait3A_24] : memref<6144xf32, #tpu.memory_space<vmem_shared>> -> memref<80xf32, #tpu.memory_space<vmem_shared>>
    %dma_wait3A_26 = arith.constant 0 : i32
    %dma_wait3A_27 = tpu.memref_slice %arg20[%dma_wait3A_26] : memref<6144xf32, #tpu.memory_space<vmem_shared>> -> memref<80xf32, #tpu.memory_space<vmem_shared>>
    tpu.wait_dma2 semaphore(%arg14 : memref<!tpu.dma_semaphore, #tpu.memory_space<semaphore_mem>>) src(%arg8 : memref<80xf32, #tpu.memory_space<vmem>>) dst(%dma_wait3A_27 : memref<80xf32, #tpu.memory_space<vmem_shared>>)
    %dma_start3A_28 = arith.constant 122 : i32
    %dma_start3A_29 = arith.constant 0 : i32
    %dma_start3A_30 = tpu.memref_slice %arg7[%dma_start3A_28, %dma_start3A_29] : memref<125x80xi32, #tpu.memory_space<vmem>> -> memref<1x80xi32, #tpu.memory_space<vmem>>
    %dma_start3A_31 = tpu.memref_squeeze %dma_start3A_30 : memref<1x80xi32, #tpu.memory_space<vmem>> -> memref<80xi32, #tpu.memory_space<vmem>>
    %dma_start3A_32 = arith.constant 0 : i32
    %dma_start3A_33 = tpu.memref_slice %arg20[%dma_start3A_32] : memref<6144xf32, #tpu.memory_space<vmem_shared>> -> memref<6144xf32, #tpu.memory_space<vmem_shared>>
    tpu.enqueue_indirect_dma source(%arg8 : memref<80xf32, #tpu.memory_space<vmem>>) target(%dma_start3A_33 : memref<6144xf32, #tpu.memory_space<vmem_shared>>) offsets(%dma_start3A_31 : memref<80xi32, #tpu.memory_space<vmem>>) semaphore(%arg14 : memref<!tpu.dma_semaphore, #tpu.memory_space<semaphore_mem>>) {add = true}
    %dma_wait3A_34 = arith.constant 0 : i32
    %dma_wait3A_35 = tpu.memref_slice %arg20[%dma_wait3A_34] : memref<6144xf32, #tpu.memory_space<vmem_shared>> -> memref<80xf32, #tpu.memory_space<vmem_shared>>
    %dma_wait3A_36 = arith.constant 0 : i32
    %dma_wait3A_37 = tpu.memref_slice %arg20[%dma_wait3A_36] : memref<6144xf32, #tpu.memory_space<vmem_shared>> -> memref<80xf32, #tpu.memory_space<vmem_shared>>
    tpu.wait_dma2 semaphore(%arg15 : memref<!tpu.dma_semaphore, #tpu.memory_space<semaphore_mem>>) src(%arg8 : memref<80xf32, #tpu.memory_space<vmem>>) dst(%dma_wait3A_37 : memref<80xf32, #tpu.memory_space<vmem_shared>>)
    %dma_start3A_38 = arith.constant 123 : i32
    %dma_start3A_39 = arith.constant 0 : i32
    %dma_start3A_40 = tpu.memref_slice %arg7[%dma_start3A_38, %dma_start3A_39] : memref<125x80xi32, #tpu.memory_space<vmem>> -> memref<1x80xi32, #tpu.memory_space<vmem>>
    %dma_start3A_41 = tpu.memref_squeeze %dma_start3A_40 : memref<1x80xi32, #tpu.memory_space<vmem>> -> memref<80xi32, #tpu.memory_space<vmem>>
    %dma_start3A_42 = arith.constant 0 : i32
    %dma_start3A_43 = tpu.memref_slice %arg20[%dma_start3A_42] : memref<6144xf32, #tpu.memory_space<vmem_shared>> -> memref<6144xf32, #tpu.memory_space<vmem_shared>>
    tpu.enqueue_indirect_dma source(%arg8 : memref<80xf32, #tpu.memory_space<vmem>>) target(%dma_start3A_43 : memref<6144xf32, #tpu.memory_space<vmem_shared>>) offsets(%dma_start3A_41 : memref<80xi32, #tpu.memory_space<vmem>>) semaphore(%arg15 : memref<!tpu.dma_semaphore, #tpu.memory_space<semaphore_mem>>) {add = true}
    %dma_wait3A_44 = arith.constant 0 : i32
    %dma_wait3A_45 = tpu.memref_slice %arg20[%dma_wait3A_44] : memref<6144xf32, #tpu.memory_space<vmem_shared>> -> memref<80xf32, #tpu.memory_space<vmem_shared>>
    %dma_wait3A_46 = arith.constant 0 : i32
    %dma_wait3A_47 = tpu.memref_slice %arg20[%dma_wait3A_46] : memref<6144xf32, #tpu.memory_space<vmem_shared>> -> memref<80xf32, #tpu.memory_space<vmem_shared>>
    tpu.wait_dma2 semaphore(%arg16 : memref<!tpu.dma_semaphore, #tpu.memory_space<semaphore_mem>>) src(%arg8 : memref<80xf32, #tpu.memory_space<vmem>>) dst(%dma_wait3A_47 : memref<80xf32, #tpu.memory_space<vmem_shared>>)
    %dma_start3A_48 = arith.constant 124 : i32
    %dma_start3A_49 = arith.constant 0 : i32
    %dma_start3A_50 = tpu.memref_slice %arg7[%dma_start3A_48, %dma_start3A_49] : memref<125x80xi32, #tpu.memory_space<vmem>> -> memref<1x80xi32, #tpu.memory_space<vmem>>
    %dma_start3A_51 = tpu.memref_squeeze %dma_start3A_50 : memref<1x80xi32, #tpu.memory_space<vmem>> -> memref<80xi32, #tpu.memory_space<vmem>>
    %dma_start3A_52 = arith.constant 0 : i32
    %dma_start3A_53 = tpu.memref_slice %arg20[%dma_start3A_52] : memref<6144xf32, #tpu.memory_space<vmem_shared>> -> memref<6144xf32, #tpu.memory_space<vmem_shared>>
    tpu.enqueue_indirect_dma source(%arg8 : memref<80xf32, #tpu.memory_space<vmem>>) target(%dma_start3A_53 : memref<6144xf32, #tpu.memory_space<vmem_shared>>) offsets(%dma_start3A_51 : memref<80xi32, #tpu.memory_space<vmem>>) semaphore(%arg16 : memref<!tpu.dma_semaphore, #tpu.memory_space<semaphore_mem>>) {add = true}
    %dma_wait3A_54 = arith.constant 0 : i32
    %dma_wait3A_55 = tpu.memref_slice %arg20[%dma_wait3A_54] : memref<6144xf32, #tpu.memory_space<vmem_shared>> -> memref<80xf32, #tpu.memory_space<vmem_shared>>
    %dma_wait3A_56 = arith.constant 0 : i32
    %dma_wait3A_57 = tpu.memref_slice %arg20[%dma_wait3A_56] : memref<6144xf32, #tpu.memory_space<vmem_shared>> -> memref<80xf32, #tpu.memory_space<vmem_shared>>
    tpu.wait_dma2 semaphore(%arg12 : memref<!tpu.dma_semaphore, #tpu.memory_space<semaphore_mem>>) src(%arg8 : memref<80xf32, #tpu.memory_space<vmem>>) dst(%dma_wait3A_57 : memref<80xf32, #tpu.memory_space<vmem_shared>>)
    %dma_wait3A_58 = arith.constant 0 : i32
    %dma_wait3A_59 = tpu.memref_slice %arg20[%dma_wait3A_58] : memref<6144xf32, #tpu.memory_space<vmem_shared>> -> memref<80xf32, #tpu.memory_space<vmem_shared>>
    %dma_wait3A_60 = arith.constant 0 : i32
    %dma_wait3A_61 = tpu.memref_slice %arg20[%dma_wait3A_60] : memref<6144xf32, #tpu.memory_space<vmem_shared>> -> memref<80xf32, #tpu.memory_space<vmem_shared>>
    tpu.wait_dma2 semaphore(%arg13 : memref<!tpu.dma_semaphore, #tpu.memory_space<semaphore_mem>>) src(%arg8 : memref<80xf32, #tpu.memory_space<vmem>>) dst(%dma_wait3A_61 : memref<80xf32, #tpu.memory_space<vmem_shared>>)
    %dma_wait3A_62 = arith.constant 0 : i32
    %dma_wait3A_63 = tpu.memref_slice %arg20[%dma_wait3A_62] : memref<6144xf32, #tpu.memory_space<vmem_shared>> -> memref<80xf32, #tpu.memory_space<vmem_shared>>
    %dma_wait3A_64 = arith.constant 0 : i32
    %dma_wait3A_65 = tpu.memref_slice %arg20[%dma_wait3A_64] : memref<6144xf32, #tpu.memory_space<vmem_shared>> -> memref<80xf32, #tpu.memory_space<vmem_shared>>
    tpu.wait_dma2 semaphore(%arg14 : memref<!tpu.dma_semaphore, #tpu.memory_space<semaphore_mem>>) src(%arg8 : memref<80xf32, #tpu.memory_space<vmem>>) dst(%dma_wait3A_65 : memref<80xf32, #tpu.memory_space<vmem_shared>>)
    %dma_wait3A_66 = arith.constant 0 : i32
    %dma_wait3A_67 = tpu.memref_slice %arg20[%dma_wait3A_66] : memref<6144xf32, #tpu.memory_space<vmem_shared>> -> memref<80xf32, #tpu.memory_space<vmem_shared>>
    %dma_wait3A_68 = arith.constant 0 : i32
    %dma_wait3A_69 = tpu.memref_slice %arg20[%dma_wait3A_68] : memref<6144xf32, #tpu.memory_space<vmem_shared>> -> memref<80xf32, #tpu.memory_space<vmem_shared>>
    tpu.wait_dma2 semaphore(%arg15 : memref<!tpu.dma_semaphore, #tpu.memory_space<semaphore_mem>>) src(%arg8 : memref<80xf32, #tpu.memory_space<vmem>>) dst(%dma_wait3A_69 : memref<80xf32, #tpu.memory_space<vmem_shared>>)
    %dma_wait3A_70 = arith.constant 0 : i32
    %dma_wait3A_71 = tpu.memref_slice %arg20[%dma_wait3A_70] : memref<6144xf32, #tpu.memory_space<vmem_shared>> -> memref<80xf32, #tpu.memory_space<vmem_shared>>
    %dma_wait3A_72 = arith.constant 0 : i32
    %dma_wait3A_73 = tpu.memref_slice %arg20[%dma_wait3A_72] : memref<6144xf32, #tpu.memory_space<vmem_shared>> -> memref<80xf32, #tpu.memory_space<vmem_shared>>
    tpu.wait_dma2 semaphore(%arg16 : memref<!tpu.dma_semaphore, #tpu.memory_space<semaphore_mem>>) src(%arg8 : memref<80xf32, #tpu.memory_space<vmem>>) dst(%dma_wait3A_73 : memref<80xf32, #tpu.memory_space<vmem_shared>>)
    %dma_wait3A_74 = arith.constant 0 : i32
    %dma_wait3A_75 = tpu.memref_slice %arg20[%dma_wait3A_74] : memref<6144xf32, #tpu.memory_space<vmem_shared>> -> memref<80xf32, #tpu.memory_space<vmem_shared>>
    %dma_wait3A_76 = arith.constant 0 : i32
    %dma_wait3A_77 = tpu.memref_slice %arg20[%dma_wait3A_76] : memref<6144xf32, #tpu.memory_space<vmem_shared>> -> memref<80xf32, #tpu.memory_space<vmem_shared>>
    tpu.wait_dma2 semaphore(%arg17 : memref<!tpu.dma_semaphore, #tpu.memory_space<semaphore_mem>>) src(%arg8 : memref<80xf32, #tpu.memory_space<vmem>>) dst(%dma_wait3A_77 : memref<80xf32, #tpu.memory_space<vmem_shared>>)
    %dma_wait3A_78 = arith.constant 0 : i32
    %dma_wait3A_79 = tpu.memref_slice %arg20[%dma_wait3A_78] : memref<6144xf32, #tpu.memory_space<vmem_shared>> -> memref<80xf32, #tpu.memory_space<vmem_shared>>
    %dma_wait3A_80 = arith.constant 0 : i32
    %dma_wait3A_81 = tpu.memref_slice %arg20[%dma_wait3A_80] : memref<6144xf32, #tpu.memory_space<vmem_shared>> -> memref<80xf32, #tpu.memory_space<vmem_shared>>
    tpu.wait_dma2 semaphore(%arg18 : memref<!tpu.dma_semaphore, #tpu.memory_space<semaphore_mem>>) src(%arg8 : memref<80xf32, #tpu.memory_space<vmem>>) dst(%dma_wait3A_81 : memref<80xf32, #tpu.memory_space<vmem_shared>>)
    %dma_wait3A_82 = arith.constant 0 : i32
    %dma_wait3A_83 = tpu.memref_slice %arg20[%dma_wait3A_82] : memref<6144xf32, #tpu.memory_space<vmem_shared>> -> memref<80xf32, #tpu.memory_space<vmem_shared>>
    %dma_wait3A_84 = arith.constant 0 : i32
    %dma_wait3A_85 = tpu.memref_slice %arg20[%dma_wait3A_84] : memref<6144xf32, #tpu.memory_space<vmem_shared>> -> memref<80xf32, #tpu.memory_space<vmem_shared>>
    tpu.wait_dma2 semaphore(%arg19 : memref<!tpu.dma_semaphore, #tpu.memory_space<semaphore_mem>>) src(%arg8 : memref<80xf32, #tpu.memory_space<vmem>>) dst(%dma_wait3A_85 : memref<80xf32, #tpu.memory_space<vmem_shared>>)
    %barrier3A_86 = arith.constant 0 : index
    tpu.barrier barrier_id(%barrier3A_86)
    "tpu.region"() ({
      %run_scoped3A = tpu.sem_alloc : memref<!tpu.dma_semaphore, #tpu.memory_space<semaphore_mem>>
      %dma_start3A_95 = tpu.memref_slice %arg20[%mul3A_0] : memref<6144xf32, #tpu.memory_space<vmem_shared>> -> memref<384xf32, #tpu.memory_space<vmem_shared>>
      %dma_start3A_96 = tpu.memref_slice %arg20[%mul3A_0] : memref<6144xf32, #tpu.memory_space<vmem_shared>> -> memref<384xf32, #tpu.memory_space<vmem_shared>>
      tpu.enqueue_dma source(%dma_start3A_96 : memref<384xf32, #tpu.memory_space<vmem_shared>>) target(%arg9 : memref<384xf32, #tpu.memory_space<vmem>>) target_semaphore(%run_scoped3A : memref<!tpu.dma_semaphore, #tpu.memory_space<semaphore_mem>>)
      %dma_wait3A_97 = tpu.memref_slice %arg20[%mul3A_0] : memref<6144xf32, #tpu.memory_space<vmem_shared>> -> memref<384xf32, #tpu.memory_space<vmem_shared>>
      %dma_wait3A_98 = tpu.memref_slice %arg20[%mul3A_0] : memref<6144xf32, #tpu.memory_space<vmem_shared>> -> memref<384xf32, #tpu.memory_space<vmem_shared>>
      tpu.wait_dma2 semaphore(%run_scoped3A : memref<!tpu.dma_semaphore, #tpu.memory_space<semaphore_mem>>) src(%dma_wait3A_98 : memref<384xf32, #tpu.memory_space<vmem_shared>>) dst(%arg9 : memref<384xf32, #tpu.memory_space<vmem>>)
      tpu.yield
    }) : () -> ()
    %scan3A_87 = arith.constant 0 : i32
    %scan3A_88 = arith.constant 0 : i32
    %scan3A_89 = arith.constant 24 : i32
    %scan3A_90 = arith.addi %scan3A_88, %scan3A_89 : i32
    %scan3A_91 = arith.constant 1 : i32
    scf.for %scan3A_95 = %scan3A_88 to %scan3A_90 step %scan3A_91  : i32 {
      %mul3A_96 = arith.constant 16 : i32
      %mul3A_97 = arith.muli %scan3A_95, %mul3A_96 : i32
      %get3A = arith.index_cast %mul3A_97 : i32 to index
      %get3A_98 = tpu.vector_load %arg9[%get3A] {strides = array<i32>} : memref<384xf32, #tpu.memory_space<vmem>>, vector<16xf32>,
      %get3A_99 = vector.shape_cast %get3A_98 : vector<16xf32> to vector<16xf32>
      %bitcast_convert_type3A = tpu.bitcast %get3A_99 : vector<16xf32> -> vector<16xi32>
      %shift_right_arithmetic3A = arith.constant 1 : i32
      %shift_right_arithmetic3A_100 = vector.broadcast %shift_right_arithmetic3A : i32 to vector<16xi32>
      %shift_right_arithmetic3A_101 = arith.shrsi %bitcast_convert_type3A, %shift_right_arithmetic3A_100 : vector<16xi32>
      %sub3A = arith.constant 1597463007 : i32
      %sub3A_102 = vector.broadcast %sub3A : i32 to vector<16xi32>
      %sub3A_103 = arith.subi %sub3A_102, %shift_right_arithmetic3A_101 : vector<16xi32>
      %bitcast_convert_type3A_104 = tpu.bitcast %sub3A_103 : vector<16xi32> -> vector<16xf32>
      %mul3A_105 = arith.constant 5.000000e-01 : f32
      %mul3A_106 = vector.broadcast %mul3A_105 : f32 to vector<16xf32>
      %mul3A_107 = arith.mulf %mul3A_106, %get3A_99 : vector<16xf32>
      %mul3A_108 = arith.mulf %mul3A_107, %bitcast_convert_type3A_104 : vector<16xf32>
      %mul3A_109 = arith.mulf %mul3A_108, %bitcast_convert_type3A_104 : vector<16xf32>
      %sub3A_110 = arith.constant 1.500000e+00 : f32
      %sub3A_111 = vector.broadcast %sub3A_110 : f32 to vector<16xf32>
      %sub3A_112 = arith.subf %sub3A_111, %mul3A_109 : vector<16xf32>
      %mul3A_113 = arith.mulf %bitcast_convert_type3A_104, %sub3A_112 : vector<16xf32>
      %mul3A_114 = arith.constant 5.000000e-01 : f32
      %mul3A_115 = vector.broadcast %mul3A_114 : f32 to vector<16xf32>
      %mul3A_116 = arith.mulf %mul3A_115, %get3A_99 : vector<16xf32>
      %mul3A_117 = arith.mulf %mul3A_116, %mul3A_113 : vector<16xf32>
      %mul3A_118 = arith.mulf %mul3A_117, %mul3A_113 : vector<16xf32>
      %sub3A_119 = arith.constant 1.500000e+00 : f32
      %sub3A_120 = vector.broadcast %sub3A_119 : f32 to vector<16xf32>
      %sub3A_121 = arith.subf %sub3A_120, %mul3A_118 : vector<16xf32>
      %mul3A_122 = arith.mulf %mul3A_113, %sub3A_121 : vector<16xf32>
      %mul3A_123 = arith.constant 5.000000e-01 : f32
      %mul3A_124 = vector.broadcast %mul3A_123 : f32 to vector<16xf32>
      %mul3A_125 = arith.mulf %mul3A_124, %get3A_99 : vector<16xf32>
      %mul3A_126 = arith.mulf %mul3A_125, %mul3A_122 : vector<16xf32>
      %mul3A_127 = arith.mulf %mul3A_126, %mul3A_122 : vector<16xf32>
      %sub3A_128 = arith.constant 1.500000e+00 : f32
      %sub3A_129 = vector.broadcast %sub3A_128 : f32 to vector<16xf32>
      %sub3A_130 = arith.subf %sub3A_129, %mul3A_127 : vector<16xf32>
      %mul3A_131 = arith.mulf %mul3A_122, %sub3A_130 : vector<16xf32>
      %ge3A = arith.constant 5.000000e-01 : f32
      %ge3A_132 = vector.broadcast %ge3A : f32 to vector<16xf32>
      %ge3A_133 = arith.cmpf oge, %get3A_99, %ge3A_132 : vector<16xf32>
      %jit3A = arith.constant 0.000000e+00 : f32
      %broadcast_in_dim3A = vector.broadcast %jit3A : f32 to vector<16xf32>
      %select_n3A = arith.select %ge3A_133, %mul3A_131, %broadcast_in_dim3A : vector<16xi1>, vector<16xf32>
      %mul3A_134 = arith.constant 16 : i32
      %mul3A_135 = arith.muli %scan3A_95, %mul3A_134 : i32
      %swap3A = arith.index_cast %mul3A_135 : i32 to index
      %swap3A_136 = tpu.vector_load %arg10[%swap3A] {strides = array<i32>} : memref<384xf32, #tpu.memory_space<vmem>>, vector<16xf32>,
      %swap3A_137 = vector.shape_cast %swap3A_136 : vector<16xf32> to vector<16xf32>
      %swap3A_138 = vector.shape_cast %select_n3A : vector<16xf32> to vector<16xf32>
      tpu.vector_store %arg10[%swap3A], %swap3A_138 {strides = array<i32>} : memref<384xf32, #tpu.memory_space<vmem>>, vector<16xf32>,
      %mul3A_139 = arith.mulf %select_n3A, %select_n3A : vector<16xf32>
      %mul3A_140 = arith.constant 16 : i32
      %mul3A_141 = arith.muli %scan3A_95, %mul3A_140 : i32
      %swap3A_142 = arith.index_cast %mul3A_141 : i32 to index
      %swap3A_143 = tpu.vector_load %arg11[%swap3A_142] {strides = array<i32>} : memref<384xf32, #tpu.memory_space<vmem>>, vector<16xf32>,
      %swap3A_144 = vector.shape_cast %swap3A_143 : vector<16xf32> to vector<16xf32>
      %swap3A_145 = vector.shape_cast %mul3A_139 : vector<16xf32> to vector<16xf32>
      tpu.vector_store %arg11[%swap3A_142], %swap3A_145 {strides = array<i32>} : memref<384xf32, #tpu.memory_space<vmem>>, vector<16xf32>,
    }
    %scan3A_92 = arith.constant 24 : i32
    %mul3A_93 = arith.constant 6144 : i32
    %mul3A_94 = arith.muli %arg0, %mul3A_93 : i32
    %add3A = arith.addi %mul3A_94, %mul3A_0 : i32
    "tpu.region"() ({
      %run_scoped3A = tpu.sem_alloc : memref<!tpu.dma_semaphore, #tpu.memory_space<semaphore_mem>>
      %dma_start3A_95 = tpu.memref_slice %arg5[%add3A] : memref<12288xf32, #tpu.memory_space<hbm>> -> memref<384xf32, #tpu.memory_space<hbm>>
      %dma_start3A_96 = tpu.memref_slice %arg5[%add3A] : memref<12288xf32, #tpu.memory_space<hbm>> -> memref<384xf32, #tpu.memory_space<hbm>>
      tpu.enqueue_dma source(%arg10 : memref<384xf32, #tpu.memory_space<vmem>>) target(%dma_start3A_96 : memref<384xf32, #tpu.memory_space<hbm>>) target_semaphore(%run_scoped3A : memref<!tpu.dma_semaphore, #tpu.memory_space<semaphore_mem>>)
      %dma_wait3A_97 = tpu.memref_slice %arg5[%add3A] : memref<12288xf32, #tpu.memory_space<hbm>> -> memref<384xf32, #tpu.memory_space<hbm>>
      %dma_wait3A_98 = tpu.memref_slice %arg5[%add3A] : memref<12288xf32, #tpu.memory_space<hbm>> -> memref<384xf32, #tpu.memory_space<hbm>>
      tpu.wait_dma2 semaphore(%run_scoped3A : memref<!tpu.dma_semaphore, #tpu.memory_space<semaphore_mem>>) src(%arg10 : memref<384xf32, #tpu.memory_space<vmem>>) dst(%dma_wait3A_98 : memref<384xf32, #tpu.memory_space<hbm>>)
      tpu.yield
    }) : () -> ()
    "tpu.region"() ({
      %run_scoped3A = tpu.sem_alloc : memref<!tpu.dma_semaphore, #tpu.memory_space<semaphore_mem>>
      %dma_start3A_95 = tpu.memref_slice %arg6[%add3A] : memref<12288xf32, #tpu.memory_space<hbm>> -> memref<384xf32, #tpu.memory_space<hbm>>
      %dma_start3A_96 = tpu.memref_slice %arg6[%add3A] : memref<12288xf32, #tpu.memory_space<hbm>> -> memref<384xf32, #tpu.memory_space<hbm>>
      tpu.enqueue_dma source(%arg11 : memref<384xf32, #tpu.memory_space<vmem>>) target(%dma_start3A_96 : memref<384xf32, #tpu.memory_space<hbm>>) target_semaphore(%run_scoped3A : memref<!tpu.dma_semaphore, #tpu.memory_space<semaphore_mem>>)
      %dma_wait3A_97 = tpu.memref_slice %arg6[%add3A] : memref<12288xf32, #tpu.memory_space<hbm>> -> memref<384xf32, #tpu.memory_space<hbm>>
      %dma_wait3A_98 = tpu.memref_slice %arg6[%add3A] : memref<12288xf32, #tpu.memory_space<hbm>> -> memref<384xf32, #tpu.memory_space<hbm>>
      tpu.wait_dma2 semaphore(%run_scoped3A : memref<!tpu.dma_semaphore, #tpu.memory_space<semaphore_mem>>) src(%arg11 : memref<384xf32, #tpu.memory_space<vmem>>) dst(%dma_wait3A_98 : memref<384xf32, #tpu.memory_space<hbm>>)
      tpu.yield
    }) : () -> ()
    return
  }
}

#map = affine_map<(d0, d1) -> (0, 0, 0)>
#map1 = affine_map<(d0, d1) -> (0, 0)>
module attributes {stable_mosaic.version = 14 : i64} {
  func.func @_sc_prop(%arg0: i32, %arg1: i32, %arg2: memref<16x90x112xi32, #tpu.memory_space<hbm>>, %arg3: memref<16x90x112xi32, #tpu.memory_space<hbm>>, %arg4: memref<6144x128xf32, #tpu.memory_space<hbm>>, %arg5: memref<6144x128xf32, #tpu.memory_space<hbm>>, %arg6: memref<384x128xf32, #tpu.memory_space<hbm>>, %arg7: memref<6144x128xf32, #tpu.memory_space<hbm>>, %arg8: memref<6144x128xf32, #tpu.memory_space<hbm>>, %arg9: memref<90x112xi32, #tpu.memory_space<vmem>>, %arg10: memref<90x112xi32, #tpu.memory_space<vmem>>, %arg11: memref<112x128xf32, #tpu.memory_space<vmem>>, %arg12: memref<112x128xf32, #tpu.memory_space<vmem>>, %arg13: memref<112x128xf32, #tpu.memory_space<vmem>>, %arg14: memref<112x128xf32, #tpu.memory_space<vmem>>, %arg15: memref<!tpu.dma_semaphore, #tpu.memory_space<semaphore_mem>>, %arg16: memref<!tpu.dma_semaphore, #tpu.memory_space<semaphore_mem>>, %arg17: memref<!tpu.dma_semaphore, #tpu.memory_space<semaphore_mem>>, %arg18: memref<!tpu.dma_semaphore, #tpu.memory_space<semaphore_mem>>, %arg19: memref<!tpu.dma_semaphore, #tpu.memory_space<semaphore_mem>>, %arg20: memref<!tpu.dma_semaphore, #tpu.memory_space<semaphore_mem>>, %arg21: memref<!tpu.dma_semaphore, #tpu.memory_space<semaphore_mem>>, %arg22: memref<!tpu.dma_semaphore, #tpu.memory_space<semaphore_mem>>, %arg23: memref<6144x128xf32, #tpu.memory_space<vmem_shared>>) attributes {dimension_semantics = [#tpu.dimension_semantics<core_parallel>, #tpu.dimension_semantics<subcore_parallel>], iteration_bounds = array<i64: 2, 16>, scalar_prefetch = 0 : i64, scratch_operands = 15 : i64, tpu.core_type = #tpu.core_type<sc_vector_subcore>, window_params = [{transform_indices = #map}, {transform_indices = #map}, {transform_indices = #map1}, {transform_indices = #map1}, {transform_indices = #map1}, {transform_indices = #map1}, {transform_indices = #map1}]} {
    %mul3A = arith.constant 384 : i32
    %mul3A_0 = arith.muli %arg1, %mul3A : i32
    "tpu.region"() ({
      %run_scoped3A = tpu.sem_alloc : memref<!tpu.dma_semaphore, #tpu.memory_space<semaphore_mem>>
      %dma_start3A = arith.constant 0 : i32
      %dma_start3A_29 = tpu.memref_slice %arg23[%mul3A_0, %dma_start3A] : memref<6144x128xf32, #tpu.memory_space<vmem_shared>> -> memref<384x128xf32, #tpu.memory_space<vmem_shared>>
      tpu.enqueue_dma source(%arg6 : memref<384x128xf32, #tpu.memory_space<hbm>>) target(%dma_start3A_29 : memref<384x128xf32, #tpu.memory_space<vmem_shared>>) target_semaphore(%run_scoped3A : memref<!tpu.dma_semaphore, #tpu.memory_space<semaphore_mem>>)
      %dma_wait3A = arith.constant 0 : i32
      %dma_wait3A_30 = tpu.memref_slice %arg23[%mul3A_0, %dma_wait3A] : memref<6144x128xf32, #tpu.memory_space<vmem_shared>> -> memref<384x128xf32, #tpu.memory_space<vmem_shared>>
      tpu.wait_dma2 semaphore(%run_scoped3A : memref<!tpu.dma_semaphore, #tpu.memory_space<semaphore_mem>>) src(%arg6 : memref<384x128xf32, #tpu.memory_space<hbm>>) dst(%dma_wait3A_30 : memref<384x128xf32, #tpu.memory_space<vmem_shared>>)
      tpu.yield
    }) : () -> ()
    %eq3A = arith.constant 0 : i32
    %eq3A_1 = arith.cmpi eq, %arg0, %eq3A : i32
    %convert_element_type3A = arith.extui %eq3A_1 : i1 to i32
    %cond3A = arith.constant 0 : i32
    %cond3A_2 = arith.cmpi ne, %convert_element_type3A, %cond3A : i32
    scf.if %cond3A_2 {
      "tpu.region"() ({
        %run_scoped3A = tpu.sem_alloc : memref<!tpu.dma_semaphore, #tpu.memory_space<semaphore_mem>>
        %dma_start3A = arith.constant 0 : i32
        %dma_start3A_29 = arith.constant 0 : i32
        %dma_start3A_30 = tpu.memref_slice %arg3[%arg1, %dma_start3A, %dma_start3A_29] : memref<16x90x112xi32, #tpu.memory_space<hbm>> -> memref<1x90x112xi32, #tpu.memory_space<hbm>>
        %dma_start3A_31 = tpu.memref_squeeze %dma_start3A_30 : memref<1x90x112xi32, #tpu.memory_space<hbm>> -> memref<90x112xi32, #tpu.memory_space<hbm>>
        %dma_start3A_32 = arith.constant 0 : i32
        %dma_start3A_33 = arith.constant 0 : i32
        %dma_start3A_34 = tpu.memref_slice %arg3[%arg1, %dma_start3A_32, %dma_start3A_33] : memref<16x90x112xi32, #tpu.memory_space<hbm>> -> memref<1x90x112xi32, #tpu.memory_space<hbm>>
        %dma_start3A_35 = tpu.memref_squeeze %dma_start3A_34 : memref<1x90x112xi32, #tpu.memory_space<hbm>> -> memref<90x112xi32, #tpu.memory_space<hbm>>
        tpu.enqueue_dma source(%dma_start3A_35 : memref<90x112xi32, #tpu.memory_space<hbm>>) target(%arg9 : memref<90x112xi32, #tpu.memory_space<vmem>>) target_semaphore(%run_scoped3A : memref<!tpu.dma_semaphore, #tpu.memory_space<semaphore_mem>>)
        %dma_wait3A = arith.constant 0 : i32
        %dma_wait3A_36 = arith.constant 0 : i32
        %dma_wait3A_37 = tpu.memref_slice %arg3[%arg1, %dma_wait3A, %dma_wait3A_36] : memref<16x90x112xi32, #tpu.memory_space<hbm>> -> memref<1x90x112xi32, #tpu.memory_space<hbm>>
        %dma_wait3A_38 = tpu.memref_squeeze %dma_wait3A_37 : memref<1x90x112xi32, #tpu.memory_space<hbm>> -> memref<90x112xi32, #tpu.memory_space<hbm>>
        %dma_wait3A_39 = arith.constant 0 : i32
        %dma_wait3A_40 = arith.constant 0 : i32
        %dma_wait3A_41 = tpu.memref_slice %arg3[%arg1, %dma_wait3A_39, %dma_wait3A_40] : memref<16x90x112xi32, #tpu.memory_space<hbm>> -> memref<1x90x112xi32, #tpu.memory_space<hbm>>
        %dma_wait3A_42 = tpu.memref_squeeze %dma_wait3A_41 : memref<1x90x112xi32, #tpu.memory_space<hbm>> -> memref<90x112xi32, #tpu.memory_space<hbm>>
        tpu.wait_dma2 semaphore(%run_scoped3A : memref<!tpu.dma_semaphore, #tpu.memory_space<semaphore_mem>>) src(%dma_wait3A_42 : memref<90x112xi32, #tpu.memory_space<hbm>>) dst(%arg9 : memref<90x112xi32, #tpu.memory_space<vmem>>)
        tpu.yield
      }) : () -> ()
      "tpu.region"() ({
        %run_scoped3A = tpu.sem_alloc : memref<!tpu.dma_semaphore, #tpu.memory_space<semaphore_mem>>
        %dma_start3A = arith.constant 0 : i32
        %dma_start3A_29 = arith.constant 0 : i32
        %dma_start3A_30 = tpu.memref_slice %arg2[%arg1, %dma_start3A, %dma_start3A_29] : memref<16x90x112xi32, #tpu.memory_space<hbm>> -> memref<1x90x112xi32, #tpu.memory_space<hbm>>
        %dma_start3A_31 = tpu.memref_squeeze %dma_start3A_30 : memref<1x90x112xi32, #tpu.memory_space<hbm>> -> memref<90x112xi32, #tpu.memory_space<hbm>>
        %dma_start3A_32 = arith.constant 0 : i32
        %dma_start3A_33 = arith.constant 0 : i32
        %dma_start3A_34 = tpu.memref_slice %arg2[%arg1, %dma_start3A_32, %dma_start3A_33] : memref<16x90x112xi32, #tpu.memory_space<hbm>> -> memref<1x90x112xi32, #tpu.memory_space<hbm>>
        %dma_start3A_35 = tpu.memref_squeeze %dma_start3A_34 : memref<1x90x112xi32, #tpu.memory_space<hbm>> -> memref<90x112xi32, #tpu.memory_space<hbm>>
        tpu.enqueue_dma source(%dma_start3A_35 : memref<90x112xi32, #tpu.memory_space<hbm>>) target(%arg10 : memref<90x112xi32, #tpu.memory_space<vmem>>) target_semaphore(%run_scoped3A : memref<!tpu.dma_semaphore, #tpu.memory_space<semaphore_mem>>)
        %dma_wait3A = arith.constant 0 : i32
        %dma_wait3A_36 = arith.constant 0 : i32
        %dma_wait3A_37 = tpu.memref_slice %arg2[%arg1, %dma_wait3A, %dma_wait3A_36] : memref<16x90x112xi32, #tpu.memory_space<hbm>> -> memref<1x90x112xi32, #tpu.memory_space<hbm>>
        %dma_wait3A_38 = tpu.memref_squeeze %dma_wait3A_37 : memref<1x90x112xi32, #tpu.memory_space<hbm>> -> memref<90x112xi32, #tpu.memory_space<hbm>>
        %dma_wait3A_39 = arith.constant 0 : i32
        %dma_wait3A_40 = arith.constant 0 : i32
        %dma_wait3A_41 = tpu.memref_slice %arg2[%arg1, %dma_wait3A_39, %dma_wait3A_40] : memref<16x90x112xi32, #tpu.memory_space<hbm>> -> memref<1x90x112xi32, #tpu.memory_space<hbm>>
        %dma_wait3A_42 = tpu.memref_squeeze %dma_wait3A_41 : memref<1x90x112xi32, #tpu.memory_space<hbm>> -> memref<90x112xi32, #tpu.memory_space<hbm>>
        tpu.wait_dma2 semaphore(%run_scoped3A : memref<!tpu.dma_semaphore, #tpu.memory_space<semaphore_mem>>) src(%dma_wait3A_42 : memref<90x112xi32, #tpu.memory_space<hbm>>) dst(%arg10 : memref<90x112xi32, #tpu.memory_space<vmem>>)
        tpu.yield
      }) : () -> ()
    } else {
    }
    %eq3A_3 = arith.constant 1 : i32
    %eq3A_4 = arith.cmpi eq, %arg0, %eq3A_3 : i32
    %convert_element_type3A_5 = arith.extui %eq3A_4 : i1 to i32
    %cond3A_6 = arith.constant 0 : i32
    %cond3A_7 = arith.cmpi ne, %convert_element_type3A_5, %cond3A_6 : i32
    scf.if %cond3A_7 {
      "tpu.region"() ({
        %run_scoped3A = tpu.sem_alloc : memref<!tpu.dma_semaphore, #tpu.memory_space<semaphore_mem>>
        %dma_start3A = arith.constant 0 : i32
        %dma_start3A_29 = arith.constant 0 : i32
        %dma_start3A_30 = tpu.memref_slice %arg2[%arg1, %dma_start3A, %dma_start3A_29] : memref<16x90x112xi32, #tpu.memory_space<hbm>> -> memref<1x90x112xi32, #tpu.memory_space<hbm>>
        %dma_start3A_31 = tpu.memref_squeeze %dma_start3A_30 : memref<1x90x112xi32, #tpu.memory_space<hbm>> -> memref<90x112xi32, #tpu.memory_space<hbm>>
        %dma_start3A_32 = arith.constant 0 : i32
        %dma_start3A_33 = arith.constant 0 : i32
        %dma_start3A_34 = tpu.memref_slice %arg2[%arg1, %dma_start3A_32, %dma_start3A_33] : memref<16x90x112xi32, #tpu.memory_space<hbm>> -> memref<1x90x112xi32, #tpu.memory_space<hbm>>
        %dma_start3A_35 = tpu.memref_squeeze %dma_start3A_34 : memref<1x90x112xi32, #tpu.memory_space<hbm>> -> memref<90x112xi32, #tpu.memory_space<hbm>>
        tpu.enqueue_dma source(%dma_start3A_35 : memref<90x112xi32, #tpu.memory_space<hbm>>) target(%arg9 : memref<90x112xi32, #tpu.memory_space<vmem>>) target_semaphore(%run_scoped3A : memref<!tpu.dma_semaphore, #tpu.memory_space<semaphore_mem>>)
        %dma_wait3A = arith.constant 0 : i32
        %dma_wait3A_36 = arith.constant 0 : i32
        %dma_wait3A_37 = tpu.memref_slice %arg2[%arg1, %dma_wait3A, %dma_wait3A_36] : memref<16x90x112xi32, #tpu.memory_space<hbm>> -> memref<1x90x112xi32, #tpu.memory_space<hbm>>
        %dma_wait3A_38 = tpu.memref_squeeze %dma_wait3A_37 : memref<1x90x112xi32, #tpu.memory_space<hbm>> -> memref<90x112xi32, #tpu.memory_space<hbm>>
        %dma_wait3A_39 = arith.constant 0 : i32
        %dma_wait3A_40 = arith.constant 0 : i32
        %dma_wait3A_41 = tpu.memref_slice %arg2[%arg1, %dma_wait3A_39, %dma_wait3A_40] : memref<16x90x112xi32, #tpu.memory_space<hbm>> -> memref<1x90x112xi32, #tpu.memory_space<hbm>>
        %dma_wait3A_42 = tpu.memref_squeeze %dma_wait3A_41 : memref<1x90x112xi32, #tpu.memory_space<hbm>> -> memref<90x112xi32, #tpu.memory_space<hbm>>
        tpu.wait_dma2 semaphore(%run_scoped3A : memref<!tpu.dma_semaphore, #tpu.memory_space<semaphore_mem>>) src(%dma_wait3A_42 : memref<90x112xi32, #tpu.memory_space<hbm>>) dst(%arg9 : memref<90x112xi32, #tpu.memory_space<vmem>>)
        tpu.yield
      }) : () -> ()
      "tpu.region"() ({
        %run_scoped3A = tpu.sem_alloc : memref<!tpu.dma_semaphore, #tpu.memory_space<semaphore_mem>>
        %dma_start3A = arith.constant 0 : i32
        %dma_start3A_29 = arith.constant 0 : i32
        %dma_start3A_30 = tpu.memref_slice %arg3[%arg1, %dma_start3A, %dma_start3A_29] : memref<16x90x112xi32, #tpu.memory_space<hbm>> -> memref<1x90x112xi32, #tpu.memory_space<hbm>>
        %dma_start3A_31 = tpu.memref_squeeze %dma_start3A_30 : memref<1x90x112xi32, #tpu.memory_space<hbm>> -> memref<90x112xi32, #tpu.memory_space<hbm>>
        %dma_start3A_32 = arith.constant 0 : i32
        %dma_start3A_33 = arith.constant 0 : i32
        %dma_start3A_34 = tpu.memref_slice %arg3[%arg1, %dma_start3A_32, %dma_start3A_33] : memref<16x90x112xi32, #tpu.memory_space<hbm>> -> memref<1x90x112xi32, #tpu.memory_space<hbm>>
        %dma_start3A_35 = tpu.memref_squeeze %dma_start3A_34 : memref<1x90x112xi32, #tpu.memory_space<hbm>> -> memref<90x112xi32, #tpu.memory_space<hbm>>
        tpu.enqueue_dma source(%dma_start3A_35 : memref<90x112xi32, #tpu.memory_space<hbm>>) target(%arg10 : memref<90x112xi32, #tpu.memory_space<vmem>>) target_semaphore(%run_scoped3A : memref<!tpu.dma_semaphore, #tpu.memory_space<semaphore_mem>>)
        %dma_wait3A = arith.constant 0 : i32
        %dma_wait3A_36 = arith.constant 0 : i32
        %dma_wait3A_37 = tpu.memref_slice %arg3[%arg1, %dma_wait3A, %dma_wait3A_36] : memref<16x90x112xi32, #tpu.memory_space<hbm>> -> memref<1x90x112xi32, #tpu.memory_space<hbm>>
        %dma_wait3A_38 = tpu.memref_squeeze %dma_wait3A_37 : memref<1x90x112xi32, #tpu.memory_space<hbm>> -> memref<90x112xi32, #tpu.memory_space<hbm>>
        %dma_wait3A_39 = arith.constant 0 : i32
        %dma_wait3A_40 = arith.constant 0 : i32
        %dma_wait3A_41 = tpu.memref_slice %arg3[%arg1, %dma_wait3A_39, %dma_wait3A_40] : memref<16x90x112xi32, #tpu.memory_space<hbm>> -> memref<1x90x112xi32, #tpu.memory_space<hbm>>
        %dma_wait3A_42 = tpu.memref_squeeze %dma_wait3A_41 : memref<1x90x112xi32, #tpu.memory_space<hbm>> -> memref<90x112xi32, #tpu.memory_space<hbm>>
        tpu.wait_dma2 semaphore(%run_scoped3A : memref<!tpu.dma_semaphore, #tpu.memory_space<semaphore_mem>>) src(%dma_wait3A_42 : memref<90x112xi32, #tpu.memory_space<hbm>>) dst(%arg10 : memref<90x112xi32, #tpu.memory_space<vmem>>)
        tpu.yield
      }) : () -> ()
    } else {
    }
    %barrier3A = arith.constant 0 : index
    tpu.barrier barrier_id(%barrier3A)
    %eq3A_8 = arith.constant 0 : i32
    %eq3A_9 = arith.cmpi eq, %arg0, %eq3A_8 : i32
    %convert_element_type3A_10 = arith.extui %eq3A_9 : i1 to i32
    %cond3A_11 = arith.constant 0 : i32
    %cond3A_12 = arith.cmpi ne, %convert_element_type3A_10, %cond3A_11 : i32
    scf.if %cond3A_12 {
      %dma_start3A = arith.constant 0 : i32
      %dma_start3A_29 = arith.constant 0 : i32
      %dma_start3A_30 = tpu.memref_slice %arg9[%dma_start3A, %dma_start3A_29] : memref<90x112xi32, #tpu.memory_space<vmem>> -> memref<1x112xi32, #tpu.memory_space<vmem>>
      %dma_start3A_31 = tpu.memref_squeeze %dma_start3A_30 : memref<1x112xi32, #tpu.memory_space<vmem>> -> memref<112xi32, #tpu.memory_space<vmem>>
      %dma_start3A_32 = arith.constant 0 : i32
      %dma_start3A_33 = arith.constant 0 : i32
      %dma_start3A_34 = tpu.memref_slice %arg5[%dma_start3A_32, %dma_start3A_33] : memref<6144x128xf32, #tpu.memory_space<hbm>> -> memref<6144x128xf32, #tpu.memory_space<hbm>>
      tpu.enqueue_indirect_dma source(%dma_start3A_34 : memref<6144x128xf32, #tpu.memory_space<hbm>>) target(%arg11 : memref<112x128xf32, #tpu.memory_space<vmem>>) offsets(%dma_start3A_31 : memref<112xi32, #tpu.memory_space<vmem>>) semaphore(%arg15 : memref<!tpu.dma_semaphore, #tpu.memory_space<semaphore_mem>>)
      %dma_start3A_35 = arith.constant 1 : i32
      %dma_start3A_36 = arith.constant 0 : i32
      %dma_start3A_37 = tpu.memref_slice %arg9[%dma_start3A_35, %dma_start3A_36] : memref<90x112xi32, #tpu.memory_space<vmem>> -> memref<1x112xi32, #tpu.memory_space<vmem>>
      %dma_start3A_38 = tpu.memref_squeeze %dma_start3A_37 : memref<1x112xi32, #tpu.memory_space<vmem>> -> memref<112xi32, #tpu.memory_space<vmem>>
      %dma_start3A_39 = arith.constant 0 : i32
      %dma_start3A_40 = arith.constant 0 : i32
      %dma_start3A_41 = tpu.memref_slice %arg5[%dma_start3A_39, %dma_start3A_40] : memref<6144x128xf32, #tpu.memory_space<hbm>> -> memref<6144x128xf32, #tpu.memory_space<hbm>>
      tpu.enqueue_indirect_dma source(%dma_start3A_41 : memref<6144x128xf32, #tpu.memory_space<hbm>>) target(%arg12 : memref<112x128xf32, #tpu.memory_space<vmem>>) offsets(%dma_start3A_38 : memref<112xi32, #tpu.memory_space<vmem>>) semaphore(%arg16 : memref<!tpu.dma_semaphore, #tpu.memory_space<semaphore_mem>>)
      %dma_start3A_42 = arith.constant 2 : i32
      %dma_start3A_43 = arith.constant 0 : i32
      %dma_start3A_44 = tpu.memref_slice %arg9[%dma_start3A_42, %dma_start3A_43] : memref<90x112xi32, #tpu.memory_space<vmem>> -> memref<1x112xi32, #tpu.memory_space<vmem>>
      %dma_start3A_45 = tpu.memref_squeeze %dma_start3A_44 : memref<1x112xi32, #tpu.memory_space<vmem>> -> memref<112xi32, #tpu.memory_space<vmem>>
      %dma_start3A_46 = arith.constant 0 : i32
      %dma_start3A_47 = arith.constant 0 : i32
      %dma_start3A_48 = tpu.memref_slice %arg5[%dma_start3A_46, %dma_start3A_47] : memref<6144x128xf32, #tpu.memory_space<hbm>> -> memref<6144x128xf32, #tpu.memory_space<hbm>>
      tpu.enqueue_indirect_dma source(%dma_start3A_48 : memref<6144x128xf32, #tpu.memory_space<hbm>>) target(%arg13 : memref<112x128xf32, #tpu.memory_space<vmem>>) offsets(%dma_start3A_45 : memref<112xi32, #tpu.memory_space<vmem>>) semaphore(%arg17 : memref<!tpu.dma_semaphore, #tpu.memory_space<semaphore_mem>>)
      %scan3A = arith.constant 0 : i32
      %scan3A_49 = arith.constant 0 : i32
      %scan3A_50 = arith.constant 21 : i32
      %scan3A_51 = arith.addi %scan3A_49, %scan3A_50 : i32
      %scan3A_52 = arith.constant 1 : i32
      scf.for %scan3A_194 = %scan3A_49 to %scan3A_51 step %scan3A_52  : i32 {
        %mul3A_195 = arith.constant 4 : i32
        %mul3A_196 = arith.muli %mul3A_195, %scan3A_194 : i32
        %add3A = arith.constant 0 : i32
        %add3A_197 = arith.addi %mul3A_196, %add3A : i32
        %dma_wait3A_198 = arith.constant 0 : i32
        %dma_wait3A_199 = arith.constant 0 : i32
        %dma_wait3A_200 = tpu.memref_slice %arg5[%dma_wait3A_198, %dma_wait3A_199] : memref<6144x128xf32, #tpu.memory_space<hbm>> -> memref<112x128xf32, #tpu.memory_space<hbm>>
        %dma_wait3A_201 = arith.constant 0 : i32
        %dma_wait3A_202 = arith.constant 0 : i32
        %dma_wait3A_203 = tpu.memref_slice %arg5[%dma_wait3A_201, %dma_wait3A_202] : memref<6144x128xf32, #tpu.memory_space<hbm>> -> memref<112x128xf32, #tpu.memory_space<hbm>>
        tpu.wait_dma2 semaphore(%arg15 : memref<!tpu.dma_semaphore, #tpu.memory_space<semaphore_mem>>) src(%dma_wait3A_203 : memref<112x128xf32, #tpu.memory_space<hbm>>) dst(%arg11 : memref<112x128xf32, #tpu.memory_space<vmem>>)
        %dma_start3A_204 = arith.constant 0 : i32
        %dma_start3A_205 = tpu.memref_slice %arg10[%add3A_197, %dma_start3A_204] : memref<90x112xi32, #tpu.memory_space<vmem>> -> memref<1x112xi32, #tpu.memory_space<vmem>>
        %dma_start3A_206 = tpu.memref_squeeze %dma_start3A_205 : memref<1x112xi32, #tpu.memory_space<vmem>> -> memref<112xi32, #tpu.memory_space<vmem>>
        %dma_start3A_207 = arith.constant 0 : i32
        %dma_start3A_208 = arith.constant 0 : i32
        %dma_start3A_209 = tpu.memref_slice %arg23[%dma_start3A_207, %dma_start3A_208] : memref<6144x128xf32, #tpu.memory_space<vmem_shared>> -> memref<6144x128xf32, #tpu.memory_space<vmem_shared>>
        tpu.enqueue_indirect_dma source(%arg11 : memref<112x128xf32, #tpu.memory_space<vmem>>) target(%dma_start3A_209 : memref<6144x128xf32, #tpu.memory_space<vmem_shared>>) offsets(%dma_start3A_206 : memref<112xi32, #tpu.memory_space<vmem>>) semaphore(%arg19 : memref<!tpu.dma_semaphore, #tpu.memory_space<semaphore_mem>>) {add = true}
        %gt3A = arith.constant 0 : i32
        %gt3A_210 = arith.cmpi sgt, %add3A_197, %gt3A : i32
        %convert_element_type3A_211 = arith.extui %gt3A_210 : i1 to i32
        %cond3A_212 = arith.constant 0 : i32
        %cond3A_213 = arith.cmpi ne, %convert_element_type3A_211, %cond3A_212 : i32
        scf.if %cond3A_213 {
          %dma_wait3A_303 = arith.constant 0 : i32
          %dma_wait3A_304 = arith.constant 0 : i32
          %dma_wait3A_305 = tpu.memref_slice %arg5[%dma_wait3A_303, %dma_wait3A_304] : memref<6144x128xf32, #tpu.memory_space<hbm>> -> memref<112x128xf32, #tpu.memory_space<hbm>>
          %dma_wait3A_306 = arith.constant 0 : i32
          %dma_wait3A_307 = arith.constant 0 : i32
          %dma_wait3A_308 = tpu.memref_slice %arg5[%dma_wait3A_306, %dma_wait3A_307] : memref<6144x128xf32, #tpu.memory_space<hbm>> -> memref<112x128xf32, #tpu.memory_space<hbm>>
          tpu.wait_dma2 semaphore(%arg22 : memref<!tpu.dma_semaphore, #tpu.memory_space<semaphore_mem>>) src(%dma_wait3A_308 : memref<112x128xf32, #tpu.memory_space<hbm>>) dst(%arg14 : memref<112x128xf32, #tpu.memory_space<vmem>>)
        } else {
        }
        %add3A_214 = arith.constant 3 : i32
        %add3A_215 = arith.addi %add3A_197, %add3A_214 : i32
        %dma_start3A_216 = arith.constant 0 : i32
        %dma_start3A_217 = tpu.memref_slice %arg9[%add3A_215, %dma_start3A_216] : memref<90x112xi32, #tpu.memory_space<vmem>> -> memref<1x112xi32, #tpu.memory_space<vmem>>
        %dma_start3A_218 = tpu.memref_squeeze %dma_start3A_217 : memref<1x112xi32, #tpu.memory_space<vmem>> -> memref<112xi32, #tpu.memory_space<vmem>>
        %dma_start3A_219 = arith.constant 0 : i32
        %dma_start3A_220 = arith.constant 0 : i32
        %dma_start3A_221 = tpu.memref_slice %arg5[%dma_start3A_219, %dma_start3A_220] : memref<6144x128xf32, #tpu.memory_space<hbm>> -> memref<6144x128xf32, #tpu.memory_space<hbm>>
        tpu.enqueue_indirect_dma source(%dma_start3A_221 : memref<6144x128xf32, #tpu.memory_space<hbm>>) target(%arg14 : memref<112x128xf32, #tpu.memory_space<vmem>>) offsets(%dma_start3A_218 : memref<112xi32, #tpu.memory_space<vmem>>) semaphore(%arg18 : memref<!tpu.dma_semaphore, #tpu.memory_space<semaphore_mem>>)
        %add3A_222 = arith.constant 1 : i32
        %add3A_223 = arith.addi %mul3A_196, %add3A_222 : i32
        %dma_wait3A_224 = arith.constant 0 : i32
        %dma_wait3A_225 = arith.constant 0 : i32
        %dma_wait3A_226 = tpu.memref_slice %arg5[%dma_wait3A_224, %dma_wait3A_225] : memref<6144x128xf32, #tpu.memory_space<hbm>> -> memref<112x128xf32, #tpu.memory_space<hbm>>
        %dma_wait3A_227 = arith.constant 0 : i32
        %dma_wait3A_228 = arith.constant 0 : i32
        %dma_wait3A_229 = tpu.memref_slice %arg5[%dma_wait3A_227, %dma_wait3A_228] : memref<6144x128xf32, #tpu.memory_space<hbm>> -> memref<112x128xf32, #tpu.memory_space<hbm>>
        tpu.wait_dma2 semaphore(%arg16 : memref<!tpu.dma_semaphore, #tpu.memory_space<semaphore_mem>>) src(%dma_wait3A_229 : memref<112x128xf32, #tpu.memory_space<hbm>>) dst(%arg12 : memref<112x128xf32, #tpu.memory_space<vmem>>)
        %dma_start3A_230 = arith.constant 0 : i32
        %dma_start3A_231 = tpu.memref_slice %arg10[%add3A_223, %dma_start3A_230] : memref<90x112xi32, #tpu.memory_space<vmem>> -> memref<1x112xi32, #tpu.memory_space<vmem>>
        %dma_start3A_232 = tpu.memref_squeeze %dma_start3A_231 : memref<1x112xi32, #tpu.memory_space<vmem>> -> memref<112xi32, #tpu.memory_space<vmem>>
        %dma_start3A_233 = arith.constant 0 : i32
        %dma_start3A_234 = arith.constant 0 : i32
        %dma_start3A_235 = tpu.memref_slice %arg23[%dma_start3A_233, %dma_start3A_234] : memref<6144x128xf32, #tpu.memory_space<vmem_shared>> -> memref<6144x128xf32, #tpu.memory_space<vmem_shared>>
        tpu.enqueue_indirect_dma source(%arg12 : memref<112x128xf32, #tpu.memory_space<vmem>>) target(%dma_start3A_235 : memref<6144x128xf32, #tpu.memory_space<vmem_shared>>) offsets(%dma_start3A_232 : memref<112xi32, #tpu.memory_space<vmem>>) semaphore(%arg20 : memref<!tpu.dma_semaphore, #tpu.memory_space<semaphore_mem>>) {add = true}
        %gt3A_236 = arith.constant 0 : i32
        %gt3A_237 = arith.cmpi sgt, %add3A_223, %gt3A_236 : i32
        %convert_element_type3A_238 = arith.extui %gt3A_237 : i1 to i32
        %cond3A_239 = arith.constant 0 : i32
        %cond3A_240 = arith.cmpi ne, %convert_element_type3A_238, %cond3A_239 : i32
        scf.if %cond3A_240 {
          %dma_wait3A_303 = arith.constant 0 : i32
          %dma_wait3A_304 = arith.constant 0 : i32
          %dma_wait3A_305 = tpu.memref_slice %arg5[%dma_wait3A_303, %dma_wait3A_304] : memref<6144x128xf32, #tpu.memory_space<hbm>> -> memref<112x128xf32, #tpu.memory_space<hbm>>
          %dma_wait3A_306 = arith.constant 0 : i32
          %dma_wait3A_307 = arith.constant 0 : i32
          %dma_wait3A_308 = tpu.memref_slice %arg5[%dma_wait3A_306, %dma_wait3A_307] : memref<6144x128xf32, #tpu.memory_space<hbm>> -> memref<112x128xf32, #tpu.memory_space<hbm>>
          tpu.wait_dma2 semaphore(%arg19 : memref<!tpu.dma_semaphore, #tpu.memory_space<semaphore_mem>>) src(%dma_wait3A_308 : memref<112x128xf32, #tpu.memory_space<hbm>>) dst(%arg11 : memref<112x128xf32, #tpu.memory_space<vmem>>)
        } else {
        }
        %add3A_241 = arith.constant 3 : i32
        %add3A_242 = arith.addi %add3A_223, %add3A_241 : i32
        %dma_start3A_243 = arith.constant 0 : i32
        %dma_start3A_244 = tpu.memref_slice %arg9[%add3A_242, %dma_start3A_243] : memref<90x112xi32, #tpu.memory_space<vmem>> -> memref<1x112xi32, #tpu.memory_space<vmem>>
        %dma_start3A_245 = tpu.memref_squeeze %dma_start3A_244 : memref<1x112xi32, #tpu.memory_space<vmem>> -> memref<112xi32, #tpu.memory_space<vmem>>
        %dma_start3A_246 = arith.constant 0 : i32
        %dma_start3A_247 = arith.constant 0 : i32
        %dma_start3A_248 = tpu.memref_slice %arg5[%dma_start3A_246, %dma_start3A_247] : memref<6144x128xf32, #tpu.memory_space<hbm>> -> memref<6144x128xf32, #tpu.memory_space<hbm>>
        tpu.enqueue_indirect_dma source(%dma_start3A_248 : memref<6144x128xf32, #tpu.memory_space<hbm>>) target(%arg11 : memref<112x128xf32, #tpu.memory_space<vmem>>) offsets(%dma_start3A_245 : memref<112xi32, #tpu.memory_space<vmem>>) semaphore(%arg15 : memref<!tpu.dma_semaphore, #tpu.memory_space<semaphore_mem>>)
        %add3A_249 = arith.constant 2 : i32
        %add3A_250 = arith.addi %mul3A_196, %add3A_249 : i32
        %dma_wait3A_251 = arith.constant 0 : i32
        %dma_wait3A_252 = arith.constant 0 : i32
        %dma_wait3A_253 = tpu.memref_slice %arg5[%dma_wait3A_251, %dma_wait3A_252] : memref<6144x128xf32, #tpu.memory_space<hbm>> -> memref<112x128xf32, #tpu.memory_space<hbm>>
        %dma_wait3A_254 = arith.constant 0 : i32
        %dma_wait3A_255 = arith.constant 0 : i32
        %dma_wait3A_256 = tpu.memref_slice %arg5[%dma_wait3A_254, %dma_wait3A_255] : memref<6144x128xf32, #tpu.memory_space<hbm>> -> memref<112x128xf32, #tpu.memory_space<hbm>>
        tpu.wait_dma2 semaphore(%arg17 : memref<!tpu.dma_semaphore, #tpu.memory_space<semaphore_mem>>) src(%dma_wait3A_256 : memref<112x128xf32, #tpu.memory_space<hbm>>) dst(%arg13 : memref<112x128xf32, #tpu.memory_space<vmem>>)
        %dma_start3A_257 = arith.constant 0 : i32
        %dma_start3A_258 = tpu.memref_slice %arg10[%add3A_250, %dma_start3A_257] : memref<90x112xi32, #tpu.memory_space<vmem>> -> memref<1x112xi32, #tpu.memory_space<vmem>>
        %dma_start3A_259 = tpu.memref_squeeze %dma_start3A_258 : memref<1x112xi32, #tpu.memory_space<vmem>> -> memref<112xi32, #tpu.memory_space<vmem>>
        %dma_start3A_260 = arith.constant 0 : i32
        %dma_start3A_261 = arith.constant 0 : i32
        %dma_start3A_262 = tpu.memref_slice %arg23[%dma_start3A_260, %dma_start3A_261] : memref<6144x128xf32, #tpu.memory_space<vmem_shared>> -> memref<6144x128xf32, #tpu.memory_space<vmem_shared>>
        tpu.enqueue_indirect_dma source(%arg13 : memref<112x128xf32, #tpu.memory_space<vmem>>) target(%dma_start3A_262 : memref<6144x128xf32, #tpu.memory_space<vmem_shared>>) offsets(%dma_start3A_259 : memref<112xi32, #tpu.memory_space<vmem>>) semaphore(%arg21 : memref<!tpu.dma_semaphore, #tpu.memory_space<semaphore_mem>>) {add = true}
        %gt3A_263 = arith.constant 0 : i32
        %gt3A_264 = arith.cmpi sgt, %add3A_250, %gt3A_263 : i32
        %convert_element_type3A_265 = arith.extui %gt3A_264 : i1 to i32
        %cond3A_266 = arith.constant 0 : i32
        %cond3A_267 = arith.cmpi ne, %convert_element_type3A_265, %cond3A_266 : i32
        scf.if %cond3A_267 {
          %dma_wait3A_303 = arith.constant 0 : i32
          %dma_wait3A_304 = arith.constant 0 : i32
          %dma_wait3A_305 = tpu.memref_slice %arg5[%dma_wait3A_303, %dma_wait3A_304] : memref<6144x128xf32, #tpu.memory_space<hbm>> -> memref<112x128xf32, #tpu.memory_space<hbm>>
          %dma_wait3A_306 = arith.constant 0 : i32
          %dma_wait3A_307 = arith.constant 0 : i32
          %dma_wait3A_308 = tpu.memref_slice %arg5[%dma_wait3A_306, %dma_wait3A_307] : memref<6144x128xf32, #tpu.memory_space<hbm>> -> memref<112x128xf32, #tpu.memory_space<hbm>>
          tpu.wait_dma2 semaphore(%arg20 : memref<!tpu.dma_semaphore, #tpu.memory_space<semaphore_mem>>) src(%dma_wait3A_308 : memref<112x128xf32, #tpu.memory_space<hbm>>) dst(%arg12 : memref<112x128xf32, #tpu.memory_space<vmem>>)
        } else {
        }
        %add3A_268 = arith.constant 3 : i32
        %add3A_269 = arith.addi %add3A_250, %add3A_268 : i32
        %dma_start3A_270 = arith.constant 0 : i32
        %dma_start3A_271 = tpu.memref_slice %arg9[%add3A_269, %dma_start3A_270] : memref<90x112xi32, #tpu.memory_space<vmem>> -> memref<1x112xi32, #tpu.memory_space<vmem>>
        %dma_start3A_272 = tpu.memref_squeeze %dma_start3A_271 : memref<1x112xi32, #tpu.memory_space<vmem>> -> memref<112xi32, #tpu.memory_space<vmem>>
        %dma_start3A_273 = arith.constant 0 : i32
        %dma_start3A_274 = arith.constant 0 : i32
        %dma_start3A_275 = tpu.memref_slice %arg5[%dma_start3A_273, %dma_start3A_274] : memref<6144x128xf32, #tpu.memory_space<hbm>> -> memref<6144x128xf32, #tpu.memory_space<hbm>>
        tpu.enqueue_indirect_dma source(%dma_start3A_275 : memref<6144x128xf32, #tpu.memory_space<hbm>>) target(%arg12 : memref<112x128xf32, #tpu.memory_space<vmem>>) offsets(%dma_start3A_272 : memref<112xi32, #tpu.memory_space<vmem>>) semaphore(%arg16 : memref<!tpu.dma_semaphore, #tpu.memory_space<semaphore_mem>>)
        %add3A_276 = arith.constant 3 : i32
        %add3A_277 = arith.addi %mul3A_196, %add3A_276 : i32
        %dma_wait3A_278 = arith.constant 0 : i32
        %dma_wait3A_279 = arith.constant 0 : i32
        %dma_wait3A_280 = tpu.memref_slice %arg5[%dma_wait3A_278, %dma_wait3A_279] : memref<6144x128xf32, #tpu.memory_space<hbm>> -> memref<112x128xf32, #tpu.memory_space<hbm>>
        %dma_wait3A_281 = arith.constant 0 : i32
        %dma_wait3A_282 = arith.constant 0 : i32
        %dma_wait3A_283 = tpu.memref_slice %arg5[%dma_wait3A_281, %dma_wait3A_282] : memref<6144x128xf32, #tpu.memory_space<hbm>> -> memref<112x128xf32, #tpu.memory_space<hbm>>
        tpu.wait_dma2 semaphore(%arg18 : memref<!tpu.dma_semaphore, #tpu.memory_space<semaphore_mem>>) src(%dma_wait3A_283 : memref<112x128xf32, #tpu.memory_space<hbm>>) dst(%arg14 : memref<112x128xf32, #tpu.memory_space<vmem>>)
        %dma_start3A_284 = arith.constant 0 : i32
        %dma_start3A_285 = tpu.memref_slice %arg10[%add3A_277, %dma_start3A_284] : memref<90x112xi32, #tpu.memory_space<vmem>> -> memref<1x112xi32, #tpu.memory_space<vmem>>
        %dma_start3A_286 = tpu.memref_squeeze %dma_start3A_285 : memref<1x112xi32, #tpu.memory_space<vmem>> -> memref<112xi32, #tpu.memory_space<vmem>>
        %dma_start3A_287 = arith.constant 0 : i32
        %dma_start3A_288 = arith.constant 0 : i32
        %dma_start3A_289 = tpu.memref_slice %arg23[%dma_start3A_287, %dma_start3A_288] : memref<6144x128xf32, #tpu.memory_space<vmem_shared>> -> memref<6144x128xf32, #tpu.memory_space<vmem_shared>>
        tpu.enqueue_indirect_dma source(%arg14 : memref<112x128xf32, #tpu.memory_space<vmem>>) target(%dma_start3A_289 : memref<6144x128xf32, #tpu.memory_space<vmem_shared>>) offsets(%dma_start3A_286 : memref<112xi32, #tpu.memory_space<vmem>>) semaphore(%arg22 : memref<!tpu.dma_semaphore, #tpu.memory_space<semaphore_mem>>) {add = true}
        %gt3A_290 = arith.constant 0 : i32
        %gt3A_291 = arith.cmpi sgt, %add3A_277, %gt3A_290 : i32
        %convert_element_type3A_292 = arith.extui %gt3A_291 : i1 to i32
        %cond3A_293 = arith.constant 0 : i32
        %cond3A_294 = arith.cmpi ne, %convert_element_type3A_292, %cond3A_293 : i32
        scf.if %cond3A_294 {
          %dma_wait3A_303 = arith.constant 0 : i32
          %dma_wait3A_304 = arith.constant 0 : i32
          %dma_wait3A_305 = tpu.memref_slice %arg5[%dma_wait3A_303, %dma_wait3A_304] : memref<6144x128xf32, #tpu.memory_space<hbm>> -> memref<112x128xf32, #tpu.memory_space<hbm>>
          %dma_wait3A_306 = arith.constant 0 : i32
          %dma_wait3A_307 = arith.constant 0 : i32
          %dma_wait3A_308 = tpu.memref_slice %arg5[%dma_wait3A_306, %dma_wait3A_307] : memref<6144x128xf32, #tpu.memory_space<hbm>> -> memref<112x128xf32, #tpu.memory_space<hbm>>
          tpu.wait_dma2 semaphore(%arg21 : memref<!tpu.dma_semaphore, #tpu.memory_space<semaphore_mem>>) src(%dma_wait3A_308 : memref<112x128xf32, #tpu.memory_space<hbm>>) dst(%arg13 : memref<112x128xf32, #tpu.memory_space<vmem>>)
        } else {
        }
        %add3A_295 = arith.constant 3 : i32
        %add3A_296 = arith.addi %add3A_277, %add3A_295 : i32
        %dma_start3A_297 = arith.constant 0 : i32
        %dma_start3A_298 = tpu.memref_slice %arg9[%add3A_296, %dma_start3A_297] : memref<90x112xi32, #tpu.memory_space<vmem>> -> memref<1x112xi32, #tpu.memory_space<vmem>>
        %dma_start3A_299 = tpu.memref_squeeze %dma_start3A_298 : memref<1x112xi32, #tpu.memory_space<vmem>> -> memref<112xi32, #tpu.memory_space<vmem>>
        %dma_start3A_300 = arith.constant 0 : i32
        %dma_start3A_301 = arith.constant 0 : i32
        %dma_start3A_302 = tpu.memref_slice %arg5[%dma_start3A_300, %dma_start3A_301] : memref<6144x128xf32, #tpu.memory_space<hbm>> -> memref<6144x128xf32, #tpu.memory_space<hbm>>
        tpu.enqueue_indirect_dma source(%dma_start3A_302 : memref<6144x128xf32, #tpu.memory_space<hbm>>) target(%arg13 : memref<112x128xf32, #tpu.memory_space<vmem>>) offsets(%dma_start3A_299 : memref<112xi32, #tpu.memory_space<vmem>>) semaphore(%arg17 : memref<!tpu.dma_semaphore, #tpu.memory_space<semaphore_mem>>)
      }
      %scan3A_53 = arith.constant 21 : i32
      %dma_wait3A = arith.constant 0 : i32
      %dma_wait3A_54 = arith.constant 0 : i32
      %dma_wait3A_55 = tpu.memref_slice %arg5[%dma_wait3A, %dma_wait3A_54] : memref<6144x128xf32, #tpu.memory_space<hbm>> -> memref<112x128xf32, #tpu.memory_space<hbm>>
      %dma_wait3A_56 = arith.constant 0 : i32
      %dma_wait3A_57 = arith.constant 0 : i32
      %dma_wait3A_58 = tpu.memref_slice %arg5[%dma_wait3A_56, %dma_wait3A_57] : memref<6144x128xf32, #tpu.memory_space<hbm>> -> memref<112x128xf32, #tpu.memory_space<hbm>>
      tpu.wait_dma2 semaphore(%arg15 : memref<!tpu.dma_semaphore, #tpu.memory_space<semaphore_mem>>) src(%dma_wait3A_58 : memref<112x128xf32, #tpu.memory_space<hbm>>) dst(%arg11 : memref<112x128xf32, #tpu.memory_space<vmem>>)
      %dma_start3A_59 = arith.constant 84 : i32
      %dma_start3A_60 = arith.constant 0 : i32
      %dma_start3A_61 = tpu.memref_slice %arg10[%dma_start3A_59, %dma_start3A_60] : memref<90x112xi32, #tpu.memory_space<vmem>> -> memref<1x112xi32, #tpu.memory_space<vmem>>
      %dma_start3A_62 = tpu.memref_squeeze %dma_start3A_61 : memref<1x112xi32, #tpu.memory_space<vmem>> -> memref<112xi32, #tpu.memory_space<vmem>>
      %dma_start3A_63 = arith.constant 0 : i32
      %dma_start3A_64 = arith.constant 0 : i32
      %dma_start3A_65 = tpu.memref_slice %arg23[%dma_start3A_63, %dma_start3A_64] : memref<6144x128xf32, #tpu.memory_space<vmem_shared>> -> memref<6144x128xf32, #tpu.memory_space<vmem_shared>>
      tpu.enqueue_indirect_dma source(%arg11 : memref<112x128xf32, #tpu.memory_space<vmem>>) target(%dma_start3A_65 : memref<6144x128xf32, #tpu.memory_space<vmem_shared>>) offsets(%dma_start3A_62 : memref<112xi32, #tpu.memory_space<vmem>>) semaphore(%arg19 : memref<!tpu.dma_semaphore, #tpu.memory_space<semaphore_mem>>) {add = true}
      %dma_wait3A_66 = arith.constant 0 : i32
      %dma_wait3A_67 = arith.constant 0 : i32
      %dma_wait3A_68 = tpu.memref_slice %arg5[%dma_wait3A_66, %dma_wait3A_67] : memref<6144x128xf32, #tpu.memory_space<hbm>> -> memref<112x128xf32, #tpu.memory_space<hbm>>
      %dma_wait3A_69 = arith.constant 0 : i32
      %dma_wait3A_70 = arith.constant 0 : i32
      %dma_wait3A_71 = tpu.memref_slice %arg5[%dma_wait3A_69, %dma_wait3A_70] : memref<6144x128xf32, #tpu.memory_space<hbm>> -> memref<112x128xf32, #tpu.memory_space<hbm>>
      tpu.wait_dma2 semaphore(%arg22 : memref<!tpu.dma_semaphore, #tpu.memory_space<semaphore_mem>>) src(%dma_wait3A_71 : memref<112x128xf32, #tpu.memory_space<hbm>>) dst(%arg14 : memref<112x128xf32, #tpu.memory_space<vmem>>)
      %dma_start3A_72 = arith.constant 87 : i32
      %dma_start3A_73 = arith.constant 0 : i32
      %dma_start3A_74 = tpu.memref_slice %arg9[%dma_start3A_72, %dma_start3A_73] : memref<90x112xi32, #tpu.memory_space<vmem>> -> memref<1x112xi32, #tpu.memory_space<vmem>>
      %dma_start3A_75 = tpu.memref_squeeze %dma_start3A_74 : memref<1x112xi32, #tpu.memory_space<vmem>> -> memref<112xi32, #tpu.memory_space<vmem>>
      %dma_start3A_76 = arith.constant 0 : i32
      %dma_start3A_77 = arith.constant 0 : i32
      %dma_start3A_78 = tpu.memref_slice %arg5[%dma_start3A_76, %dma_start3A_77] : memref<6144x128xf32, #tpu.memory_space<hbm>> -> memref<6144x128xf32, #tpu.memory_space<hbm>>
      tpu.enqueue_indirect_dma source(%dma_start3A_78 : memref<6144x128xf32, #tpu.memory_space<hbm>>) target(%arg14 : memref<112x128xf32, #tpu.memory_space<vmem>>) offsets(%dma_start3A_75 : memref<112xi32, #tpu.memory_space<vmem>>) semaphore(%arg18 : memref<!tpu.dma_semaphore, #tpu.memory_space<semaphore_mem>>)
      %dma_wait3A_79 = arith.constant 0 : i32
      %dma_wait3A_80 = arith.constant 0 : i32
      %dma_wait3A_81 = tpu.memref_slice %arg5[%dma_wait3A_79, %dma_wait3A_80] : memref<6144x128xf32, #tpu.memory_space<hbm>> -> memref<112x128xf32, #tpu.memory_space<hbm>>
      %dma_wait3A_82 = arith.constant 0 : i32
      %dma_wait3A_83 = arith.constant 0 : i32
      %dma_wait3A_84 = tpu.memref_slice %arg5[%dma_wait3A_82, %dma_wait3A_83] : memref<6144x128xf32, #tpu.memory_space<hbm>> -> memref<112x128xf32, #tpu.memory_space<hbm>>
      tpu.wait_dma2 semaphore(%arg16 : memref<!tpu.dma_semaphore, #tpu.memory_space<semaphore_mem>>) src(%dma_wait3A_84 : memref<112x128xf32, #tpu.memory_space<hbm>>) dst(%arg12 : memref<112x128xf32, #tpu.memory_space<vmem>>)
      %dma_start3A_85 = arith.constant 85 : i32
      %dma_start3A_86 = arith.constant 0 : i32
      %dma_start3A_87 = tpu.memref_slice %arg10[%dma_start3A_85, %dma_start3A_86] : memref<90x112xi32, #tpu.memory_space<vmem>> -> memref<1x112xi32, #tpu.memory_space<vmem>>
      %dma_start3A_88 = tpu.memref_squeeze %dma_start3A_87 : memref<1x112xi32, #tpu.memory_space<vmem>> -> memref<112xi32, #tpu.memory_space<vmem>>
      %dma_start3A_89 = arith.constant 0 : i32
      %dma_start3A_90 = arith.constant 0 : i32
      %dma_start3A_91 = tpu.memref_slice %arg23[%dma_start3A_89, %dma_start3A_90] : memref<6144x128xf32, #tpu.memory_space<vmem_shared>> -> memref<6144x128xf32, #tpu.memory_space<vmem_shared>>
      tpu.enqueue_indirect_dma source(%arg12 : memref<112x128xf32, #tpu.memory_space<vmem>>) target(%dma_start3A_91 : memref<6144x128xf32, #tpu.memory_space<vmem_shared>>) offsets(%dma_start3A_88 : memref<112xi32, #tpu.memory_space<vmem>>) semaphore(%arg20 : memref<!tpu.dma_semaphore, #tpu.memory_space<semaphore_mem>>) {add = true}
      %dma_wait3A_92 = arith.constant 0 : i32
      %dma_wait3A_93 = arith.constant 0 : i32
      %dma_wait3A_94 = tpu.memref_slice %arg5[%dma_wait3A_92, %dma_wait3A_93] : memref<6144x128xf32, #tpu.memory_space<hbm>> -> memref<112x128xf32, #tpu.memory_space<hbm>>
      %dma_wait3A_95 = arith.constant 0 : i32
      %dma_wait3A_96 = arith.constant 0 : i32
      %dma_wait3A_97 = tpu.memref_slice %arg5[%dma_wait3A_95, %dma_wait3A_96] : memref<6144x128xf32, #tpu.memory_space<hbm>> -> memref<112x128xf32, #tpu.memory_space<hbm>>
      tpu.wait_dma2 semaphore(%arg19 : memref<!tpu.dma_semaphore, #tpu.memory_space<semaphore_mem>>) src(%dma_wait3A_97 : memref<112x128xf32, #tpu.memory_space<hbm>>) dst(%arg11 : memref<112x128xf32, #tpu.memory_space<vmem>>)
      %dma_start3A_98 = arith.constant 88 : i32
      %dma_start3A_99 = arith.constant 0 : i32
      %dma_start3A_100 = tpu.memref_slice %arg9[%dma_start3A_98, %dma_start3A_99] : memref<90x112xi32, #tpu.memory_space<vmem>> -> memref<1x112xi32, #tpu.memory_space<vmem>>
      %dma_start3A_101 = tpu.memref_squeeze %dma_start3A_100 : memref<1x112xi32, #tpu.memory_space<vmem>> -> memref<112xi32, #tpu.memory_space<vmem>>
      %dma_start3A_102 = arith.constant 0 : i32
      %dma_start3A_103 = arith.constant 0 : i32
      %dma_start3A_104 = tpu.memref_slice %arg5[%dma_start3A_102, %dma_start3A_103] : memref<6144x128xf32, #tpu.memory_space<hbm>> -> memref<6144x128xf32, #tpu.memory_space<hbm>>
      tpu.enqueue_indirect_dma source(%dma_start3A_104 : memref<6144x128xf32, #tpu.memory_space<hbm>>) target(%arg11 : memref<112x128xf32, #tpu.memory_space<vmem>>) offsets(%dma_start3A_101 : memref<112xi32, #tpu.memory_space<vmem>>) semaphore(%arg15 : memref<!tpu.dma_semaphore, #tpu.memory_space<semaphore_mem>>)
      %dma_wait3A_105 = arith.constant 0 : i32
      %dma_wait3A_106 = arith.constant 0 : i32
      %dma_wait3A_107 = tpu.memref_slice %arg5[%dma_wait3A_105, %dma_wait3A_106] : memref<6144x128xf32, #tpu.memory_space<hbm>> -> memref<112x128xf32, #tpu.memory_space<hbm>>
      %dma_wait3A_108 = arith.constant 0 : i32
      %dma_wait3A_109 = arith.constant 0 : i32
      %dma_wait3A_110 = tpu.memref_slice %arg5[%dma_wait3A_108, %dma_wait3A_109] : memref<6144x128xf32, #tpu.memory_space<hbm>> -> memref<112x128xf32, #tpu.memory_space<hbm>>
      tpu.wait_dma2 semaphore(%arg17 : memref<!tpu.dma_semaphore, #tpu.memory_space<semaphore_mem>>) src(%dma_wait3A_110 : memref<112x128xf32, #tpu.memory_space<hbm>>) dst(%arg13 : memref<112x128xf32, #tpu.memory_space<vmem>>)
      %dma_start3A_111 = arith.constant 86 : i32
      %dma_start3A_112 = arith.constant 0 : i32
      %dma_start3A_113 = tpu.memref_slice %arg10[%dma_start3A_111, %dma_start3A_112] : memref<90x112xi32, #tpu.memory_space<vmem>> -> memref<1x112xi32, #tpu.memory_space<vmem>>
      %dma_start3A_114 = tpu.memref_squeeze %dma_start3A_113 : memref<1x112xi32, #tpu.memory_space<vmem>> -> memref<112xi32, #tpu.memory_space<vmem>>
      %dma_start3A_115 = arith.constant 0 : i32
      %dma_start3A_116 = arith.constant 0 : i32
      %dma_start3A_117 = tpu.memref_slice %arg23[%dma_start3A_115, %dma_start3A_116] : memref<6144x128xf32, #tpu.memory_space<vmem_shared>> -> memref<6144x128xf32, #tpu.memory_space<vmem_shared>>
      tpu.enqueue_indirect_dma source(%arg13 : memref<112x128xf32, #tpu.memory_space<vmem>>) target(%dma_start3A_117 : memref<6144x128xf32, #tpu.memory_space<vmem_shared>>) offsets(%dma_start3A_114 : memref<112xi32, #tpu.memory_space<vmem>>) semaphore(%arg21 : memref<!tpu.dma_semaphore, #tpu.memory_space<semaphore_mem>>) {add = true}
      %dma_wait3A_118 = arith.constant 0 : i32
      %dma_wait3A_119 = arith.constant 0 : i32
      %dma_wait3A_120 = tpu.memref_slice %arg5[%dma_wait3A_118, %dma_wait3A_119] : memref<6144x128xf32, #tpu.memory_space<hbm>> -> memref<112x128xf32, #tpu.memory_space<hbm>>
      %dma_wait3A_121 = arith.constant 0 : i32
      %dma_wait3A_122 = arith.constant 0 : i32
      %dma_wait3A_123 = tpu.memref_slice %arg5[%dma_wait3A_121, %dma_wait3A_122] : memref<6144x128xf32, #tpu.memory_space<hbm>> -> memref<112x128xf32, #tpu.memory_space<hbm>>
      tpu.wait_dma2 semaphore(%arg20 : memref<!tpu.dma_semaphore, #tpu.memory_space<semaphore_mem>>) src(%dma_wait3A_123 : memref<112x128xf32, #tpu.memory_space<hbm>>) dst(%arg12 : memref<112x128xf32, #tpu.memory_space<vmem>>)
      %dma_start3A_124 = arith.constant 89 : i32
      %dma_start3A_125 = arith.constant 0 : i32
      %dma_start3A_126 = tpu.memref_slice %arg9[%dma_start3A_124, %dma_start3A_125] : memref<90x112xi32, #tpu.memory_space<vmem>> -> memref<1x112xi32, #tpu.memory_space<vmem>>
      %dma_start3A_127 = tpu.memref_squeeze %dma_start3A_126 : memref<1x112xi32, #tpu.memory_space<vmem>> -> memref<112xi32, #tpu.memory_space<vmem>>
      %dma_start3A_128 = arith.constant 0 : i32
      %dma_start3A_129 = arith.constant 0 : i32
      %dma_start3A_130 = tpu.memref_slice %arg5[%dma_start3A_128, %dma_start3A_129] : memref<6144x128xf32, #tpu.memory_space<hbm>> -> memref<6144x128xf32, #tpu.memory_space<hbm>>
      tpu.enqueue_indirect_dma source(%dma_start3A_130 : memref<6144x128xf32, #tpu.memory_space<hbm>>) target(%arg12 : memref<112x128xf32, #tpu.memory_space<vmem>>) offsets(%dma_start3A_127 : memref<112xi32, #tpu.memory_space<vmem>>) semaphore(%arg16 : memref<!tpu.dma_semaphore, #tpu.memory_space<semaphore_mem>>)
      %dma_wait3A_131 = arith.constant 0 : i32
      %dma_wait3A_132 = arith.constant 0 : i32
      %dma_wait3A_133 = tpu.memref_slice %arg5[%dma_wait3A_131, %dma_wait3A_132] : memref<6144x128xf32, #tpu.memory_space<hbm>> -> memref<112x128xf32, #tpu.memory_space<hbm>>
      %dma_wait3A_134 = arith.constant 0 : i32
      %dma_wait3A_135 = arith.constant 0 : i32
      %dma_wait3A_136 = tpu.memref_slice %arg5[%dma_wait3A_134, %dma_wait3A_135] : memref<6144x128xf32, #tpu.memory_space<hbm>> -> memref<112x128xf32, #tpu.memory_space<hbm>>
      tpu.wait_dma2 semaphore(%arg18 : memref<!tpu.dma_semaphore, #tpu.memory_space<semaphore_mem>>) src(%dma_wait3A_136 : memref<112x128xf32, #tpu.memory_space<hbm>>) dst(%arg14 : memref<112x128xf32, #tpu.memory_space<vmem>>)
      %dma_start3A_137 = arith.constant 87 : i32
      %dma_start3A_138 = arith.constant 0 : i32
      %dma_start3A_139 = tpu.memref_slice %arg10[%dma_start3A_137, %dma_start3A_138] : memref<90x112xi32, #tpu.memory_space<vmem>> -> memref<1x112xi32, #tpu.memory_space<vmem>>
      %dma_start3A_140 = tpu.memref_squeeze %dma_start3A_139 : memref<1x112xi32, #tpu.memory_space<vmem>> -> memref<112xi32, #tpu.memory_space<vmem>>
      %dma_start3A_141 = arith.constant 0 : i32
      %dma_start3A_142 = arith.constant 0 : i32
      %dma_start3A_143 = tpu.memref_slice %arg23[%dma_start3A_141, %dma_start3A_142] : memref<6144x128xf32, #tpu.memory_space<vmem_shared>> -> memref<6144x128xf32, #tpu.memory_space<vmem_shared>>
      tpu.enqueue_indirect_dma source(%arg14 : memref<112x128xf32, #tpu.memory_space<vmem>>) target(%dma_start3A_143 : memref<6144x128xf32, #tpu.memory_space<vmem_shared>>) offsets(%dma_start3A_140 : memref<112xi32, #tpu.memory_space<vmem>>) semaphore(%arg22 : memref<!tpu.dma_semaphore, #tpu.memory_space<semaphore_mem>>) {add = true}
      %dma_wait3A_144 = arith.constant 0 : i32
      %dma_wait3A_145 = arith.constant 0 : i32
      %dma_wait3A_146 = tpu.memref_slice %arg5[%dma_wait3A_144, %dma_wait3A_145] : memref<6144x128xf32, #tpu.memory_space<hbm>> -> memref<112x128xf32, #tpu.memory_space<hbm>>
      %dma_wait3A_147 = arith.constant 0 : i32
      %dma_wait3A_148 = arith.constant 0 : i32
      %dma_wait3A_149 = tpu.memref_slice %arg5[%dma_wait3A_147, %dma_wait3A_148] : memref<6144x128xf32, #tpu.memory_space<hbm>> -> memref<112x128xf32, #tpu.memory_space<hbm>>
      tpu.wait_dma2 semaphore(%arg15 : memref<!tpu.dma_semaphore, #tpu.memory_space<semaphore_mem>>) src(%dma_wait3A_149 : memref<112x128xf32, #tpu.memory_space<hbm>>) dst(%arg11 : memref<112x128xf32, #tpu.memory_space<vmem>>)
      %dma_start3A_150 = arith.constant 88 : i32
      %dma_start3A_151 = arith.constant 0 : i32
      %dma_start3A_152 = tpu.memref_slice %arg10[%dma_start3A_150, %dma_start3A_151] : memref<90x112xi32, #tpu.memory_space<vmem>> -> memref<1x112xi32, #tpu.memory_space<vmem>>
      %dma_start3A_153 = tpu.memref_squeeze %dma_start3A_152 : memref<1x112xi32, #tpu.memory_space<vmem>> -> memref<112xi32, #tpu.memory_space<vmem>>
      %dma_start3A_154 = arith.constant 0 : i32
      %dma_start3A_155 = arith.constant 0 : i32
      %dma_start3A_156 = tpu.memref_slice %arg23[%dma_start3A_154, %dma_start3A_155] : memref<6144x128xf32, #tpu.memory_space<vmem_shared>> -> memref<6144x128xf32, #tpu.memory_space<vmem_shared>>
      tpu.enqueue_indirect_dma source(%arg11 : memref<112x128xf32, #tpu.memory_space<vmem>>) target(%dma_start3A_156 : memref<6144x128xf32, #tpu.memory_space<vmem_shared>>) offsets(%dma_start3A_153 : memref<112xi32, #tpu.memory_space<vmem>>) semaphore(%arg19 : memref<!tpu.dma_semaphore, #tpu.memory_space<semaphore_mem>>) {add = true}
      %dma_wait3A_157 = arith.constant 0 : i32
      %dma_wait3A_158 = arith.constant 0 : i32
      %dma_wait3A_159 = tpu.memref_slice %arg5[%dma_wait3A_157, %dma_wait3A_158] : memref<6144x128xf32, #tpu.memory_space<hbm>> -> memref<112x128xf32, #tpu.memory_space<hbm>>
      %dma_wait3A_160 = arith.constant 0 : i32
      %dma_wait3A_161 = arith.constant 0 : i32
      %dma_wait3A_162 = tpu.memref_slice %arg5[%dma_wait3A_160, %dma_wait3A_161] : memref<6144x128xf32, #tpu.memory_space<hbm>> -> memref<112x128xf32, #tpu.memory_space<hbm>>
      tpu.wait_dma2 semaphore(%arg16 : memref<!tpu.dma_semaphore, #tpu.memory_space<semaphore_mem>>) src(%dma_wait3A_162 : memref<112x128xf32, #tpu.memory_space<hbm>>) dst(%arg12 : memref<112x128xf32, #tpu.memory_space<vmem>>)
      %dma_start3A_163 = arith.constant 89 : i32
      %dma_start3A_164 = arith.constant 0 : i32
      %dma_start3A_165 = tpu.memref_slice %arg10[%dma_start3A_163, %dma_start3A_164] : memref<90x112xi32, #tpu.memory_space<vmem>> -> memref<1x112xi32, #tpu.memory_space<vmem>>
      %dma_start3A_166 = tpu.memref_squeeze %dma_start3A_165 : memref<1x112xi32, #tpu.memory_space<vmem>> -> memref<112xi32, #tpu.memory_space<vmem>>
      %dma_start3A_167 = arith.constant 0 : i32
      %dma_start3A_168 = arith.constant 0 : i32
      %dma_start3A_169 = tpu.memref_slice %arg23[%dma_start3A_167, %dma_start3A_168] : memref<6144x128xf32, #tpu.memory_space<vmem_shared>> -> memref<6144x128xf32, #tpu.memory_space<vmem_shared>>
      tpu.enqueue_indirect_dma source(%arg12 : memref<112x128xf32, #tpu.memory_space<vmem>>) target(%dma_start3A_169 : memref<6144x128xf32, #tpu.memory_space<vmem_shared>>) offsets(%dma_start3A_166 : memref<112xi32, #tpu.memory_space<vmem>>) semaphore(%arg20 : memref<!tpu.dma_semaphore, #tpu.memory_space<semaphore_mem>>) {add = true}
      %dma_wait3A_170 = arith.constant 0 : i32
      %dma_wait3A_171 = arith.constant 0 : i32
      %dma_wait3A_172 = tpu.memref_slice %arg5[%dma_wait3A_170, %dma_wait3A_171] : memref<6144x128xf32, #tpu.memory_space<hbm>> -> memref<112x128xf32, #tpu.memory_space<hbm>>
      %dma_wait3A_173 = arith.constant 0 : i32
      %dma_wait3A_174 = arith.constant 0 : i32
      %dma_wait3A_175 = tpu.memref_slice %arg5[%dma_wait3A_173, %dma_wait3A_174] : memref<6144x128xf32, #tpu.memory_space<hbm>> -> memref<112x128xf32, #tpu.memory_space<hbm>>
      tpu.wait_dma2 semaphore(%arg21 : memref<!tpu.dma_semaphore, #tpu.memory_space<semaphore_mem>>) src(%dma_wait3A_175 : memref<112x128xf32, #tpu.memory_space<hbm>>) dst(%arg13 : memref<112x128xf32, #tpu.memory_space<vmem>>)
      %dma_wait3A_176 = arith.constant 0 : i32
      %dma_wait3A_177 = arith.constant 0 : i32
      %dma_wait3A_178 = tpu.memref_slice %arg5[%dma_wait3A_176, %dma_wait3A_177] : memref<6144x128xf32, #tpu.memory_space<hbm>> -> memref<112x128xf32, #tpu.memory_space<hbm>>
      %dma_wait3A_179 = arith.constant 0 : i32
      %dma_wait3A_180 = arith.constant 0 : i32
      %dma_wait3A_181 = tpu.memref_slice %arg5[%dma_wait3A_179, %dma_wait3A_180] : memref<6144x128xf32, #tpu.memory_space<hbm>> -> memref<112x128xf32, #tpu.memory_space<hbm>>
      tpu.wait_dma2 semaphore(%arg22 : memref<!tpu.dma_semaphore, #tpu.memory_space<semaphore_mem>>) src(%dma_wait3A_181 : memref<112x128xf32, #tpu.memory_space<hbm>>) dst(%arg14 : memref<112x128xf32, #tpu.memory_space<vmem>>)
      %dma_wait3A_182 = arith.constant 0 : i32
      %dma_wait3A_183 = arith.constant 0 : i32
      %dma_wait3A_184 = tpu.memref_slice %arg5[%dma_wait3A_182, %dma_wait3A_183] : memref<6144x128xf32, #tpu.memory_space<hbm>> -> memref<112x128xf32, #tpu.memory_space<hbm>>
      %dma_wait3A_185 = arith.constant 0 : i32
      %dma_wait3A_186 = arith.constant 0 : i32
      %dma_wait3A_187 = tpu.memref_slice %arg5[%dma_wait3A_185, %dma_wait3A_186] : memref<6144x128xf32, #tpu.memory_space<hbm>> -> memref<112x128xf32, #tpu.memory_space<hbm>>
      tpu.wait_dma2 semaphore(%arg19 : memref<!tpu.dma_semaphore, #tpu.memory_space<semaphore_mem>>) src(%dma_wait3A_187 : memref<112x128xf32, #tpu.memory_space<hbm>>) dst(%arg11 : memref<112x128xf32, #tpu.memory_space<vmem>>)
      %dma_wait3A_188 = arith.constant 0 : i32
      %dma_wait3A_189 = arith.constant 0 : i32
      %dma_wait3A_190 = tpu.memref_slice %arg5[%dma_wait3A_188, %dma_wait3A_189] : memref<6144x128xf32, #tpu.memory_space<hbm>> -> memref<112x128xf32, #tpu.memory_space<hbm>>
      %dma_wait3A_191 = arith.constant 0 : i32
      %dma_wait3A_192 = arith.constant 0 : i32
      %dma_wait3A_193 = tpu.memref_slice %arg5[%dma_wait3A_191, %dma_wait3A_192] : memref<6144x128xf32, #tpu.memory_space<hbm>> -> memref<112x128xf32, #tpu.memory_space<hbm>>
      tpu.wait_dma2 semaphore(%arg20 : memref<!tpu.dma_semaphore, #tpu.memory_space<semaphore_mem>>) src(%dma_wait3A_193 : memref<112x128xf32, #tpu.memory_space<hbm>>) dst(%arg12 : memref<112x128xf32, #tpu.memory_space<vmem>>)
    } else {
    }
    %eq3A_13 = arith.constant 1 : i32
    %eq3A_14 = arith.cmpi eq, %arg0, %eq3A_13 : i32
    %convert_element_type3A_15 = arith.extui %eq3A_14 : i1 to i32
    %cond3A_16 = arith.constant 0 : i32
    %cond3A_17 = arith.cmpi ne, %convert_element_type3A_15, %cond3A_16 : i32
    scf.if %cond3A_17 {
      %dma_start3A = arith.constant 0 : i32
      %dma_start3A_29 = arith.constant 0 : i32
      %dma_start3A_30 = tpu.memref_slice %arg9[%dma_start3A, %dma_start3A_29] : memref<90x112xi32, #tpu.memory_space<vmem>> -> memref<1x112xi32, #tpu.memory_space<vmem>>
      %dma_start3A_31 = tpu.memref_squeeze %dma_start3A_30 : memref<1x112xi32, #tpu.memory_space<vmem>> -> memref<112xi32, #tpu.memory_space<vmem>>
      %dma_start3A_32 = arith.constant 0 : i32
      %dma_start3A_33 = arith.constant 0 : i32
      %dma_start3A_34 = tpu.memref_slice %arg4[%dma_start3A_32, %dma_start3A_33] : memref<6144x128xf32, #tpu.memory_space<hbm>> -> memref<6144x128xf32, #tpu.memory_space<hbm>>
      tpu.enqueue_indirect_dma source(%dma_start3A_34 : memref<6144x128xf32, #tpu.memory_space<hbm>>) target(%arg11 : memref<112x128xf32, #tpu.memory_space<vmem>>) offsets(%dma_start3A_31 : memref<112xi32, #tpu.memory_space<vmem>>) semaphore(%arg15 : memref<!tpu.dma_semaphore, #tpu.memory_space<semaphore_mem>>)
      %dma_start3A_35 = arith.constant 1 : i32
      %dma_start3A_36 = arith.constant 0 : i32
      %dma_start3A_37 = tpu.memref_slice %arg9[%dma_start3A_35, %dma_start3A_36] : memref<90x112xi32, #tpu.memory_space<vmem>> -> memref<1x112xi32, #tpu.memory_space<vmem>>
      %dma_start3A_38 = tpu.memref_squeeze %dma_start3A_37 : memref<1x112xi32, #tpu.memory_space<vmem>> -> memref<112xi32, #tpu.memory_space<vmem>>
      %dma_start3A_39 = arith.constant 0 : i32
      %dma_start3A_40 = arith.constant 0 : i32
      %dma_start3A_41 = tpu.memref_slice %arg4[%dma_start3A_39, %dma_start3A_40] : memref<6144x128xf32, #tpu.memory_space<hbm>> -> memref<6144x128xf32, #tpu.memory_space<hbm>>
      tpu.enqueue_indirect_dma source(%dma_start3A_41 : memref<6144x128xf32, #tpu.memory_space<hbm>>) target(%arg12 : memref<112x128xf32, #tpu.memory_space<vmem>>) offsets(%dma_start3A_38 : memref<112xi32, #tpu.memory_space<vmem>>) semaphore(%arg16 : memref<!tpu.dma_semaphore, #tpu.memory_space<semaphore_mem>>)
      %dma_start3A_42 = arith.constant 2 : i32
      %dma_start3A_43 = arith.constant 0 : i32
      %dma_start3A_44 = tpu.memref_slice %arg9[%dma_start3A_42, %dma_start3A_43] : memref<90x112xi32, #tpu.memory_space<vmem>> -> memref<1x112xi32, #tpu.memory_space<vmem>>
      %dma_start3A_45 = tpu.memref_squeeze %dma_start3A_44 : memref<1x112xi32, #tpu.memory_space<vmem>> -> memref<112xi32, #tpu.memory_space<vmem>>
      %dma_start3A_46 = arith.constant 0 : i32
      %dma_start3A_47 = arith.constant 0 : i32
      %dma_start3A_48 = tpu.memref_slice %arg4[%dma_start3A_46, %dma_start3A_47] : memref<6144x128xf32, #tpu.memory_space<hbm>> -> memref<6144x128xf32, #tpu.memory_space<hbm>>
      tpu.enqueue_indirect_dma source(%dma_start3A_48 : memref<6144x128xf32, #tpu.memory_space<hbm>>) target(%arg13 : memref<112x128xf32, #tpu.memory_space<vmem>>) offsets(%dma_start3A_45 : memref<112xi32, #tpu.memory_space<vmem>>) semaphore(%arg17 : memref<!tpu.dma_semaphore, #tpu.memory_space<semaphore_mem>>)
      %scan3A = arith.constant 0 : i32
      %scan3A_49 = arith.constant 0 : i32
      %scan3A_50 = arith.constant 21 : i32
      %scan3A_51 = arith.addi %scan3A_49, %scan3A_50 : i32
      %scan3A_52 = arith.constant 1 : i32
      scf.for %scan3A_194 = %scan3A_49 to %scan3A_51 step %scan3A_52  : i32 {
        %mul3A_195 = arith.constant 4 : i32
        %mul3A_196 = arith.muli %mul3A_195, %scan3A_194 : i32
        %add3A = arith.constant 0 : i32
        %add3A_197 = arith.addi %mul3A_196, %add3A : i32
        %dma_wait3A_198 = arith.constant 0 : i32
        %dma_wait3A_199 = arith.constant 0 : i32
        %dma_wait3A_200 = tpu.memref_slice %arg4[%dma_wait3A_198, %dma_wait3A_199] : memref<6144x128xf32, #tpu.memory_space<hbm>> -> memref<112x128xf32, #tpu.memory_space<hbm>>
        %dma_wait3A_201 = arith.constant 0 : i32
        %dma_wait3A_202 = arith.constant 0 : i32
        %dma_wait3A_203 = tpu.memref_slice %arg4[%dma_wait3A_201, %dma_wait3A_202] : memref<6144x128xf32, #tpu.memory_space<hbm>> -> memref<112x128xf32, #tpu.memory_space<hbm>>
        tpu.wait_dma2 semaphore(%arg15 : memref<!tpu.dma_semaphore, #tpu.memory_space<semaphore_mem>>) src(%dma_wait3A_203 : memref<112x128xf32, #tpu.memory_space<hbm>>) dst(%arg11 : memref<112x128xf32, #tpu.memory_space<vmem>>)
        %dma_start3A_204 = arith.constant 0 : i32
        %dma_start3A_205 = tpu.memref_slice %arg10[%add3A_197, %dma_start3A_204] : memref<90x112xi32, #tpu.memory_space<vmem>> -> memref<1x112xi32, #tpu.memory_space<vmem>>
        %dma_start3A_206 = tpu.memref_squeeze %dma_start3A_205 : memref<1x112xi32, #tpu.memory_space<vmem>> -> memref<112xi32, #tpu.memory_space<vmem>>
        %dma_start3A_207 = arith.constant 0 : i32
        %dma_start3A_208 = arith.constant 0 : i32
        %dma_start3A_209 = tpu.memref_slice %arg23[%dma_start3A_207, %dma_start3A_208] : memref<6144x128xf32, #tpu.memory_space<vmem_shared>> -> memref<6144x128xf32, #tpu.memory_space<vmem_shared>>
        tpu.enqueue_indirect_dma source(%arg11 : memref<112x128xf32, #tpu.memory_space<vmem>>) target(%dma_start3A_209 : memref<6144x128xf32, #tpu.memory_space<vmem_shared>>) offsets(%dma_start3A_206 : memref<112xi32, #tpu.memory_space<vmem>>) semaphore(%arg19 : memref<!tpu.dma_semaphore, #tpu.memory_space<semaphore_mem>>) {add = true}
        %gt3A = arith.constant 0 : i32
        %gt3A_210 = arith.cmpi sgt, %add3A_197, %gt3A : i32
        %convert_element_type3A_211 = arith.extui %gt3A_210 : i1 to i32
        %cond3A_212 = arith.constant 0 : i32
        %cond3A_213 = arith.cmpi ne, %convert_element_type3A_211, %cond3A_212 : i32
        scf.if %cond3A_213 {
          %dma_wait3A_303 = arith.constant 0 : i32
          %dma_wait3A_304 = arith.constant 0 : i32
          %dma_wait3A_305 = tpu.memref_slice %arg4[%dma_wait3A_303, %dma_wait3A_304] : memref<6144x128xf32, #tpu.memory_space<hbm>> -> memref<112x128xf32, #tpu.memory_space<hbm>>
          %dma_wait3A_306 = arith.constant 0 : i32
          %dma_wait3A_307 = arith.constant 0 : i32
          %dma_wait3A_308 = tpu.memref_slice %arg4[%dma_wait3A_306, %dma_wait3A_307] : memref<6144x128xf32, #tpu.memory_space<hbm>> -> memref<112x128xf32, #tpu.memory_space<hbm>>
          tpu.wait_dma2 semaphore(%arg22 : memref<!tpu.dma_semaphore, #tpu.memory_space<semaphore_mem>>) src(%dma_wait3A_308 : memref<112x128xf32, #tpu.memory_space<hbm>>) dst(%arg14 : memref<112x128xf32, #tpu.memory_space<vmem>>)
        } else {
        }
        %add3A_214 = arith.constant 3 : i32
        %add3A_215 = arith.addi %add3A_197, %add3A_214 : i32
        %dma_start3A_216 = arith.constant 0 : i32
        %dma_start3A_217 = tpu.memref_slice %arg9[%add3A_215, %dma_start3A_216] : memref<90x112xi32, #tpu.memory_space<vmem>> -> memref<1x112xi32, #tpu.memory_space<vmem>>
        %dma_start3A_218 = tpu.memref_squeeze %dma_start3A_217 : memref<1x112xi32, #tpu.memory_space<vmem>> -> memref<112xi32, #tpu.memory_space<vmem>>
        %dma_start3A_219 = arith.constant 0 : i32
        %dma_start3A_220 = arith.constant 0 : i32
        %dma_start3A_221 = tpu.memref_slice %arg4[%dma_start3A_219, %dma_start3A_220] : memref<6144x128xf32, #tpu.memory_space<hbm>> -> memref<6144x128xf32, #tpu.memory_space<hbm>>
        tpu.enqueue_indirect_dma source(%dma_start3A_221 : memref<6144x128xf32, #tpu.memory_space<hbm>>) target(%arg14 : memref<112x128xf32, #tpu.memory_space<vmem>>) offsets(%dma_start3A_218 : memref<112xi32, #tpu.memory_space<vmem>>) semaphore(%arg18 : memref<!tpu.dma_semaphore, #tpu.memory_space<semaphore_mem>>)
        %add3A_222 = arith.constant 1 : i32
        %add3A_223 = arith.addi %mul3A_196, %add3A_222 : i32
        %dma_wait3A_224 = arith.constant 0 : i32
        %dma_wait3A_225 = arith.constant 0 : i32
        %dma_wait3A_226 = tpu.memref_slice %arg4[%dma_wait3A_224, %dma_wait3A_225] : memref<6144x128xf32, #tpu.memory_space<hbm>> -> memref<112x128xf32, #tpu.memory_space<hbm>>
        %dma_wait3A_227 = arith.constant 0 : i32
        %dma_wait3A_228 = arith.constant 0 : i32
        %dma_wait3A_229 = tpu.memref_slice %arg4[%dma_wait3A_227, %dma_wait3A_228] : memref<6144x128xf32, #tpu.memory_space<hbm>> -> memref<112x128xf32, #tpu.memory_space<hbm>>
        tpu.wait_dma2 semaphore(%arg16 : memref<!tpu.dma_semaphore, #tpu.memory_space<semaphore_mem>>) src(%dma_wait3A_229 : memref<112x128xf32, #tpu.memory_space<hbm>>) dst(%arg12 : memref<112x128xf32, #tpu.memory_space<vmem>>)
        %dma_start3A_230 = arith.constant 0 : i32
        %dma_start3A_231 = tpu.memref_slice %arg10[%add3A_223, %dma_start3A_230] : memref<90x112xi32, #tpu.memory_space<vmem>> -> memref<1x112xi32, #tpu.memory_space<vmem>>
        %dma_start3A_232 = tpu.memref_squeeze %dma_start3A_231 : memref<1x112xi32, #tpu.memory_space<vmem>> -> memref<112xi32, #tpu.memory_space<vmem>>
        %dma_start3A_233 = arith.constant 0 : i32
        %dma_start3A_234 = arith.constant 0 : i32
        %dma_start3A_235 = tpu.memref_slice %arg23[%dma_start3A_233, %dma_start3A_234] : memref<6144x128xf32, #tpu.memory_space<vmem_shared>> -> memref<6144x128xf32, #tpu.memory_space<vmem_shared>>
        tpu.enqueue_indirect_dma source(%arg12 : memref<112x128xf32, #tpu.memory_space<vmem>>) target(%dma_start3A_235 : memref<6144x128xf32, #tpu.memory_space<vmem_shared>>) offsets(%dma_start3A_232 : memref<112xi32, #tpu.memory_space<vmem>>) semaphore(%arg20 : memref<!tpu.dma_semaphore, #tpu.memory_space<semaphore_mem>>) {add = true}
        %gt3A_236 = arith.constant 0 : i32
        %gt3A_237 = arith.cmpi sgt, %add3A_223, %gt3A_236 : i32
        %convert_element_type3A_238 = arith.extui %gt3A_237 : i1 to i32
        %cond3A_239 = arith.constant 0 : i32
        %cond3A_240 = arith.cmpi ne, %convert_element_type3A_238, %cond3A_239 : i32
        scf.if %cond3A_240 {
          %dma_wait3A_303 = arith.constant 0 : i32
          %dma_wait3A_304 = arith.constant 0 : i32
          %dma_wait3A_305 = tpu.memref_slice %arg4[%dma_wait3A_303, %dma_wait3A_304] : memref<6144x128xf32, #tpu.memory_space<hbm>> -> memref<112x128xf32, #tpu.memory_space<hbm>>
          %dma_wait3A_306 = arith.constant 0 : i32
          %dma_wait3A_307 = arith.constant 0 : i32
          %dma_wait3A_308 = tpu.memref_slice %arg4[%dma_wait3A_306, %dma_wait3A_307] : memref<6144x128xf32, #tpu.memory_space<hbm>> -> memref<112x128xf32, #tpu.memory_space<hbm>>
          tpu.wait_dma2 semaphore(%arg19 : memref<!tpu.dma_semaphore, #tpu.memory_space<semaphore_mem>>) src(%dma_wait3A_308 : memref<112x128xf32, #tpu.memory_space<hbm>>) dst(%arg11 : memref<112x128xf32, #tpu.memory_space<vmem>>)
        } else {
        }
        %add3A_241 = arith.constant 3 : i32
        %add3A_242 = arith.addi %add3A_223, %add3A_241 : i32
        %dma_start3A_243 = arith.constant 0 : i32
        %dma_start3A_244 = tpu.memref_slice %arg9[%add3A_242, %dma_start3A_243] : memref<90x112xi32, #tpu.memory_space<vmem>> -> memref<1x112xi32, #tpu.memory_space<vmem>>
        %dma_start3A_245 = tpu.memref_squeeze %dma_start3A_244 : memref<1x112xi32, #tpu.memory_space<vmem>> -> memref<112xi32, #tpu.memory_space<vmem>>
        %dma_start3A_246 = arith.constant 0 : i32
        %dma_start3A_247 = arith.constant 0 : i32
        %dma_start3A_248 = tpu.memref_slice %arg4[%dma_start3A_246, %dma_start3A_247] : memref<6144x128xf32, #tpu.memory_space<hbm>> -> memref<6144x128xf32, #tpu.memory_space<hbm>>
        tpu.enqueue_indirect_dma source(%dma_start3A_248 : memref<6144x128xf32, #tpu.memory_space<hbm>>) target(%arg11 : memref<112x128xf32, #tpu.memory_space<vmem>>) offsets(%dma_start3A_245 : memref<112xi32, #tpu.memory_space<vmem>>) semaphore(%arg15 : memref<!tpu.dma_semaphore, #tpu.memory_space<semaphore_mem>>)
        %add3A_249 = arith.constant 2 : i32
        %add3A_250 = arith.addi %mul3A_196, %add3A_249 : i32
        %dma_wait3A_251 = arith.constant 0 : i32
        %dma_wait3A_252 = arith.constant 0 : i32
        %dma_wait3A_253 = tpu.memref_slice %arg4[%dma_wait3A_251, %dma_wait3A_252] : memref<6144x128xf32, #tpu.memory_space<hbm>> -> memref<112x128xf32, #tpu.memory_space<hbm>>
        %dma_wait3A_254 = arith.constant 0 : i32
        %dma_wait3A_255 = arith.constant 0 : i32
        %dma_wait3A_256 = tpu.memref_slice %arg4[%dma_wait3A_254, %dma_wait3A_255] : memref<6144x128xf32, #tpu.memory_space<hbm>> -> memref<112x128xf32, #tpu.memory_space<hbm>>
        tpu.wait_dma2 semaphore(%arg17 : memref<!tpu.dma_semaphore, #tpu.memory_space<semaphore_mem>>) src(%dma_wait3A_256 : memref<112x128xf32, #tpu.memory_space<hbm>>) dst(%arg13 : memref<112x128xf32, #tpu.memory_space<vmem>>)
        %dma_start3A_257 = arith.constant 0 : i32
        %dma_start3A_258 = tpu.memref_slice %arg10[%add3A_250, %dma_start3A_257] : memref<90x112xi32, #tpu.memory_space<vmem>> -> memref<1x112xi32, #tpu.memory_space<vmem>>
        %dma_start3A_259 = tpu.memref_squeeze %dma_start3A_258 : memref<1x112xi32, #tpu.memory_space<vmem>> -> memref<112xi32, #tpu.memory_space<vmem>>
        %dma_start3A_260 = arith.constant 0 : i32
        %dma_start3A_261 = arith.constant 0 : i32
        %dma_start3A_262 = tpu.memref_slice %arg23[%dma_start3A_260, %dma_start3A_261] : memref<6144x128xf32, #tpu.memory_space<vmem_shared>> -> memref<6144x128xf32, #tpu.memory_space<vmem_shared>>
        tpu.enqueue_indirect_dma source(%arg13 : memref<112x128xf32, #tpu.memory_space<vmem>>) target(%dma_start3A_262 : memref<6144x128xf32, #tpu.memory_space<vmem_shared>>) offsets(%dma_start3A_259 : memref<112xi32, #tpu.memory_space<vmem>>) semaphore(%arg21 : memref<!tpu.dma_semaphore, #tpu.memory_space<semaphore_mem>>) {add = true}
        %gt3A_263 = arith.constant 0 : i32
        %gt3A_264 = arith.cmpi sgt, %add3A_250, %gt3A_263 : i32
        %convert_element_type3A_265 = arith.extui %gt3A_264 : i1 to i32
        %cond3A_266 = arith.constant 0 : i32
        %cond3A_267 = arith.cmpi ne, %convert_element_type3A_265, %cond3A_266 : i32
        scf.if %cond3A_267 {
          %dma_wait3A_303 = arith.constant 0 : i32
          %dma_wait3A_304 = arith.constant 0 : i32
          %dma_wait3A_305 = tpu.memref_slice %arg4[%dma_wait3A_303, %dma_wait3A_304] : memref<6144x128xf32, #tpu.memory_space<hbm>> -> memref<112x128xf32, #tpu.memory_space<hbm>>
          %dma_wait3A_306 = arith.constant 0 : i32
          %dma_wait3A_307 = arith.constant 0 : i32
          %dma_wait3A_308 = tpu.memref_slice %arg4[%dma_wait3A_306, %dma_wait3A_307] : memref<6144x128xf32, #tpu.memory_space<hbm>> -> memref<112x128xf32, #tpu.memory_space<hbm>>
          tpu.wait_dma2 semaphore(%arg20 : memref<!tpu.dma_semaphore, #tpu.memory_space<semaphore_mem>>) src(%dma_wait3A_308 : memref<112x128xf32, #tpu.memory_space<hbm>>) dst(%arg12 : memref<112x128xf32, #tpu.memory_space<vmem>>)
        } else {
        }
        %add3A_268 = arith.constant 3 : i32
        %add3A_269 = arith.addi %add3A_250, %add3A_268 : i32
        %dma_start3A_270 = arith.constant 0 : i32
        %dma_start3A_271 = tpu.memref_slice %arg9[%add3A_269, %dma_start3A_270] : memref<90x112xi32, #tpu.memory_space<vmem>> -> memref<1x112xi32, #tpu.memory_space<vmem>>
        %dma_start3A_272 = tpu.memref_squeeze %dma_start3A_271 : memref<1x112xi32, #tpu.memory_space<vmem>> -> memref<112xi32, #tpu.memory_space<vmem>>
        %dma_start3A_273 = arith.constant 0 : i32
        %dma_start3A_274 = arith.constant 0 : i32
        %dma_start3A_275 = tpu.memref_slice %arg4[%dma_start3A_273, %dma_start3A_274] : memref<6144x128xf32, #tpu.memory_space<hbm>> -> memref<6144x128xf32, #tpu.memory_space<hbm>>
        tpu.enqueue_indirect_dma source(%dma_start3A_275 : memref<6144x128xf32, #tpu.memory_space<hbm>>) target(%arg12 : memref<112x128xf32, #tpu.memory_space<vmem>>) offsets(%dma_start3A_272 : memref<112xi32, #tpu.memory_space<vmem>>) semaphore(%arg16 : memref<!tpu.dma_semaphore, #tpu.memory_space<semaphore_mem>>)
        %add3A_276 = arith.constant 3 : i32
        %add3A_277 = arith.addi %mul3A_196, %add3A_276 : i32
        %dma_wait3A_278 = arith.constant 0 : i32
        %dma_wait3A_279 = arith.constant 0 : i32
        %dma_wait3A_280 = tpu.memref_slice %arg4[%dma_wait3A_278, %dma_wait3A_279] : memref<6144x128xf32, #tpu.memory_space<hbm>> -> memref<112x128xf32, #tpu.memory_space<hbm>>
        %dma_wait3A_281 = arith.constant 0 : i32
        %dma_wait3A_282 = arith.constant 0 : i32
        %dma_wait3A_283 = tpu.memref_slice %arg4[%dma_wait3A_281, %dma_wait3A_282] : memref<6144x128xf32, #tpu.memory_space<hbm>> -> memref<112x128xf32, #tpu.memory_space<hbm>>
        tpu.wait_dma2 semaphore(%arg18 : memref<!tpu.dma_semaphore, #tpu.memory_space<semaphore_mem>>) src(%dma_wait3A_283 : memref<112x128xf32, #tpu.memory_space<hbm>>) dst(%arg14 : memref<112x128xf32, #tpu.memory_space<vmem>>)
        %dma_start3A_284 = arith.constant 0 : i32
        %dma_start3A_285 = tpu.memref_slice %arg10[%add3A_277, %dma_start3A_284] : memref<90x112xi32, #tpu.memory_space<vmem>> -> memref<1x112xi32, #tpu.memory_space<vmem>>
        %dma_start3A_286 = tpu.memref_squeeze %dma_start3A_285 : memref<1x112xi32, #tpu.memory_space<vmem>> -> memref<112xi32, #tpu.memory_space<vmem>>
        %dma_start3A_287 = arith.constant 0 : i32
        %dma_start3A_288 = arith.constant 0 : i32
        %dma_start3A_289 = tpu.memref_slice %arg23[%dma_start3A_287, %dma_start3A_288] : memref<6144x128xf32, #tpu.memory_space<vmem_shared>> -> memref<6144x128xf32, #tpu.memory_space<vmem_shared>>
        tpu.enqueue_indirect_dma source(%arg14 : memref<112x128xf32, #tpu.memory_space<vmem>>) target(%dma_start3A_289 : memref<6144x128xf32, #tpu.memory_space<vmem_shared>>) offsets(%dma_start3A_286 : memref<112xi32, #tpu.memory_space<vmem>>) semaphore(%arg22 : memref<!tpu.dma_semaphore, #tpu.memory_space<semaphore_mem>>) {add = true}
        %gt3A_290 = arith.constant 0 : i32
        %gt3A_291 = arith.cmpi sgt, %add3A_277, %gt3A_290 : i32
        %convert_element_type3A_292 = arith.extui %gt3A_291 : i1 to i32
        %cond3A_293 = arith.constant 0 : i32
        %cond3A_294 = arith.cmpi ne, %convert_element_type3A_292, %cond3A_293 : i32
        scf.if %cond3A_294 {
          %dma_wait3A_303 = arith.constant 0 : i32
          %dma_wait3A_304 = arith.constant 0 : i32
          %dma_wait3A_305 = tpu.memref_slice %arg4[%dma_wait3A_303, %dma_wait3A_304] : memref<6144x128xf32, #tpu.memory_space<hbm>> -> memref<112x128xf32, #tpu.memory_space<hbm>>
          %dma_wait3A_306 = arith.constant 0 : i32
          %dma_wait3A_307 = arith.constant 0 : i32
          %dma_wait3A_308 = tpu.memref_slice %arg4[%dma_wait3A_306, %dma_wait3A_307] : memref<6144x128xf32, #tpu.memory_space<hbm>> -> memref<112x128xf32, #tpu.memory_space<hbm>>
          tpu.wait_dma2 semaphore(%arg21 : memref<!tpu.dma_semaphore, #tpu.memory_space<semaphore_mem>>) src(%dma_wait3A_308 : memref<112x128xf32, #tpu.memory_space<hbm>>) dst(%arg13 : memref<112x128xf32, #tpu.memory_space<vmem>>)
        } else {
        }
        %add3A_295 = arith.constant 3 : i32
        %add3A_296 = arith.addi %add3A_277, %add3A_295 : i32
        %dma_start3A_297 = arith.constant 0 : i32
        %dma_start3A_298 = tpu.memref_slice %arg9[%add3A_296, %dma_start3A_297] : memref<90x112xi32, #tpu.memory_space<vmem>> -> memref<1x112xi32, #tpu.memory_space<vmem>>
        %dma_start3A_299 = tpu.memref_squeeze %dma_start3A_298 : memref<1x112xi32, #tpu.memory_space<vmem>> -> memref<112xi32, #tpu.memory_space<vmem>>
        %dma_start3A_300 = arith.constant 0 : i32
        %dma_start3A_301 = arith.constant 0 : i32
        %dma_start3A_302 = tpu.memref_slice %arg4[%dma_start3A_300, %dma_start3A_301] : memref<6144x128xf32, #tpu.memory_space<hbm>> -> memref<6144x128xf32, #tpu.memory_space<hbm>>
        tpu.enqueue_indirect_dma source(%dma_start3A_302 : memref<6144x128xf32, #tpu.memory_space<hbm>>) target(%arg13 : memref<112x128xf32, #tpu.memory_space<vmem>>) offsets(%dma_start3A_299 : memref<112xi32, #tpu.memory_space<vmem>>) semaphore(%arg17 : memref<!tpu.dma_semaphore, #tpu.memory_space<semaphore_mem>>)
      }
      %scan3A_53 = arith.constant 21 : i32
      %dma_wait3A = arith.constant 0 : i32
      %dma_wait3A_54 = arith.constant 0 : i32
      %dma_wait3A_55 = tpu.memref_slice %arg4[%dma_wait3A, %dma_wait3A_54] : memref<6144x128xf32, #tpu.memory_space<hbm>> -> memref<112x128xf32, #tpu.memory_space<hbm>>
      %dma_wait3A_56 = arith.constant 0 : i32
      %dma_wait3A_57 = arith.constant 0 : i32
      %dma_wait3A_58 = tpu.memref_slice %arg4[%dma_wait3A_56, %dma_wait3A_57] : memref<6144x128xf32, #tpu.memory_space<hbm>> -> memref<112x128xf32, #tpu.memory_space<hbm>>
      tpu.wait_dma2 semaphore(%arg15 : memref<!tpu.dma_semaphore, #tpu.memory_space<semaphore_mem>>) src(%dma_wait3A_58 : memref<112x128xf32, #tpu.memory_space<hbm>>) dst(%arg11 : memref<112x128xf32, #tpu.memory_space<vmem>>)
      %dma_start3A_59 = arith.constant 84 : i32
      %dma_start3A_60 = arith.constant 0 : i32
      %dma_start3A_61 = tpu.memref_slice %arg10[%dma_start3A_59, %dma_start3A_60] : memref<90x112xi32, #tpu.memory_space<vmem>> -> memref<1x112xi32, #tpu.memory_space<vmem>>
      %dma_start3A_62 = tpu.memref_squeeze %dma_start3A_61 : memref<1x112xi32, #tpu.memory_space<vmem>> -> memref<112xi32, #tpu.memory_space<vmem>>
      %dma_start3A_63 = arith.constant 0 : i32
      %dma_start3A_64 = arith.constant 0 : i32
      %dma_start3A_65 = tpu.memref_slice %arg23[%dma_start3A_63, %dma_start3A_64] : memref<6144x128xf32, #tpu.memory_space<vmem_shared>> -> memref<6144x128xf32, #tpu.memory_space<vmem_shared>>
      tpu.enqueue_indirect_dma source(%arg11 : memref<112x128xf32, #tpu.memory_space<vmem>>) target(%dma_start3A_65 : memref<6144x128xf32, #tpu.memory_space<vmem_shared>>) offsets(%dma_start3A_62 : memref<112xi32, #tpu.memory_space<vmem>>) semaphore(%arg19 : memref<!tpu.dma_semaphore, #tpu.memory_space<semaphore_mem>>) {add = true}
      %dma_wait3A_66 = arith.constant 0 : i32
      %dma_wait3A_67 = arith.constant 0 : i32
      %dma_wait3A_68 = tpu.memref_slice %arg4[%dma_wait3A_66, %dma_wait3A_67] : memref<6144x128xf32, #tpu.memory_space<hbm>> -> memref<112x128xf32, #tpu.memory_space<hbm>>
      %dma_wait3A_69 = arith.constant 0 : i32
      %dma_wait3A_70 = arith.constant 0 : i32
      %dma_wait3A_71 = tpu.memref_slice %arg4[%dma_wait3A_69, %dma_wait3A_70] : memref<6144x128xf32, #tpu.memory_space<hbm>> -> memref<112x128xf32, #tpu.memory_space<hbm>>
      tpu.wait_dma2 semaphore(%arg22 : memref<!tpu.dma_semaphore, #tpu.memory_space<semaphore_mem>>) src(%dma_wait3A_71 : memref<112x128xf32, #tpu.memory_space<hbm>>) dst(%arg14 : memref<112x128xf32, #tpu.memory_space<vmem>>)
      %dma_start3A_72 = arith.constant 87 : i32
      %dma_start3A_73 = arith.constant 0 : i32
      %dma_start3A_74 = tpu.memref_slice %arg9[%dma_start3A_72, %dma_start3A_73] : memref<90x112xi32, #tpu.memory_space<vmem>> -> memref<1x112xi32, #tpu.memory_space<vmem>>
      %dma_start3A_75 = tpu.memref_squeeze %dma_start3A_74 : memref<1x112xi32, #tpu.memory_space<vmem>> -> memref<112xi32, #tpu.memory_space<vmem>>
      %dma_start3A_76 = arith.constant 0 : i32
      %dma_start3A_77 = arith.constant 0 : i32
      %dma_start3A_78 = tpu.memref_slice %arg4[%dma_start3A_76, %dma_start3A_77] : memref<6144x128xf32, #tpu.memory_space<hbm>> -> memref<6144x128xf32, #tpu.memory_space<hbm>>
      tpu.enqueue_indirect_dma source(%dma_start3A_78 : memref<6144x128xf32, #tpu.memory_space<hbm>>) target(%arg14 : memref<112x128xf32, #tpu.memory_space<vmem>>) offsets(%dma_start3A_75 : memref<112xi32, #tpu.memory_space<vmem>>) semaphore(%arg18 : memref<!tpu.dma_semaphore, #tpu.memory_space<semaphore_mem>>)
      %dma_wait3A_79 = arith.constant 0 : i32
      %dma_wait3A_80 = arith.constant 0 : i32
      %dma_wait3A_81 = tpu.memref_slice %arg4[%dma_wait3A_79, %dma_wait3A_80] : memref<6144x128xf32, #tpu.memory_space<hbm>> -> memref<112x128xf32, #tpu.memory_space<hbm>>
      %dma_wait3A_82 = arith.constant 0 : i32
      %dma_wait3A_83 = arith.constant 0 : i32
      %dma_wait3A_84 = tpu.memref_slice %arg4[%dma_wait3A_82, %dma_wait3A_83] : memref<6144x128xf32, #tpu.memory_space<hbm>> -> memref<112x128xf32, #tpu.memory_space<hbm>>
      tpu.wait_dma2 semaphore(%arg16 : memref<!tpu.dma_semaphore, #tpu.memory_space<semaphore_mem>>) src(%dma_wait3A_84 : memref<112x128xf32, #tpu.memory_space<hbm>>) dst(%arg12 : memref<112x128xf32, #tpu.memory_space<vmem>>)
      %dma_start3A_85 = arith.constant 85 : i32
      %dma_start3A_86 = arith.constant 0 : i32
      %dma_start3A_87 = tpu.memref_slice %arg10[%dma_start3A_85, %dma_start3A_86] : memref<90x112xi32, #tpu.memory_space<vmem>> -> memref<1x112xi32, #tpu.memory_space<vmem>>
      %dma_start3A_88 = tpu.memref_squeeze %dma_start3A_87 : memref<1x112xi32, #tpu.memory_space<vmem>> -> memref<112xi32, #tpu.memory_space<vmem>>
      %dma_start3A_89 = arith.constant 0 : i32
      %dma_start3A_90 = arith.constant 0 : i32
      %dma_start3A_91 = tpu.memref_slice %arg23[%dma_start3A_89, %dma_start3A_90] : memref<6144x128xf32, #tpu.memory_space<vmem_shared>> -> memref<6144x128xf32, #tpu.memory_space<vmem_shared>>
      tpu.enqueue_indirect_dma source(%arg12 : memref<112x128xf32, #tpu.memory_space<vmem>>) target(%dma_start3A_91 : memref<6144x128xf32, #tpu.memory_space<vmem_shared>>) offsets(%dma_start3A_88 : memref<112xi32, #tpu.memory_space<vmem>>) semaphore(%arg20 : memref<!tpu.dma_semaphore, #tpu.memory_space<semaphore_mem>>) {add = true}
      %dma_wait3A_92 = arith.constant 0 : i32
      %dma_wait3A_93 = arith.constant 0 : i32
      %dma_wait3A_94 = tpu.memref_slice %arg4[%dma_wait3A_92, %dma_wait3A_93] : memref<6144x128xf32, #tpu.memory_space<hbm>> -> memref<112x128xf32, #tpu.memory_space<hbm>>
      %dma_wait3A_95 = arith.constant 0 : i32
      %dma_wait3A_96 = arith.constant 0 : i32
      %dma_wait3A_97 = tpu.memref_slice %arg4[%dma_wait3A_95, %dma_wait3A_96] : memref<6144x128xf32, #tpu.memory_space<hbm>> -> memref<112x128xf32, #tpu.memory_space<hbm>>
      tpu.wait_dma2 semaphore(%arg19 : memref<!tpu.dma_semaphore, #tpu.memory_space<semaphore_mem>>) src(%dma_wait3A_97 : memref<112x128xf32, #tpu.memory_space<hbm>>) dst(%arg11 : memref<112x128xf32, #tpu.memory_space<vmem>>)
      %dma_start3A_98 = arith.constant 88 : i32
      %dma_start3A_99 = arith.constant 0 : i32
      %dma_start3A_100 = tpu.memref_slice %arg9[%dma_start3A_98, %dma_start3A_99] : memref<90x112xi32, #tpu.memory_space<vmem>> -> memref<1x112xi32, #tpu.memory_space<vmem>>
      %dma_start3A_101 = tpu.memref_squeeze %dma_start3A_100 : memref<1x112xi32, #tpu.memory_space<vmem>> -> memref<112xi32, #tpu.memory_space<vmem>>
      %dma_start3A_102 = arith.constant 0 : i32
      %dma_start3A_103 = arith.constant 0 : i32
      %dma_start3A_104 = tpu.memref_slice %arg4[%dma_start3A_102, %dma_start3A_103] : memref<6144x128xf32, #tpu.memory_space<hbm>> -> memref<6144x128xf32, #tpu.memory_space<hbm>>
      tpu.enqueue_indirect_dma source(%dma_start3A_104 : memref<6144x128xf32, #tpu.memory_space<hbm>>) target(%arg11 : memref<112x128xf32, #tpu.memory_space<vmem>>) offsets(%dma_start3A_101 : memref<112xi32, #tpu.memory_space<vmem>>) semaphore(%arg15 : memref<!tpu.dma_semaphore, #tpu.memory_space<semaphore_mem>>)
      %dma_wait3A_105 = arith.constant 0 : i32
      %dma_wait3A_106 = arith.constant 0 : i32
      %dma_wait3A_107 = tpu.memref_slice %arg4[%dma_wait3A_105, %dma_wait3A_106] : memref<6144x128xf32, #tpu.memory_space<hbm>> -> memref<112x128xf32, #tpu.memory_space<hbm>>
      %dma_wait3A_108 = arith.constant 0 : i32
      %dma_wait3A_109 = arith.constant 0 : i32
      %dma_wait3A_110 = tpu.memref_slice %arg4[%dma_wait3A_108, %dma_wait3A_109] : memref<6144x128xf32, #tpu.memory_space<hbm>> -> memref<112x128xf32, #tpu.memory_space<hbm>>
      tpu.wait_dma2 semaphore(%arg17 : memref<!tpu.dma_semaphore, #tpu.memory_space<semaphore_mem>>) src(%dma_wait3A_110 : memref<112x128xf32, #tpu.memory_space<hbm>>) dst(%arg13 : memref<112x128xf32, #tpu.memory_space<vmem>>)
      %dma_start3A_111 = arith.constant 86 : i32
      %dma_start3A_112 = arith.constant 0 : i32
      %dma_start3A_113 = tpu.memref_slice %arg10[%dma_start3A_111, %dma_start3A_112] : memref<90x112xi32, #tpu.memory_space<vmem>> -> memref<1x112xi32, #tpu.memory_space<vmem>>
      %dma_start3A_114 = tpu.memref_squeeze %dma_start3A_113 : memref<1x112xi32, #tpu.memory_space<vmem>> -> memref<112xi32, #tpu.memory_space<vmem>>
      %dma_start3A_115 = arith.constant 0 : i32
      %dma_start3A_116 = arith.constant 0 : i32
      %dma_start3A_117 = tpu.memref_slice %arg23[%dma_start3A_115, %dma_start3A_116] : memref<6144x128xf32, #tpu.memory_space<vmem_shared>> -> memref<6144x128xf32, #tpu.memory_space<vmem_shared>>
      tpu.enqueue_indirect_dma source(%arg13 : memref<112x128xf32, #tpu.memory_space<vmem>>) target(%dma_start3A_117 : memref<6144x128xf32, #tpu.memory_space<vmem_shared>>) offsets(%dma_start3A_114 : memref<112xi32, #tpu.memory_space<vmem>>) semaphore(%arg21 : memref<!tpu.dma_semaphore, #tpu.memory_space<semaphore_mem>>) {add = true}
      %dma_wait3A_118 = arith.constant 0 : i32
      %dma_wait3A_119 = arith.constant 0 : i32
      %dma_wait3A_120 = tpu.memref_slice %arg4[%dma_wait3A_118, %dma_wait3A_119] : memref<6144x128xf32, #tpu.memory_space<hbm>> -> memref<112x128xf32, #tpu.memory_space<hbm>>
      %dma_wait3A_121 = arith.constant 0 : i32
      %dma_wait3A_122 = arith.constant 0 : i32
      %dma_wait3A_123 = tpu.memref_slice %arg4[%dma_wait3A_121, %dma_wait3A_122] : memref<6144x128xf32, #tpu.memory_space<hbm>> -> memref<112x128xf32, #tpu.memory_space<hbm>>
      tpu.wait_dma2 semaphore(%arg20 : memref<!tpu.dma_semaphore, #tpu.memory_space<semaphore_mem>>) src(%dma_wait3A_123 : memref<112x128xf32, #tpu.memory_space<hbm>>) dst(%arg12 : memref<112x128xf32, #tpu.memory_space<vmem>>)
      %dma_start3A_124 = arith.constant 89 : i32
      %dma_start3A_125 = arith.constant 0 : i32
      %dma_start3A_126 = tpu.memref_slice %arg9[%dma_start3A_124, %dma_start3A_125] : memref<90x112xi32, #tpu.memory_space<vmem>> -> memref<1x112xi32, #tpu.memory_space<vmem>>
      %dma_start3A_127 = tpu.memref_squeeze %dma_start3A_126 : memref<1x112xi32, #tpu.memory_space<vmem>> -> memref<112xi32, #tpu.memory_space<vmem>>
      %dma_start3A_128 = arith.constant 0 : i32
      %dma_start3A_129 = arith.constant 0 : i32
      %dma_start3A_130 = tpu.memref_slice %arg4[%dma_start3A_128, %dma_start3A_129] : memref<6144x128xf32, #tpu.memory_space<hbm>> -> memref<6144x128xf32, #tpu.memory_space<hbm>>
      tpu.enqueue_indirect_dma source(%dma_start3A_130 : memref<6144x128xf32, #tpu.memory_space<hbm>>) target(%arg12 : memref<112x128xf32, #tpu.memory_space<vmem>>) offsets(%dma_start3A_127 : memref<112xi32, #tpu.memory_space<vmem>>) semaphore(%arg16 : memref<!tpu.dma_semaphore, #tpu.memory_space<semaphore_mem>>)
      %dma_wait3A_131 = arith.constant 0 : i32
      %dma_wait3A_132 = arith.constant 0 : i32
      %dma_wait3A_133 = tpu.memref_slice %arg4[%dma_wait3A_131, %dma_wait3A_132] : memref<6144x128xf32, #tpu.memory_space<hbm>> -> memref<112x128xf32, #tpu.memory_space<hbm>>
      %dma_wait3A_134 = arith.constant 0 : i32
      %dma_wait3A_135 = arith.constant 0 : i32
      %dma_wait3A_136 = tpu.memref_slice %arg4[%dma_wait3A_134, %dma_wait3A_135] : memref<6144x128xf32, #tpu.memory_space<hbm>> -> memref<112x128xf32, #tpu.memory_space<hbm>>
      tpu.wait_dma2 semaphore(%arg18 : memref<!tpu.dma_semaphore, #tpu.memory_space<semaphore_mem>>) src(%dma_wait3A_136 : memref<112x128xf32, #tpu.memory_space<hbm>>) dst(%arg14 : memref<112x128xf32, #tpu.memory_space<vmem>>)
      %dma_start3A_137 = arith.constant 87 : i32
      %dma_start3A_138 = arith.constant 0 : i32
      %dma_start3A_139 = tpu.memref_slice %arg10[%dma_start3A_137, %dma_start3A_138] : memref<90x112xi32, #tpu.memory_space<vmem>> -> memref<1x112xi32, #tpu.memory_space<vmem>>
      %dma_start3A_140 = tpu.memref_squeeze %dma_start3A_139 : memref<1x112xi32, #tpu.memory_space<vmem>> -> memref<112xi32, #tpu.memory_space<vmem>>
      %dma_start3A_141 = arith.constant 0 : i32
      %dma_start3A_142 = arith.constant 0 : i32
      %dma_start3A_143 = tpu.memref_slice %arg23[%dma_start3A_141, %dma_start3A_142] : memref<6144x128xf32, #tpu.memory_space<vmem_shared>> -> memref<6144x128xf32, #tpu.memory_space<vmem_shared>>
      tpu.enqueue_indirect_dma source(%arg14 : memref<112x128xf32, #tpu.memory_space<vmem>>) target(%dma_start3A_143 : memref<6144x128xf32, #tpu.memory_space<vmem_shared>>) offsets(%dma_start3A_140 : memref<112xi32, #tpu.memory_space<vmem>>) semaphore(%arg22 : memref<!tpu.dma_semaphore, #tpu.memory_space<semaphore_mem>>) {add = true}
      %dma_wait3A_144 = arith.constant 0 : i32
      %dma_wait3A_145 = arith.constant 0 : i32
      %dma_wait3A_146 = tpu.memref_slice %arg4[%dma_wait3A_144, %dma_wait3A_145] : memref<6144x128xf32, #tpu.memory_space<hbm>> -> memref<112x128xf32, #tpu.memory_space<hbm>>
      %dma_wait3A_147 = arith.constant 0 : i32
      %dma_wait3A_148 = arith.constant 0 : i32
      %dma_wait3A_149 = tpu.memref_slice %arg4[%dma_wait3A_147, %dma_wait3A_148] : memref<6144x128xf32, #tpu.memory_space<hbm>> -> memref<112x128xf32, #tpu.memory_space<hbm>>
      tpu.wait_dma2 semaphore(%arg15 : memref<!tpu.dma_semaphore, #tpu.memory_space<semaphore_mem>>) src(%dma_wait3A_149 : memref<112x128xf32, #tpu.memory_space<hbm>>) dst(%arg11 : memref<112x128xf32, #tpu.memory_space<vmem>>)
      %dma_start3A_150 = arith.constant 88 : i32
      %dma_start3A_151 = arith.constant 0 : i32
      %dma_start3A_152 = tpu.memref_slice %arg10[%dma_start3A_150, %dma_start3A_151] : memref<90x112xi32, #tpu.memory_space<vmem>> -> memref<1x112xi32, #tpu.memory_space<vmem>>
      %dma_start3A_153 = tpu.memref_squeeze %dma_start3A_152 : memref<1x112xi32, #tpu.memory_space<vmem>> -> memref<112xi32, #tpu.memory_space<vmem>>
      %dma_start3A_154 = arith.constant 0 : i32
      %dma_start3A_155 = arith.constant 0 : i32
      %dma_start3A_156 = tpu.memref_slice %arg23[%dma_start3A_154, %dma_start3A_155] : memref<6144x128xf32, #tpu.memory_space<vmem_shared>> -> memref<6144x128xf32, #tpu.memory_space<vmem_shared>>
      tpu.enqueue_indirect_dma source(%arg11 : memref<112x128xf32, #tpu.memory_space<vmem>>) target(%dma_start3A_156 : memref<6144x128xf32, #tpu.memory_space<vmem_shared>>) offsets(%dma_start3A_153 : memref<112xi32, #tpu.memory_space<vmem>>) semaphore(%arg19 : memref<!tpu.dma_semaphore, #tpu.memory_space<semaphore_mem>>) {add = true}
      %dma_wait3A_157 = arith.constant 0 : i32
      %dma_wait3A_158 = arith.constant 0 : i32
      %dma_wait3A_159 = tpu.memref_slice %arg4[%dma_wait3A_157, %dma_wait3A_158] : memref<6144x128xf32, #tpu.memory_space<hbm>> -> memref<112x128xf32, #tpu.memory_space<hbm>>
      %dma_wait3A_160 = arith.constant 0 : i32
      %dma_wait3A_161 = arith.constant 0 : i32
      %dma_wait3A_162 = tpu.memref_slice %arg4[%dma_wait3A_160, %dma_wait3A_161] : memref<6144x128xf32, #tpu.memory_space<hbm>> -> memref<112x128xf32, #tpu.memory_space<hbm>>
      tpu.wait_dma2 semaphore(%arg16 : memref<!tpu.dma_semaphore, #tpu.memory_space<semaphore_mem>>) src(%dma_wait3A_162 : memref<112x128xf32, #tpu.memory_space<hbm>>) dst(%arg12 : memref<112x128xf32, #tpu.memory_space<vmem>>)
      %dma_start3A_163 = arith.constant 89 : i32
      %dma_start3A_164 = arith.constant 0 : i32
      %dma_start3A_165 = tpu.memref_slice %arg10[%dma_start3A_163, %dma_start3A_164] : memref<90x112xi32, #tpu.memory_space<vmem>> -> memref<1x112xi32, #tpu.memory_space<vmem>>
      %dma_start3A_166 = tpu.memref_squeeze %dma_start3A_165 : memref<1x112xi32, #tpu.memory_space<vmem>> -> memref<112xi32, #tpu.memory_space<vmem>>
      %dma_start3A_167 = arith.constant 0 : i32
      %dma_start3A_168 = arith.constant 0 : i32
      %dma_start3A_169 = tpu.memref_slice %arg23[%dma_start3A_167, %dma_start3A_168] : memref<6144x128xf32, #tpu.memory_space<vmem_shared>> -> memref<6144x128xf32, #tpu.memory_space<vmem_shared>>
      tpu.enqueue_indirect_dma source(%arg12 : memref<112x128xf32, #tpu.memory_space<vmem>>) target(%dma_start3A_169 : memref<6144x128xf32, #tpu.memory_space<vmem_shared>>) offsets(%dma_start3A_166 : memref<112xi32, #tpu.memory_space<vmem>>) semaphore(%arg20 : memref<!tpu.dma_semaphore, #tpu.memory_space<semaphore_mem>>) {add = true}
      %dma_wait3A_170 = arith.constant 0 : i32
      %dma_wait3A_171 = arith.constant 0 : i32
      %dma_wait3A_172 = tpu.memref_slice %arg4[%dma_wait3A_170, %dma_wait3A_171] : memref<6144x128xf32, #tpu.memory_space<hbm>> -> memref<112x128xf32, #tpu.memory_space<hbm>>
      %dma_wait3A_173 = arith.constant 0 : i32
      %dma_wait3A_174 = arith.constant 0 : i32
      %dma_wait3A_175 = tpu.memref_slice %arg4[%dma_wait3A_173, %dma_wait3A_174] : memref<6144x128xf32, #tpu.memory_space<hbm>> -> memref<112x128xf32, #tpu.memory_space<hbm>>
      tpu.wait_dma2 semaphore(%arg21 : memref<!tpu.dma_semaphore, #tpu.memory_space<semaphore_mem>>) src(%dma_wait3A_175 : memref<112x128xf32, #tpu.memory_space<hbm>>) dst(%arg13 : memref<112x128xf32, #tpu.memory_space<vmem>>)
      %dma_wait3A_176 = arith.constant 0 : i32
      %dma_wait3A_177 = arith.constant 0 : i32
      %dma_wait3A_178 = tpu.memref_slice %arg4[%dma_wait3A_176, %dma_wait3A_177] : memref<6144x128xf32, #tpu.memory_space<hbm>> -> memref<112x128xf32, #tpu.memory_space<hbm>>
      %dma_wait3A_179 = arith.constant 0 : i32
      %dma_wait3A_180 = arith.constant 0 : i32
      %dma_wait3A_181 = tpu.memref_slice %arg4[%dma_wait3A_179, %dma_wait3A_180] : memref<6144x128xf32, #tpu.memory_space<hbm>> -> memref<112x128xf32, #tpu.memory_space<hbm>>
      tpu.wait_dma2 semaphore(%arg22 : memref<!tpu.dma_semaphore, #tpu.memory_space<semaphore_mem>>) src(%dma_wait3A_181 : memref<112x128xf32, #tpu.memory_space<hbm>>) dst(%arg14 : memref<112x128xf32, #tpu.memory_space<vmem>>)
      %dma_wait3A_182 = arith.constant 0 : i32
      %dma_wait3A_183 = arith.constant 0 : i32
      %dma_wait3A_184 = tpu.memref_slice %arg4[%dma_wait3A_182, %dma_wait3A_183] : memref<6144x128xf32, #tpu.memory_space<hbm>> -> memref<112x128xf32, #tpu.memory_space<hbm>>
      %dma_wait3A_185 = arith.constant 0 : i32
      %dma_wait3A_186 = arith.constant 0 : i32
      %dma_wait3A_187 = tpu.memref_slice %arg4[%dma_wait3A_185, %dma_wait3A_186] : memref<6144x128xf32, #tpu.memory_space<hbm>> -> memref<112x128xf32, #tpu.memory_space<hbm>>
      tpu.wait_dma2 semaphore(%arg19 : memref<!tpu.dma_semaphore, #tpu.memory_space<semaphore_mem>>) src(%dma_wait3A_187 : memref<112x128xf32, #tpu.memory_space<hbm>>) dst(%arg11 : memref<112x128xf32, #tpu.memory_space<vmem>>)
      %dma_wait3A_188 = arith.constant 0 : i32
      %dma_wait3A_189 = arith.constant 0 : i32
      %dma_wait3A_190 = tpu.memref_slice %arg4[%dma_wait3A_188, %dma_wait3A_189] : memref<6144x128xf32, #tpu.memory_space<hbm>> -> memref<112x128xf32, #tpu.memory_space<hbm>>
      %dma_wait3A_191 = arith.constant 0 : i32
      %dma_wait3A_192 = arith.constant 0 : i32
      %dma_wait3A_193 = tpu.memref_slice %arg4[%dma_wait3A_191, %dma_wait3A_192] : memref<6144x128xf32, #tpu.memory_space<hbm>> -> memref<112x128xf32, #tpu.memory_space<hbm>>
      tpu.wait_dma2 semaphore(%arg20 : memref<!tpu.dma_semaphore, #tpu.memory_space<semaphore_mem>>) src(%dma_wait3A_193 : memref<112x128xf32, #tpu.memory_space<hbm>>) dst(%arg12 : memref<112x128xf32, #tpu.memory_space<vmem>>)
    } else {
    }
    %barrier3A_18 = arith.constant 0 : index
    tpu.barrier barrier_id(%barrier3A_18)
    %eq3A_19 = arith.constant 0 : i32
    %eq3A_20 = arith.cmpi eq, %arg0, %eq3A_19 : i32
    %convert_element_type3A_21 = arith.extui %eq3A_20 : i1 to i32
    %cond3A_22 = arith.constant 0 : i32
    %cond3A_23 = arith.cmpi ne, %convert_element_type3A_21, %cond3A_22 : i32
    scf.if %cond3A_23 {
      "tpu.region"() ({
        %run_scoped3A = tpu.sem_alloc : memref<!tpu.dma_semaphore, #tpu.memory_space<semaphore_mem>>
        %dma_start3A = arith.constant 0 : i32
        %dma_start3A_29 = tpu.memref_slice %arg7[%mul3A_0, %dma_start3A] : memref<6144x128xf32, #tpu.memory_space<hbm>> -> memref<384x128xf32, #tpu.memory_space<hbm>>
        %dma_start3A_30 = arith.constant 0 : i32
        %dma_start3A_31 = tpu.memref_slice %arg23[%mul3A_0, %dma_start3A_30] : memref<6144x128xf32, #tpu.memory_space<vmem_shared>> -> memref<384x128xf32, #tpu.memory_space<vmem_shared>>
        tpu.enqueue_dma source(%dma_start3A_31 : memref<384x128xf32, #tpu.memory_space<vmem_shared>>) target(%dma_start3A_29 : memref<384x128xf32, #tpu.memory_space<hbm>>) target_semaphore(%run_scoped3A : memref<!tpu.dma_semaphore, #tpu.memory_space<semaphore_mem>>)
        %dma_wait3A = arith.constant 0 : i32
        %dma_wait3A_32 = tpu.memref_slice %arg7[%mul3A_0, %dma_wait3A] : memref<6144x128xf32, #tpu.memory_space<hbm>> -> memref<384x128xf32, #tpu.memory_space<hbm>>
        %dma_wait3A_33 = arith.constant 0 : i32
        %dma_wait3A_34 = tpu.memref_slice %arg23[%mul3A_0, %dma_wait3A_33] : memref<6144x128xf32, #tpu.memory_space<vmem_shared>> -> memref<384x128xf32, #tpu.memory_space<vmem_shared>>
        tpu.wait_dma2 semaphore(%run_scoped3A : memref<!tpu.dma_semaphore, #tpu.memory_space<semaphore_mem>>) src(%dma_wait3A_34 : memref<384x128xf32, #tpu.memory_space<vmem_shared>>) dst(%dma_wait3A_32 : memref<384x128xf32, #tpu.memory_space<hbm>>)
        tpu.yield
      }) : () -> ()
    } else {
    }
    %eq3A_24 = arith.constant 1 : i32
    %eq3A_25 = arith.cmpi eq, %arg0, %eq3A_24 : i32
    %convert_element_type3A_26 = arith.extui %eq3A_25 : i1 to i32
    %cond3A_27 = arith.constant 0 : i32
    %cond3A_28 = arith.cmpi ne, %convert_element_type3A_26, %cond3A_27 : i32
    scf.if %cond3A_28 {
      "tpu.region"() ({
        %run_scoped3A = tpu.sem_alloc : memref<!tpu.dma_semaphore, #tpu.memory_space<semaphore_mem>>
        %dma_start3A = arith.constant 0 : i32
        %dma_start3A_29 = tpu.memref_slice %arg8[%mul3A_0, %dma_start3A] : memref<6144x128xf32, #tpu.memory_space<hbm>> -> memref<384x128xf32, #tpu.memory_space<hbm>>
        %dma_start3A_30 = arith.constant 0 : i32
        %dma_start3A_31 = tpu.memref_slice %arg23[%mul3A_0, %dma_start3A_30] : memref<6144x128xf32, #tpu.memory_space<vmem_shared>> -> memref<384x128xf32, #tpu.memory_space<vmem_shared>>
        tpu.enqueue_dma source(%dma_start3A_31 : memref<384x128xf32, #tpu.memory_space<vmem_shared>>) target(%dma_start3A_29 : memref<384x128xf32, #tpu.memory_space<hbm>>) target_semaphore(%run_scoped3A : memref<!tpu.dma_semaphore, #tpu.memory_space<semaphore_mem>>)
        %dma_wait3A = arith.constant 0 : i32
        %dma_wait3A_32 = tpu.memref_slice %arg8[%mul3A_0, %dma_wait3A] : memref<6144x128xf32, #tpu.memory_space<hbm>> -> memref<384x128xf32, #tpu.memory_space<hbm>>
        %dma_wait3A_33 = arith.constant 0 : i32
        %dma_wait3A_34 = tpu.memref_slice %arg23[%mul3A_0, %dma_wait3A_33] : memref<6144x128xf32, #tpu.memory_space<vmem_shared>> -> memref<384x128xf32, #tpu.memory_space<vmem_shared>>
        tpu.wait_dma2 semaphore(%run_scoped3A : memref<!tpu.dma_semaphore, #tpu.memory_space<semaphore_mem>>) src(%dma_wait3A_34 : memref<384x128xf32, #tpu.memory_space<vmem_shared>>) dst(%dma_wait3A_32 : memref<384x128xf32, #tpu.memory_space<hbm>>)
        tpu.yield
      }) : () -> ()
    } else {
    }
    return
  }
}

module attributes {stable_mosaic.version = 14 : i64} {
  func.func @_prep_body(%arg0: i32, %arg1: memref<768x128xf32, #tpu.memory_space<vmem>>, %arg2: memref<768x1xf32, #tpu.memory_space<vmem>>, %arg3: memref<768x128xf32, #tpu.memory_space<vmem>>, %arg4: memref<768x1xf32, #tpu.memory_space<vmem>>, %arg5: memref<768x128xf32, #tpu.memory_space<vmem>>, %arg6: memref<768x128xf32, #tpu.memory_space<vmem>>) attributes {dimension_semantics = [#tpu.dimension_semantics<arbitrary>], iteration_bounds = array<i64: 8>, scalar_prefetch = 0 : i64, scratch_operands = 0 : i64, tpu.core_type = #tpu.core_type<tc>, window_params = [{transform_indices = @transform_0, window_bounds = array<i64: 768, 128>}, {transform_indices = @transform_1, window_bounds = array<i64: 768, 1>}, {transform_indices = @transform_2, window_bounds = array<i64: 768, 128>}, {transform_indices = @transform_3, window_bounds = array<i64: 768, 1>}, {transform_indices = @transform_4, window_bounds = array<i64: 768, 128>}, {transform_indices = @transform_5, window_bounds = array<i64: 768, 128>}]} {
    %get3A = arith.constant 0 : index
    %get3A_0 = arith.constant 0 : index
    %get3A_1 = vector.load %arg1[%get3A, %get3A_0] : memref<768x128xf32, #tpu.memory_space<vmem>>, vector<768x128xf32>
    %get3A_2 = arith.constant 0 : index
    %get3A_3 = arith.constant 0 : index
    %get3A_4 = vector.load %arg2[%get3A_2, %get3A_3] : memref<768x1xf32, #tpu.memory_space<vmem>>, vector<768x1xf32>
    %mul3A = vector.broadcast %get3A_4 : vector<768x1xf32> to vector<768x128xf32>
    %mul3A_5 = arith.mulf %get3A_1, %mul3A : vector<768x128xf32>
    %swap3A = arith.constant 0 : index
    %swap3A_6 = arith.constant 0 : index
    %swap3A_7 = vector.load %arg5[%swap3A, %swap3A_6] : memref<768x128xf32, #tpu.memory_space<vmem>>, vector<768x128xf32>
    tpu.vector_store %arg5[%swap3A, %swap3A_6], %mul3A_5 {strides = array<i32>} : memref<768x128xf32, #tpu.memory_space<vmem>>, vector<768x128xf32>,
    %get3A_8 = arith.constant 0 : index
    %get3A_9 = arith.constant 0 : index
    %get3A_10 = vector.load %arg3[%get3A_8, %get3A_9] : memref<768x128xf32, #tpu.memory_space<vmem>>, vector<768x128xf32>
    %get3A_11 = arith.constant 0 : index
    %get3A_12 = arith.constant 0 : index
    %get3A_13 = vector.load %arg4[%get3A_11, %get3A_12] : memref<768x1xf32, #tpu.memory_space<vmem>>, vector<768x1xf32>
    %mul3A_14 = vector.broadcast %get3A_13 : vector<768x1xf32> to vector<768x128xf32>
    %mul3A_15 = arith.mulf %get3A_10, %mul3A_14 : vector<768x128xf32>
    %swap3A_16 = arith.constant 0 : index
    %swap3A_17 = arith.constant 0 : index
    %swap3A_18 = vector.load %arg6[%swap3A_16, %swap3A_17] : memref<768x128xf32, #tpu.memory_space<vmem>>, vector<768x128xf32>
    tpu.vector_store %arg6[%swap3A_16, %swap3A_17], %mul3A_15 {strides = array<i32>} : memref<768x128xf32, #tpu.memory_space<vmem>>, vector<768x128xf32>,
    return
  }
  func.func @transform_0(%arg0: i32) -> (i32, i32) {
    %c0_i32 = arith.constant 0 : i32
    %c0_i32_0 = arith.constant 0 : i32
    return %arg0, %c0_i32 : i32, i32
  }
  func.func @transform_1(%arg0: i32) -> (i32, i32) {
    %c0_i32 = arith.constant 0 : i32
    %c0_i32_0 = arith.constant 0 : i32
    return %arg0, %c0_i32 : i32, i32
  }
  func.func @transform_2(%arg0: i32) -> (i32, i32) {
    %c0_i32 = arith.constant 0 : i32
    %c0_i32_0 = arith.constant 0 : i32
    return %arg0, %c0_i32 : i32, i32
  }
  func.func @transform_3(%arg0: i32) -> (i32, i32) {
    %c0_i32 = arith.constant 0 : i32
    %c0_i32_0 = arith.constant 0 : i32
    return %arg0, %c0_i32 : i32, i32
  }
  func.func @transform_4(%arg0: i32) -> (i32, i32) {
    %c0_i32 = arith.constant 0 : i32
    %c0_i32_0 = arith.constant 0 : i32
    return %arg0, %c0_i32 : i32, i32
  }
  func.func @transform_5(%arg0: i32) -> (i32, i32) {
    %c0_i32 = arith.constant 0 : i32
    %c0_i32_0 = arith.constant 0 : i32
    return %arg0, %c0_i32 : i32, i32
  }
}

module attributes {stable_mosaic.version = 14 : i64} {
  func.func @_first_body(%arg0: i32, %arg1: memref<768x128xf32, #tpu.memory_space<vmem>>, %arg2: memref<768x1xf32, #tpu.memory_space<vmem>>, %arg3: memref<768x128xf32, #tpu.memory_space<vmem>>, %arg4: memref<768x1xf32, #tpu.memory_space<vmem>>, %arg5: memref<768x128xf32, #tpu.memory_space<vmem>>, %arg6: memref<768x128xf32, #tpu.memory_space<vmem>>, %arg7: memref<768x128xf32, #tpu.memory_space<vmem>>, %arg8: memref<768x128xf32, #tpu.memory_space<vmem>>) attributes {dimension_semantics = [#tpu.dimension_semantics<arbitrary>], iteration_bounds = array<i64: 8>, scalar_prefetch = 0 : i64, scratch_operands = 0 : i64, tpu.core_type = #tpu.core_type<tc>, window_params = [{transform_indices = @transform_0, window_bounds = array<i64: 768, 128>}, {transform_indices = @transform_1, window_bounds = array<i64: 768, 1>}, {transform_indices = @transform_2, window_bounds = array<i64: 768, 128>}, {transform_indices = @transform_3, window_bounds = array<i64: 768, 1>}, {transform_indices = @transform_4, window_bounds = array<i64: 768, 128>}, {transform_indices = @transform_5, window_bounds = array<i64: 768, 128>}, {transform_indices = @transform_6, window_bounds = array<i64: 768, 128>}, {transform_indices = @transform_7, window_bounds = array<i64: 768, 128>}]} {
    %get3A = arith.constant 0 : index
    %get3A_0 = arith.constant 0 : index
    %get3A_1 = vector.load %arg1[%get3A, %get3A_0] : memref<768x128xf32, #tpu.memory_space<vmem>>, vector<768x128xf32>
    %get3A_2 = arith.constant 0 : index
    %get3A_3 = arith.constant 0 : index
    %get3A_4 = vector.load %arg2[%get3A_2, %get3A_3] : memref<768x1xf32, #tpu.memory_space<vmem>>, vector<768x1xf32>
    %mul3A = vector.broadcast %get3A_4 : vector<768x1xf32> to vector<768x128xf32>
    %mul3A_5 = arith.mulf %get3A_1, %mul3A : vector<768x128xf32>
    %swap3A = arith.constant 0 : index
    %swap3A_6 = arith.constant 0 : index
    %swap3A_7 = vector.load %arg5[%swap3A, %swap3A_6] : memref<768x128xf32, #tpu.memory_space<vmem>>, vector<768x128xf32>
    tpu.vector_store %arg5[%swap3A, %swap3A_6], %mul3A_5 {strides = array<i32>} : memref<768x128xf32, #tpu.memory_space<vmem>>, vector<768x128xf32>,
    %swap3A_8 = arith.constant 0 : index
    %swap3A_9 = arith.constant 0 : index
    %swap3A_10 = vector.load %arg6[%swap3A_8, %swap3A_9] : memref<768x128xf32, #tpu.memory_space<vmem>>, vector<768x128xf32>
    tpu.vector_store %arg6[%swap3A_8, %swap3A_9], %get3A_1 {strides = array<i32>} : memref<768x128xf32, #tpu.memory_space<vmem>>, vector<768x128xf32>,
    %get3A_11 = arith.constant 0 : index
    %get3A_12 = arith.constant 0 : index
    %get3A_13 = vector.load %arg3[%get3A_11, %get3A_12] : memref<768x128xf32, #tpu.memory_space<vmem>>, vector<768x128xf32>
    %get3A_14 = arith.constant 0 : index
    %get3A_15 = arith.constant 0 : index
    %get3A_16 = vector.load %arg4[%get3A_14, %get3A_15] : memref<768x1xf32, #tpu.memory_space<vmem>>, vector<768x1xf32>
    %mul3A_17 = vector.broadcast %get3A_16 : vector<768x1xf32> to vector<768x128xf32>
    %mul3A_18 = arith.mulf %get3A_13, %mul3A_17 : vector<768x128xf32>
    %swap3A_19 = arith.constant 0 : index
    %swap3A_20 = arith.constant 0 : index
    %swap3A_21 = vector.load %arg7[%swap3A_19, %swap3A_20] : memref<768x128xf32, #tpu.memory_space<vmem>>, vector<768x128xf32>
    tpu.vector_store %arg7[%swap3A_19, %swap3A_20], %mul3A_18 {strides = array<i32>} : memref<768x128xf32, #tpu.memory_space<vmem>>, vector<768x128xf32>,
    %swap3A_22 = arith.constant 0 : index
    %swap3A_23 = arith.constant 0 : index
    %swap3A_24 = vector.load %arg8[%swap3A_22, %swap3A_23] : memref<768x128xf32, #tpu.memory_space<vmem>>, vector<768x128xf32>
    tpu.vector_store %arg8[%swap3A_22, %swap3A_23], %get3A_13 {strides = array<i32>} : memref<768x128xf32, #tpu.memory_space<vmem>>, vector<768x128xf32>,
    return
  }
  func.func @transform_0(%arg0: i32) -> (i32, i32) {
    %c0_i32 = arith.constant 0 : i32
    %c0_i32_0 = arith.constant 0 : i32
    return %arg0, %c0_i32 : i32, i32
  }
  func.func @transform_1(%arg0: i32) -> (i32, i32) {
    %c0_i32 = arith.constant 0 : i32
    %c0_i32_0 = arith.constant 0 : i32
    return %arg0, %c0_i32 : i32, i32
  }
  func.func @transform_2(%arg0: i32) -> (i32, i32) {
    %c0_i32 = arith.constant 0 : i32
    %c0_i32_0 = arith.constant 0 : i32
    return %arg0, %c0_i32 : i32, i32
  }
  func.func @transform_3(%arg0: i32) -> (i32, i32) {
    %c0_i32 = arith.constant 0 : i32
    %c0_i32_0 = arith.constant 0 : i32
    return %arg0, %c0_i32 : i32, i32
  }
  func.func @transform_4(%arg0: i32) -> (i32, i32) {
    %c0_i32 = arith.constant 0 : i32
    %c0_i32_0 = arith.constant 0 : i32
    return %arg0, %c0_i32 : i32, i32
  }
  func.func @transform_5(%arg0: i32) -> (i32, i32) {
    %c0_i32 = arith.constant 0 : i32
    %c0_i32_0 = arith.constant 0 : i32
    return %arg0, %c0_i32 : i32, i32
  }
  func.func @transform_6(%arg0: i32) -> (i32, i32) {
    %c0_i32 = arith.constant 0 : i32
    %c0_i32_0 = arith.constant 0 : i32
    return %arg0, %c0_i32 : i32, i32
  }
  func.func @transform_7(%arg0: i32) -> (i32, i32) {
    %c0_i32 = arith.constant 0 : i32
    %c0_i32_0 = arith.constant 0 : i32
    return %arg0, %c0_i32 : i32, i32
  }
}

module attributes {stable_mosaic.version = 14 : i64} {
  func.func @_mid_body(%arg0: i32, %arg1: memref<768x128xf32, #tpu.memory_space<vmem>>, %arg2: memref<768x1xf32, #tpu.memory_space<vmem>>, %arg3: memref<768x128xf32, #tpu.memory_space<vmem>>, %arg4: memref<768x128xf32, #tpu.memory_space<vmem>>, %arg5: memref<768x1xf32, #tpu.memory_space<vmem>>, %arg6: memref<768x128xf32, #tpu.memory_space<vmem>>, %arg7: memref<768x128xf32, #tpu.memory_space<vmem>>, %arg8: memref<768x128xf32, #tpu.memory_space<vmem>>, %arg9: memref<768x128xf32, #tpu.memory_space<vmem>>, %arg10: memref<768x128xf32, #tpu.memory_space<vmem>>) attributes {dimension_semantics = [#tpu.dimension_semantics<arbitrary>], iteration_bounds = array<i64: 8>, scalar_prefetch = 0 : i64, scratch_operands = 0 : i64, tpu.core_type = #tpu.core_type<tc>, window_params = [{transform_indices = @transform_0, window_bounds = array<i64: 768, 128>}, {transform_indices = @transform_1, window_bounds = array<i64: 768, 1>}, {transform_indices = @transform_2, window_bounds = array<i64: 768, 128>}, {transform_indices = @transform_3, window_bounds = array<i64: 768, 128>}, {transform_indices = @transform_4, window_bounds = array<i64: 768, 1>}, {transform_indices = @transform_5, window_bounds = array<i64: 768, 128>}, {transform_indices = @transform_6, window_bounds = array<i64: 768, 128>}, {transform_indices = @transform_7, window_bounds = array<i64: 768, 128>}, {transform_indices = @transform_8, window_bounds = array<i64: 768, 128>}, {transform_indices = @transform_9, window_bounds = array<i64: 768, 128>}]} {
    %get3A = arith.constant 0 : index
    %get3A_0 = arith.constant 0 : index
    %get3A_1 = vector.load %arg1[%get3A, %get3A_0] : memref<768x128xf32, #tpu.memory_space<vmem>>, vector<768x128xf32>
    %get3A_2 = arith.constant 0 : index
    %get3A_3 = arith.constant 0 : index
    %get3A_4 = vector.load %arg2[%get3A_2, %get3A_3] : memref<768x1xf32, #tpu.memory_space<vmem>>, vector<768x1xf32>
    %mul3A = vector.broadcast %get3A_4 : vector<768x1xf32> to vector<768x128xf32>
    %mul3A_5 = arith.mulf %get3A_1, %mul3A : vector<768x128xf32>
    %swap3A = arith.constant 0 : index
    %swap3A_6 = arith.constant 0 : index
    %swap3A_7 = vector.load %arg7[%swap3A, %swap3A_6] : memref<768x128xf32, #tpu.memory_space<vmem>>, vector<768x128xf32>
    tpu.vector_store %arg7[%swap3A, %swap3A_6], %mul3A_5 {strides = array<i32>} : memref<768x128xf32, #tpu.memory_space<vmem>>, vector<768x128xf32>,
    %get3A_8 = arith.constant 0 : index
    %get3A_9 = arith.constant 0 : index
    %get3A_10 = vector.load %arg3[%get3A_8, %get3A_9] : memref<768x128xf32, #tpu.memory_space<vmem>>, vector<768x128xf32>
    %add3A = arith.addf %get3A_10, %get3A_1 : vector<768x128xf32>
    %swap3A_11 = arith.constant 0 : index
    %swap3A_12 = arith.constant 0 : index
    %swap3A_13 = vector.load %arg8[%swap3A_11, %swap3A_12] : memref<768x128xf32, #tpu.memory_space<vmem>>, vector<768x128xf32>
    tpu.vector_store %arg8[%swap3A_11, %swap3A_12], %add3A {strides = array<i32>} : memref<768x128xf32, #tpu.memory_space<vmem>>, vector<768x128xf32>,
    %get3A_14 = arith.constant 0 : index
    %get3A_15 = arith.constant 0 : index
    %get3A_16 = vector.load %arg4[%get3A_14, %get3A_15] : memref<768x128xf32, #tpu.memory_space<vmem>>, vector<768x128xf32>
    %get3A_17 = arith.constant 0 : index
    %get3A_18 = arith.constant 0 : index
    %get3A_19 = vector.load %arg5[%get3A_17, %get3A_18] : memref<768x1xf32, #tpu.memory_space<vmem>>, vector<768x1xf32>
    %mul3A_20 = vector.broadcast %get3A_19 : vector<768x1xf32> to vector<768x128xf32>
    %mul3A_21 = arith.mulf %get3A_16, %mul3A_20 : vector<768x128xf32>
    %swap3A_22 = arith.constant 0 : index
    %swap3A_23 = arith.constant 0 : index
    %swap3A_24 = vector.load %arg9[%swap3A_22, %swap3A_23] : memref<768x128xf32, #tpu.memory_space<vmem>>, vector<768x128xf32>
    tpu.vector_store %arg9[%swap3A_22, %swap3A_23], %mul3A_21 {strides = array<i32>} : memref<768x128xf32, #tpu.memory_space<vmem>>, vector<768x128xf32>,
    %get3A_25 = arith.constant 0 : index
    %get3A_26 = arith.constant 0 : index
    %get3A_27 = vector.load %arg6[%get3A_25, %get3A_26] : memref<768x128xf32, #tpu.memory_space<vmem>>, vector<768x128xf32>
    %add3A_28 = arith.addf %get3A_27, %get3A_16 : vector<768x128xf32>
    %swap3A_29 = arith.constant 0 : index
    %swap3A_30 = arith.constant 0 : index
    %swap3A_31 = vector.load %arg10[%swap3A_29, %swap3A_30] : memref<768x128xf32, #tpu.memory_space<vmem>>, vector<768x128xf32>
    tpu.vector_store %arg10[%swap3A_29, %swap3A_30], %add3A_28 {strides = array<i32>} : memref<768x128xf32, #tpu.memory_space<vmem>>, vector<768x128xf32>,
    return
  }
  func.func @transform_0(%arg0: i32) -> (i32, i32) {
    %c0_i32 = arith.constant 0 : i32
    %c0_i32_0 = arith.constant 0 : i32
    return %arg0, %c0_i32 : i32, i32
  }
  func.func @transform_1(%arg0: i32) -> (i32, i32) {
    %c0_i32 = arith.constant 0 : i32
    %c0_i32_0 = arith.constant 0 : i32
    return %arg0, %c0_i32 : i32, i32
  }
  func.func @transform_2(%arg0: i32) -> (i32, i32) {
    %c0_i32 = arith.constant 0 : i32
    %c0_i32_0 = arith.constant 0 : i32
    return %arg0, %c0_i32 : i32, i32
  }
  func.func @transform_3(%arg0: i32) -> (i32, i32) {
    %c0_i32 = arith.constant 0 : i32
    %c0_i32_0 = arith.constant 0 : i32
    return %arg0, %c0_i32 : i32, i32
  }
  func.func @transform_4(%arg0: i32) -> (i32, i32) {
    %c0_i32 = arith.constant 0 : i32
    %c0_i32_0 = arith.constant 0 : i32
    return %arg0, %c0_i32 : i32, i32
  }
  func.func @transform_5(%arg0: i32) -> (i32, i32) {
    %c0_i32 = arith.constant 0 : i32
    %c0_i32_0 = arith.constant 0 : i32
    return %arg0, %c0_i32 : i32, i32
  }
  func.func @transform_6(%arg0: i32) -> (i32, i32) {
    %c0_i32 = arith.constant 0 : i32
    %c0_i32_0 = arith.constant 0 : i32
    return %arg0, %c0_i32 : i32, i32
  }
  func.func @transform_7(%arg0: i32) -> (i32, i32) {
    %c0_i32 = arith.constant 0 : i32
    %c0_i32_0 = arith.constant 0 : i32
    return %arg0, %c0_i32 : i32, i32
  }
  func.func @transform_8(%arg0: i32) -> (i32, i32) {
    %c0_i32 = arith.constant 0 : i32
    %c0_i32_0 = arith.constant 0 : i32
    return %arg0, %c0_i32 : i32, i32
  }
  func.func @transform_9(%arg0: i32) -> (i32, i32) {
    %c0_i32 = arith.constant 0 : i32
    %c0_i32_0 = arith.constant 0 : i32
    return %arg0, %c0_i32 : i32, i32
  }
}

module attributes {stable_mosaic.version = 14 : i64} {
  func.func @_final_body(%arg0: i32, %arg1: memref<768x128xf32, #tpu.memory_space<vmem>>, %arg2: memref<768x1xf32, #tpu.memory_space<vmem>>, %arg3: memref<768x128xf32, #tpu.memory_space<vmem>>, %arg4: memref<768x128xf32, #tpu.memory_space<vmem>>, %arg5: memref<768x1xf32, #tpu.memory_space<vmem>>, %arg6: memref<768x128xf32, #tpu.memory_space<vmem>>, %arg7: memref<768x128xf32, #tpu.memory_space<vmem>>, %arg8: memref<768x128xf32, #tpu.memory_space<vmem>>) attributes {dimension_semantics = [#tpu.dimension_semantics<arbitrary>], iteration_bounds = array<i64: 8>, scalar_prefetch = 0 : i64, scratch_operands = 0 : i64, tpu.core_type = #tpu.core_type<tc>, window_params = [{transform_indices = @transform_0, window_bounds = array<i64: 768, 128>}, {transform_indices = @transform_1, window_bounds = array<i64: 768, 1>}, {transform_indices = @transform_2, window_bounds = array<i64: 768, 128>}, {transform_indices = @transform_3, window_bounds = array<i64: 768, 128>}, {transform_indices = @transform_4, window_bounds = array<i64: 768, 1>}, {transform_indices = @transform_5, window_bounds = array<i64: 768, 128>}, {transform_indices = @transform_6, window_bounds = array<i64: 768, 128>}, {transform_indices = @transform_7, window_bounds = array<i64: 768, 128>}]} {
    %get3A = arith.constant 0 : index
    %get3A_0 = arith.constant 0 : index
    %get3A_1 = vector.load %arg3[%get3A, %get3A_0] : memref<768x128xf32, #tpu.memory_space<vmem>>, vector<768x128xf32>
    %get3A_2 = arith.constant 0 : index
    %get3A_3 = arith.constant 0 : index
    %get3A_4 = vector.load %arg1[%get3A_2, %get3A_3] : memref<768x128xf32, #tpu.memory_space<vmem>>, vector<768x128xf32>
    %add3A = arith.addf %get3A_1, %get3A_4 : vector<768x128xf32>
    %get3A_5 = arith.constant 0 : index
    %get3A_6 = arith.constant 0 : index
    %get3A_7 = vector.load %arg2[%get3A_5, %get3A_6] : memref<768x1xf32, #tpu.memory_space<vmem>>, vector<768x1xf32>
    %mul3A = vector.broadcast %get3A_7 : vector<768x1xf32> to vector<768x128xf32>
    %mul3A_8 = arith.mulf %add3A, %mul3A : vector<768x128xf32>
    %swap3A = arith.constant 0 : index
    %swap3A_9 = arith.constant 0 : index
    %swap3A_10 = vector.load %arg7[%swap3A, %swap3A_9] : memref<768x128xf32, #tpu.memory_space<vmem>>, vector<768x128xf32>
    tpu.vector_store %arg7[%swap3A, %swap3A_9], %mul3A_8 {strides = array<i32>} : memref<768x128xf32, #tpu.memory_space<vmem>>, vector<768x128xf32>,
    %get3A_11 = arith.constant 0 : index
    %get3A_12 = arith.constant 0 : index
    %get3A_13 = vector.load %arg6[%get3A_11, %get3A_12] : memref<768x128xf32, #tpu.memory_space<vmem>>, vector<768x128xf32>
    %get3A_14 = arith.constant 0 : index
    %get3A_15 = arith.constant 0 : index
    %get3A_16 = vector.load %arg4[%get3A_14, %get3A_15] : memref<768x128xf32, #tpu.memory_space<vmem>>, vector<768x128xf32>
    %add3A_17 = arith.addf %get3A_13, %get3A_16 : vector<768x128xf32>
    %get3A_18 = arith.constant 0 : index
    %get3A_19 = arith.constant 0 : index
    %get3A_20 = vector.load %arg5[%get3A_18, %get3A_19] : memref<768x1xf32, #tpu.memory_space<vmem>>, vector<768x1xf32>
    %mul3A_21 = vector.broadcast %get3A_20 : vector<768x1xf32> to vector<768x128xf32>
    %mul3A_22 = arith.mulf %add3A_17, %mul3A_21 : vector<768x128xf32>
    %swap3A_23 = arith.constant 0 : index
    %swap3A_24 = arith.constant 0 : index
    %swap3A_25 = vector.load %arg8[%swap3A_23, %swap3A_24] : memref<768x128xf32, #tpu.memory_space<vmem>>, vector<768x128xf32>
    tpu.vector_store %arg8[%swap3A_23, %swap3A_24], %mul3A_22 {strides = array<i32>} : memref<768x128xf32, #tpu.memory_space<vmem>>, vector<768x128xf32>,
    return
  }
  func.func @transform_0(%arg0: i32) -> (i32, i32) {
    %c0_i32 = arith.constant 0 : i32
    %c0_i32_0 = arith.constant 0 : i32
    return %arg0, %c0_i32 : i32, i32
  }
  func.func @transform_1(%arg0: i32) -> (i32, i32) {
    %c0_i32 = arith.constant 0 : i32
    %c0_i32_0 = arith.constant 0 : i32
    return %arg0, %c0_i32 : i32, i32
  }
  func.func @transform_2(%arg0: i32) -> (i32, i32) {
    %c0_i32 = arith.constant 0 : i32
    %c0_i32_0 = arith.constant 0 : i32
    return %arg0, %c0_i32 : i32, i32
  }
  func.func @transform_3(%arg0: i32) -> (i32, i32) {
    %c0_i32 = arith.constant 0 : i32
    %c0_i32_0 = arith.constant 0 : i32
    return %arg0, %c0_i32 : i32, i32
  }
  func.func @transform_4(%arg0: i32) -> (i32, i32) {
    %c0_i32 = arith.constant 0 : i32
    %c0_i32_0 = arith.constant 0 : i32
    return %arg0, %c0_i32 : i32, i32
  }
  func.func @transform_5(%arg0: i32) -> (i32, i32) {
    %c0_i32 = arith.constant 0 : i32
    %c0_i32_0 = arith.constant 0 : i32
    return %arg0, %c0_i32 : i32, i32
  }
  func.func @transform_6(%arg0: i32) -> (i32, i32) {
    %c0_i32 = arith.constant 0 : i32
    %c0_i32_0 = arith.constant 0 : i32
    return %arg0, %c0_i32 : i32, i32
  }
  func.func @transform_7(%arg0: i32) -> (i32, i32) {
    %c0_i32 = arith.constant 0 : i32
    %c0_i32_0 = arith.constant 0 : i32
    return %arg0, %c0_i32 : i32, i32
  }
}

</mosaic_0001>

<sc_bundles>
// kernel: kernel.10.cloned.1.call-start
scs
__scs_entry_jumppad:
0x0: {  	(pc) =	sbr.rel $0x88, $3  }
0x1: {  	(tag) =	ssettag $0x0;
	lr =	simm.s32 $0x1  }
0x2: {  	[smem:$0x3F9D] =	sst lr;
	_ =	strace $0xD0000000  }
0x3: {  	_ = 	snop  }
0x4: {  	_ = 	snop  }
0x5: {  	_ = 	snop  }
0x6: {  	_ = 	snop  }
0x7: {  	_ = 	snop  }
__scs_overlays_trampoline_lowered:
0x8: {  	[smem:$0x3FAC] =	sst s0  }
0x9: {  	[smem:$0x3FAD] =	sst s1  }
0xa: {  	[smem:$0x3FAE] =	sst s2  }
0xb: {  	[smem:$0x3FAF] =	sst s3  }
0xc: {  	[smem:$0x3FB0] =	sst s4  }
0xd: {  	[smem:$0x3FB1] =	sst s5  }
0xe: {  	[smem:$0x3FB2] =	sst s6  }
0xf: {  	[smem:$0x3FB3] =	sst s7  }
0x10: {  	[smem:$0x3FB4] =	sst s8  }
0x11: {  	[smem:$0x3FB5] =	sst s9;
	s0 =	simm.s32 @!p0 $0x0  }
0x12: {  	s1 =	sld [smem:$0x3F9B];
	s0 =	simm.s32 @p0 $0x1  }
0x13: {  	[smem:$0x3FB6] =	sst s0;
	s0 =	simm.s32 @!p1 $0x0  }
0x14: {  	s2 =	sld [smem:$0x3F9A];
	s0 =	simm.s32 @p1 $0x1  }
0x15: {  	[smem:$0x3FB7] =	sst s0;
	s0 =	simm.s32 @!p2 $0x0  }
0x16: {  	s3 =	sld [smem:$0x3FDB];
	s0 =	simm.s32 @p2 $0x1  }
0x17: {  	s4 =	simm.s32 $0x1BF5;
	[smem:$0x3FB9] =	sst s0  }
0x18: {  	s0 =	sld [smem:$0x3F9C];
	_ =	swait.ge [sflag:s4], $0x0  }
0x19: {  	s7 =	sld [smem:$0x3F9D]  }
0x1a: {  	s8 =	sadd.s32 $0xFFFFE003, lr  }
0x1b: {  	s9 =	sadd.s32 $0xFFFFFEF7, lr;
	s5 =	simm.s32 $0xFFFFFFFF;
	p2 =	slt.u32 s8, $0xFFFFF086  }
0x1c: {  	p1 =	slt.u32 s9, $0xF7A;
	s5 =	simm.s32 @!p2 $0x0  }
0x1d: {  	s5 =	simm.s32 @p1 $0x1;
	p0 =	seq.s32 s7, s2  }
0x1e: {  	s7 =	smul.u32 @!p0 $0xF7A, s2;
	p2 =	seq.s32 @!p0 s5, $0x0  }
0x1f: {  	s9 =	smul.u32 $0xF7A, s1;
	s8 =	simm.s32 @!p0 $0x1BF5;
	p2 =	por !p2, p0  }
0x20: {  	[sflag:s8] =	ssyncset.s32 @!p0 $0xFFFFF086;
	s6 =	sadd.s32 @!p0 s3, s7;
	s7 =	simm.s32 @!p0 $0x108  }
0x21: {  	s3 =	sadd.s32 s3, s9;
	s6 =	sadd.s32 @!p0 $0x88, s6;
	s7 =	simm.s32 @p2 $0x1082  }
0x22: {  	[simem:s7], [sflag:s8] =	dma.local @!p0 [hbm:s6], $0xF7A  }
0x23: {  	s9 =	sor.u32 $0xD0000000, s2;
	s6 =	simm.s32 $0x108;
	_ =	swait.ge @!p0 [sflag:s8], $0x0  }
0x24: {  	s3 =	sadd.s32 $0x88, s3;
	s6 =	simm.s32 @!p1 $0x1082;
	[sflag:s4] =	ssyncset.s32 $0xFFFFF086  }
0x25: {  	[simem:s6], [sflag:s4] =	dma.local [hbm:s3], $0xF7A  }
0x26: {  	[smem:$0x3F9D] =	sst s1;
	(tag) =	ssettag s2;
	_ =	strace s9  }
0x27: {  	s1 =	sld [smem:$0x3FAD]  }
0x28: {  	s2 =	sld [smem:$0x3FAE]  }
0x29: {  	s4 =	sld [smem:$0x3FB0]  }
0x2a: {  	p0 =	seq.s32 s5, $0x0;
	s5 =	sld [smem:$0x3FB1]  }
0x2b: {  	s6 =	sld [smem:$0x3FB2]  }
0x2c: {  	s7 =	sld [smem:$0x3FB3]  }
0x2d: {  	s3 =	simm.s32 $0x108;
	s8 =	sld [smem:$0x3FB4]  }
0x2e: {  	s3 =	simm.s32 @!p0 $0x1082;
	s9 =	sld [smem:$0x3FB5]  }
0x2f: {  	lr =	sadd.s32 s0, s3;
	s0 =	sld [smem:$0x3FAC]  }
0x30: {  	s3 =	sld [smem:$0x3FAF]  }
0x31: {  	[smem:$0x3FB8] =	sst s10  }
0x32: {  	s10 =	sld [smem:$0x3FB6];
	_ =	sdelay $0x3  }
0x33: {  	p0 =	seq.s32 s10, $0x1;
	s10 =	sld [smem:$0x3FB8];
	_ =	sdelay $0x3  }
0x34: {  	[smem:$0x3FB8] =	sst s10  }
0x35: {  	s10 =	sld [smem:$0x3FB7];
	_ =	sdelay $0x3  }
0x36: {  	p1 =	seq.s32 s10, $0x1;
	s10 =	sld [smem:$0x3FB8];
	_ =	sdelay $0x3  }
0x37: {  	[smem:$0x3FB8] =	sst s10  }
0x38: {  	s10 =	sld [smem:$0x3FB9]  }
0x39: {  	_ = 	snop;
	(pc) =	sbr.ind lr, $3  }
0x3a: {  	_ = 	snop  }
0x3b: {  	_ = 	snop  }
0x3c: {  	p2 =	seq.s32 s10, $0x1;
	s10 =	sld [smem:$0x3FB8]  }
0x3d: {  	_ =	shalt  }
0x3e: {  	_ =	shalt  }
0x3f: {  	_ =	shalt  }
0x40: {  	_ =	shalt  }
0x41: {  	_ =	shalt  }
0x42: {  	_ =	shalt  }
0x43: {  	_ =	shalt  }
0x44: {  	_ =	shalt  }
0x45: {  	_ =	shalt  }
0x46: {  	_ =	shalt  }
0x47: {  	_ =	shalt  }
0x48: {  	_ =	shalt  }
0x49: {  	_ =	shalt  }
0x4a: {  	_ =	shalt  }
0x4b: {  	_ =	shalt  }
0x4c: {  	_ =	shalt  }
0x4d: {  	_ =	shalt  }
0x4e: {  	_ =	shalt  }
0x4f: {  	_ =	shalt  }
0x50: {  	_ =	shalt  }
0x51: {  	_ =	shalt  }
0x52: {  	_ =	shalt  }
0x53: {  	_ =	shalt  }
0x54: {  	_ =	shalt  }
0x55: {  	_ =	shalt  }
0x56: {  	_ =	shalt  }
0x57: {  	_ =	shalt  }
0x58: {  	_ =	shalt  }
0x59: {  	_ =	shalt  }
0x5a: {  	_ =	shalt  }
0x5b: {  	_ =	shalt  }
0x5c: {  	_ =	shalt  }
0x5d: {  	_ =	shalt  }
0x5e: {  	_ =	shalt  }
0x5f: {  	_ =	shalt  }
0x60: {  	_ =	shalt  }
0x61: {  	_ =	shalt  }
0x62: {  	_ =	shalt  }
0x63: {  	_ =	shalt  }
0x64: {  	_ =	shalt  }
0x65: {  	_ =	shalt  }
0x66: {  	_ =	shalt  }
0x67: {  	_ =	shalt  }
0x68: {  	_ =	shalt  }
0x69: {  	_ =	shalt  }
0x6a: {  	_ =	shalt  }
0x6b: {  	_ =	shalt  }
0x6c: {  	_ =	shalt  }
0x6d: {  	_ =	shalt  }
0x6e: {  	_ =	shalt  }
0x6f: {  	_ =	shalt  }
0x70: {  	_ =	shalt  }
0x71: {  	_ =	shalt  }
0x72: {  	_ =	shalt  }
0x73: {  	_ =	shalt  }
0x74: {  	_ =	shalt  }
0x75: {  	_ =	shalt  }
0x76: {  	_ =	shalt  }
0x77: {  	_ =	shalt  }
0x78: {  	_ =	shalt  }
0x79: {  	_ =	shalt  }
0x7a: {  	_ =	shalt  }
0x7b: {  	_ =	shalt  }
0x7c: {  	_ =	shalt  }
0x7d: {  	_ =	shalt  }
0x7e: {  	_ =	shalt  }
0x7f: {  	_ =	shalt  }
0x80: {  	_ =	shalt  }
0x81: {  	_ =	shalt  }
0x82: {  	_ =	shalt  }
0x83: {  	_ =	shalt  }
0x84: {  	_ =	shalt  }
0x85: {  	_ =	shalt  }
0x86: {  	_ =	shalt  }
0x87: {  	_ =	shalt  }
.Lfunc_end0:
.L_simem_size_0:
called_computation_lowered:
.L_overlay_start_0:
0x88: {  	s2 =	sld [smem:$0x3FD9]  }
0x89: {  	s3 =	sld [smem:$0x3FFE];
	_ =	sdelay $0x1  }
0x8a: {  	s1 =	srdreg.scid  }
0x8b: {  	s0 =	sand.u32 $0x1, s1  }
0x8c: {  	s14 =	sshll.u32 s0, $0xA;
	s2 =	sadd.s32 s3, s2  }
0x8d: {  	s2 =	sadd.s32 s2, s14  }
0x8e: {  	[smem:$0x3FC4] =	sst s2  }
0x8f: {  	_ = 	snop  }
0x90: {  	s2 =	sld [smem:$0x3FD0];
	_ =	sdelay $0x2  }
0x91: {  	s15 =	simm.s32 $0xA;
	s4 =	simm.s32 $0x10  }
0x92: {  	[smem:s4], [sflag:s15] =	dma.local [hbm:s2], $0x1  }
0x93: {  	_ =	swait.eq [sflag:s15], $0x1  }
0x94: {  	[sflag:s15] =	ssyncset.done $0x0  }
0x95: {  	[sflag:s15] =	ssyncadd.s32 $0xFFFFFFFF  }
0x96: {  	s16 =	sld [smem:$0x11];
	(tm) =	ssettm $0x1  }
0x97: {  	s17 =	sld [smem:$0x3FFB];
	_ =	sdelay $0x3  }
0x98: {  	_ =	strace s17  }
0x99: {  	s3 =	sld [smem:$0x3FFC];
	_ =	sdelay $0x3  }
0x9a: {  	_ =	strace s3  }
0x9b: {  	s3 =	sld [smem:$0x3FFD];
	_ =	sdelay $0x3  }
0x9c: {  	_ =	strace s3  }
0x9d: {  	_ =	strace $0x8FFFFFFF  }
0x9e: {  	s18 =	sld [smem:$0x3FDB];
	_ =	sdelay $0x1  }
0x9f: {  	s19 =	simm.s32 $_scs_section_size  }
0xa0: {  	s5 =	simm.s32 $_size__tile_overlayer_lowered;
	s6 =	simm.s32 $_tile_overlayer_lowered  }
0xa1: {  	s22 =	simm.s32 $0x1BFF;
	s21 =	sshll.u32 s6, $0x1;
	s3 =	sadd.s32 s19, s18  }
0xa2: {  	s7 =	simm.s32 $0x0;
	s20 =	sshll.u32 s5, $0x1;
	s5 =	sadd.s32 s21, s3  }
0xa3: {  	[timem:s7], [sflag:s22] =	dma.local [hbm:s5], s20  }
0xa4: {  	_ =	swait.ge [sflag:s22], s20  }
0xa5: {  	s4 =	ssub.s32 $0x0, s20;
	[sflag:s22] =	ssyncset.done $0x0  }
0xa6: {  	[sflag:s22] =	ssyncadd.s32 s4;
	_ =	sdelay $0x1  }
0xa7: {  	s23 =	simm.s32 $0x1B8B  }
0xa8: {  	_ =	swait.ge [sflag:s23], $0x1  }
0xa9: {  	[sflag:s23] =	ssyncset.done $0x0  }
0xaa: {  	s25 =	simm.s32 $0x1B8E;
	s24 =	sld [smem:$0x3FFE];
	[sflag:s23] =	ssyncadd.s32 $0xFFFFFFFF  }
0xab: {  	s26 =	simm.s32 $execute0_lowered;
	[smem:$0x3FD2] =	sst s25  }
0xac: {  	s5 =	sshll.u32 s26, $0x1;
	_ =	strace $0x80000046;
	[dreg:$0x1] =	wrdreg $0xFFFFFFFF  }
0xad: {  	s28 =	simm.s32 $_size_execute0_lowered;
	s3 =	sadd.s32 s3, s5;
	[dreg:$0x0] =	wrdreg $0x0  }
0xae: {  	s5 =	sshll.u32 s28, $0x1;
	[dreg:$0x2] =	wrdreg s3  }
0xaf: {  	[dreg:$0x3] =	wrdreg s5  }
0xb0: {  	[dreg:$0x4] =	wrdreg $0xC0  }
0xb1: {  	_ =	task [dreg:s7], $0x5FFFF  }
0xb2: {  	[dreg:$0x1] =	wrdreg $0xFFFFFFFF  }
0xb3: {  	[dreg:$0x0] =	wrdreg $0x60  }
0xb4: {  	[dreg:$0x2] =	wrdreg s16  }
0xb5: {  	[dreg:$0x3] =	wrdreg s24  }
0xb6: {  	[dreg:$0x4] =	wrdreg $0x45000  }
0xb7: {  	[dreg:$0x5] =	wrdreg $0x9  }
0xb8: {  	_ =	task.clear_ibuf [dreg:s7], $0x6FFFF;
	_ =	strace $0x90000046  }
0xb9: {  	s29 =	simm.s32 $0x9;
	_ =	strace $0x80000048  }
0xba: {  	_ =	swait.ge [sflag:s29], $0x1  }
0xbb: {  	[sflag:s29] =	ssyncadd.s32 $0xFFFFFFFF  }
0xbc: {  	_ =	strace $0x90000048  }
0xbd: {  	_ =	sfence  }
0xbe: {  	s30 =	sld [smem:$0x0];
	_ =	sdelay $0x2  }
0xbf: {  	s31 =	sshll.u32 s1, $0xD;
	s1 =	sshrl.u32 s1, $0x2  }
0xc0: {  	s3 =	sand.u32 $0x4000, s31;
	s1 =	sadd.s32 s1, s30  }
0xc1: {  	s0 =	sor.u32 s3, s0;
	s1 =	sshll.u32 s1, $0x11  }
0xc2: {  	s0 =	sor.u32 s1, s0  }
0xc3: {  	s0 =	sadd.s32 $0x8F2B, s0  }
0xc4: {  	[sflag:s0] =	ssyncadd.remote.s32 $0x1  }
0xc5: {  	_ =	sfence.sel $0xFFFF  }
0xc6: {  	[dreg:$0x0] =	wrdreg $0xFFFFFFFF;
	(pc) =	sbr.abs _section_cstart, $3  }
0xc7: {  	[dreg:$0x1] =	wrdreg $0xFFFFFFFF  }
0xc8: {  	_ =	task.clear_ibuf [dreg:s7], $0x2FFFF;
	_ =	strace $0x9FFFFFFF  }
0xc9: {  	(tm) =	ssettm $0x7FFFFFFF  }
tec
execute0_lowered:
.L_overlay_start_1:
0x0: {  	(tag) =	ssettag $0x1  }
0x1: {  	s0 =	rddreg [dreg:$0x0]  }
0x2: {  	s1 =	rddreg [dreg:$0x1];
	s3 =	srdreg.scid  }
0x3: {  	s9 =	stileid.u32;
	s2 =	rddreg [dreg:$0x2];
	s12 =	simm.s32 $0x9  }
0x4: {  	s13 =	simm.s32 $0x4000;
	s14 =	simm.s32 $0x50;
	s22 =	simm.s32 $0x1  }
0x5: {  	s23 =	simm.s32 $0x2;
	s24 =	simm.s32 $0x3;
	s25 =	simm.s32 $0x4  }
0x6: {  	s26 =	simm.s32 $0x5;
	s28 =	simm.s32 $0x6;
	s29 =	simm.s32 $0x7  }
0x7: {  	s30 =	simm.s32 $0x8;
	s17 =	simm.s32 $0x4200;
	s18 =	simm.s32 $0x4380  }
0x8: {  	s19 =	simm.s32 $0x0;
	s6 =	sand.u32 $0x1, s3;
	s7 =	smul.u32 $0x180, s9  }
0x9: {  	s3 =	simm.s32 $0x0;
	s5 =	sadd.s32 $0x5000, s1;
	s9 =	sshll.u32 s9, $0xB  }
0xa: {  	s4 =	smul.u32 $0x1800, s6;
	[smem:$0x7FF] =	sst s3;
	s31 =	ssub.s32 $0x2, s6  }
0xb: {  	s11 =	sshll.u32 s6, $0xF;
	s0 =	sadd.s32 s0, s9;
	_ =	strace $0x80000047  }
0xc: {  	s10 =	sshrl.u32 s31, $0x1;
	s6 =	sadd.s32 s7, s2;
	s8 =	sadd.s32 s7, s4  }
0xd: {  	s4 =	sadd.s32 $0x4E00, s1;
	s10 =	ssub.s32 s31, s10;
	s8 =	sshrl.u32 s8, $0x3  }
0xe: {  	s7 =	sadd.s32 s11, s0;
	s11 =	simm.s32 $0x4080;
	s1 =	sadd.s32 s8, s1  }
0xf: {  	s10 =	smax.u32 s10, $0x1;
	s8 =	sadd.s32 $0x5200, s1;
	s9 =	sadd.s32 $0x5800, s1  }
.LBB2_1:
0x10: {  	[tilespmem:s11], [sflag:$0x9] =	stream.linear.gather [hbm4b:s5+s3], $0x180, $0x38;
	[tilespmem:$0x4680] =	vst v63  }
0x11: {  	_ =	swait.ge [sflag:s12], $0x180  }
0x12: {  	[sflag:s12] =	ssyncset.done $0x0  }
0x13: {  	[sflag:s12] =	ssyncadd.s32 $0xFFFFFE80  }
0x14: {  	[spmem:s6] =	stream.linear.scatter [tilespmem:s11], [sflag:$0x9], $0x180, $0x38;
	[tilespmem:$0x4680] =	vst v63  }
0x15: {  	_ =	swait.ge [sflag:s12], $0x180  }
0x16: {  	[sflag:s12] =	ssyncset.done $0x0  }
0x17: {  	[sflag:s12] =	ssyncadd.s32 $0xFFFFFE80  }
0x18: {  	[tilespmem:s13], [sflag:$0x9] =	stream.linear.gather [hbm4b:s4+s3], $0x80, $0x38;
	[tilespmem:$0x4680] =	vst v63  }
0x19: {  	_ =	swait.ge [sflag:s12], $0x80  }
0x1a: {  	[sflag:s12] =	ssyncset.done $0x0  }
0x1b: {  	[sflag:s12] =	ssyncadd.s32 $0xFFFFFF80  }
0x1c: {  	[tilespmem:s3], [sflag:$0x9] =	stream.linear.gather [hbm4b:s7+s3], $0x3E80, $0x38;
	[tilespmem:$0x4680] =	vst v63  }
0x1d: {  	_ =	swait.ge [sflag:s12], $0x3E80  }
0x1e: {  	[sflag:s12] =	ssyncset.done $0x0  }
0x1f: {  	[sflag:s12] =	ssyncadd.s32 $0xFFFFC180  }
0x20: {  	[bflag:$0x0] =	sbarrier.arrive $0xFFFF  }
0x21: {  	[spmem:s2] =	stream.indirect.scatter.add.f32 [tilespmem:s13], [sflag:$0x1], $0x1, s3, s14, $0xb8;
	[tilespmem:$0x4680] =	vst v63  }
0x22: {  	s0 =	simm.s32 $0x80  }
0x23: {  	[spmem:s2] =	stream.indirect.scatter.add.f32 [tilespmem:s13], [sflag:$0x2], $0x1, s0, s14, $0xb8;
	[tilespmem:$0x4680] =	vst v63  }
0x24: {  	s31 =	simm.s32 $0x100  }
0x25: {  	[spmem:s2] =	stream.indirect.scatter.add.f32 [tilespmem:s13], [sflag:$0x3], $0x1, s31, s14, $0xb8;
	[tilespmem:$0x4680] =	vst v63  }
0x26: {  	s1 =	simm.s32 $0x180  }
0x27: {  	[spmem:s2] =	stream.indirect.scatter.add.f32 [tilespmem:s13], [sflag:$0x4], $0x1, s1, s14, $0xb8;
	[tilespmem:$0x4680] =	vst v63  }
0x28: {  	s15 =	simm.s32 $0x200  }
0x29: {  	[spmem:s2] =	stream.indirect.scatter.add.f32 [tilespmem:s13], [sflag:$0x5], $0x1, s15, s14, $0xb8;
	[tilespmem:$0x4680] =	vst v63  }
0x2a: {  	s16 =	simm.s32 $0x280  }
0x2b: {  	[spmem:s2] =	stream.indirect.scatter.add.f32 [tilespmem:s13], [sflag:$0x6], $0x1, s16, s14, $0xb8;
	[tilespmem:$0x4680] =	vst v63  }
0x2c: {  	s20 =	simm.s32 $0x300  }
0x2d: {  	[spmem:s2] =	stream.indirect.scatter.add.f32 [tilespmem:s13], [sflag:$0x7], $0x1, s20, s14, $0xb8;
	[tilespmem:$0x4680] =	vst v63  }
0x2e: {  	s21 =	simm.s32 $0x380  }
0x2f: {  	[spmem:s2] =	stream.indirect.scatter.add.f32 [tilespmem:s13], [sflag:$0x8], $0x1, s21, s14, $0xb8;
	[tilespmem:$0x4680] =	vst v63  }
0x30: {  	_ =	swait.ge [sflag:s22], $0x50  }
0x31: {  	[sflag:s22] =	ssyncset.done $0x0  }
0x32: {  	s31 =	simm.s32 $0x400;
	[sflag:s22] =	ssyncadd.s32 $0xFFFFFFB0  }
0x33: {  	[spmem:s2] =	stream.indirect.scatter.add.f32 [tilespmem:s13], [sflag:$0x1], $0x1, s31, s14, $0xb8;
	[tilespmem:$0x4680] =	vst v63  }
0x34: {  	_ =	swait.ge [sflag:s23], $0x50  }
0x35: {  	[sflag:s23] =	ssyncset.done $0x0  }
0x36: {  	s1 =	simm.s32 $0x480;
	[sflag:s23] =	ssyncadd.s32 $0xFFFFFFB0  }
0x37: {  	[spmem:s2] =	stream.indirect.scatter.add.f32 [tilespmem:s13], [sflag:$0x2], $0x1, s1, s14, $0xb8;
	[tilespmem:$0x4680] =	vst v63  }
0x38: {  	_ =	swait.ge [sflag:s24], $0x50  }
0x39: {  	[sflag:s24] =	ssyncset.done $0x0  }
0x3a: {  	s15 =	simm.s32 $0x500;
	[sflag:s24] =	ssyncadd.s32 $0xFFFFFFB0  }
0x3b: {  	[spmem:s2] =	stream.indirect.scatter.add.f32 [tilespmem:s13], [sflag:$0x3], $0x1, s15, s14, $0xb8;
	[tilespmem:$0x4680] =	vst v63  }
0x3c: {  	_ =	swait.ge [sflag:s25], $0x50  }
0x3d: {  	[sflag:s25] =	ssyncset.done $0x0  }
0x3e: {  	s16 =	simm.s32 $0x580;
	[sflag:s25] =	ssyncadd.s32 $0xFFFFFFB0  }
0x3f: {  	[spmem:s2] =	stream.indirect.scatter.add.f32 [tilespmem:s13], [sflag:$0x4], $0x1, s16, s14, $0xb8;
	[tilespmem:$0x4680] =	vst v63  }
0x40: {  	_ =	swait.ge [sflag:s26], $0x50  }
0x41: {  	[sflag:s26] =	ssyncset.done $0x0  }
0x42: {  	s20 =	simm.s32 $0x600;
	[sflag:s26] =	ssyncadd.s32 $0xFFFFFFB0  }
0x43: {  	[spmem:s2] =	stream.indirect.scatter.add.f32 [tilespmem:s13], [sflag:$0x5], $0x1, s20, s14, $0xb8;
	[tilespmem:$0x4680] =	vst v63  }
0x44: {  	_ =	swait.ge [sflag:s28], $0x50  }
0x45: {  	[sflag:s28] =	ssyncset.done $0x0  }
0x46: {  	s21 =	simm.s32 $0x680;
	[sflag:s28] =	ssyncadd.s32 $0xFFFFFFB0  }
0x47: {  	[spmem:s2] =	stream.indirect.scatter.add.f32 [tilespmem:s13], [sflag:$0x6], $0x1, s21, s14, $0xb8;
	[tilespmem:$0x4680] =	vst v63  }
0x48: {  	_ =	swait.ge [sflag:s29], $0x50  }
0x49: {  	[sflag:s29] =	ssyncset.done $0x0  }
0x4a: {  	s31 =	simm.s32 $0x700;
	[sflag:s29] =	ssyncadd.s32 $0xFFFFFFB0  }
0x4b: {  	[spmem:s2] =	stream.indirect.scatter.add.f32 [tilespmem:s13], [sflag:$0x7], $0x1, s31, s14, $0xb8;
	[tilespmem:$0x4680] =	vst v63  }
0x4c: {  	_ =	swait.ge [sflag:s30], $0x50  }
0x4d: {  	[sflag:s30] =	ssyncset.done $0x0  }
0x4e: {  	s0 =	simm.s32 $0x1000;
	s1 =	simm.s32 $0x780;
	[sflag:s30] =	ssyncadd.s32 $0xFFFFFFB0  }
.LBB2_2:
0x4f: {  	[spmem:s2] =	stream.indirect.scatter.add.f32 [tilespmem:s13], [sflag:$0x8], $0x1, s1, s14, $0xb8;
	[tilespmem:$0x4680] =	vst v63  }
0x50: {  	s1 =	smov.u32 s0  }
0x51: {  	p0 =	sne.s32 s0, $0xD000;
	s0 =	sadd.s32 $0x1000, s0;
	_ =	swait.ge [sflag:s22], $0x50  }
0x52: {  	s1 =	sshra.s32 s1, $0x2;
	[sflag:s22] =	ssyncset.done $0x0  }
0x53: {  	s15 =	sadd.s32 $0x400, s1;
	[sflag:s22] =	ssyncadd.s32 $0xFFFFFFB0  }
0x54: {  	[spmem:s2] =	stream.indirect.scatter.add.f32 [tilespmem:s13], [sflag:$0x1], $0x1, s15, s14, $0xb8;
	[tilespmem:$0x4680] =	vst v63  }
0x55: {  	_ =	swait.ge [sflag:s23], $0x50  }
0x56: {  	[sflag:s23] =	ssyncset.done $0x0  }
0x57: {  	s15 =	sadd.s32 $0x480, s1;
	[sflag:s23] =	ssyncadd.s32 $0xFFFFFFB0  }
0x58: {  	[spmem:s2] =	stream.indirect.scatter.add.f32 [tilespmem:s13], [sflag:$0x2], $0x1, s15, s14, $0xb8;
	[tilespmem:$0x4680] =	vst v63  }
0x59: {  	_ =	swait.ge [sflag:s24], $0x50  }
0x5a: {  	[sflag:s24] =	ssyncset.done $0x0  }
0x5b: {  	s15 =	sadd.s32 $0x500, s1;
	[sflag:s24] =	ssyncadd.s32 $0xFFFFFFB0  }
0x5c: {  	[spmem:s2] =	stream.indirect.scatter.add.f32 [tilespmem:s13], [sflag:$0x3], $0x1, s15, s14, $0xb8;
	[tilespmem:$0x4680] =	vst v63  }
0x5d: {  	_ =	swait.ge [sflag:s25], $0x50  }
0x5e: {  	[sflag:s25] =	ssyncset.done $0x0  }
0x5f: {  	s15 =	sadd.s32 $0x580, s1;
	[sflag:s25] =	ssyncadd.s32 $0xFFFFFFB0  }
0x60: {  	[spmem:s2] =	stream.indirect.scatter.add.f32 [tilespmem:s13], [sflag:$0x4], $0x1, s15, s14, $0xb8;
	[tilespmem:$0x4680] =	vst v63  }
0x61: {  	_ =	swait.ge [sflag:s26], $0x50  }
0x62: {  	[sflag:s26] =	ssyncset.done $0x0  }
0x63: {  	s15 =	sadd.s32 $0x600, s1;
	[sflag:s26] =	ssyncadd.s32 $0xFFFFFFB0  }
0x64: {  	[spmem:s2] =	stream.indirect.scatter.add.f32 [tilespmem:s13], [sflag:$0x5], $0x1, s15, s14, $0xb8;
	[tilespmem:$0x4680] =	vst v63  }
0x65: {  	_ =	swait.ge [sflag:s28], $0x50  }
0x66: {  	[sflag:s28] =	ssyncset.done $0x0  }
0x67: {  	s15 =	sadd.s32 $0x680, s1;
	[sflag:s28] =	ssyncadd.s32 $0xFFFFFFB0  }
0x68: {  	[spmem:s2] =	stream.indirect.scatter.add.f32 [tilespmem:s13], [sflag:$0x6], $0x1, s15, s14, $0xb8;
	[tilespmem:$0x4680] =	vst v63  }
0x69: {  	_ =	swait.ge [sflag:s29], $0x50  }
0x6a: {  	[sflag:s29] =	ssyncset.done $0x0  }
.Ltmp0:
0x6b: {  	s15 =	sadd.s32 $0x700, s1;
	[sflag:s29] =	ssyncadd.s32 $0xFFFFFFB0;
	(pc) =	sbr.rel @p0 .LBB2_2-.Ltmp0, $4  }
0x6c: {  	[spmem:s2] =	stream.indirect.scatter.add.f32 [tilespmem:s13], [sflag:$0x7], $0x1, s15, s14, $0xb8;
	[tilespmem:$0x4680] =	vst v63  }
0x6d: {  	_ =	swait.ge [sflag:s30], $0x50  }
0x6e: {  	[sflag:s30] =	ssyncset.done $0x0  }
0x6f: {  	s1 =	sadd.s32 $0x780, s1;
	[sflag:s30] =	ssyncadd.s32 $0xFFFFFFB0  }
0x70: {  	[spmem:s2] =	stream.indirect.scatter.add.f32 [tilespmem:s13], [sflag:$0x8], $0x1, s1, s14, $0xb8;
	[tilespmem:$0x4680] =	vst v63  }
0x71: {  	_ =	swait.ge [sflag:s22], $0x50  }
0x72: {  	[sflag:s22] =	ssyncset.done $0x0  }
0x73: {  	s0 =	simm.s32 $0x3C00;
	[sflag:s22] =	ssyncadd.s32 $0xFFFFFFB0  }
0x74: {  	[spmem:s2] =	stream.indirect.scatter.add.f32 [tilespmem:s13], [sflag:$0x1], $0x1, s0, s14, $0xb8;
	[tilespmem:$0x4680] =	vst v63  }
0x75: {  	_ =	swait.ge [sflag:s23], $0x50  }
0x76: {  	[sflag:s23] =	ssyncset.done $0x0  }
0x77: {  	s15 =	simm.s32 $0x3C80;
	[sflag:s23] =	ssyncadd.s32 $0xFFFFFFB0  }
0x78: {  	[spmem:s2] =	stream.indirect.scatter.add.f32 [tilespmem:s13], [sflag:$0x2], $0x1, s15, s14, $0xb8;
	[tilespmem:$0x4680] =	vst v63  }
0x79: {  	_ =	swait.ge [sflag:s24], $0x50  }
0x7a: {  	[sflag:s24] =	ssyncset.done $0x0  }
0x7b: {  	s16 =	simm.s32 $0x3D00;
	[sflag:s24] =	ssyncadd.s32 $0xFFFFFFB0  }
0x7c: {  	[spmem:s2] =	stream.indirect.scatter.add.f32 [tilespmem:s13], [sflag:$0x3], $0x1, s16, s14, $0xb8;
	[tilespmem:$0x4680] =	vst v63  }
0x7d: {  	_ =	swait.ge [sflag:s25], $0x50  }
0x7e: {  	[sflag:s25] =	ssyncset.done $0x0  }
0x7f: {  	s20 =	simm.s32 $0x3D80;
	[sflag:s25] =	ssyncadd.s32 $0xFFFFFFB0  }
0x80: {  	[spmem:s2] =	stream.indirect.scatter.add.f32 [tilespmem:s13], [sflag:$0x4], $0x1, s20, s14, $0xb8;
	[tilespmem:$0x4680] =	vst v63  }
0x81: {  	_ =	swait.ge [sflag:s26], $0x50  }
0x82: {  	[sflag:s26] =	ssyncset.done $0x0  }
0x83: {  	s21 =	simm.s32 $0x3E00;
	[sflag:s26] =	ssyncadd.s32 $0xFFFFFFB0  }
0x84: {  	[spmem:s2] =	stream.indirect.scatter.add.f32 [tilespmem:s13], [sflag:$0x5], $0x1, s21, s14, $0xb8;
	[tilespmem:$0x4680] =	vst v63  }
0x85: {  	_ =	swait.ge [sflag:s22], $0x50  }
0x86: {  	[sflag:s22] =	ssyncset.done $0x0  }
0x87: {  	[sflag:s22] =	ssyncadd.s32 $0xFFFFFFB0  }
0x88: {  	_ =	swait.ge [sflag:s23], $0x50  }
0x89: {  	[sflag:s23] =	ssyncset.done $0x0  }
0x8a: {  	[sflag:s23] =	ssyncadd.s32 $0xFFFFFFB0  }
0x8b: {  	_ =	swait.ge [sflag:s24], $0x50  }
0x8c: {  	[sflag:s24] =	ssyncset.done $0x0  }
0x8d: {  	[sflag:s24] =	ssyncadd.s32 $0xFFFFFFB0  }
0x8e: {  	_ =	swait.ge [sflag:s25], $0x50  }
0x8f: {  	[sflag:s25] =	ssyncset.done $0x0  }
0x90: {  	[sflag:s25] =	ssyncadd.s32 $0xFFFFFFB0  }
0x91: {  	_ =	swait.ge [sflag:s26], $0x50  }
0x92: {  	[sflag:s26] =	ssyncset.done $0x0  }
0x93: {  	[sflag:s26] =	ssyncadd.s32 $0xFFFFFFB0  }
0x94: {  	_ =	swait.ge [sflag:s28], $0x50  }
0x95: {  	[sflag:s28] =	ssyncset.done $0x0  }
0x96: {  	[sflag:s28] =	ssyncadd.s32 $0xFFFFFFB0  }
0x97: {  	_ =	swait.ge [sflag:s29], $0x50  }
0x98: {  	[sflag:s29] =	ssyncset.done $0x0  }
0x99: {  	[sflag:s29] =	ssyncadd.s32 $0xFFFFFFB0  }
0x9a: {  	_ =	swait.ge [sflag:s30], $0x50  }
0x9b: {  	[sflag:s30] =	ssyncset.done $0x0  }
0x9c: {  	[sflag:s30] =	ssyncadd.s32 $0xFFFFFFB0  }
0x9d: {  	[bflag:$0x0] =	sbarrier.arrive $0xFFFF  }
0x9e: {  	[tilespmem:s11], [sflag:$0x9] =	stream.linear.gather [spmem:s6], $0x180, $0x38;
	[tilespmem:$0x4680] =	vst v63  }
0x9f: {  	_ =	swait.ge [sflag:s12], $0x180  }
0xa0: {  	[sflag:s12] =	ssyncset.done $0x0  }
0xa1: {  	s21 =	simm.s32 $0x0;
	[sflag:s12] =	ssyncadd.s32 $0xFFFFFE80  }
0xa2: {  	v0 =	vld [tilespmem:s21+$0x4080];
	_ =	sdelay $0x4  }
0xa3: {  	v1 =	vshra.s32 v0, $0x1;
	v6 =	vmul.f32 $5.000000000e-01, v0  }
0xa4: {  	s20 =	simm.s32 $0x10;
	v2 =	vsub.s32 $0x5F3759DF, v1  }
0xa5: {  	v1 =	vld [tilespmem:s20+$0x4080];
	v3 =	vmul.f32 v2, v6;
	_ =	sdelay $0x1  }
0xa6: {  	v3 =	vmul.f32 v2, v3;
	_ =	sdelay $0x1  }
0xa7: {  	v3 =	vsub.f32 $1.500000000e+00, v3  }
0xa8: {  	v5 =	vshra.s32 v1, $0x1;
	v4 =	vmul.f32 $5.000000000e-01, v1  }
0xa9: {  	s31 =	simm.s32 $0x20;
	v7 =	vsub.s32 $0x5F3759DF, v5;
	v9 =	vmul.f32 v2, v3  }
0xaa: {  	v2 =	vld [tilespmem:s31+$0x4080];
	v3 =	vmul.f32 v7, v4  }
0xab: {  	v5 =	vmul.f32 v9, v6  }
0xac: {  	v3 =	vmul.f32 v7, v3  }
0xad: {  	v8 =	vmul.f32 v5, v9  }
0xae: {  	v3 =	vsub.f32 $1.500000000e+00, v3  }
0xaf: {  	v10 =	vshra.s32 v2, $0x1;
	v5 =	vmul.f32 $5.000000000e-01, v2;
	v11 =	vsub.f32 $1.500000000e+00, v8  }
0xb0: {  	s1 =	simm.s32 $0x30;
	v10 =	vsub.s32 $0x5F3759DF, v10;
	v8 =	vmul.f32 v7, v3  }
0xb1: {  	v3 =	vld [tilespmem:s1+$0x4080];
	v12 =	vmul.f32 v10, v5;
	v7 =	vmul.f32 v11, v9  }
0xb2: {  	v9 =	vmul.f32 v8, v4  }
0xb3: {  	v11 =	vmul.f32 v10, v12;
	v6 =	vmul.f32 v7, v6  }
0xb4: {  	v9 =	vmul.f32 v9, v8  }
0xb5: {  	v11 =	vsub.f32 $1.500000000e+00, v11;
	v13 =	vmul.f32 v6, v7  }
0xb6: {  	v14 =	vshra.s32 v3, $0x1;
	v6 =	vmul.f32 $5.000000000e-01, v3;
	v12 =	vsub.f32 $1.500000000e+00, v9  }
0xb7: {  	s0 =	simm.s32 $0x40;
	s15 =	simm.s32 $0x140;
	v9 =	vsub.s32 $0x5F3759DF, v14;
	v11 =	vmul.f32 v10, v11;
	v10 =	vsub.f32 $1.500000000e+00, v13  }
.LBB2_4:
0xb8: {  	p0 =	sne.s32 s15, $0x5C0;
	v13 =	vld [tilespmem:s0+$0x4080];
	v14 =	vmul.f32 v9, v6;
	v12 =	vmul.f32 v12, v8;
	s16 =	smov.u32 s20;
	s20 =	smov.u32 s31  }
0xb9: {  	s31 =	smov.u32 s1;
	s1 =	smov.u32 s0;
	v15 =	vmul.f32 v11, v5;
	v16 =	vmul.f32 v10, v7;
	v8 =	vmov v11  }
.Ltmp1:
0xba: {  	vm0 =	vge.f32 v0, $5.000000000e-01;
	v0 =	vmovc v1;
	v1 =	vmovc v2;
	v10 =	vmul.f32 v9, v14;
	v11 =	vmul.f32 v12, v4;
	(pc) =	sbr.rel @p0 .LBB2_4-.Ltmp1, $4  }
0xbb: {  	v2 =	vmovc v3;
	v7 =	vmovc v12;
	v4 =	vmov v5;
	v14 =	vmul.f32 v15, v8;
	v15 =	vnsel vm0, $0x0, v16  }
0xbc: {  	v5 =	vmovc v6;
	v10 =	vsub.f32 $1.500000000e+00, v10;
	v16 =	vmul.f32 v11, v7;
	[tilespmem:s21+$0x4200] =	vst v15;
	v15 =	vmul.f32 v15, v15  }
0xbd: {  	v17 =	vshra.s32 v13, $0x1;
	v6 =	vmul.f32 $5.000000000e-01, v13;
	v12 =	vsub.f32 $1.500000000e+00, v14;
	v3 =	vmovc v13  }
0xbe: {  	s0 =	sshra.s32 s15, $0x2;
	s15 =	sadd.s32 $0x40, s15;
	v11 =	vmul.f32 v9, v10;
	v9 =	vsub.s32 $0x5F3759DF, v17;
	v10 =	vsub.f32 $1.500000000e+00, v16;
	[tilespmem:s21+$0x4380] =	vst v15;
	s21 =	smov.u32 s16  }
0xbf: {  	v13 =	vld [tilespmem:s0+$0x4080];
	_ =	sdelay $0x4  }
0xc0: {  	v14 =	vmul.f32 v9, v6;
	v15 =	vshra.s32 v13, $0x1;
	v16 =	vmul.f32 $5.000000000e-01, v13  }
0xc1: {  	v15 =	vsub.s32 $0x5F3759DF, v15  }
0xc2: {  	v14 =	vmul.f32 v9, v14;
	v17 =	vmul.f32 v15, v16;
	_ =	sdelay $0x1  }
0xc3: {  	v14 =	vsub.f32 $1.500000000e+00, v14;
	v17 =	vmul.f32 v15, v17  }
0xc4: {  	v18 =	vmul.f32 v11, v5  }
0xc5: {  	v42 =	vmul.f32 v9, v14;
	v43 =	vsub.f32 $1.500000000e+00, v17  }
0xc6: {  	v44 =	vmul.f32 v18, v11  }
0xc7: {  	v45 =	vmul.f32 v42, v6;
	v14 =	vmul.f32 v15, v43  }
0xc8: {  	v8 =	vmul.f32 v12, v8;
	v46 =	vsub.f32 $1.500000000e+00, v44  }
0xc9: {  	v15 =	vmul.f32 v45, v42;
	v47 =	vmul.f32 v14, v16  }
0xca: {  	v4 =	vmul.f32 v8, v4;
	v48 =	vmul.f32 v46, v11  }
0xcb: {  	v49 =	vsub.f32 $1.500000000e+00, v15;
	v50 =	vmul.f32 v47, v14  }
0xcc: {  	v4 =	vmul.f32 v4, v8;
	v51 =	vmul.f32 v48, v5  }
0xcd: {  	v9 =	vmul.f32 v49, v42;
	v52 =	vsub.f32 $1.500000000e+00, v50  }
0xce: {  	v7 =	vmul.f32 v10, v7;
	v4 =	vsub.f32 $1.500000000e+00, v4;
	v5 =	vmul.f32 v51, v48  }
0xcf: {  	vm0 =	vge.f32 v0, $5.000000000e-01;
	v53 =	vmul.f32 v9, v6;
	v54 =	vmul.f32 v52, v14  }
0xd0: {  	vm12 =	vge.f32 v1, $5.000000000e-01;
	v7 =	vnsel vm0, $0x0, v7;
	v4 =	vmul.f32 v4, v8  }
0xd1: {  	v55 =	vsub.f32 $1.500000000e+00, v5;
	v0 =	vmul.f32 v53, v9;
	v56 =	vmul.f32 v54, v16  }
0xd2: {  	v57 =	vmul.f32 v7, v7;
	v4 =	vnsel vm12, $0x0, v4  }
0xd3: {  	[tilespmem:s21+$0x4200] =	vst v7;
	v1 =	vmul.f32 v55, v48;
	v0 =	vsub.f32 $1.500000000e+00, v0;
	v5 =	vmul.f32 v56, v54  }
0xd4: {  	vm13 =	vge.f32 v2, $5.000000000e-01;
	[tilespmem:s21+$0x4380] =	vst v57;
	v58 =	vmul.f32 v4, v4  }
0xd5: {  	[tilespmem:s20+$0x4200] =	vst v4;
	v1 =	vnsel vm13, $0x0, v1;
	v0 =	vmul.f32 v0, v9;
	v59 =	vsub.f32 $1.500000000e+00, v5  }
0xd6: {  	vm14 =	vge.f32 v3, $5.000000000e-01;
	[tilespmem:s20+$0x4380] =	vst v58;
	v60 =	vmul.f32 v1, v1  }
0xd7: {  	[tilespmem:s31+$0x4200] =	vst v1;
	v0 =	vnsel vm14, $0x0, v0;
	v61 =	vmul.f32 v59, v54  }
0xd8: {  	vm15 =	vge.f32 v13, $5.000000000e-01;
	[tilespmem:s31+$0x4380] =	vst v60;
	v62 =	vmul.f32 v0, v0  }
0xd9: {  	[tilespmem:s1+$0x4200] =	vst v0;
	v63 =	vnsel vm15, $0x0, v61  }
0xda: {  	[tilespmem:s1+$0x4380] =	vst v62;
	v1 =	vmul.f32 v63, v63  }
0xdb: {  	[tilespmem:s0+$0x4200] =	vst v63  }
0xdc: {  	[tilespmem:s0+$0x4380] =	vst v1  }
0xdd: {  	[hbm4b:s8+s3] =	stream.linear.scatter [tilespmem:s17], [sflag:$0x9], $0x180, $0x38;
	[tilespmem:$0x4680] =	vst v63  }
0xde: {  	s19 =	sadd.s32 $0x1, s19;
	_ =	swait.ge [sflag:s12], $0x180  }
0xdf: {  	p0 =	sne.s32 s19, s10;
	[sflag:s12] =	ssyncset.done $0x0  }
.Ltmp2:
0xe0: {  	[sflag:s12] =	ssyncadd.s32 $0xFFFFFE80;
	(pc) =	sbr.rel @p0 .LBB2_1-.Ltmp2, $4  }
0xe1: {  	[hbm4b:s9+s3] =	stream.linear.scatter [tilespmem:s18], [sflag:$0x9], $0x180, $0x38;
	[tilespmem:$0x4680] =	vst v63  }
0xe2: {  	_ =	swait.ge [sflag:s12], $0x180  }
0xe3: {  	[sflag:s12] =	ssyncset.done $0x0  }
0xe4: {  	[sflag:s12] =	ssyncadd.s32 $0xFFFFFE80  }
0xe5: {  	_ =	sfence.sel $0x180000  }
0xe6: {  	[bflag:$0x0] =	sbarrier.arrive $0xFFFF  }
0xe7: {  	_ =	strace $0x90000047  }
0xe8: {  	s0 =	stileid.u32;
	[bflag:$0x2] =	sbarrier.arrive $0xFFFF  }
0xe9: {  	p0 =	sne.s32 s0, $0x0;
	s0 =	rddreg [dreg:$0x3]  }
0xea: {  	s0 =	sadd.s32 @!p0 $0x100000, s0  }
0xeb: {  	[sflag:s0] =	ssyncadd.tile.s32 @!p0 $0x1;
	_ =	shalt  }
.Lfunc_end2:
_tile_overlayer_lowered:
.L_overlay_start_2:
0xec: {  	(tag) =	ssettag $0x2  }
0xed: {  	s0 =	rddreg [dreg:$0x0];
	s2 =	stileid.u32  }
0xee: {  	s1 =	rddreg [dreg:$0x1];
	p0 =	sne.s32 s2, $0x0  }
0xef: {  	s3 =	rddreg [dreg:$0x2];
	[bflag:$0x3] =	sbarrier.arrive $0xFFFF;
	s2 =	simm.s32 @!p0 $0x1C09  }
0xf0: {  	[timem:s3], [sflag:s2] =	dma.local @!p0 [hbm:s0], s1  }
0xf1: {  	s0 =	simm.s32 @!p0 $0x9  }
0xf2: {  	_ =	swait.ge @!p0 [sflag:s0], s1  }
0xf3: {  	s1 =	ssub.s32 @!p0 $0x0, s1;
	[sflag:s0] =	ssyncset.done @!p0 $0x0  }
0xf4: {  	[sflag:s0] =	ssyncadd.s32 @!p0 s1  }
0xf5: {  	[bflag:$0x3] =	sbarrier.arrive $0xFFFF  }
0xf6: {  	_ =	shalt  }

// kernel: kernel.13.cloned.1.call-start
scs
__scs_entry_jumppad:
0x0: {  	(pc) =	sbr.rel $0x88, $3  }
0x1: {  	(tag) =	ssettag $0x0;
	lr =	simm.s32 $0x1  }
0x2: {  	[smem:$0x3F9D] =	sst lr;
	_ =	strace $0xD0000000  }
0x3: {  	_ = 	snop  }
0x4: {  	_ = 	snop  }
0x5: {  	_ = 	snop  }
0x6: {  	_ = 	snop  }
0x7: {  	_ = 	snop  }
__scs_overlays_trampoline_lowered:
0x8: {  	[smem:$0x3FAC] =	sst s0  }
0x9: {  	[smem:$0x3FAD] =	sst s1  }
0xa: {  	[smem:$0x3FAE] =	sst s2  }
0xb: {  	[smem:$0x3FAF] =	sst s3  }
0xc: {  	[smem:$0x3FB0] =	sst s4  }
0xd: {  	[smem:$0x3FB1] =	sst s5  }
0xe: {  	[smem:$0x3FB2] =	sst s6  }
0xf: {  	[smem:$0x3FB3] =	sst s7  }
0x10: {  	[smem:$0x3FB4] =	sst s8  }
0x11: {  	[smem:$0x3FB5] =	sst s9;
	s0 =	simm.s32 @!p0 $0x0  }
0x12: {  	s1 =	sld [smem:$0x3F9B];
	s0 =	simm.s32 @p0 $0x1  }
0x13: {  	[smem:$0x3FB6] =	sst s0;
	s0 =	simm.s32 @!p1 $0x0  }
0x14: {  	s2 =	sld [smem:$0x3F9A];
	s0 =	simm.s32 @p1 $0x1  }
0x15: {  	[smem:$0x3FB7] =	sst s0;
	s0 =	simm.s32 @!p2 $0x0  }
0x16: {  	s3 =	sld [smem:$0x3FDB];
	s0 =	simm.s32 @p2 $0x1  }
0x17: {  	s4 =	simm.s32 $0x1BF5;
	[smem:$0x3FB9] =	sst s0  }
0x18: {  	s0 =	sld [smem:$0x3F9C];
	_ =	swait.ge [sflag:s4], $0x0  }
0x19: {  	s7 =	sld [smem:$0x3F9D]  }
0x1a: {  	s8 =	sadd.s32 $0xFFFFE003, lr  }
0x1b: {  	s9 =	sadd.s32 $0xFFFFFEF7, lr;
	s5 =	simm.s32 $0xFFFFFFFF;
	p2 =	slt.u32 s8, $0xFFFFF086  }
0x1c: {  	p1 =	slt.u32 s9, $0xF7A;
	s5 =	simm.s32 @!p2 $0x0  }
0x1d: {  	s5 =	simm.s32 @p1 $0x1;
	p0 =	seq.s32 s7, s2  }
0x1e: {  	s7 =	smul.u32 @!p0 $0xF7A, s2;
	p2 =	seq.s32 @!p0 s5, $0x0  }
0x1f: {  	s9 =	smul.u32 $0xF7A, s1;
	s8 =	simm.s32 @!p0 $0x1BF5;
	p2 =	por !p2, p0  }
0x20: {  	[sflag:s8] =	ssyncset.s32 @!p0 $0xFFFFF086;
	s6 =	sadd.s32 @!p0 s3, s7;
	s7 =	simm.s32 @!p0 $0x108  }
0x21: {  	s3 =	sadd.s32 s3, s9;
	s6 =	sadd.s32 @!p0 $0x88, s6;
	s7 =	simm.s32 @p2 $0x1082  }
0x22: {  	[simem:s7], [sflag:s8] =	dma.local @!p0 [hbm:s6], $0xF7A  }
0x23: {  	s9 =	sor.u32 $0xD0000000, s2;
	s6 =	simm.s32 $0x108;
	_ =	swait.ge @!p0 [sflag:s8], $0x0  }
0x24: {  	s3 =	sadd.s32 $0x88, s3;
	s6 =	simm.s32 @!p1 $0x1082;
	[sflag:s4] =	ssyncset.s32 $0xFFFFF086  }
0x25: {  	[simem:s6], [sflag:s4] =	dma.local [hbm:s3], $0xF7A  }
0x26: {  	[smem:$0x3F9D] =	sst s1;
	(tag) =	ssettag s2;
	_ =	strace s9  }
0x27: {  	s1 =	sld [smem:$0x3FAD]  }
0x28: {  	s2 =	sld [smem:$0x3FAE]  }
0x29: {  	s4 =	sld [smem:$0x3FB0]  }
0x2a: {  	p0 =	seq.s32 s5, $0x0;
	s5 =	sld [smem:$0x3FB1]  }
0x2b: {  	s6 =	sld [smem:$0x3FB2]  }
0x2c: {  	s7 =	sld [smem:$0x3FB3]  }
0x2d: {  	s3 =	simm.s32 $0x108;
	s8 =	sld [smem:$0x3FB4]  }
0x2e: {  	s3 =	simm.s32 @!p0 $0x1082;
	s9 =	sld [smem:$0x3FB5]  }
0x2f: {  	lr =	sadd.s32 s0, s3;
	s0 =	sld [smem:$0x3FAC]  }
0x30: {  	s3 =	sld [smem:$0x3FAF]  }
0x31: {  	[smem:$0x3FB8] =	sst s10  }
0x32: {  	s10 =	sld [smem:$0x3FB6];
	_ =	sdelay $0x3  }
0x33: {  	p0 =	seq.s32 s10, $0x1;
	s10 =	sld [smem:$0x3FB8];
	_ =	sdelay $0x3  }
0x34: {  	[smem:$0x3FB8] =	sst s10  }
0x35: {  	s10 =	sld [smem:$0x3FB7];
	_ =	sdelay $0x3  }
0x36: {  	p1 =	seq.s32 s10, $0x1;
	s10 =	sld [smem:$0x3FB8];
	_ =	sdelay $0x3  }
0x37: {  	[smem:$0x3FB8] =	sst s10  }
0x38: {  	s10 =	sld [smem:$0x3FB9]  }
0x39: {  	_ = 	snop;
	(pc) =	sbr.ind lr, $3  }
0x3a: {  	_ = 	snop  }
0x3b: {  	_ = 	snop  }
0x3c: {  	p2 =	seq.s32 s10, $0x1;
	s10 =	sld [smem:$0x3FB8]  }
0x3d: {  	_ =	shalt  }
0x3e: {  	_ =	shalt  }
0x3f: {  	_ =	shalt  }
0x40: {  	_ =	shalt  }
0x41: {  	_ =	shalt  }
0x42: {  	_ =	shalt  }
0x43: {  	_ =	shalt  }
0x44: {  	_ =	shalt  }
0x45: {  	_ =	shalt  }
0x46: {  	_ =	shalt  }
0x47: {  	_ =	shalt  }
0x48: {  	_ =	shalt  }
0x49: {  	_ =	shalt  }
0x4a: {  	_ =	shalt  }
0x4b: {  	_ =	shalt  }
0x4c: {  	_ =	shalt  }
0x4d: {  	_ =	shalt  }
0x4e: {  	_ =	shalt  }
0x4f: {  	_ =	shalt  }
0x50: {  	_ =	shalt  }
0x51: {  	_ =	shalt  }
0x52: {  	_ =	shalt  }
0x53: {  	_ =	shalt  }
0x54: {  	_ =	shalt  }
0x55: {  	_ =	shalt  }
0x56: {  	_ =	shalt  }
0x57: {  	_ =	shalt  }
0x58: {  	_ =	shalt  }
0x59: {  	_ =	shalt  }
0x5a: {  	_ =	shalt  }
0x5b: {  	_ =	shalt  }
0x5c: {  	_ =	shalt  }
0x5d: {  	_ =	shalt  }
0x5e: {  	_ =	shalt  }
0x5f: {  	_ =	shalt  }
0x60: {  	_ =	shalt  }
0x61: {  	_ =	shalt  }
0x62: {  	_ =	shalt  }
0x63: {  	_ =	shalt  }
0x64: {  	_ =	shalt  }
0x65: {  	_ =	shalt  }
0x66: {  	_ =	shalt  }
0x67: {  	_ =	shalt  }
0x68: {  	_ =	shalt  }
0x69: {  	_ =	shalt  }
0x6a: {  	_ =	shalt  }
0x6b: {  	_ =	shalt  }
0x6c: {  	_ =	shalt  }
0x6d: {  	_ =	shalt  }
0x6e: {  	_ =	shalt  }
0x6f: {  	_ =	shalt  }
0x70: {  	_ =	shalt  }
0x71: {  	_ =	shalt  }
0x72: {  	_ =	shalt  }
0x73: {  	_ =	shalt  }
0x74: {  	_ =	shalt  }
0x75: {  	_ =	shalt  }
0x76: {  	_ =	shalt  }
0x77: {  	_ =	shalt  }
0x78: {  	_ =	shalt  }
0x79: {  	_ =	shalt  }
0x7a: {  	_ =	shalt  }
0x7b: {  	_ =	shalt  }
0x7c: {  	_ =	shalt  }
0x7d: {  	_ =	shalt  }
0x7e: {  	_ =	shalt  }
0x7f: {  	_ =	shalt  }
0x80: {  	_ =	shalt  }
0x81: {  	_ =	shalt  }
0x82: {  	_ =	shalt  }
0x83: {  	_ =	shalt  }
0x84: {  	_ =	shalt  }
0x85: {  	_ =	shalt  }
0x86: {  	_ =	shalt  }
0x87: {  	_ =	shalt  }
.Lfunc_end0:
.L_simem_size_0:
called_computation.1_lowered:
.L_overlay_start_0:
0x88: {  	s2 =	sld [smem:$0x3FD9]  }
0x89: {  	s3 =	sld [smem:$0x3FFE];
	_ =	sdelay $0x1  }
0x8a: {  	s1 =	srdreg.scid  }
0x8b: {  	s0 =	sand.u32 $0x1, s1  }
0x8c: {  	s14 =	sshll.u32 s0, $0xA;
	s2 =	sadd.s32 s3, s2  }
0x8d: {  	s2 =	sadd.s32 s2, s14  }
0x8e: {  	[smem:$0x3FC4] =	sst s2  }
0x8f: {  	_ = 	snop  }
0x90: {  	s2 =	sld [smem:$0x3FD0];
	_ =	sdelay $0x2  }
0x91: {  	s15 =	simm.s32 $0xA;
	s4 =	simm.s32 $0x10  }
0x92: {  	[smem:s4], [sflag:s15] =	dma.local [hbm:s2], $0x1  }
0x93: {  	_ =	swait.eq [sflag:s15], $0x1  }
0x94: {  	[sflag:s15] =	ssyncset.done $0x0  }
0x95: {  	s16 =	sld [smem:$0x10];
	[sflag:s15] =	ssyncadd.s32 $0xFFFFFFFF  }
0x96: {  	s17 =	sld [smem:$0x11];
	(tm) =	ssettm $0x1  }
0x97: {  	s18 =	sld [smem:$0x3FFB];
	_ =	sdelay $0x3  }
0x98: {  	_ =	strace s18  }
0x99: {  	s4 =	sld [smem:$0x3FFC];
	_ =	sdelay $0x3  }
0x9a: {  	_ =	strace s4  }
0x9b: {  	s4 =	sld [smem:$0x3FFD];
	_ =	sdelay $0x3  }
0x9c: {  	_ =	strace s4  }
0x9d: {  	_ =	strace $0x8FFFFFFF  }
0x9e: {  	s19 =	sld [smem:$0x3FDB];
	_ =	sdelay $0x1  }
0x9f: {  	s5 =	simm.s32 $_scs_section_size  }
0xa0: {  	s6 =	simm.s32 $_size__tile_overlayer_lowered;
	s7 =	simm.s32 $_tile_overlayer_lowered  }
0xa1: {  	s22 =	simm.s32 $0x1BFF;
	s21 =	sshll.u32 s7, $0x1;
	s4 =	sadd.s32 s5, s19  }
0xa2: {  	s8 =	simm.s32 $0x0;
	s20 =	sshll.u32 s6, $0x1;
	s6 =	sadd.s32 s21, s4  }
0xa3: {  	[timem:s8], [sflag:s22] =	dma.local [hbm:s6], s20  }
0xa4: {  	_ =	swait.ge [sflag:s22], s20  }
0xa5: {  	s5 =	ssub.s32 $0x0, s20;
	[sflag:s22] =	ssyncset.done $0x0  }
0xa6: {  	[sflag:s22] =	ssyncadd.s32 s5;
	_ =	sdelay $0x1  }
0xa7: {  	s23 =	simm.s32 $0x1B8B  }
0xa8: {  	_ =	swait.ge [sflag:s23], $0x1  }
0xa9: {  	[sflag:s23] =	ssyncset.done $0x0  }
0xaa: {  	s25 =	simm.s32 $0x1B8E;
	s24 =	sld [smem:$0x3FFE];
	[sflag:s23] =	ssyncadd.s32 $0xFFFFFFFF  }
0xab: {  	s26 =	simm.s32 $execute0_lowered;
	[smem:$0x3FD2] =	sst s25  }
0xac: {  	s6 =	sshll.u32 s26, $0x1;
	_ =	strace $0x80000049;
	[dreg:$0x1] =	wrdreg $0xFFFFFFFF  }
0xad: {  	s28 =	simm.s32 $_size_execute0_lowered;
	s4 =	sadd.s32 s4, s6;
	[dreg:$0x0] =	wrdreg $0x0  }
0xae: {  	s6 =	sshll.u32 s28, $0x1;
	[dreg:$0x2] =	wrdreg s4  }
0xaf: {  	[dreg:$0x3] =	wrdreg s6  }
0xb0: {  	[dreg:$0x4] =	wrdreg $0xC0  }
0xb1: {  	_ =	task [dreg:s8], $0x5FFFF  }
0xb2: {  	[dreg:$0x1] =	wrdreg $0xFFFFFFFF  }
0xb3: {  	[dreg:$0x0] =	wrdreg $0x60  }
0xb4: {  	[dreg:$0x2] =	wrdreg s16  }
0xb5: {  	[dreg:$0x3] =	wrdreg s24  }
0xb6: {  	[dreg:$0x4] =	wrdreg s17  }
0xb7: {  	[dreg:$0x5] =	wrdreg $0x140000  }
0xb8: {  	[dreg:$0x6] =	wrdreg $0x9  }
0xb9: {  	_ =	task.clear_ibuf [dreg:s8], $0x7FFFF;
	_ =	strace $0x90000049  }
0xba: {  	s29 =	simm.s32 $0x9;
	_ =	strace $0x8000004B  }
0xbb: {  	_ =	swait.ge [sflag:s29], $0x1  }
0xbc: {  	[sflag:s29] =	ssyncadd.s32 $0xFFFFFFFF  }
0xbd: {  	_ =	strace $0x9000004B  }
0xbe: {  	_ =	sfence  }
0xbf: {  	s30 =	sld [smem:$0x0];
	_ =	sdelay $0x2  }
0xc0: {  	s31 =	sshll.u32 s1, $0xD;
	s1 =	sshrl.u32 s1, $0x2  }
0xc1: {  	s3 =	sand.u32 $0x4000, s31;
	s1 =	sadd.s32 s1, s30  }
0xc2: {  	s0 =	sor.u32 s3, s0;
	s1 =	sshll.u32 s1, $0x11  }
0xc3: {  	s0 =	sor.u32 s1, s0  }
0xc4: {  	s0 =	sadd.s32 $0x8F2B, s0  }
0xc5: {  	[sflag:s0] =	ssyncadd.remote.s32 $0x1  }
0xc6: {  	_ =	sfence.sel $0xFFFF  }
0xc7: {  	[dreg:$0x0] =	wrdreg $0xFFFFFFFF;
	(pc) =	sbr.abs _section_cstart, $3  }
0xc8: {  	[dreg:$0x1] =	wrdreg $0xFFFFFFFF  }
0xc9: {  	_ =	task.clear_ibuf [dreg:s8], $0x2FFFF;
	_ =	strace $0x9FFFFFFF  }
0xca: {  	(tm) =	ssettm $0x7FFFFFFF  }
0xcb: {  	_ =	shalt  }
tec
execute0_lowered:
.L_overlay_start_1:
0x0: {  	(tag) =	ssettag $0x1  }
0x1: {  	s0 =	rddreg [dreg:$0x0]  }
0x2: {  	s1 =	rddreg [dreg:$0x1]  }
0x3: {  	s3 =	rddreg [dreg:$0x3];
	s4 =	simm.s32 $0x0;
	s12 =	stileid.u32  }
0x4: {  	s8 =	srdreg.scid;
	s15 =	simm.s32 $0x9;
	s16 =	simm.s32 $0x3000  }
0x5: {  	s17 =	simm.s32 $0x70;
	s18 =	simm.s32 $0x6000;
	s20 =	simm.s32 $0x9800  }
0x6: {  	s22 =	simm.s32 $0xD000;
	s23 =	simm.s32 $0x1;
	s29 =	simm.s32 $0x5  }
0x7: {  	s31 =	simm.s32 $0x3;
	s24 =	simm.s32 $0x8;
	s28 =	simm.s32 $0x5B80  }
0x8: {  	s30 =	simm.s32 $0x5C00;
	[smem:$0x7FF] =	sst s4;
	s2 =	smul.u32 $0x600, s12  }
0x9: {  	s5 =	sadd.s32 $0xBE00, s1;
	s6 =	sadd.s32 $0x23E00, s1;
	s8 =	sand.u32 $0x1, s8  }
0xa: {  	s9 =	smul.u32 $0x30000, s12;
	s10 =	sadd.s32 $0x3BE00, s1;
	s11 =	sshll.u32 s12, $0x6  }
0xb: {  	s12 =	smul.u32 $0x1800, s12;
	_ =	strace $0x8000004A;
	[dreg:$0x5] =	wrdreg s10  }
0xc: {  	s25 =	ssub.s32 $0x2, s8;
	p0 =	seq.s32 s8, $0x0;
	s8 =	simm.s32 $0x7  }
0xd: {  	s7 =	sadd.s32 s2, s1;
	s1 =	sadd.s32 $0x53E00, s1;
	s26 =	sshrl.u32 s25, $0x1  }
.Ltmp0:
0xe: {  	s9 =	sshrl.u32 s9, $0x2;
	s10 =	sadd.s32 s0, s2;
	(pc) =	sbr.rel .LBB2_1-.Ltmp0, $4  }
0xf: {  	s0 =	simm.s32 $0x5C80;
	[dreg:$0x6] =	wrdreg s1;
	s1 =	ssub.s32 s25, s26  }
0x10: {  	s14 =	sadd.s32 s9, s3;
	s9 =	sor.u32 $0x1C09, s11;
	s11 =	sadd.s32 $0x5E00, s7  }
0x11: {  	s25 =	simm.s32 $0x10800;
	s26 =	simm.s32 $0x2;
	s7 =	simm.s32 $0x4  }
0x12: {  	s13 =	smax.u32 s1, $0x1;
	s14 =	sshrl.u32 s14, $0x3;
	s1 =	simm.s32 $0x6  }
.LBB2_7:
0x13: {  	[tilespmem:s22], [sflag:$0x3] =	stream.indirect.gather [hbm4b:s6+s17], $0x80, s19, s17, $0xb8;
	v63 =	vld [tilespmem:$0x0]  }
0x14: {  	s19 =	smov.u32 s6;
	s2 =	rddreg [dreg:$0x5]  }
.LBB2_8:
0x15: {  	_ =	swait.ge [sflag:s23], $0x3800  }
0x16: {  	[sflag:s23] =	ssyncset.done $0x0  }
0x17: {  	s21 =	simm.s32 $0x5A00;
	[sflag:s23] =	ssyncadd.s32 $0xFFFFC800  }
0x18: {  	[spmem:s3] =	stream.indirect.scatter.add.f32 [tilespmem:s18], [sflag:$0x5], $0x80, s21, s17, $0xb8;
	v63 =	vld [tilespmem:$0x0]  }
0x19: {  	_ =	swait.ge [sflag:s24], $0x3800  }
0x1a: {  	[sflag:s24] =	ssyncset.done $0x0  }
0x1b: {  	s21 =	simm.s32 $0x2B80;
	[sflag:s24] =	ssyncadd.s32 $0xFFFFC800  }
0x1c: {  	[tilespmem:s25], [sflag:$0x4] =	stream.indirect.gather [hbm4b:s19+s17], $0x80, s21, s17, $0xb8;
	v63 =	vld [tilespmem:$0x0]  }
0x1d: {  	_ =	swait.ge [sflag:s26], $0x3800  }
0x1e: {  	[sflag:s26] =	ssyncset.done $0x0  }
0x1f: {  	s21 =	simm.s32 $0x5A80;
	[sflag:s26] =	ssyncadd.s32 $0xFFFFC800  }
0x20: {  	[spmem:s3] =	stream.indirect.scatter.add.f32 [tilespmem:s20], [sflag:$0x6], $0x80, s21, s17, $0xb8;
	v63 =	vld [tilespmem:$0x0]  }
0x21: {  	_ =	swait.ge [sflag:s29], $0x3800  }
0x22: {  	[sflag:s29] =	ssyncset.done $0x0  }
0x23: {  	s21 =	simm.s32 $0x2C00;
	[sflag:s29] =	ssyncadd.s32 $0xFFFFC800  }
0x24: {  	[tilespmem:s18], [sflag:$0x1] =	stream.indirect.gather [hbm4b:s19+s17], $0x80, s21, s17, $0xb8;
	v63 =	vld [tilespmem:$0x0]  }
0x25: {  	_ =	swait.ge [sflag:s31], $0x3800  }
0x26: {  	[sflag:s31] =	ssyncset.done $0x0  }
0x27: {  	s21 =	simm.s32 $0x5B00;
	[sflag:s31] =	ssyncadd.s32 $0xFFFFC800  }
0x28: {  	[spmem:s3] =	stream.indirect.scatter.add.f32 [tilespmem:s22], [sflag:$0x7], $0x80, s21, s17, $0xb8;
	v63 =	vld [tilespmem:$0x0]  }
0x29: {  	_ =	swait.ge [sflag:s1], $0x3800  }
0x2a: {  	[sflag:s1] =	ssyncset.done $0x0  }
0x2b: {  	s21 =	simm.s32 $0x2C80;
	[sflag:s1] =	ssyncadd.s32 $0xFFFFC800  }
0x2c: {  	[tilespmem:s20], [sflag:$0x2] =	stream.indirect.gather [hbm4b:s19+s17], $0x80, s21, s17, $0xb8;
	v63 =	vld [tilespmem:$0x0]  }
0x2d: {  	_ =	swait.ge [sflag:s7], $0x3800  }
0x2e: {  	[sflag:s7] =	ssyncset.done $0x0  }
0x2f: {  	[sflag:s7] =	ssyncadd.s32 $0xFFFFC800  }
0x30: {  	[spmem:s3] =	stream.indirect.scatter.add.f32 [tilespmem:s25], [sflag:$0x8], $0x80, s28, s17, $0xb8;
	v63 =	vld [tilespmem:$0x0]  }
0x31: {  	_ =	swait.ge [sflag:s23], $0x3800  }
0x32: {  	[sflag:s23] =	ssyncset.done $0x0  }
0x33: {  	[sflag:s23] =	ssyncadd.s32 $0xFFFFC800  }
0x34: {  	[spmem:s3] =	stream.indirect.scatter.add.f32 [tilespmem:s18], [sflag:$0x5], $0x80, s30, s17, $0xb8;
	v63 =	vld [tilespmem:$0x0]  }
0x35: {  	_ =	swait.ge [sflag:s26], $0x3800  }
0x36: {  	[sflag:s26] =	ssyncset.done $0x0  }
0x37: {  	[sflag:s26] =	ssyncadd.s32 $0xFFFFC800  }
0x38: {  	[spmem:s3] =	stream.indirect.scatter.add.f32 [tilespmem:s20], [sflag:$0x6], $0x80, s0, s17, $0xb8;
	v63 =	vld [tilespmem:$0x0]  }
0x39: {  	_ =	swait.ge [sflag:s8], $0x3800  }
0x3a: {  	[sflag:s8] =	ssyncset.done $0x0  }
0x3b: {  	[sflag:s8] =	ssyncadd.s32 $0xFFFFC800  }
0x3c: {  	_ =	swait.ge [sflag:s24], $0x3800  }
0x3d: {  	[sflag:s24] =	ssyncset.done $0x0  }
0x3e: {  	[sflag:s24] =	ssyncadd.s32 $0xFFFFC800  }
0x3f: {  	_ =	swait.ge [sflag:s29], $0x3800  }
0x40: {  	[sflag:s29] =	ssyncset.done $0x0  }
0x41: {  	[sflag:s29] =	ssyncadd.s32 $0xFFFFC800  }
0x42: {  	_ =	swait.ge [sflag:s1], $0x3800  }
0x43: {  	s4 =	sadd.s32 $0x1, s4;
	[sflag:s1] =	ssyncset.done $0x0  }
0x44: {  	p1 =	sne.s32 s4, s13;
	[sflag:s1] =	ssyncadd.s32 $0xFFFFC800  }
.Ltmp1:
0x45: {  	s2 =	sadd.s32 s2, s12;
	[bflag:$0x0] =	sbarrier.arrive $0xFFFF;
	(pc) =	sbr.rel @!p1 .LBB2_9-.Ltmp1, $4  }
0x46: {  	[hbm:s2], [sflag:s9] =	dma.local [spmem:s14], $0x1800  }
0x47: {  	_ =	swait.ge [sflag:s15], $0x1800  }
0x48: {  	[sflag:s15] =	ssyncset.done $0x0  }
0x49: {  	[sflag:s15] =	ssyncadd.s32 $0xFFFFE800  }
.LBB2_1:
.Ltmp2:
0x4a: {  	s2 =	rddreg [dreg:$0x2];
	(pc) =	sbr.rel @!p0 .LBB2_2-.Ltmp2, $4  }
0x4b: {  	[spmem:s14], [sflag:s9] =	dma.local [hbm:s2], $0x1800  }
0x4c: {  	_ =	swait.ge [sflag:s15], $0x1800  }
0x4d: {  	[sflag:s15] =	ssyncset.done $0x0  }
0x4e: {  	s2 =	simm.s32 $0x0;
	[sflag:s15] =	ssyncadd.s32 $0xFFFFE800  }
0x4f: {  	[tilespmem:s2], [sflag:$0x9] =	stream.linear.gather [hbm4b:s11+s2], $0x2D00, $0x38;
	v63 =	vld [tilespmem:$0x0]  }
0x50: {  	_ =	swait.ge [sflag:s15], $0x2D00  }
0x51: {  	[sflag:s15] =	ssyncset.done $0x0  }
0x52: {  	[sflag:s15] =	ssyncadd.s32 $0xFFFFD300  }
0x53: {  	[tilespmem:s16], [sflag:$0x9] =	stream.linear.gather [hbm4b:s10+s2], $0x2D00, $0x38;
	v63 =	vld [tilespmem:$0x0]  }
0x54: {  	_ =	swait.ge [sflag:s15], $0x2D00  }
0x55: {  	[sflag:s15] =	ssyncset.done $0x0  }
0x56: {  	[sflag:s15] =	ssyncadd.s32 $0xFFFFD300  }
0x57: {  	[bflag:$0x0] =	sbarrier.arrive $0xFFFF  }
0x58: {  	[tilespmem:s18], [sflag:$0x1] =	stream.indirect.gather [hbm4b:s6+s17], $0x80, s2, s17, $0xb8;
	v63 =	vld [tilespmem:$0x0]  }
0x59: {  	s19 =	simm.s32 $0x80  }
0x5a: {  	[tilespmem:s20], [sflag:$0x2] =	stream.indirect.gather [hbm4b:s6+s17], $0x80, s19, s17, $0xb8;
	v63 =	vld [tilespmem:$0x0]  }
0x5b: {  	s21 =	simm.s32 $0x100  }
0x5c: {  	[tilespmem:s22], [sflag:$0x3] =	stream.indirect.gather [hbm4b:s6+s17], $0x80, s21, s17, $0xb8;
	v63 =	vld [tilespmem:$0x0]  }
0x5d: {  	_ =	swait.ge [sflag:s23], $0x3800  }
0x5e: {  	[sflag:s23] =	ssyncset.done $0x0  }
0x5f: {  	[sflag:s23] =	ssyncadd.s32 $0xFFFFC800  }
0x60: {  	[spmem:s3] =	stream.indirect.scatter.add.f32 [tilespmem:s18], [sflag:$0x5], $0x80, s16, s17, $0xb8;
	v63 =	vld [tilespmem:$0x0]  }
0x61: {  	s19 =	simm.s32 $0x180  }
0x62: {  	[tilespmem:s25], [sflag:$0x4] =	stream.indirect.gather [hbm4b:s6+s17], $0x80, s19, s17, $0xb8;
	v63 =	vld [tilespmem:$0x0]  }
0x63: {  	_ =	swait.ge [sflag:s26], $0x3800  }
0x64: {  	[sflag:s26] =	ssyncset.done $0x0  }
0x65: {  	s21 =	simm.s32 $0x3080;
	[sflag:s26] =	ssyncadd.s32 $0xFFFFC800  }
0x66: {  	[spmem:s3] =	stream.indirect.scatter.add.f32 [tilespmem:s20], [sflag:$0x6], $0x80, s21, s17, $0xb8;
	v63 =	vld [tilespmem:$0x0]  }
0x67: {  	_ =	swait.ge [sflag:s29], $0x3800  }
0x68: {  	[sflag:s29] =	ssyncset.done $0x0  }
0x69: {  	s19 =	simm.s32 $0x200;
	[sflag:s29] =	ssyncadd.s32 $0xFFFFC800  }
0x6a: {  	[tilespmem:s18], [sflag:$0x1] =	stream.indirect.gather [hbm4b:s6+s17], $0x80, s19, s17, $0xb8;
	v63 =	vld [tilespmem:$0x0]  }
0x6b: {  	_ =	swait.ge [sflag:s31], $0x3800  }
0x6c: {  	[sflag:s31] =	ssyncset.done $0x0  }
0x6d: {  	s21 =	simm.s32 $0x3100;
	[sflag:s31] =	ssyncadd.s32 $0xFFFFC800  }
0x6e: {  	[spmem:s3] =	stream.indirect.scatter.add.f32 [tilespmem:s22], [sflag:$0x7], $0x80, s21, s17, $0xb8;
	v63 =	vld [tilespmem:$0x0]  }
0x6f: {  	_ =	swait.ge [sflag:s1], $0x3800  }
0x70: {  	[sflag:s1] =	ssyncset.done $0x0  }
0x71: {  	s19 =	simm.s32 $0x280;
	[sflag:s1] =	ssyncadd.s32 $0xFFFFC800  }
0x72: {  	[tilespmem:s20], [sflag:$0x2] =	stream.indirect.gather [hbm4b:s6+s17], $0x80, s19, s17, $0xb8;
	v63 =	vld [tilespmem:$0x0]  }
0x73: {  	_ =	swait.ge [sflag:s7], $0x3800  }
0x74: {  	[sflag:s7] =	ssyncset.done $0x0  }
0x75: {  	s21 =	simm.s32 $0x3180;
	[sflag:s7] =	ssyncadd.s32 $0xFFFFC800  }
0x76: {  	[spmem:s3] =	stream.indirect.scatter.add.f32 [tilespmem:s25], [sflag:$0x8], $0x80, s21, s17, $0xb8;
	v63 =	vld [tilespmem:$0x0]  }
0x77: {  	_ =	swait.ge [sflag:s8], $0x3800  }
0x78: {  	[sflag:s8] =	ssyncset.done $0x0  }
0x79: {  	s19 =	simm.s32 $0x300;
	[sflag:s8] =	ssyncadd.s32 $0xFFFFC800  }
0x7a: {  	[tilespmem:s22], [sflag:$0x3] =	stream.indirect.gather [hbm4b:s6+s17], $0x80, s19, s17, $0xb8;
	v63 =	vld [tilespmem:$0x0]  }
0x7b: {  	_ =	swait.ge [sflag:s23], $0x3800  }
0x7c: {  	[sflag:s23] =	ssyncset.done $0x0  }
0x7d: {  	s21 =	simm.s32 $0x3200;
	[sflag:s23] =	ssyncadd.s32 $0xFFFFC800  }
0x7e: {  	[spmem:s3] =	stream.indirect.scatter.add.f32 [tilespmem:s18], [sflag:$0x5], $0x80, s21, s17, $0xb8;
	v63 =	vld [tilespmem:$0x0]  }
0x7f: {  	_ =	swait.ge [sflag:s24], $0x3800  }
0x80: {  	[sflag:s24] =	ssyncset.done $0x0  }
0x81: {  	s19 =	simm.s32 $0x380;
	[sflag:s24] =	ssyncadd.s32 $0xFFFFC800  }
0x82: {  	[tilespmem:s25], [sflag:$0x4] =	stream.indirect.gather [hbm4b:s6+s17], $0x80, s19, s17, $0xb8;
	v63 =	vld [tilespmem:$0x0]  }
0x83: {  	_ =	swait.ge [sflag:s26], $0x3800  }
0x84: {  	[sflag:s26] =	ssyncset.done $0x0  }
0x85: {  	s21 =	simm.s32 $0x3280;
	[sflag:s26] =	ssyncadd.s32 $0xFFFFC800  }
0x86: {  	[spmem:s3] =	stream.indirect.scatter.add.f32 [tilespmem:s20], [sflag:$0x6], $0x80, s21, s17, $0xb8;
	v63 =	vld [tilespmem:$0x0]  }
0x87: {  	_ =	swait.ge [sflag:s29], $0x3800  }
0x88: {  	[sflag:s29] =	ssyncset.done $0x0  }
0x89: {  	s19 =	simm.s32 $0x400;
	[sflag:s29] =	ssyncadd.s32 $0xFFFFC800  }
0x8a: {  	[tilespmem:s18], [sflag:$0x1] =	stream.indirect.gather [hbm4b:s6+s17], $0x80, s19, s17, $0xb8;
	v63 =	vld [tilespmem:$0x0]  }
0x8b: {  	_ =	swait.ge [sflag:s31], $0x3800  }
0x8c: {  	[sflag:s31] =	ssyncset.done $0x0  }
0x8d: {  	s21 =	simm.s32 $0x3300;
	[sflag:s31] =	ssyncadd.s32 $0xFFFFC800  }
0x8e: {  	[spmem:s3] =	stream.indirect.scatter.add.f32 [tilespmem:s22], [sflag:$0x7], $0x80, s21, s17, $0xb8;
	v63 =	vld [tilespmem:$0x0]  }
0x8f: {  	_ =	swait.ge [sflag:s1], $0x3800  }
0x90: {  	[sflag:s1] =	ssyncset.done $0x0  }
0x91: {  	s19 =	simm.s32 $0x480;
	[sflag:s1] =	ssyncadd.s32 $0xFFFFC800  }
0x92: {  	[tilespmem:s20], [sflag:$0x2] =	stream.indirect.gather [hbm4b:s6+s17], $0x80, s19, s17, $0xb8;
	v63 =	vld [tilespmem:$0x0]  }
0x93: {  	_ =	swait.ge [sflag:s7], $0x3800  }
0x94: {  	[sflag:s7] =	ssyncset.done $0x0  }
0x95: {  	s21 =	simm.s32 $0x3380;
	[sflag:s7] =	ssyncadd.s32 $0xFFFFC800  }
0x96: {  	[spmem:s3] =	stream.indirect.scatter.add.f32 [tilespmem:s25], [sflag:$0x8], $0x80, s21, s17, $0xb8;
	v63 =	vld [tilespmem:$0x0]  }
0x97: {  	_ =	swait.ge [sflag:s8], $0x3800  }
0x98: {  	[sflag:s8] =	ssyncset.done $0x0  }
0x99: {  	s2 =	simm.s32 $0x800;
	s19 =	simm.s32 $0x500;
	[sflag:s8] =	ssyncadd.s32 $0xFFFFC800  }
.LBB2_6:
0x9a: {  	[tilespmem:s22], [sflag:$0x3] =	stream.indirect.gather [hbm4b:s6+s17], $0x80, s19, s17, $0xb8;
	v63 =	vld [tilespmem:$0x0]  }
0x9b: {  	s19 =	smov.u32 s2  }
0x9c: {  	p1 =	seq.s32 s2, $0x9800;
	s2 =	sadd.s32 $0x800, s2;
	_ =	swait.ge [sflag:s23], $0x3800  }
0x9d: {  	s19 =	sshra.s32 s19, $0x2;
	[sflag:s23] =	ssyncset.done $0x0  }
0x9e: {  	s21 =	sadd.s32 $0x3200, s19;
	[sflag:s23] =	ssyncadd.s32 $0xFFFFC800  }
0x9f: {  	[spmem:s3] =	stream.indirect.scatter.add.f32 [tilespmem:s18], [sflag:$0x5], $0x80, s21, s17, $0xb8;
	v63 =	vld [tilespmem:$0x0]  }
0xa0: {  	_ =	swait.ge [sflag:s24], $0x3800  }
0xa1: {  	[sflag:s24] =	ssyncset.done $0x0  }
0xa2: {  	s21 =	sadd.s32 $0x380, s19;
	[sflag:s24] =	ssyncadd.s32 $0xFFFFC800  }
0xa3: {  	[tilespmem:s25], [sflag:$0x4] =	stream.indirect.gather [hbm4b:s6+s17], $0x80, s21, s17, $0xb8;
	v63 =	vld [tilespmem:$0x0]  }
0xa4: {  	_ =	swait.ge [sflag:s26], $0x3800  }
0xa5: {  	[sflag:s26] =	ssyncset.done $0x0  }
0xa6: {  	s21 =	sadd.s32 $0x3280, s19;
	[sflag:s26] =	ssyncadd.s32 $0xFFFFC800  }
0xa7: {  	[spmem:s3] =	stream.indirect.scatter.add.f32 [tilespmem:s20], [sflag:$0x6], $0x80, s21, s17, $0xb8;
	v63 =	vld [tilespmem:$0x0]  }
0xa8: {  	_ =	swait.ge [sflag:s29], $0x3800  }
0xa9: {  	[sflag:s29] =	ssyncset.done $0x0  }
0xaa: {  	s21 =	sadd.s32 $0x400, s19;
	[sflag:s29] =	ssyncadd.s32 $0xFFFFC800  }
0xab: {  	[tilespmem:s18], [sflag:$0x1] =	stream.indirect.gather [hbm4b:s6+s17], $0x80, s21, s17, $0xb8;
	v63 =	vld [tilespmem:$0x0]  }
0xac: {  	_ =	swait.ge [sflag:s31], $0x3800  }
0xad: {  	[sflag:s31] =	ssyncset.done $0x0  }
0xae: {  	s21 =	sadd.s32 $0x3300, s19;
	[sflag:s31] =	ssyncadd.s32 $0xFFFFC800  }
0xaf: {  	[spmem:s3] =	stream.indirect.scatter.add.f32 [tilespmem:s22], [sflag:$0x7], $0x80, s21, s17, $0xb8;
	v63 =	vld [tilespmem:$0x0]  }
0xb0: {  	_ =	swait.ge [sflag:s1], $0x3800  }
0xb1: {  	[sflag:s1] =	ssyncset.done $0x0  }
0xb2: {  	s21 =	sadd.s32 $0x480, s19;
	[sflag:s1] =	ssyncadd.s32 $0xFFFFC800  }
0xb3: {  	[tilespmem:s20], [sflag:$0x2] =	stream.indirect.gather [hbm4b:s6+s17], $0x80, s21, s17, $0xb8;
	v63 =	vld [tilespmem:$0x0]  }
0xb4: {  	_ =	swait.ge [sflag:s7], $0x3800  }
0xb5: {  	[sflag:s7] =	ssyncset.done $0x0  }
.Ltmp3:
0xb6: {  	s21 =	sadd.s32 $0x3380, s19;
	[sflag:s7] =	ssyncadd.s32 $0xFFFFC800;
	(pc) =	sbr.rel @!p1 .LBB2_6-.Ltmp3, $4  }
0xb7: {  	[spmem:s3] =	stream.indirect.scatter.add.f32 [tilespmem:s25], [sflag:$0x8], $0x80, s21, s17, $0xb8;
	v63 =	vld [tilespmem:$0x0]  }
0xb8: {  	_ =	swait.ge [sflag:s8], $0x3800  }
0xb9: {  	[sflag:s8] =	ssyncset.done $0x0  }
0xba: {  	s19 =	sadd.s32 $0x500, s19;
	[sflag:s8] =	ssyncadd.s32 $0xFFFFC800  }
.Ltmp4:
0xbb: {  	_ = 	snop;
	(pc) =	sbr.rel .LBB2_7-.Ltmp4, $1  }
0xbc: {  	_ =	sdelay $0x3  }
.LBB2_2:
0xbd: {  	[tilespmem:s2], [sflag:$0x9] =	stream.linear.gather [hbm4b:s10+s2], $0x2D00, $0x38;
	v63 =	vld [tilespmem:$0x0]  }
0xbe: {  	_ =	swait.ge [sflag:s15], $0x2D00  }
0xbf: {  	[sflag:s15] =	ssyncset.done $0x0  }
0xc0: {  	[sflag:s15] =	ssyncadd.s32 $0xFFFFD300  }
0xc1: {  	[tilespmem:s16], [sflag:$0x9] =	stream.linear.gather [hbm4b:s11+s2], $0x2D00, $0x38;
	v63 =	vld [tilespmem:$0x0]  }
0xc2: {  	_ =	swait.ge [sflag:s15], $0x2D00  }
0xc3: {  	[sflag:s15] =	ssyncset.done $0x0  }
0xc4: {  	[sflag:s15] =	ssyncadd.s32 $0xFFFFD300  }
0xc5: {  	[bflag:$0x0] =	sbarrier.arrive $0xFFFF  }
0xc6: {  	[tilespmem:s18], [sflag:$0x1] =	stream.indirect.gather [hbm4b:s5+s17], $0x80, s2, s17, $0xb8;
	v63 =	vld [tilespmem:$0x0]  }
0xc7: {  	s19 =	simm.s32 $0x80  }
0xc8: {  	[tilespmem:s20], [sflag:$0x2] =	stream.indirect.gather [hbm4b:s5+s17], $0x80, s19, s17, $0xb8;
	v63 =	vld [tilespmem:$0x0]  }
0xc9: {  	s21 =	simm.s32 $0x100  }
0xca: {  	[tilespmem:s22], [sflag:$0x3] =	stream.indirect.gather [hbm4b:s5+s17], $0x80, s21, s17, $0xb8;
	v63 =	vld [tilespmem:$0x0]  }
0xcb: {  	_ =	swait.ge [sflag:s23], $0x3800  }
0xcc: {  	[sflag:s23] =	ssyncset.done $0x0  }
0xcd: {  	[sflag:s23] =	ssyncadd.s32 $0xFFFFC800  }
0xce: {  	[spmem:s3] =	stream.indirect.scatter.add.f32 [tilespmem:s18], [sflag:$0x5], $0x80, s16, s17, $0xb8;
	v63 =	vld [tilespmem:$0x0]  }
0xcf: {  	s19 =	simm.s32 $0x180  }
0xd0: {  	[tilespmem:s25], [sflag:$0x4] =	stream.indirect.gather [hbm4b:s5+s17], $0x80, s19, s17, $0xb8;
	v63 =	vld [tilespmem:$0x0]  }
0xd1: {  	_ =	swait.ge [sflag:s26], $0x3800  }
0xd2: {  	[sflag:s26] =	ssyncset.done $0x0  }
0xd3: {  	s21 =	simm.s32 $0x3080;
	[sflag:s26] =	ssyncadd.s32 $0xFFFFC800  }
0xd4: {  	[spmem:s3] =	stream.indirect.scatter.add.f32 [tilespmem:s20], [sflag:$0x6], $0x80, s21, s17, $0xb8;
	v63 =	vld [tilespmem:$0x0]  }
0xd5: {  	_ =	swait.ge [sflag:s29], $0x3800  }
0xd6: {  	[sflag:s29] =	ssyncset.done $0x0  }
0xd7: {  	s19 =	simm.s32 $0x200;
	[sflag:s29] =	ssyncadd.s32 $0xFFFFC800  }
0xd8: {  	[tilespmem:s18], [sflag:$0x1] =	stream.indirect.gather [hbm4b:s5+s17], $0x80, s19, s17, $0xb8;
	v63 =	vld [tilespmem:$0x0]  }
0xd9: {  	_ =	swait.ge [sflag:s31], $0x3800  }
0xda: {  	[sflag:s31] =	ssyncset.done $0x0  }
0xdb: {  	s21 =	simm.s32 $0x3100;
	[sflag:s31] =	ssyncadd.s32 $0xFFFFC800  }
0xdc: {  	[spmem:s3] =	stream.indirect.scatter.add.f32 [tilespmem:s22], [sflag:$0x7], $0x80, s21, s17, $0xb8;
	v63 =	vld [tilespmem:$0x0]  }
0xdd: {  	_ =	swait.ge [sflag:s1], $0x3800  }
0xde: {  	[sflag:s1] =	ssyncset.done $0x0  }
0xdf: {  	s19 =	simm.s32 $0x280;
	[sflag:s1] =	ssyncadd.s32 $0xFFFFC800  }
0xe0: {  	[tilespmem:s20], [sflag:$0x2] =	stream.indirect.gather [hbm4b:s5+s17], $0x80, s19, s17, $0xb8;
	v63 =	vld [tilespmem:$0x0]  }
0xe1: {  	_ =	swait.ge [sflag:s7], $0x3800  }
0xe2: {  	[sflag:s7] =	ssyncset.done $0x0  }
0xe3: {  	s21 =	simm.s32 $0x3180;
	[sflag:s7] =	ssyncadd.s32 $0xFFFFC800  }
0xe4: {  	[spmem:s3] =	stream.indirect.scatter.add.f32 [tilespmem:s25], [sflag:$0x8], $0x80, s21, s17, $0xb8;
	v63 =	vld [tilespmem:$0x0]  }
0xe5: {  	_ =	swait.ge [sflag:s8], $0x3800  }
0xe6: {  	[sflag:s8] =	ssyncset.done $0x0  }
0xe7: {  	s19 =	simm.s32 $0x300;
	[sflag:s8] =	ssyncadd.s32 $0xFFFFC800  }
0xe8: {  	[tilespmem:s22], [sflag:$0x3] =	stream.indirect.gather [hbm4b:s5+s17], $0x80, s19, s17, $0xb8;
	v63 =	vld [tilespmem:$0x0]  }
0xe9: {  	_ =	swait.ge [sflag:s23], $0x3800  }
0xea: {  	[sflag:s23] =	ssyncset.done $0x0  }
0xeb: {  	s21 =	simm.s32 $0x3200;
	[sflag:s23] =	ssyncadd.s32 $0xFFFFC800  }
0xec: {  	[spmem:s3] =	stream.indirect.scatter.add.f32 [tilespmem:s18], [sflag:$0x5], $0x80, s21, s17, $0xb8;
	v63 =	vld [tilespmem:$0x0]  }
0xed: {  	_ =	swait.ge [sflag:s24], $0x3800  }
0xee: {  	[sflag:s24] =	ssyncset.done $0x0  }
0xef: {  	s19 =	simm.s32 $0x380;
	[sflag:s24] =	ssyncadd.s32 $0xFFFFC800  }
0xf0: {  	[tilespmem:s25], [sflag:$0x4] =	stream.indirect.gather [hbm4b:s5+s17], $0x80, s19, s17, $0xb8;
	v63 =	vld [tilespmem:$0x0]  }
0xf1: {  	_ =	swait.ge [sflag:s26], $0x3800  }
0xf2: {  	[sflag:s26] =	ssyncset.done $0x0  }
0xf3: {  	s21 =	simm.s32 $0x3280;
	[sflag:s26] =	ssyncadd.s32 $0xFFFFC800  }
0xf4: {  	[spmem:s3] =	stream.indirect.scatter.add.f32 [tilespmem:s20], [sflag:$0x6], $0x80, s21, s17, $0xb8;
	v63 =	vld [tilespmem:$0x0]  }
0xf5: {  	_ =	swait.ge [sflag:s29], $0x3800  }
0xf6: {  	[sflag:s29] =	ssyncset.done $0x0  }
0xf7: {  	s19 =	simm.s32 $0x400;
	[sflag:s29] =	ssyncadd.s32 $0xFFFFC800  }
0xf8: {  	[tilespmem:s18], [sflag:$0x1] =	stream.indirect.gather [hbm4b:s5+s17], $0x80, s19, s17, $0xb8;
	v63 =	vld [tilespmem:$0x0]  }
0xf9: {  	_ =	swait.ge [sflag:s31], $0x3800  }
0xfa: {  	[sflag:s31] =	ssyncset.done $0x0  }
0xfb: {  	s21 =	simm.s32 $0x3300;
	[sflag:s31] =	ssyncadd.s32 $0xFFFFC800  }
0xfc: {  	[spmem:s3] =	stream.indirect.scatter.add.f32 [tilespmem:s22], [sflag:$0x7], $0x80, s21, s17, $0xb8;
	v63 =	vld [tilespmem:$0x0]  }
0xfd: {  	_ =	swait.ge [sflag:s1], $0x3800  }
0xfe: {  	[sflag:s1] =	ssyncset.done $0x0  }
0xff: {  	s19 =	simm.s32 $0x480;
	[sflag:s1] =	ssyncadd.s32 $0xFFFFC800  }
0x100: {  	[tilespmem:s20], [sflag:$0x2] =	stream.indirect.gather [hbm4b:s5+s17], $0x80, s19, s17, $0xb8;
	v63 =	vld [tilespmem:$0x0]  }
0x101: {  	_ =	swait.ge [sflag:s7], $0x3800  }
0x102: {  	[sflag:s7] =	ssyncset.done $0x0  }
0x103: {  	s21 =	simm.s32 $0x3380;
	[sflag:s7] =	ssyncadd.s32 $0xFFFFC800  }
0x104: {  	[spmem:s3] =	stream.indirect.scatter.add.f32 [tilespmem:s25], [sflag:$0x8], $0x80, s21, s17, $0xb8;
	v63 =	vld [tilespmem:$0x0]  }
0x105: {  	_ =	swait.ge [sflag:s8], $0x3800  }
0x106: {  	[sflag:s8] =	ssyncset.done $0x0  }
0x107: {  	s2 =	simm.s32 $0x800;
	s19 =	simm.s32 $0x500;
	[sflag:s8] =	ssyncadd.s32 $0xFFFFC800  }
.LBB2_3:
0x108: {  	[tilespmem:s22], [sflag:$0x3] =	stream.indirect.gather [hbm4b:s5+s17], $0x80, s19, s17, $0xb8;
	v63 =	vld [tilespmem:$0x0]  }
0x109: {  	s19 =	smov.u32 s2  }
0x10a: {  	p1 =	sne.s32 s2, $0x9800;
	s2 =	sadd.s32 $0x800, s2;
	_ =	swait.ge [sflag:s23], $0x3800  }
0x10b: {  	s19 =	sshra.s32 s19, $0x2;
	[sflag:s23] =	ssyncset.done $0x0  }
0x10c: {  	s21 =	sadd.s32 $0x3200, s19;
	[sflag:s23] =	ssyncadd.s32 $0xFFFFC800  }
0x10d: {  	[spmem:s3] =	stream.indirect.scatter.add.f32 [tilespmem:s18], [sflag:$0x5], $0x80, s21, s17, $0xb8;
	v63 =	vld [tilespmem:$0x0]  }
0x10e: {  	_ =	swait.ge [sflag:s24], $0x3800  }
0x10f: {  	[sflag:s24] =	ssyncset.done $0x0  }
0x110: {  	s21 =	sadd.s32 $0x380, s19;
	[sflag:s24] =	ssyncadd.s32 $0xFFFFC800  }
0x111: {  	[tilespmem:s25], [sflag:$0x4] =	stream.indirect.gather [hbm4b:s5+s17], $0x80, s21, s17, $0xb8;
	v63 =	vld [tilespmem:$0x0]  }
0x112: {  	_ =	swait.ge [sflag:s26], $0x3800  }
0x113: {  	[sflag:s26] =	ssyncset.done $0x0  }
0x114: {  	s21 =	sadd.s32 $0x3280, s19;
	[sflag:s26] =	ssyncadd.s32 $0xFFFFC800  }
0x115: {  	[spmem:s3] =	stream.indirect.scatter.add.f32 [tilespmem:s20], [sflag:$0x6], $0x80, s21, s17, $0xb8;
	v63 =	vld [tilespmem:$0x0]  }
0x116: {  	_ =	swait.ge [sflag:s29], $0x3800  }
0x117: {  	[sflag:s29] =	ssyncset.done $0x0  }
0x118: {  	s21 =	sadd.s32 $0x400, s19;
	[sflag:s29] =	ssyncadd.s32 $0xFFFFC800  }
0x119: {  	[tilespmem:s18], [sflag:$0x1] =	stream.indirect.gather [hbm4b:s5+s17], $0x80, s21, s17, $0xb8;
	v63 =	vld [tilespmem:$0x0]  }
0x11a: {  	_ =	swait.ge [sflag:s31], $0x3800  }
0x11b: {  	[sflag:s31] =	ssyncset.done $0x0  }
0x11c: {  	s21 =	sadd.s32 $0x3300, s19;
	[sflag:s31] =	ssyncadd.s32 $0xFFFFC800  }
0x11d: {  	[spmem:s3] =	stream.indirect.scatter.add.f32 [tilespmem:s22], [sflag:$0x7], $0x80, s21, s17, $0xb8;
	v63 =	vld [tilespmem:$0x0]  }
0x11e: {  	_ =	swait.ge [sflag:s1], $0x3800  }
0x11f: {  	[sflag:s1] =	ssyncset.done $0x0  }
0x120: {  	s21 =	sadd.s32 $0x480, s19;
	[sflag:s1] =	ssyncadd.s32 $0xFFFFC800  }
0x121: {  	[tilespmem:s20], [sflag:$0x2] =	stream.indirect.gather [hbm4b:s5+s17], $0x80, s21, s17, $0xb8;
	v63 =	vld [tilespmem:$0x0]  }
0x122: {  	_ =	swait.ge [sflag:s7], $0x3800  }
0x123: {  	[sflag:s7] =	ssyncset.done $0x0  }
.Ltmp5:
0x124: {  	s21 =	sadd.s32 $0x3380, s19;
	[sflag:s7] =	ssyncadd.s32 $0xFFFFC800;
	(pc) =	sbr.rel @p1 .LBB2_3-.Ltmp5, $4  }
0x125: {  	[spmem:s3] =	stream.indirect.scatter.add.f32 [tilespmem:s25], [sflag:$0x8], $0x80, s21, s17, $0xb8;
	v63 =	vld [tilespmem:$0x0]  }
0x126: {  	_ =	swait.ge [sflag:s8], $0x3800  }
0x127: {  	[sflag:s8] =	ssyncset.done $0x0  }
0x128: {  	s19 =	sadd.s32 $0x500, s19;
	[sflag:s8] =	ssyncadd.s32 $0xFFFFC800  }
.Ltmp6:
0x129: {  	(pc) =	sbr.rel .LBB2_8-.Ltmp6, $3  }
0x12a: {  	_ =	sdelay $0x1  }
0x12b: {  	[tilespmem:s22], [sflag:$0x3] =	stream.indirect.gather [hbm4b:s5+s17], $0x80, s19, s17, $0xb8;
	v63 =	vld [tilespmem:$0x0]  }
0x12c: {  	s19 =	smov.u32 s5;
	s2 =	rddreg [dreg:$0x6]  }
.LBB2_9:
0x12d: {  	_ =	sfence.sel $0x180000  }
0x12e: {  	[bflag:$0x0] =	sbarrier.arrive $0xFFFF  }
0x12f: {  	_ =	strace $0x9000004A  }
0x130: {  	s0 =	stileid.u32;
	[bflag:$0x2] =	sbarrier.arrive $0xFFFF  }
0x131: {  	p0 =	sne.s32 s0, $0x0;
	s0 =	rddreg [dreg:$0x4]  }
0x132: {  	s0 =	sadd.s32 @!p0 $0x100000, s0  }
0x133: {  	[sflag:s0] =	ssyncadd.tile.s32 @!p0 $0x1;
	_ =	shalt  }
.Lfunc_end2:
_tile_overlayer_lowered:
.L_overlay_start_2:
0x134: {  	(tag) =	ssettag $0x2  }
0x135: {  	s0 =	rddreg [dreg:$0x0];
	s2 =	stileid.u32  }
0x136: {  	s1 =	rddreg [dreg:$0x1];
	p0 =	sne.s32 s2, $0x0  }
0x137: {  	s3 =	rddreg [dreg:$0x2];
	[bflag:$0x3] =	sbarrier.arrive $0xFFFF;
	s2 =	simm.s32 @!p0 $0x1C09  }
0x138: {  	[timem:s3], [sflag:s2] =	dma.local @!p0 [hbm:s0], s1  }
0x139: {  	s0 =	simm.s32 @!p0 $0x9  }
0x13a: {  	_ =	swait.ge @!p0 [sflag:s0], s1  }
0x13b: {  	s1 =	ssub.s32 @!p0 $0x0, s1;
	[sflag:s0] =	ssyncset.done @!p0 $0x0  }
0x13c: {  	[sflag:s0] =	ssyncadd.s32 @!p0 s1  }
0x13d: {  	[bflag:$0x3] =	sbarrier.arrive $0xFFFF  }
0x13e: {  	_ =	shalt  }

// kernel: kernel.16.cloned.1.call-start
scs
__scs_entry_jumppad:
0x0: {  	(pc) =	sbr.rel $0x88, $3  }
0x1: {  	(tag) =	ssettag $0x0;
	lr =	simm.s32 $0x1  }
0x2: {  	[smem:$0x3F9D] =	sst lr;
	_ =	strace $0xD0000000  }
0x3: {  	_ = 	snop  }
0x4: {  	_ = 	snop  }
0x5: {  	_ = 	snop  }
0x6: {  	_ = 	snop  }
0x7: {  	_ = 	snop  }
__scs_overlays_trampoline_lowered:
0x8: {  	[smem:$0x3FAC] =	sst s0  }
0x9: {  	[smem:$0x3FAD] =	sst s1  }
0xa: {  	[smem:$0x3FAE] =	sst s2  }
0xb: {  	[smem:$0x3FAF] =	sst s3  }
0xc: {  	[smem:$0x3FB0] =	sst s4  }
0xd: {  	[smem:$0x3FB1] =	sst s5  }
0xe: {  	[smem:$0x3FB2] =	sst s6  }
0xf: {  	[smem:$0x3FB3] =	sst s7  }
0x10: {  	[smem:$0x3FB4] =	sst s8  }
0x11: {  	[smem:$0x3FB5] =	sst s9;
	s0 =	simm.s32 @!p0 $0x0  }
0x12: {  	s1 =	sld [smem:$0x3F9B];
	s0 =	simm.s32 @p0 $0x1  }
0x13: {  	[smem:$0x3FB6] =	sst s0;
	s0 =	simm.s32 @!p1 $0x0  }
0x14: {  	s2 =	sld [smem:$0x3F9A];
	s0 =	simm.s32 @p1 $0x1  }
0x15: {  	[smem:$0x3FB7] =	sst s0;
	s0 =	simm.s32 @!p2 $0x0  }
0x16: {  	s3 =	sld [smem:$0x3FDB];
	s0 =	simm.s32 @p2 $0x1  }
0x17: {  	s4 =	simm.s32 $0x1BF5;
	[smem:$0x3FB9] =	sst s0  }
0x18: {  	s0 =	sld [smem:$0x3F9C];
	_ =	swait.ge [sflag:s4], $0x0  }
0x19: {  	s7 =	sld [smem:$0x3F9D]  }
0x1a: {  	s8 =	sadd.s32 $0xFFFFE003, lr  }
0x1b: {  	s9 =	sadd.s32 $0xFFFFFEF7, lr;
	s5 =	simm.s32 $0xFFFFFFFF;
	p2 =	slt.u32 s8, $0xFFFFF086  }
0x1c: {  	p1 =	slt.u32 s9, $0xF7A;
	s5 =	simm.s32 @!p2 $0x0  }
0x1d: {  	s5 =	simm.s32 @p1 $0x1;
	p0 =	seq.s32 s7, s2  }
0x1e: {  	s7 =	smul.u32 @!p0 $0xF7A, s2;
	p2 =	seq.s32 @!p0 s5, $0x0  }
0x1f: {  	s9 =	smul.u32 $0xF7A, s1;
	s8 =	simm.s32 @!p0 $0x1BF5;
	p2 =	por !p2, p0  }
0x20: {  	[sflag:s8] =	ssyncset.s32 @!p0 $0xFFFFF086;
	s6 =	sadd.s32 @!p0 s3, s7;
	s7 =	simm.s32 @!p0 $0x108  }
0x21: {  	s3 =	sadd.s32 s3, s9;
	s6 =	sadd.s32 @!p0 $0x88, s6;
	s7 =	simm.s32 @p2 $0x1082  }
0x22: {  	[simem:s7], [sflag:s8] =	dma.local @!p0 [hbm:s6], $0xF7A  }
0x23: {  	s9 =	sor.u32 $0xD0000000, s2;
	s6 =	simm.s32 $0x108;
	_ =	swait.ge @!p0 [sflag:s8], $0x0  }
0x24: {  	s3 =	sadd.s32 $0x88, s3;
	s6 =	simm.s32 @!p1 $0x1082;
	[sflag:s4] =	ssyncset.s32 $0xFFFFF086  }
0x25: {  	[simem:s6], [sflag:s4] =	dma.local [hbm:s3], $0xF7A  }
0x26: {  	[smem:$0x3F9D] =	sst s1;
	(tag) =	ssettag s2;
	_ =	strace s9  }
0x27: {  	s1 =	sld [smem:$0x3FAD]  }
0x28: {  	s2 =	sld [smem:$0x3FAE]  }
0x29: {  	s4 =	sld [smem:$0x3FB0]  }
0x2a: {  	p0 =	seq.s32 s5, $0x0;
	s5 =	sld [smem:$0x3FB1]  }
0x2b: {  	s6 =	sld [smem:$0x3FB2]  }
0x2c: {  	s7 =	sld [smem:$0x3FB3]  }
0x2d: {  	s3 =	simm.s32 $0x108;
	s8 =	sld [smem:$0x3FB4]  }
0x2e: {  	s3 =	simm.s32 @!p0 $0x1082;
	s9 =	sld [smem:$0x3FB5]  }
0x2f: {  	lr =	sadd.s32 s0, s3;
	s0 =	sld [smem:$0x3FAC]  }
0x30: {  	s3 =	sld [smem:$0x3FAF]  }
0x31: {  	[smem:$0x3FB8] =	sst s10  }
0x32: {  	s10 =	sld [smem:$0x3FB6];
	_ =	sdelay $0x3  }
0x33: {  	p0 =	seq.s32 s10, $0x1;
	s10 =	sld [smem:$0x3FB8];
	_ =	sdelay $0x3  }
0x34: {  	[smem:$0x3FB8] =	sst s10  }
0x35: {  	s10 =	sld [smem:$0x3FB7];
	_ =	sdelay $0x3  }
0x36: {  	p1 =	seq.s32 s10, $0x1;
	s10 =	sld [smem:$0x3FB8];
	_ =	sdelay $0x3  }
0x37: {  	[smem:$0x3FB8] =	sst s10  }
0x38: {  	s10 =	sld [smem:$0x3FB9]  }
0x39: {  	_ = 	snop;
	(pc) =	sbr.ind lr, $3  }
0x3a: {  	_ = 	snop  }
0x3b: {  	_ = 	snop  }
0x3c: {  	p2 =	seq.s32 s10, $0x1;
	s10 =	sld [smem:$0x3FB8]  }
0x3d: {  	_ =	shalt  }
0x3e: {  	_ =	shalt  }
0x3f: {  	_ =	shalt  }
0x40: {  	_ =	shalt  }
0x41: {  	_ =	shalt  }
0x42: {  	_ =	shalt  }
0x43: {  	_ =	shalt  }
0x44: {  	_ =	shalt  }
0x45: {  	_ =	shalt  }
0x46: {  	_ =	shalt  }
0x47: {  	_ =	shalt  }
0x48: {  	_ =	shalt  }
0x49: {  	_ =	shalt  }
0x4a: {  	_ =	shalt  }
0x4b: {  	_ =	shalt  }
0x4c: {  	_ =	shalt  }
0x4d: {  	_ =	shalt  }
0x4e: {  	_ =	shalt  }
0x4f: {  	_ =	shalt  }
0x50: {  	_ =	shalt  }
0x51: {  	_ =	shalt  }
0x52: {  	_ =	shalt  }
0x53: {  	_ =	shalt  }
0x54: {  	_ =	shalt  }
0x55: {  	_ =	shalt  }
0x56: {  	_ =	shalt  }
0x57: {  	_ =	shalt  }
0x58: {  	_ =	shalt  }
0x59: {  	_ =	shalt  }
0x5a: {  	_ =	shalt  }
0x5b: {  	_ =	shalt  }
0x5c: {  	_ =	shalt  }
0x5d: {  	_ =	shalt  }
0x5e: {  	_ =	shalt  }
0x5f: {  	_ =	shalt  }
0x60: {  	_ =	shalt  }
0x61: {  	_ =	shalt  }
0x62: {  	_ =	shalt  }
0x63: {  	_ =	shalt  }
0x64: {  	_ =	shalt  }
0x65: {  	_ =	shalt  }
0x66: {  	_ =	shalt  }
0x67: {  	_ =	shalt  }
0x68: {  	_ =	shalt  }
0x69: {  	_ =	shalt  }
0x6a: {  	_ =	shalt  }
0x6b: {  	_ =	shalt  }
0x6c: {  	_ =	shalt  }
0x6d: {  	_ =	shalt  }
0x6e: {  	_ =	shalt  }
0x6f: {  	_ =	shalt  }
0x70: {  	_ =	shalt  }
0x71: {  	_ =	shalt  }
0x72: {  	_ =	shalt  }
0x73: {  	_ =	shalt  }
0x74: {  	_ =	shalt  }
0x75: {  	_ =	shalt  }
0x76: {  	_ =	shalt  }
0x77: {  	_ =	shalt  }
0x78: {  	_ =	shalt  }
0x79: {  	_ =	shalt  }
0x7a: {  	_ =	shalt  }
0x7b: {  	_ =	shalt  }
0x7c: {  	_ =	shalt  }
0x7d: {  	_ =	shalt  }
0x7e: {  	_ =	shalt  }
0x7f: {  	_ =	shalt  }
0x80: {  	_ =	shalt  }
0x81: {  	_ =	shalt  }
0x82: {  	_ =	shalt  }
0x83: {  	_ =	shalt  }
0x84: {  	_ =	shalt  }
0x85: {  	_ =	shalt  }
0x86: {  	_ =	shalt  }
0x87: {  	_ =	shalt  }
.Lfunc_end0:
.L_simem_size_0:
called_computation.2_lowered:
.L_overlay_start_0:
0x88: {  	s2 =	sld [smem:$0x3FD9]  }
0x89: {  	s3 =	sld [smem:$0x3FFE];
	_ =	sdelay $0x1  }
0x8a: {  	s1 =	srdreg.scid  }
0x8b: {  	s0 =	sand.u32 $0x1, s1  }
0x8c: {  	s14 =	sshll.u32 s0, $0xA;
	s2 =	sadd.s32 s3, s2  }
0x8d: {  	s2 =	sadd.s32 s2, s14  }
0x8e: {  	[smem:$0x3FC4] =	sst s2  }
0x8f: {  	_ = 	snop  }
0x90: {  	s2 =	sld [smem:$0x3FD0];
	_ =	sdelay $0x2  }
0x91: {  	s15 =	simm.s32 $0xA;
	s4 =	simm.s32 $0x10  }
0x92: {  	[smem:s4], [sflag:s15] =	dma.local [hbm:s2], $0x1  }
0x93: {  	_ =	swait.eq [sflag:s15], $0x1  }
0x94: {  	[sflag:s15] =	ssyncset.done $0x0  }
0x95: {  	s16 =	sld [smem:$0x10];
	[sflag:s15] =	ssyncadd.s32 $0xFFFFFFFF  }
0x96: {  	s17 =	sld [smem:$0x11];
	(tm) =	ssettm $0x1  }
0x97: {  	s18 =	sld [smem:$0x3FFB];
	_ =	sdelay $0x3  }
0x98: {  	_ =	strace s18  }
0x99: {  	s4 =	sld [smem:$0x3FFC];
	_ =	sdelay $0x3  }
0x9a: {  	_ =	strace s4  }
0x9b: {  	s4 =	sld [smem:$0x3FFD];
	_ =	sdelay $0x3  }
0x9c: {  	_ =	strace s4  }
0x9d: {  	_ =	strace $0x8FFFFFFF  }
0x9e: {  	s19 =	sld [smem:$0x3FDB];
	_ =	sdelay $0x1  }
0x9f: {  	s5 =	simm.s32 $_scs_section_size  }
0xa0: {  	s6 =	simm.s32 $_size__tile_overlayer_lowered;
	s7 =	simm.s32 $_tile_overlayer_lowered  }
0xa1: {  	s22 =	simm.s32 $0x1BFF;
	s21 =	sshll.u32 s7, $0x1;
	s4 =	sadd.s32 s5, s19  }
0xa2: {  	s8 =	simm.s32 $0x0;
	s20 =	sshll.u32 s6, $0x1;
	s6 =	sadd.s32 s21, s4  }
0xa3: {  	[timem:s8], [sflag:s22] =	dma.local [hbm:s6], s20  }
0xa4: {  	_ =	swait.ge [sflag:s22], s20  }
0xa5: {  	s5 =	ssub.s32 $0x0, s20;
	[sflag:s22] =	ssyncset.done $0x0  }
0xa6: {  	[sflag:s22] =	ssyncadd.s32 s5;
	_ =	sdelay $0x1  }
0xa7: {  	s23 =	simm.s32 $0x1B8B  }
0xa8: {  	_ =	swait.ge [sflag:s23], $0x1  }
0xa9: {  	[sflag:s23] =	ssyncset.done $0x0  }
0xaa: {  	s25 =	simm.s32 $0x1B8E;
	s24 =	sld [smem:$0x3FFE];
	[sflag:s23] =	ssyncadd.s32 $0xFFFFFFFF  }
0xab: {  	s26 =	simm.s32 $execute0_lowered;
	[smem:$0x3FD2] =	sst s25  }
0xac: {  	s6 =	sshll.u32 s26, $0x1;
	_ =	strace $0x8000004C;
	[dreg:$0x1] =	wrdreg $0xFFFFFFFF  }
0xad: {  	s28 =	simm.s32 $_size_execute0_lowered;
	s4 =	sadd.s32 s4, s6;
	[dreg:$0x0] =	wrdreg $0x0  }
0xae: {  	s6 =	sshll.u32 s28, $0x1;
	[dreg:$0x2] =	wrdreg s4  }
0xaf: {  	[dreg:$0x3] =	wrdreg s6  }
0xb0: {  	[dreg:$0x4] =	wrdreg $0xC0  }
0xb1: {  	_ =	task [dreg:s8], $0x5FFFF  }
0xb2: {  	[dreg:$0x1] =	wrdreg $0xFFFFFFFF  }
0xb3: {  	[dreg:$0x0] =	wrdreg $0x60  }
0xb4: {  	[dreg:$0x2] =	wrdreg s16  }
0xb5: {  	[dreg:$0x3] =	wrdreg s24  }
0xb6: {  	[dreg:$0x4] =	wrdreg s17  }
0xb7: {  	[dreg:$0x5] =	wrdreg $0x140000  }
0xb8: {  	[dreg:$0x6] =	wrdreg $0x9  }
0xb9: {  	_ =	task.clear_ibuf [dreg:s8], $0x7FFFF;
	_ =	strace $0x9000004C  }
0xba: {  	s29 =	simm.s32 $0x9;
	_ =	strace $0x8000004E  }
0xbb: {  	_ =	swait.ge [sflag:s29], $0x1  }
0xbc: {  	[sflag:s29] =	ssyncadd.s32 $0xFFFFFFFF  }
0xbd: {  	_ =	strace $0x9000004E  }
0xbe: {  	_ =	sfence  }
0xbf: {  	s30 =	sld [smem:$0x0];
	_ =	sdelay $0x2  }
0xc0: {  	s31 =	sshll.u32 s1, $0xD;
	s1 =	sshrl.u32 s1, $0x2  }
0xc1: {  	s3 =	sand.u32 $0x4000, s31;
	s1 =	sadd.s32 s1, s30  }
0xc2: {  	s0 =	sor.u32 s3, s0;
	s1 =	sshll.u32 s1, $0x11  }
0xc3: {  	s0 =	sor.u32 s1, s0  }
0xc4: {  	s0 =	sadd.s32 $0x8F2B, s0  }
0xc5: {  	[sflag:s0] =	ssyncadd.remote.s32 $0x1  }
0xc6: {  	_ =	sfence.sel $0xFFFF  }
0xc7: {  	[dreg:$0x0] =	wrdreg $0xFFFFFFFF;
	(pc) =	sbr.abs _section_cstart, $3  }
0xc8: {  	[dreg:$0x1] =	wrdreg $0xFFFFFFFF  }
0xc9: {  	_ =	task.clear_ibuf [dreg:s8], $0x2FFFF;
	_ =	strace $0x9FFFFFFF  }
0xca: {  	(tm) =	ssettm $0x7FFFFFFF  }
0xcb: {  	_ =	shalt  }
tec
execute0_lowered:
.L_overlay_start_1:
0x0: {  	(tag) =	ssettag $0x1  }
0x1: {  	s0 =	rddreg [dreg:$0x0]  }
0x2: {  	s1 =	rddreg [dreg:$0x1]  }
0x3: {  	s3 =	rddreg [dreg:$0x3];
	s4 =	simm.s32 $0x0;
	s12 =	stileid.u32  }
0x4: {  	s8 =	srdreg.scid;
	s15 =	simm.s32 $0x9;
	s16 =	simm.s32 $0x3000  }
0x5: {  	s17 =	simm.s32 $0x70;
	s18 =	simm.s32 $0x6000;
	s20 =	simm.s32 $0x9800  }
0x6: {  	s22 =	simm.s32 $0xD000;
	s23 =	simm.s32 $0x1;
	s29 =	simm.s32 $0x5  }
0x7: {  	s31 =	simm.s32 $0x3;
	s24 =	simm.s32 $0x8;
	s28 =	simm.s32 $0x5B80  }
0x8: {  	s30 =	simm.s32 $0x5C00;
	[smem:$0x7FF] =	sst s4;
	s2 =	smul.u32 $0x600, s12  }
0x9: {  	s5 =	sadd.s32 $0xBE00, s1;
	s6 =	sadd.s32 $0x23E00, s1;
	s8 =	sand.u32 $0x1, s8  }
0xa: {  	s9 =	smul.u32 $0x30000, s12;
	s10 =	sadd.s32 $0x53E00, s1;
	s11 =	sshll.u32 s12, $0x6  }
0xb: {  	s12 =	smul.u32 $0x1800, s12;
	_ =	strace $0x8000004D;
	[dreg:$0x5] =	wrdreg s10  }
0xc: {  	s25 =	ssub.s32 $0x2, s8;
	p0 =	seq.s32 s8, $0x0;
	s8 =	simm.s32 $0x7  }
0xd: {  	s7 =	sadd.s32 s2, s1;
	s1 =	sadd.s32 $0x83E00, s1;
	s26 =	sshrl.u32 s25, $0x1  }
.Ltmp0:
0xe: {  	s9 =	sshrl.u32 s9, $0x2;
	s10 =	sadd.s32 s0, s2;
	(pc) =	sbr.rel .LBB2_1-.Ltmp0, $4  }
0xf: {  	s0 =	simm.s32 $0x5C80;
	[dreg:$0x6] =	wrdreg s1;
	s1 =	ssub.s32 s25, s26  }
0x10: {  	s14 =	sadd.s32 s9, s3;
	s9 =	sor.u32 $0x1C09, s11;
	s11 =	sadd.s32 $0x5E00, s7  }
0x11: {  	s25 =	simm.s32 $0x10800;
	s26 =	simm.s32 $0x2;
	s7 =	simm.s32 $0x4  }
0x12: {  	s13 =	smax.u32 s1, $0x1;
	s14 =	sshrl.u32 s14, $0x3;
	s1 =	simm.s32 $0x6  }
.LBB2_7:
0x13: {  	[tilespmem:s22], [sflag:$0x3] =	stream.indirect.gather [hbm4b:s6+s17], $0x80, s19, s17, $0xb8;
	v63 =	vld [tilespmem:$0x0]  }
0x14: {  	s19 =	smov.u32 s6;
	s2 =	rddreg [dreg:$0x5]  }
.LBB2_8:
0x15: {  	_ =	swait.ge [sflag:s23], $0x3800  }
0x16: {  	[sflag:s23] =	ssyncset.done $0x0  }
0x17: {  	s21 =	simm.s32 $0x5A00;
	[sflag:s23] =	ssyncadd.s32 $0xFFFFC800  }
0x18: {  	[spmem:s3] =	stream.indirect.scatter.add.f32 [tilespmem:s18], [sflag:$0x5], $0x80, s21, s17, $0xb8;
	v63 =	vld [tilespmem:$0x0]  }
0x19: {  	_ =	swait.ge [sflag:s24], $0x3800  }
0x1a: {  	[sflag:s24] =	ssyncset.done $0x0  }
0x1b: {  	s21 =	simm.s32 $0x2B80;
	[sflag:s24] =	ssyncadd.s32 $0xFFFFC800  }
0x1c: {  	[tilespmem:s25], [sflag:$0x4] =	stream.indirect.gather [hbm4b:s19+s17], $0x80, s21, s17, $0xb8;
	v63 =	vld [tilespmem:$0x0]  }
0x1d: {  	_ =	swait.ge [sflag:s26], $0x3800  }
0x1e: {  	[sflag:s26] =	ssyncset.done $0x0  }
0x1f: {  	s21 =	simm.s32 $0x5A80;
	[sflag:s26] =	ssyncadd.s32 $0xFFFFC800  }
0x20: {  	[spmem:s3] =	stream.indirect.scatter.add.f32 [tilespmem:s20], [sflag:$0x6], $0x80, s21, s17, $0xb8;
	v63 =	vld [tilespmem:$0x0]  }
0x21: {  	_ =	swait.ge [sflag:s29], $0x3800  }
0x22: {  	[sflag:s29] =	ssyncset.done $0x0  }
0x23: {  	s21 =	simm.s32 $0x2C00;
	[sflag:s29] =	ssyncadd.s32 $0xFFFFC800  }
0x24: {  	[tilespmem:s18], [sflag:$0x1] =	stream.indirect.gather [hbm4b:s19+s17], $0x80, s21, s17, $0xb8;
	v63 =	vld [tilespmem:$0x0]  }
0x25: {  	_ =	swait.ge [sflag:s31], $0x3800  }
0x26: {  	[sflag:s31] =	ssyncset.done $0x0  }
0x27: {  	s21 =	simm.s32 $0x5B00;
	[sflag:s31] =	ssyncadd.s32 $0xFFFFC800  }
0x28: {  	[spmem:s3] =	stream.indirect.scatter.add.f32 [tilespmem:s22], [sflag:$0x7], $0x80, s21, s17, $0xb8;
	v63 =	vld [tilespmem:$0x0]  }
0x29: {  	_ =	swait.ge [sflag:s1], $0x3800  }
0x2a: {  	[sflag:s1] =	ssyncset.done $0x0  }
0x2b: {  	s21 =	simm.s32 $0x2C80;
	[sflag:s1] =	ssyncadd.s32 $0xFFFFC800  }
0x2c: {  	[tilespmem:s20], [sflag:$0x2] =	stream.indirect.gather [hbm4b:s19+s17], $0x80, s21, s17, $0xb8;
	v63 =	vld [tilespmem:$0x0]  }
0x2d: {  	_ =	swait.ge [sflag:s7], $0x3800  }
0x2e: {  	[sflag:s7] =	ssyncset.done $0x0  }
0x2f: {  	[sflag:s7] =	ssyncadd.s32 $0xFFFFC800  }
0x30: {  	[spmem:s3] =	stream.indirect.scatter.add.f32 [tilespmem:s25], [sflag:$0x8], $0x80, s28, s17, $0xb8;
	v63 =	vld [tilespmem:$0x0]  }
0x31: {  	_ =	swait.ge [sflag:s23], $0x3800  }
0x32: {  	[sflag:s23] =	ssyncset.done $0x0  }
0x33: {  	[sflag:s23] =	ssyncadd.s32 $0xFFFFC800  }
0x34: {  	[spmem:s3] =	stream.indirect.scatter.add.f32 [tilespmem:s18], [sflag:$0x5], $0x80, s30, s17, $0xb8;
	v63 =	vld [tilespmem:$0x0]  }
0x35: {  	_ =	swait.ge [sflag:s26], $0x3800  }
0x36: {  	[sflag:s26] =	ssyncset.done $0x0  }
0x37: {  	[sflag:s26] =	ssyncadd.s32 $0xFFFFC800  }
0x38: {  	[spmem:s3] =	stream.indirect.scatter.add.f32 [tilespmem:s20], [sflag:$0x6], $0x80, s0, s17, $0xb8;
	v63 =	vld [tilespmem:$0x0]  }
0x39: {  	_ =	swait.ge [sflag:s8], $0x3800  }
0x3a: {  	[sflag:s8] =	ssyncset.done $0x0  }
0x3b: {  	[sflag:s8] =	ssyncadd.s32 $0xFFFFC800  }
0x3c: {  	_ =	swait.ge [sflag:s24], $0x3800  }
0x3d: {  	[sflag:s24] =	ssyncset.done $0x0  }
0x3e: {  	[sflag:s24] =	ssyncadd.s32 $0xFFFFC800  }
0x3f: {  	_ =	swait.ge [sflag:s29], $0x3800  }
0x40: {  	[sflag:s29] =	ssyncset.done $0x0  }
0x41: {  	[sflag:s29] =	ssyncadd.s32 $0xFFFFC800  }
0x42: {  	_ =	swait.ge [sflag:s1], $0x3800  }
0x43: {  	s4 =	sadd.s32 $0x1, s4;
	[sflag:s1] =	ssyncset.done $0x0  }
0x44: {  	p1 =	sne.s32 s4, s13;
	[sflag:s1] =	ssyncadd.s32 $0xFFFFC800  }
.Ltmp1:
0x45: {  	s2 =	sadd.s32 s2, s12;
	[bflag:$0x0] =	sbarrier.arrive $0xFFFF;
	(pc) =	sbr.rel @!p1 .LBB2_9-.Ltmp1, $4  }
0x46: {  	[hbm:s2], [sflag:s9] =	dma.local [spmem:s14], $0x1800  }
0x47: {  	_ =	swait.ge [sflag:s15], $0x1800  }
0x48: {  	[sflag:s15] =	ssyncset.done $0x0  }
0x49: {  	[sflag:s15] =	ssyncadd.s32 $0xFFFFE800  }
.LBB2_1:
.Ltmp2:
0x4a: {  	s2 =	rddreg [dreg:$0x2];
	(pc) =	sbr.rel @!p0 .LBB2_2-.Ltmp2, $4  }
0x4b: {  	[spmem:s14], [sflag:s9] =	dma.local [hbm:s2], $0x1800  }
0x4c: {  	_ =	swait.ge [sflag:s15], $0x1800  }
0x4d: {  	[sflag:s15] =	ssyncset.done $0x0  }
0x4e: {  	s2 =	simm.s32 $0x0;
	[sflag:s15] =	ssyncadd.s32 $0xFFFFE800  }
0x4f: {  	[tilespmem:s2], [sflag:$0x9] =	stream.linear.gather [hbm4b:s11+s2], $0x2D00, $0x38;
	v63 =	vld [tilespmem:$0x0]  }
0x50: {  	_ =	swait.ge [sflag:s15], $0x2D00  }
0x51: {  	[sflag:s15] =	ssyncset.done $0x0  }
0x52: {  	[sflag:s15] =	ssyncadd.s32 $0xFFFFD300  }
0x53: {  	[tilespmem:s16], [sflag:$0x9] =	stream.linear.gather [hbm4b:s10+s2], $0x2D00, $0x38;
	v63 =	vld [tilespmem:$0x0]  }
0x54: {  	_ =	swait.ge [sflag:s15], $0x2D00  }
0x55: {  	[sflag:s15] =	ssyncset.done $0x0  }
0x56: {  	[sflag:s15] =	ssyncadd.s32 $0xFFFFD300  }
0x57: {  	[bflag:$0x0] =	sbarrier.arrive $0xFFFF  }
0x58: {  	[tilespmem:s18], [sflag:$0x1] =	stream.indirect.gather [hbm4b:s6+s17], $0x80, s2, s17, $0xb8;
	v63 =	vld [tilespmem:$0x0]  }
0x59: {  	s19 =	simm.s32 $0x80  }
0x5a: {  	[tilespmem:s20], [sflag:$0x2] =	stream.indirect.gather [hbm4b:s6+s17], $0x80, s19, s17, $0xb8;
	v63 =	vld [tilespmem:$0x0]  }
0x5b: {  	s21 =	simm.s32 $0x100  }
0x5c: {  	[tilespmem:s22], [sflag:$0x3] =	stream.indirect.gather [hbm4b:s6+s17], $0x80, s21, s17, $0xb8;
	v63 =	vld [tilespmem:$0x0]  }
0x5d: {  	_ =	swait.ge [sflag:s23], $0x3800  }
0x5e: {  	[sflag:s23] =	ssyncset.done $0x0  }
0x5f: {  	[sflag:s23] =	ssyncadd.s32 $0xFFFFC800  }
0x60: {  	[spmem:s3] =	stream.indirect.scatter.add.f32 [tilespmem:s18], [sflag:$0x5], $0x80, s16, s17, $0xb8;
	v63 =	vld [tilespmem:$0x0]  }
0x61: {  	s19 =	simm.s32 $0x180  }
0x62: {  	[tilespmem:s25], [sflag:$0x4] =	stream.indirect.gather [hbm4b:s6+s17], $0x80, s19, s17, $0xb8;
	v63 =	vld [tilespmem:$0x0]  }
0x63: {  	_ =	swait.ge [sflag:s26], $0x3800  }
0x64: {  	[sflag:s26] =	ssyncset.done $0x0  }
0x65: {  	s21 =	simm.s32 $0x3080;
	[sflag:s26] =	ssyncadd.s32 $0xFFFFC800  }
0x66: {  	[spmem:s3] =	stream.indirect.scatter.add.f32 [tilespmem:s20], [sflag:$0x6], $0x80, s21, s17, $0xb8;
	v63 =	vld [tilespmem:$0x0]  }
0x67: {  	_ =	swait.ge [sflag:s29], $0x3800  }
0x68: {  	[sflag:s29] =	ssyncset.done $0x0  }
0x69: {  	s19 =	simm.s32 $0x200;
	[sflag:s29] =	ssyncadd.s32 $0xFFFFC800  }
0x6a: {  	[tilespmem:s18], [sflag:$0x1] =	stream.indirect.gather [hbm4b:s6+s17], $0x80, s19, s17, $0xb8;
	v63 =	vld [tilespmem:$0x0]  }
0x6b: {  	_ =	swait.ge [sflag:s31], $0x3800  }
0x6c: {  	[sflag:s31] =	ssyncset.done $0x0  }
0x6d: {  	s21 =	simm.s32 $0x3100;
	[sflag:s31] =	ssyncadd.s32 $0xFFFFC800  }
0x6e: {  	[spmem:s3] =	stream.indirect.scatter.add.f32 [tilespmem:s22], [sflag:$0x7], $0x80, s21, s17, $0xb8;
	v63 =	vld [tilespmem:$0x0]  }
0x6f: {  	_ =	swait.ge [sflag:s1], $0x3800  }
0x70: {  	[sflag:s1] =	ssyncset.done $0x0  }
0x71: {  	s19 =	simm.s32 $0x280;
	[sflag:s1] =	ssyncadd.s32 $0xFFFFC800  }
0x72: {  	[tilespmem:s20], [sflag:$0x2] =	stream.indirect.gather [hbm4b:s6+s17], $0x80, s19, s17, $0xb8;
	v63 =	vld [tilespmem:$0x0]  }
0x73: {  	_ =	swait.ge [sflag:s7], $0x3800  }
0x74: {  	[sflag:s7] =	ssyncset.done $0x0  }
0x75: {  	s21 =	simm.s32 $0x3180;
	[sflag:s7] =	ssyncadd.s32 $0xFFFFC800  }
0x76: {  	[spmem:s3] =	stream.indirect.scatter.add.f32 [tilespmem:s25], [sflag:$0x8], $0x80, s21, s17, $0xb8;
	v63 =	vld [tilespmem:$0x0]  }
0x77: {  	_ =	swait.ge [sflag:s8], $0x3800  }
0x78: {  	[sflag:s8] =	ssyncset.done $0x0  }
0x79: {  	s19 =	simm.s32 $0x300;
	[sflag:s8] =	ssyncadd.s32 $0xFFFFC800  }
0x7a: {  	[tilespmem:s22], [sflag:$0x3] =	stream.indirect.gather [hbm4b:s6+s17], $0x80, s19, s17, $0xb8;
	v63 =	vld [tilespmem:$0x0]  }
0x7b: {  	_ =	swait.ge [sflag:s23], $0x3800  }
0x7c: {  	[sflag:s23] =	ssyncset.done $0x0  }
0x7d: {  	s21 =	simm.s32 $0x3200;
	[sflag:s23] =	ssyncadd.s32 $0xFFFFC800  }
0x7e: {  	[spmem:s3] =	stream.indirect.scatter.add.f32 [tilespmem:s18], [sflag:$0x5], $0x80, s21, s17, $0xb8;
	v63 =	vld [tilespmem:$0x0]  }
0x7f: {  	_ =	swait.ge [sflag:s24], $0x3800  }
0x80: {  	[sflag:s24] =	ssyncset.done $0x0  }
0x81: {  	s19 =	simm.s32 $0x380;
	[sflag:s24] =	ssyncadd.s32 $0xFFFFC800  }
0x82: {  	[tilespmem:s25], [sflag:$0x4] =	stream.indirect.gather [hbm4b:s6+s17], $0x80, s19, s17, $0xb8;
	v63 =	vld [tilespmem:$0x0]  }
0x83: {  	_ =	swait.ge [sflag:s26], $0x3800  }
0x84: {  	[sflag:s26] =	ssyncset.done $0x0  }
0x85: {  	s21 =	simm.s32 $0x3280;
	[sflag:s26] =	ssyncadd.s32 $0xFFFFC800  }
0x86: {  	[spmem:s3] =	stream.indirect.scatter.add.f32 [tilespmem:s20], [sflag:$0x6], $0x80, s21, s17, $0xb8;
	v63 =	vld [tilespmem:$0x0]  }
0x87: {  	_ =	swait.ge [sflag:s29], $0x3800  }
0x88: {  	[sflag:s29] =	ssyncset.done $0x0  }
0x89: {  	s19 =	simm.s32 $0x400;
	[sflag:s29] =	ssyncadd.s32 $0xFFFFC800  }
0x8a: {  	[tilespmem:s18], [sflag:$0x1] =	stream.indirect.gather [hbm4b:s6+s17], $0x80, s19, s17, $0xb8;
	v63 =	vld [tilespmem:$0x0]  }
0x8b: {  	_ =	swait.ge [sflag:s31], $0x3800  }
0x8c: {  	[sflag:s31] =	ssyncset.done $0x0  }
0x8d: {  	s21 =	simm.s32 $0x3300;
	[sflag:s31] =	ssyncadd.s32 $0xFFFFC800  }
0x8e: {  	[spmem:s3] =	stream.indirect.scatter.add.f32 [tilespmem:s22], [sflag:$0x7], $0x80, s21, s17, $0xb8;
	v63 =	vld [tilespmem:$0x0]  }
0x8f: {  	_ =	swait.ge [sflag:s1], $0x3800  }
0x90: {  	[sflag:s1] =	ssyncset.done $0x0  }
0x91: {  	s19 =	simm.s32 $0x480;
	[sflag:s1] =	ssyncadd.s32 $0xFFFFC800  }
0x92: {  	[tilespmem:s20], [sflag:$0x2] =	stream.indirect.gather [hbm4b:s6+s17], $0x80, s19, s17, $0xb8;
	v63 =	vld [tilespmem:$0x0]  }
0x93: {  	_ =	swait.ge [sflag:s7], $0x3800  }
0x94: {  	[sflag:s7] =	ssyncset.done $0x0  }
0x95: {  	s21 =	simm.s32 $0x3380;
	[sflag:s7] =	ssyncadd.s32 $0xFFFFC800  }
0x96: {  	[spmem:s3] =	stream.indirect.scatter.add.f32 [tilespmem:s25], [sflag:$0x8], $0x80, s21, s17, $0xb8;
	v63 =	vld [tilespmem:$0x0]  }
0x97: {  	_ =	swait.ge [sflag:s8], $0x3800  }
0x98: {  	[sflag:s8] =	ssyncset.done $0x0  }
0x99: {  	s2 =	simm.s32 $0x800;
	s19 =	simm.s32 $0x500;
	[sflag:s8] =	ssyncadd.s32 $0xFFFFC800  }
.LBB2_6:
0x9a: {  	[tilespmem:s22], [sflag:$0x3] =	stream.indirect.gather [hbm4b:s6+s17], $0x80, s19, s17, $0xb8;
	v63 =	vld [tilespmem:$0x0]  }
0x9b: {  	s19 =	smov.u32 s2  }
0x9c: {  	p1 =	seq.s32 s2, $0x9800;
	s2 =	sadd.s32 $0x800, s2;
	_ =	swait.ge [sflag:s23], $0x3800  }
0x9d: {  	s19 =	sshra.s32 s19, $0x2;
	[sflag:s23] =	ssyncset.done $0x0  }
0x9e: {  	s21 =	sadd.s32 $0x3200, s19;
	[sflag:s23] =	ssyncadd.s32 $0xFFFFC800  }
0x9f: {  	[spmem:s3] =	stream.indirect.scatter.add.f32 [tilespmem:s18], [sflag:$0x5], $0x80, s21, s17, $0xb8;
	v63 =	vld [tilespmem:$0x0]  }
0xa0: {  	_ =	swait.ge [sflag:s24], $0x3800  }
0xa1: {  	[sflag:s24] =	ssyncset.done $0x0  }
0xa2: {  	s21 =	sadd.s32 $0x380, s19;
	[sflag:s24] =	ssyncadd.s32 $0xFFFFC800  }
0xa3: {  	[tilespmem:s25], [sflag:$0x4] =	stream.indirect.gather [hbm4b:s6+s17], $0x80, s21, s17, $0xb8;
	v63 =	vld [tilespmem:$0x0]  }
0xa4: {  	_ =	swait.ge [sflag:s26], $0x3800  }
0xa5: {  	[sflag:s26] =	ssyncset.done $0x0  }
0xa6: {  	s21 =	sadd.s32 $0x3280, s19;
	[sflag:s26] =	ssyncadd.s32 $0xFFFFC800  }
0xa7: {  	[spmem:s3] =	stream.indirect.scatter.add.f32 [tilespmem:s20], [sflag:$0x6], $0x80, s21, s17, $0xb8;
	v63 =	vld [tilespmem:$0x0]  }
0xa8: {  	_ =	swait.ge [sflag:s29], $0x3800  }
0xa9: {  	[sflag:s29] =	ssyncset.done $0x0  }
0xaa: {  	s21 =	sadd.s32 $0x400, s19;
	[sflag:s29] =	ssyncadd.s32 $0xFFFFC800  }
0xab: {  	[tilespmem:s18], [sflag:$0x1] =	stream.indirect.gather [hbm4b:s6+s17], $0x80, s21, s17, $0xb8;
	v63 =	vld [tilespmem:$0x0]  }
0xac: {  	_ =	swait.ge [sflag:s31], $0x3800  }
0xad: {  	[sflag:s31] =	ssyncset.done $0x0  }
0xae: {  	s21 =	sadd.s32 $0x3300, s19;
	[sflag:s31] =	ssyncadd.s32 $0xFFFFC800  }
0xaf: {  	[spmem:s3] =	stream.indirect.scatter.add.f32 [tilespmem:s22], [sflag:$0x7], $0x80, s21, s17, $0xb8;
	v63 =	vld [tilespmem:$0x0]  }
0xb0: {  	_ =	swait.ge [sflag:s1], $0x3800  }
0xb1: {  	[sflag:s1] =	ssyncset.done $0x0  }
0xb2: {  	s21 =	sadd.s32 $0x480, s19;
	[sflag:s1] =	ssyncadd.s32 $0xFFFFC800  }
0xb3: {  	[tilespmem:s20], [sflag:$0x2] =	stream.indirect.gather [hbm4b:s6+s17], $0x80, s21, s17, $0xb8;
	v63 =	vld [tilespmem:$0x0]  }
0xb4: {  	_ =	swait.ge [sflag:s7], $0x3800  }
0xb5: {  	[sflag:s7] =	ssyncset.done $0x0  }
.Ltmp3:
0xb6: {  	s21 =	sadd.s32 $0x3380, s19;
	[sflag:s7] =	ssyncadd.s32 $0xFFFFC800;
	(pc) =	sbr.rel @!p1 .LBB2_6-.Ltmp3, $4  }
0xb7: {  	[spmem:s3] =	stream.indirect.scatter.add.f32 [tilespmem:s25], [sflag:$0x8], $0x80, s21, s17, $0xb8;
	v63 =	vld [tilespmem:$0x0]  }
0xb8: {  	_ =	swait.ge [sflag:s8], $0x3800  }
0xb9: {  	[sflag:s8] =	ssyncset.done $0x0  }
0xba: {  	s19 =	sadd.s32 $0x500, s19;
	[sflag:s8] =	ssyncadd.s32 $0xFFFFC800  }
.Ltmp4:
0xbb: {  	_ = 	snop;
	(pc) =	sbr.rel .LBB2_7-.Ltmp4, $1  }
0xbc: {  	_ =	sdelay $0x3  }
.LBB2_2:
0xbd: {  	[tilespmem:s2], [sflag:$0x9] =	stream.linear.gather [hbm4b:s10+s2], $0x2D00, $0x38;
	v63 =	vld [tilespmem:$0x0]  }
0xbe: {  	_ =	swait.ge [sflag:s15], $0x2D00  }
0xbf: {  	[sflag:s15] =	ssyncset.done $0x0  }
0xc0: {  	[sflag:s15] =	ssyncadd.s32 $0xFFFFD300  }
0xc1: {  	[tilespmem:s16], [sflag:$0x9] =	stream.linear.gather [hbm4b:s11+s2], $0x2D00, $0x38;
	v63 =	vld [tilespmem:$0x0]  }
0xc2: {  	_ =	swait.ge [sflag:s15], $0x2D00  }
0xc3: {  	[sflag:s15] =	ssyncset.done $0x0  }
0xc4: {  	[sflag:s15] =	ssyncadd.s32 $0xFFFFD300  }
0xc5: {  	[bflag:$0x0] =	sbarrier.arrive $0xFFFF  }
0xc6: {  	[tilespmem:s18], [sflag:$0x1] =	stream.indirect.gather [hbm4b:s5+s17], $0x80, s2, s17, $0xb8;
	v63 =	vld [tilespmem:$0x0]  }
0xc7: {  	s19 =	simm.s32 $0x80  }
0xc8: {  	[tilespmem:s20], [sflag:$0x2] =	stream.indirect.gather [hbm4b:s5+s17], $0x80, s19, s17, $0xb8;
	v63 =	vld [tilespmem:$0x0]  }
0xc9: {  	s21 =	simm.s32 $0x100  }
0xca: {  	[tilespmem:s22], [sflag:$0x3] =	stream.indirect.gather [hbm4b:s5+s17], $0x80, s21, s17, $0xb8;
	v63 =	vld [tilespmem:$0x0]  }
0xcb: {  	_ =	swait.ge [sflag:s23], $0x3800  }
0xcc: {  	[sflag:s23] =	ssyncset.done $0x0  }
0xcd: {  	[sflag:s23] =	ssyncadd.s32 $0xFFFFC800  }
0xce: {  	[spmem:s3] =	stream.indirect.scatter.add.f32 [tilespmem:s18], [sflag:$0x5], $0x80, s16, s17, $0xb8;
	v63 =	vld [tilespmem:$0x0]  }
0xcf: {  	s19 =	simm.s32 $0x180  }
0xd0: {  	[tilespmem:s25], [sflag:$0x4] =	stream.indirect.gather [hbm4b:s5+s17], $0x80, s19, s17, $0xb8;
	v63 =	vld [tilespmem:$0x0]  }
0xd1: {  	_ =	swait.ge [sflag:s26], $0x3800  }
0xd2: {  	[sflag:s26] =	ssyncset.done $0x0  }
0xd3: {  	s21 =	simm.s32 $0x3080;
	[sflag:s26] =	ssyncadd.s32 $0xFFFFC800  }
0xd4: {  	[spmem:s3] =	stream.indirect.scatter.add.f32 [tilespmem:s20], [sflag:$0x6], $0x80, s21, s17, $0xb8;
	v63 =	vld [tilespmem:$0x0]  }
0xd5: {  	_ =	swait.ge [sflag:s29], $0x3800  }
0xd6: {  	[sflag:s29] =	ssyncset.done $0x0  }
0xd7: {  	s19 =	simm.s32 $0x200;
	[sflag:s29] =	ssyncadd.s32 $0xFFFFC800  }
0xd8: {  	[tilespmem:s18], [sflag:$0x1] =	stream.indirect.gather [hbm4b:s5+s17], $0x80, s19, s17, $0xb8;
	v63 =	vld [tilespmem:$0x0]  }
0xd9: {  	_ =	swait.ge [sflag:s31], $0x3800  }
0xda: {  	[sflag:s31] =	ssyncset.done $0x0  }
0xdb: {  	s21 =	simm.s32 $0x3100;
	[sflag:s31] =	ssyncadd.s32 $0xFFFFC800  }
0xdc: {  	[spmem:s3] =	stream.indirect.scatter.add.f32 [tilespmem:s22], [sflag:$0x7], $0x80, s21, s17, $0xb8;
	v63 =	vld [tilespmem:$0x0]  }
0xdd: {  	_ =	swait.ge [sflag:s1], $0x3800  }
0xde: {  	[sflag:s1] =	ssyncset.done $0x0  }
0xdf: {  	s19 =	simm.s32 $0x280;
	[sflag:s1] =	ssyncadd.s32 $0xFFFFC800  }
0xe0: {  	[tilespmem:s20], [sflag:$0x2] =	stream.indirect.gather [hbm4b:s5+s17], $0x80, s19, s17, $0xb8;
	v63 =	vld [tilespmem:$0x0]  }
0xe1: {  	_ =	swait.ge [sflag:s7], $0x3800  }
0xe2: {  	[sflag:s7] =	ssyncset.done $0x0  }
0xe3: {  	s21 =	simm.s32 $0x3180;
	[sflag:s7] =	ssyncadd.s32 $0xFFFFC800  }
0xe4: {  	[spmem:s3] =	stream.indirect.scatter.add.f32 [tilespmem:s25], [sflag:$0x8], $0x80, s21, s17, $0xb8;
	v63 =	vld [tilespmem:$0x0]  }
0xe5: {  	_ =	swait.ge [sflag:s8], $0x3800  }
0xe6: {  	[sflag:s8] =	ssyncset.done $0x0  }
0xe7: {  	s19 =	simm.s32 $0x300;
	[sflag:s8] =	ssyncadd.s32 $0xFFFFC800  }
0xe8: {  	[tilespmem:s22], [sflag:$0x3] =	stream.indirect.gather [hbm4b:s5+s17], $0x80, s19, s17, $0xb8;
	v63 =	vld [tilespmem:$0x0]  }
0xe9: {  	_ =	swait.ge [sflag:s23], $0x3800  }
0xea: {  	[sflag:s23] =	ssyncset.done $0x0  }
0xeb: {  	s21 =	simm.s32 $0x3200;
	[sflag:s23] =	ssyncadd.s32 $0xFFFFC800  }
0xec: {  	[spmem:s3] =	stream.indirect.scatter.add.f32 [tilespmem:s18], [sflag:$0x5], $0x80, s21, s17, $0xb8;
	v63 =	vld [tilespmem:$0x0]  }
0xed: {  	_ =	swait.ge [sflag:s24], $0x3800  }
0xee: {  	[sflag:s24] =	ssyncset.done $0x0  }
0xef: {  	s19 =	simm.s32 $0x380;
	[sflag:s24] =	ssyncadd.s32 $0xFFFFC800  }
0xf0: {  	[tilespmem:s25], [sflag:$0x4] =	stream.indirect.gather [hbm4b:s5+s17], $0x80, s19, s17, $0xb8;
	v63 =	vld [tilespmem:$0x0]  }
0xf1: {  	_ =	swait.ge [sflag:s26], $0x3800  }
0xf2: {  	[sflag:s26] =	ssyncset.done $0x0  }
0xf3: {  	s21 =	simm.s32 $0x3280;
	[sflag:s26] =	ssyncadd.s32 $0xFFFFC800  }
0xf4: {  	[spmem:s3] =	stream.indirect.scatter.add.f32 [tilespmem:s20], [sflag:$0x6], $0x80, s21, s17, $0xb8;
	v63 =	vld [tilespmem:$0x0]  }
0xf5: {  	_ =	swait.ge [sflag:s29], $0x3800  }
0xf6: {  	[sflag:s29] =	ssyncset.done $0x0  }
0xf7: {  	s19 =	simm.s32 $0x400;
	[sflag:s29] =	ssyncadd.s32 $0xFFFFC800  }
0xf8: {  	[tilespmem:s18], [sflag:$0x1] =	stream.indirect.gather [hbm4b:s5+s17], $0x80, s19, s17, $0xb8;
	v63 =	vld [tilespmem:$0x0]  }
0xf9: {  	_ =	swait.ge [sflag:s31], $0x3800  }
0xfa: {  	[sflag:s31] =	ssyncset.done $0x0  }
0xfb: {  	s21 =	simm.s32 $0x3300;
	[sflag:s31] =	ssyncadd.s32 $0xFFFFC800  }
0xfc: {  	[spmem:s3] =	stream.indirect.scatter.add.f32 [tilespmem:s22], [sflag:$0x7], $0x80, s21, s17, $0xb8;
	v63 =	vld [tilespmem:$0x0]  }
0xfd: {  	_ =	swait.ge [sflag:s1], $0x3800  }
0xfe: {  	[sflag:s1] =	ssyncset.done $0x0  }
0xff: {  	s19 =	simm.s32 $0x480;
	[sflag:s1] =	ssyncadd.s32 $0xFFFFC800  }
0x100: {  	[tilespmem:s20], [sflag:$0x2] =	stream.indirect.gather [hbm4b:s5+s17], $0x80, s19, s17, $0xb8;
	v63 =	vld [tilespmem:$0x0]  }
0x101: {  	_ =	swait.ge [sflag:s7], $0x3800  }
0x102: {  	[sflag:s7] =	ssyncset.done $0x0  }
0x103: {  	s21 =	simm.s32 $0x3380;
	[sflag:s7] =	ssyncadd.s32 $0xFFFFC800  }
0x104: {  	[spmem:s3] =	stream.indirect.scatter.add.f32 [tilespmem:s25], [sflag:$0x8], $0x80, s21, s17, $0xb8;
	v63 =	vld [tilespmem:$0x0]  }
0x105: {  	_ =	swait.ge [sflag:s8], $0x3800  }
0x106: {  	[sflag:s8] =	ssyncset.done $0x0  }
0x107: {  	s2 =	simm.s32 $0x800;
	s19 =	simm.s32 $0x500;
	[sflag:s8] =	ssyncadd.s32 $0xFFFFC800  }
.LBB2_3:
0x108: {  	[tilespmem:s22], [sflag:$0x3] =	stream.indirect.gather [hbm4b:s5+s17], $0x80, s19, s17, $0xb8;
	v63 =	vld [tilespmem:$0x0]  }
0x109: {  	s19 =	smov.u32 s2  }
0x10a: {  	p1 =	sne.s32 s2, $0x9800;
	s2 =	sadd.s32 $0x800, s2;
	_ =	swait.ge [sflag:s23], $0x3800  }
0x10b: {  	s19 =	sshra.s32 s19, $0x2;
	[sflag:s23] =	ssyncset.done $0x0  }
0x10c: {  	s21 =	sadd.s32 $0x3200, s19;
	[sflag:s23] =	ssyncadd.s32 $0xFFFFC800  }
0x10d: {  	[spmem:s3] =	stream.indirect.scatter.add.f32 [tilespmem:s18], [sflag:$0x5], $0x80, s21, s17, $0xb8;
	v63 =	vld [tilespmem:$0x0]  }
0x10e: {  	_ =	swait.ge [sflag:s24], $0x3800  }
0x10f: {  	[sflag:s24] =	ssyncset.done $0x0  }
0x110: {  	s21 =	sadd.s32 $0x380, s19;
	[sflag:s24] =	ssyncadd.s32 $0xFFFFC800  }
0x111: {  	[tilespmem:s25], [sflag:$0x4] =	stream.indirect.gather [hbm4b:s5+s17], $0x80, s21, s17, $0xb8;
	v63 =	vld [tilespmem:$0x0]  }
0x112: {  	_ =	swait.ge [sflag:s26], $0x3800  }
0x113: {  	[sflag:s26] =	ssyncset.done $0x0  }
0x114: {  	s21 =	sadd.s32 $0x3280, s19;
	[sflag:s26] =	ssyncadd.s32 $0xFFFFC800  }
0x115: {  	[spmem:s3] =	stream.indirect.scatter.add.f32 [tilespmem:s20], [sflag:$0x6], $0x80, s21, s17, $0xb8;
	v63 =	vld [tilespmem:$0x0]  }
0x116: {  	_ =	swait.ge [sflag:s29], $0x3800  }
0x117: {  	[sflag:s29] =	ssyncset.done $0x0  }
0x118: {  	s21 =	sadd.s32 $0x400, s19;
	[sflag:s29] =	ssyncadd.s32 $0xFFFFC800  }
0x119: {  	[tilespmem:s18], [sflag:$0x1] =	stream.indirect.gather [hbm4b:s5+s17], $0x80, s21, s17, $0xb8;
	v63 =	vld [tilespmem:$0x0]  }
0x11a: {  	_ =	swait.ge [sflag:s31], $0x3800  }
0x11b: {  	[sflag:s31] =	ssyncset.done $0x0  }
0x11c: {  	s21 =	sadd.s32 $0x3300, s19;
	[sflag:s31] =	ssyncadd.s32 $0xFFFFC800  }
0x11d: {  	[spmem:s3] =	stream.indirect.scatter.add.f32 [tilespmem:s22], [sflag:$0x7], $0x80, s21, s17, $0xb8;
	v63 =	vld [tilespmem:$0x0]  }
0x11e: {  	_ =	swait.ge [sflag:s1], $0x3800  }
0x11f: {  	[sflag:s1] =	ssyncset.done $0x0  }
0x120: {  	s21 =	sadd.s32 $0x480, s19;
	[sflag:s1] =	ssyncadd.s32 $0xFFFFC800  }
0x121: {  	[tilespmem:s20], [sflag:$0x2] =	stream.indirect.gather [hbm4b:s5+s17], $0x80, s21, s17, $0xb8;
	v63 =	vld [tilespmem:$0x0]  }
0x122: {  	_ =	swait.ge [sflag:s7], $0x3800  }
0x123: {  	[sflag:s7] =	ssyncset.done $0x0  }
.Ltmp5:
0x124: {  	s21 =	sadd.s32 $0x3380, s19;
	[sflag:s7] =	ssyncadd.s32 $0xFFFFC800;
	(pc) =	sbr.rel @p1 .LBB2_3-.Ltmp5, $4  }
0x125: {  	[spmem:s3] =	stream.indirect.scatter.add.f32 [tilespmem:s25], [sflag:$0x8], $0x80, s21, s17, $0xb8;
	v63 =	vld [tilespmem:$0x0]  }
0x126: {  	_ =	swait.ge [sflag:s8], $0x3800  }
0x127: {  	[sflag:s8] =	ssyncset.done $0x0  }
0x128: {  	s19 =	sadd.s32 $0x500, s19;
	[sflag:s8] =	ssyncadd.s32 $0xFFFFC800  }
.Ltmp6:
0x129: {  	(pc) =	sbr.rel .LBB2_8-.Ltmp6, $3  }
0x12a: {  	_ =	sdelay $0x1  }
0x12b: {  	[tilespmem:s22], [sflag:$0x3] =	stream.indirect.gather [hbm4b:s5+s17], $0x80, s19, s17, $0xb8;
	v63 =	vld [tilespmem:$0x0]  }
0x12c: {  	s19 =	smov.u32 s5;
	s2 =	rddreg [dreg:$0x6]  }
.LBB2_9:
0x12d: {  	_ =	sfence.sel $0x180000  }
0x12e: {  	[bflag:$0x0] =	sbarrier.arrive $0xFFFF  }
0x12f: {  	_ =	strace $0x9000004D  }
0x130: {  	s0 =	stileid.u32;
	[bflag:$0x2] =	sbarrier.arrive $0xFFFF  }
0x131: {  	p0 =	sne.s32 s0, $0x0;
	s0 =	rddreg [dreg:$0x4]  }
0x132: {  	s0 =	sadd.s32 @!p0 $0x100000, s0  }
0x133: {  	[sflag:s0] =	ssyncadd.tile.s32 @!p0 $0x1;
	_ =	shalt  }
.Lfunc_end2:
_tile_overlayer_lowered:
.L_overlay_start_2:
0x134: {  	(tag) =	ssettag $0x2  }
0x135: {  	s0 =	rddreg [dreg:$0x0];
	s2 =	stileid.u32  }
0x136: {  	s1 =	rddreg [dreg:$0x1];
	p0 =	sne.s32 s2, $0x0  }
0x137: {  	s3 =	rddreg [dreg:$0x2];
	[bflag:$0x3] =	sbarrier.arrive $0xFFFF;
	s2 =	simm.s32 @!p0 $0x1C09  }
0x138: {  	[timem:s3], [sflag:s2] =	dma.local @!p0 [hbm:s0], s1  }
0x139: {  	s0 =	simm.s32 @!p0 $0x9  }
0x13a: {  	_ =	swait.ge @!p0 [sflag:s0], s1  }
0x13b: {  	s1 =	ssub.s32 @!p0 $0x0, s1;
	[sflag:s0] =	ssyncset.done @!p0 $0x0  }
0x13c: {  	[sflag:s0] =	ssyncadd.s32 @!p0 s1  }
0x13d: {  	[bflag:$0x3] =	sbarrier.arrive $0xFFFF  }
0x13e: {  	_ =	shalt  }

// kernel: kernel.19.cloned.1.call-start
scs
__scs_entry_jumppad:
0x0: {  	(pc) =	sbr.rel $0x88, $3  }
0x1: {  	(tag) =	ssettag $0x0;
	lr =	simm.s32 $0x1  }
0x2: {  	[smem:$0x3F9D] =	sst lr;
	_ =	strace $0xD0000000  }
0x3: {  	_ = 	snop  }
0x4: {  	_ = 	snop  }
0x5: {  	_ = 	snop  }
0x6: {  	_ = 	snop  }
0x7: {  	_ = 	snop  }
__scs_overlays_trampoline_lowered:
0x8: {  	[smem:$0x3FAC] =	sst s0  }
0x9: {  	[smem:$0x3FAD] =	sst s1  }
0xa: {  	[smem:$0x3FAE] =	sst s2  }
0xb: {  	[smem:$0x3FAF] =	sst s3  }
0xc: {  	[smem:$0x3FB0] =	sst s4  }
0xd: {  	[smem:$0x3FB1] =	sst s5  }
0xe: {  	[smem:$0x3FB2] =	sst s6  }
0xf: {  	[smem:$0x3FB3] =	sst s7  }
0x10: {  	[smem:$0x3FB4] =	sst s8  }
0x11: {  	[smem:$0x3FB5] =	sst s9;
	s0 =	simm.s32 @!p0 $0x0  }
0x12: {  	s1 =	sld [smem:$0x3F9B];
	s0 =	simm.s32 @p0 $0x1  }
0x13: {  	[smem:$0x3FB6] =	sst s0;
	s0 =	simm.s32 @!p1 $0x0  }
0x14: {  	s2 =	sld [smem:$0x3F9A];
	s0 =	simm.s32 @p1 $0x1  }
0x15: {  	[smem:$0x3FB7] =	sst s0;
	s0 =	simm.s32 @!p2 $0x0  }
0x16: {  	s3 =	sld [smem:$0x3FDB];
	s0 =	simm.s32 @p2 $0x1  }
0x17: {  	s4 =	simm.s32 $0x1BF5;
	[smem:$0x3FB9] =	sst s0  }
0x18: {  	s0 =	sld [smem:$0x3F9C];
	_ =	swait.ge [sflag:s4], $0x0  }
0x19: {  	s7 =	sld [smem:$0x3F9D]  }
0x1a: {  	s8 =	sadd.s32 $0xFFFFE003, lr  }
0x1b: {  	s9 =	sadd.s32 $0xFFFFFEF7, lr;
	s5 =	simm.s32 $0xFFFFFFFF;
	p2 =	slt.u32 s8, $0xFFFFF086  }
0x1c: {  	p1 =	slt.u32 s9, $0xF7A;
	s5 =	simm.s32 @!p2 $0x0  }
0x1d: {  	s5 =	simm.s32 @p1 $0x1;
	p0 =	seq.s32 s7, s2  }
0x1e: {  	s7 =	smul.u32 @!p0 $0xF7A, s2;
	p2 =	seq.s32 @!p0 s5, $0x0  }
0x1f: {  	s9 =	smul.u32 $0xF7A, s1;
	s8 =	simm.s32 @!p0 $0x1BF5;
	p2 =	por !p2, p0  }
0x20: {  	[sflag:s8] =	ssyncset.s32 @!p0 $0xFFFFF086;
	s6 =	sadd.s32 @!p0 s3, s7;
	s7 =	simm.s32 @!p0 $0x108  }
0x21: {  	s3 =	sadd.s32 s3, s9;
	s6 =	sadd.s32 @!p0 $0x88, s6;
	s7 =	simm.s32 @p2 $0x1082  }
0x22: {  	[simem:s7], [sflag:s8] =	dma.local @!p0 [hbm:s6], $0xF7A  }
0x23: {  	s9 =	sor.u32 $0xD0000000, s2;
	s6 =	simm.s32 $0x108;
	_ =	swait.ge @!p0 [sflag:s8], $0x0  }
0x24: {  	s3 =	sadd.s32 $0x88, s3;
	s6 =	simm.s32 @!p1 $0x1082;
	[sflag:s4] =	ssyncset.s32 $0xFFFFF086  }
0x25: {  	[simem:s6], [sflag:s4] =	dma.local [hbm:s3], $0xF7A  }
0x26: {  	[smem:$0x3F9D] =	sst s1;
	(tag) =	ssettag s2;
	_ =	strace s9  }
0x27: {  	s1 =	sld [smem:$0x3FAD]  }
0x28: {  	s2 =	sld [smem:$0x3FAE]  }
0x29: {  	s4 =	sld [smem:$0x3FB0]  }
0x2a: {  	p0 =	seq.s32 s5, $0x0;
	s5 =	sld [smem:$0x3FB1]  }
0x2b: {  	s6 =	sld [smem:$0x3FB2]  }
0x2c: {  	s7 =	sld [smem:$0x3FB3]  }
0x2d: {  	s3 =	simm.s32 $0x108;
	s8 =	sld [smem:$0x3FB4]  }
0x2e: {  	s3 =	simm.s32 @!p0 $0x1082;
	s9 =	sld [smem:$0x3FB5]  }
0x2f: {  	lr =	sadd.s32 s0, s3;
	s0 =	sld [smem:$0x3FAC]  }
0x30: {  	s3 =	sld [smem:$0x3FAF]  }
0x31: {  	[smem:$0x3FB8] =	sst s10  }
0x32: {  	s10 =	sld [smem:$0x3FB6];
	_ =	sdelay $0x3  }
0x33: {  	p0 =	seq.s32 s10, $0x1;
	s10 =	sld [smem:$0x3FB8];
	_ =	sdelay $0x3  }
0x34: {  	[smem:$0x3FB8] =	sst s10  }
0x35: {  	s10 =	sld [smem:$0x3FB7];
	_ =	sdelay $0x3  }
0x36: {  	p1 =	seq.s32 s10, $0x1;
	s10 =	sld [smem:$0x3FB8];
	_ =	sdelay $0x3  }
0x37: {  	[smem:$0x3FB8] =	sst s10  }
0x38: {  	s10 =	sld [smem:$0x3FB9]  }
0x39: {  	_ = 	snop;
	(pc) =	sbr.ind lr, $3  }
0x3a: {  	_ = 	snop  }
0x3b: {  	_ = 	snop  }
0x3c: {  	p2 =	seq.s32 s10, $0x1;
	s10 =	sld [smem:$0x3FB8]  }
0x3d: {  	_ =	shalt  }
0x3e: {  	_ =	shalt  }
0x3f: {  	_ =	shalt  }
0x40: {  	_ =	shalt  }
0x41: {  	_ =	shalt  }
0x42: {  	_ =	shalt  }
0x43: {  	_ =	shalt  }
0x44: {  	_ =	shalt  }
0x45: {  	_ =	shalt  }
0x46: {  	_ =	shalt  }
0x47: {  	_ =	shalt  }
0x48: {  	_ =	shalt  }
0x49: {  	_ =	shalt  }
0x4a: {  	_ =	shalt  }
0x4b: {  	_ =	shalt  }
0x4c: {  	_ =	shalt  }
0x4d: {  	_ =	shalt  }
0x4e: {  	_ =	shalt  }
0x4f: {  	_ =	shalt  }
0x50: {  	_ =	shalt  }
0x51: {  	_ =	shalt  }
0x52: {  	_ =	shalt  }
0x53: {  	_ =	shalt  }
0x54: {  	_ =	shalt  }
0x55: {  	_ =	shalt  }
0x56: {  	_ =	shalt  }
0x57: {  	_ =	shalt  }
0x58: {  	_ =	shalt  }
0x59: {  	_ =	shalt  }
0x5a: {  	_ =	shalt  }
0x5b: {  	_ =	shalt  }
0x5c: {  	_ =	shalt  }
0x5d: {  	_ =	shalt  }
0x5e: {  	_ =	shalt  }
0x5f: {  	_ =	shalt  }
0x60: {  	_ =	shalt  }
0x61: {  	_ =	shalt  }
0x62: {  	_ =	shalt  }
0x63: {  	_ =	shalt  }
0x64: {  	_ =	shalt  }
0x65: {  	_ =	shalt  }
0x66: {  	_ =	shalt  }
0x67: {  	_ =	shalt  }
0x68: {  	_ =	shalt  }
0x69: {  	_ =	shalt  }
0x6a: {  	_ =	shalt  }
0x6b: {  	_ =	shalt  }
0x6c: {  	_ =	shalt  }
0x6d: {  	_ =	shalt  }
0x6e: {  	_ =	shalt  }
0x6f: {  	_ =	shalt  }
0x70: {  	_ =	shalt  }
0x71: {  	_ =	shalt  }
0x72: {  	_ =	shalt  }
0x73: {  	_ =	shalt  }
0x74: {  	_ =	shalt  }
0x75: {  	_ =	shalt  }
0x76: {  	_ =	shalt  }
0x77: {  	_ =	shalt  }
0x78: {  	_ =	shalt  }
0x79: {  	_ =	shalt  }
0x7a: {  	_ =	shalt  }
0x7b: {  	_ =	shalt  }
0x7c: {  	_ =	shalt  }
0x7d: {  	_ =	shalt  }
0x7e: {  	_ =	shalt  }
0x7f: {  	_ =	shalt  }
0x80: {  	_ =	shalt  }
0x81: {  	_ =	shalt  }
0x82: {  	_ =	shalt  }
0x83: {  	_ =	shalt  }
0x84: {  	_ =	shalt  }
0x85: {  	_ =	shalt  }
0x86: {  	_ =	shalt  }
0x87: {  	_ =	shalt  }
.Lfunc_end0:
.L_simem_size_0:
called_computation.3_lowered:
.L_overlay_start_0:
0x88: {  	s2 =	sld [smem:$0x3FD9]  }
0x89: {  	s3 =	sld [smem:$0x3FFE];
	_ =	sdelay $0x1  }
0x8a: {  	s1 =	srdreg.scid  }
0x8b: {  	s0 =	sand.u32 $0x1, s1  }
0x8c: {  	s14 =	sshll.u32 s0, $0xA;
	s2 =	sadd.s32 s3, s2  }
0x8d: {  	s2 =	sadd.s32 s2, s14  }
0x8e: {  	[smem:$0x3FC4] =	sst s2  }
0x8f: {  	_ = 	snop  }
0x90: {  	s2 =	sld [smem:$0x3FD0];
	_ =	sdelay $0x2  }
0x91: {  	s15 =	simm.s32 $0xA;
	s4 =	simm.s32 $0x10  }
0x92: {  	[smem:s4], [sflag:s15] =	dma.local [hbm:s2], $0x1  }
0x93: {  	_ =	swait.eq [sflag:s15], $0x1  }
0x94: {  	[sflag:s15] =	ssyncset.done $0x0  }
0x95: {  	s16 =	sld [smem:$0x10];
	[sflag:s15] =	ssyncadd.s32 $0xFFFFFFFF  }
0x96: {  	s17 =	sld [smem:$0x11];
	(tm) =	ssettm $0x1  }
0x97: {  	s18 =	sld [smem:$0x3FFB];
	_ =	sdelay $0x3  }
0x98: {  	_ =	strace s18  }
0x99: {  	s4 =	sld [smem:$0x3FFC];
	_ =	sdelay $0x3  }
0x9a: {  	_ =	strace s4  }
0x9b: {  	s4 =	sld [smem:$0x3FFD];
	_ =	sdelay $0x3  }
0x9c: {  	_ =	strace s4  }
0x9d: {  	_ =	strace $0x8FFFFFFF  }
0x9e: {  	s19 =	sld [smem:$0x3FDB];
	_ =	sdelay $0x1  }
0x9f: {  	s5 =	simm.s32 $_scs_section_size  }
0xa0: {  	s6 =	simm.s32 $_size__tile_overlayer_lowered;
	s7 =	simm.s32 $_tile_overlayer_lowered  }
0xa1: {  	s22 =	simm.s32 $0x1BFF;
	s21 =	sshll.u32 s7, $0x1;
	s4 =	sadd.s32 s5, s19  }
0xa2: {  	s8 =	simm.s32 $0x0;
	s20 =	sshll.u32 s6, $0x1;
	s6 =	sadd.s32 s21, s4  }
0xa3: {  	[timem:s8], [sflag:s22] =	dma.local [hbm:s6], s20  }
0xa4: {  	_ =	swait.ge [sflag:s22], s20  }
0xa5: {  	s5 =	ssub.s32 $0x0, s20;
	[sflag:s22] =	ssyncset.done $0x0  }
0xa6: {  	[sflag:s22] =	ssyncadd.s32 s5;
	_ =	sdelay $0x1  }
0xa7: {  	s23 =	simm.s32 $0x1B8B  }
0xa8: {  	_ =	swait.ge [sflag:s23], $0x1  }
0xa9: {  	[sflag:s23] =	ssyncset.done $0x0  }
0xaa: {  	s25 =	simm.s32 $0x1B8E;
	s24 =	sld [smem:$0x3FFE];
	[sflag:s23] =	ssyncadd.s32 $0xFFFFFFFF  }
0xab: {  	s26 =	simm.s32 $execute0_lowered;
	[smem:$0x3FD2] =	sst s25  }
0xac: {  	s6 =	sshll.u32 s26, $0x1;
	_ =	strace $0x8000004F;
	[dreg:$0x1] =	wrdreg $0xFFFFFFFF  }
0xad: {  	s28 =	simm.s32 $_size_execute0_lowered;
	s4 =	sadd.s32 s4, s6;
	[dreg:$0x0] =	wrdreg $0x0  }
0xae: {  	s6 =	sshll.u32 s28, $0x1;
	[dreg:$0x2] =	wrdreg s4  }
0xaf: {  	[dreg:$0x3] =	wrdreg s6  }
0xb0: {  	[dreg:$0x4] =	wrdreg $0xC0  }
0xb1: {  	_ =	task [dreg:s8], $0x5FFFF  }
0xb2: {  	[dreg:$0x1] =	wrdreg $0xFFFFFFFF  }
0xb3: {  	[dreg:$0x0] =	wrdreg $0x60  }
0xb4: {  	[dreg:$0x2] =	wrdreg s16  }
0xb5: {  	[dreg:$0x3] =	wrdreg s24  }
0xb6: {  	[dreg:$0x4] =	wrdreg s17  }
0xb7: {  	[dreg:$0x5] =	wrdreg $0x140000  }
0xb8: {  	[dreg:$0x6] =	wrdreg $0x9  }
0xb9: {  	_ =	task.clear_ibuf [dreg:s8], $0x7FFFF;
	_ =	strace $0x9000004F  }
0xba: {  	s29 =	simm.s32 $0x9;
	_ =	strace $0x80000051  }
0xbb: {  	_ =	swait.ge [sflag:s29], $0x1  }
0xbc: {  	[sflag:s29] =	ssyncadd.s32 $0xFFFFFFFF  }
0xbd: {  	_ =	strace $0x90000051  }
0xbe: {  	_ =	sfence  }
0xbf: {  	s30 =	sld [smem:$0x0];
	_ =	sdelay $0x2  }
0xc0: {  	s31 =	sshll.u32 s1, $0xD;
	s1 =	sshrl.u32 s1, $0x2  }
0xc1: {  	s3 =	sand.u32 $0x4000, s31;
	s1 =	sadd.s32 s1, s30  }
0xc2: {  	s0 =	sor.u32 s3, s0;
	s1 =	sshll.u32 s1, $0x11  }
0xc3: {  	s0 =	sor.u32 s1, s0  }
0xc4: {  	s0 =	sadd.s32 $0x8F2B, s0  }
0xc5: {  	[sflag:s0] =	ssyncadd.remote.s32 $0x1  }
0xc6: {  	_ =	sfence.sel $0xFFFF  }
0xc7: {  	[dreg:$0x0] =	wrdreg $0xFFFFFFFF;
	(pc) =	sbr.abs _section_cstart, $3  }
0xc8: {  	[dreg:$0x1] =	wrdreg $0xFFFFFFFF  }
0xc9: {  	_ =	task.clear_ibuf [dreg:s8], $0x2FFFF;
	_ =	strace $0x9FFFFFFF  }
0xca: {  	(tm) =	ssettm $0x7FFFFFFF  }
0xcb: {  	_ =	shalt  }
tec
execute0_lowered:
.L_overlay_start_1:
0x0: {  	(tag) =	ssettag $0x1  }
0x1: {  	s0 =	rddreg [dreg:$0x0]  }
0x2: {  	s1 =	rddreg [dreg:$0x1]  }
0x3: {  	s3 =	rddreg [dreg:$0x3];
	s4 =	simm.s32 $0x0;
	s12 =	stileid.u32  }
0x4: {  	s8 =	srdreg.scid;
	s15 =	simm.s32 $0x9;
	s16 =	simm.s32 $0x3000  }
0x5: {  	s17 =	simm.s32 $0x70;
	s18 =	simm.s32 $0x6000;
	s20 =	simm.s32 $0x9800  }
0x6: {  	s22 =	simm.s32 $0xD000;
	s23 =	simm.s32 $0x1;
	s29 =	simm.s32 $0x5  }
0x7: {  	s31 =	simm.s32 $0x3;
	s24 =	simm.s32 $0x8;
	s28 =	simm.s32 $0x5B80  }
0x8: {  	s30 =	simm.s32 $0x5C00;
	[smem:$0x7FF] =	sst s4;
	s2 =	smul.u32 $0x600, s12  }
0x9: {  	s5 =	sadd.s32 $0xBE00, s1;
	s6 =	sadd.s32 $0x23E00, s1;
	s8 =	sand.u32 $0x1, s8  }
0xa: {  	s9 =	smul.u32 $0x30000, s12;
	s10 =	sadd.s32 $0x53E00, s1;
	s11 =	sshll.u32 s12, $0x6  }
0xb: {  	s12 =	smul.u32 $0x1800, s12;
	_ =	strace $0x80000050;
	[dreg:$0x5] =	wrdreg s10  }
0xc: {  	s25 =	ssub.s32 $0x2, s8;
	p0 =	seq.s32 s8, $0x0;
	s8 =	simm.s32 $0x7  }
0xd: {  	s7 =	sadd.s32 s2, s1;
	s1 =	sadd.s32 $0x6BE00, s1;
	s26 =	sshrl.u32 s25, $0x1  }
.Ltmp0:
0xe: {  	s9 =	sshrl.u32 s9, $0x2;
	s10 =	sadd.s32 s0, s2;
	(pc) =	sbr.rel .LBB2_1-.Ltmp0, $4  }
0xf: {  	s0 =	simm.s32 $0x5C80;
	[dreg:$0x6] =	wrdreg s1;
	s1 =	ssub.s32 s25, s26  }
0x10: {  	s14 =	sadd.s32 s9, s3;
	s9 =	sor.u32 $0x1C09, s11;
	s11 =	sadd.s32 $0x5E00, s7  }
0x11: {  	s25 =	simm.s32 $0x10800;
	s26 =	simm.s32 $0x2;
	s7 =	simm.s32 $0x4  }
0x12: {  	s13 =	smax.u32 s1, $0x1;
	s14 =	sshrl.u32 s14, $0x3;
	s1 =	simm.s32 $0x6  }
.LBB2_7:
0x13: {  	[tilespmem:s22], [sflag:$0x3] =	stream.indirect.gather [hbm4b:s6+s17], $0x80, s19, s17, $0xb8;
	v63 =	vld [tilespmem:$0x0]  }
0x14: {  	s19 =	smov.u32 s6;
	s2 =	rddreg [dreg:$0x5]  }
.LBB2_8:
0x15: {  	_ =	swait.ge [sflag:s23], $0x3800  }
0x16: {  	[sflag:s23] =	ssyncset.done $0x0  }
0x17: {  	s21 =	simm.s32 $0x5A00;
	[sflag:s23] =	ssyncadd.s32 $0xFFFFC800  }
0x18: {  	[spmem:s3] =	stream.indirect.scatter.add.f32 [tilespmem:s18], [sflag:$0x5], $0x80, s21, s17, $0xb8;
	v63 =	vld [tilespmem:$0x0]  }
0x19: {  	_ =	swait.ge [sflag:s24], $0x3800  }
0x1a: {  	[sflag:s24] =	ssyncset.done $0x0  }
0x1b: {  	s21 =	simm.s32 $0x2B80;
	[sflag:s24] =	ssyncadd.s32 $0xFFFFC800  }
0x1c: {  	[tilespmem:s25], [sflag:$0x4] =	stream.indirect.gather [hbm4b:s19+s17], $0x80, s21, s17, $0xb8;
	v63 =	vld [tilespmem:$0x0]  }
0x1d: {  	_ =	swait.ge [sflag:s26], $0x3800  }
0x1e: {  	[sflag:s26] =	ssyncset.done $0x0  }
0x1f: {  	s21 =	simm.s32 $0x5A80;
	[sflag:s26] =	ssyncadd.s32 $0xFFFFC800  }
0x20: {  	[spmem:s3] =	stream.indirect.scatter.add.f32 [tilespmem:s20], [sflag:$0x6], $0x80, s21, s17, $0xb8;
	v63 =	vld [tilespmem:$0x0]  }
0x21: {  	_ =	swait.ge [sflag:s29], $0x3800  }
0x22: {  	[sflag:s29] =	ssyncset.done $0x0  }
0x23: {  	s21 =	simm.s32 $0x2C00;
	[sflag:s29] =	ssyncadd.s32 $0xFFFFC800  }
0x24: {  	[tilespmem:s18], [sflag:$0x1] =	stream.indirect.gather [hbm4b:s19+s17], $0x80, s21, s17, $0xb8;
	v63 =	vld [tilespmem:$0x0]  }
0x25: {  	_ =	swait.ge [sflag:s31], $0x3800  }
0x26: {  	[sflag:s31] =	ssyncset.done $0x0  }
0x27: {  	s21 =	simm.s32 $0x5B00;
	[sflag:s31] =	ssyncadd.s32 $0xFFFFC800  }
0x28: {  	[spmem:s3] =	stream.indirect.scatter.add.f32 [tilespmem:s22], [sflag:$0x7], $0x80, s21, s17, $0xb8;
	v63 =	vld [tilespmem:$0x0]  }
0x29: {  	_ =	swait.ge [sflag:s1], $0x3800  }
0x2a: {  	[sflag:s1] =	ssyncset.done $0x0  }
0x2b: {  	s21 =	simm.s32 $0x2C80;
	[sflag:s1] =	ssyncadd.s32 $0xFFFFC800  }
0x2c: {  	[tilespmem:s20], [sflag:$0x2] =	stream.indirect.gather [hbm4b:s19+s17], $0x80, s21, s17, $0xb8;
	v63 =	vld [tilespmem:$0x0]  }
0x2d: {  	_ =	swait.ge [sflag:s7], $0x3800  }
0x2e: {  	[sflag:s7] =	ssyncset.done $0x0  }
0x2f: {  	[sflag:s7] =	ssyncadd.s32 $0xFFFFC800  }
0x30: {  	[spmem:s3] =	stream.indirect.scatter.add.f32 [tilespmem:s25], [sflag:$0x8], $0x80, s28, s17, $0xb8;
	v63 =	vld [tilespmem:$0x0]  }
0x31: {  	_ =	swait.ge [sflag:s23], $0x3800  }
0x32: {  	[sflag:s23] =	ssyncset.done $0x0  }
0x33: {  	[sflag:s23] =	ssyncadd.s32 $0xFFFFC800  }
0x34: {  	[spmem:s3] =	stream.indirect.scatter.add.f32 [tilespmem:s18], [sflag:$0x5], $0x80, s30, s17, $0xb8;
	v63 =	vld [tilespmem:$0x0]  }
0x35: {  	_ =	swait.ge [sflag:s26], $0x3800  }
0x36: {  	[sflag:s26] =	ssyncset.done $0x0  }
0x37: {  	[sflag:s26] =	ssyncadd.s32 $0xFFFFC800  }
0x38: {  	[spmem:s3] =	stream.indirect.scatter.add.f32 [tilespmem:s20], [sflag:$0x6], $0x80, s0, s17, $0xb8;
	v63 =	vld [tilespmem:$0x0]  }
0x39: {  	_ =	swait.ge [sflag:s8], $0x3800  }
0x3a: {  	[sflag:s8] =	ssyncset.done $0x0  }
0x3b: {  	[sflag:s8] =	ssyncadd.s32 $0xFFFFC800  }
0x3c: {  	_ =	swait.ge [sflag:s24], $0x3800  }
0x3d: {  	[sflag:s24] =	ssyncset.done $0x0  }
0x3e: {  	[sflag:s24] =	ssyncadd.s32 $0xFFFFC800  }
0x3f: {  	_ =	swait.ge [sflag:s29], $0x3800  }
0x40: {  	[sflag:s29] =	ssyncset.done $0x0  }
0x41: {  	[sflag:s29] =	ssyncadd.s32 $0xFFFFC800  }
0x42: {  	_ =	swait.ge [sflag:s1], $0x3800  }
0x43: {  	s4 =	sadd.s32 $0x1, s4;
	[sflag:s1] =	ssyncset.done $0x0  }
0x44: {  	p1 =	sne.s32 s4, s13;
	[sflag:s1] =	ssyncadd.s32 $0xFFFFC800  }
.Ltmp1:
0x45: {  	s2 =	sadd.s32 s2, s12;
	[bflag:$0x0] =	sbarrier.arrive $0xFFFF;
	(pc) =	sbr.rel @!p1 .LBB2_9-.Ltmp1, $4  }
0x46: {  	[hbm:s2], [sflag:s9] =	dma.local [spmem:s14], $0x1800  }
0x47: {  	_ =	swait.ge [sflag:s15], $0x1800  }
0x48: {  	[sflag:s15] =	ssyncset.done $0x0  }
0x49: {  	[sflag:s15] =	ssyncadd.s32 $0xFFFFE800  }
.LBB2_1:
.Ltmp2:
0x4a: {  	s2 =	rddreg [dreg:$0x2];
	(pc) =	sbr.rel @!p0 .LBB2_2-.Ltmp2, $4  }
0x4b: {  	[spmem:s14], [sflag:s9] =	dma.local [hbm:s2], $0x1800  }
0x4c: {  	_ =	swait.ge [sflag:s15], $0x1800  }
0x4d: {  	[sflag:s15] =	ssyncset.done $0x0  }
0x4e: {  	s2 =	simm.s32 $0x0;
	[sflag:s15] =	ssyncadd.s32 $0xFFFFE800  }
0x4f: {  	[tilespmem:s2], [sflag:$0x9] =	stream.linear.gather [hbm4b:s11+s2], $0x2D00, $0x38;
	v63 =	vld [tilespmem:$0x0]  }
0x50: {  	_ =	swait.ge [sflag:s15], $0x2D00  }
0x51: {  	[sflag:s15] =	ssyncset.done $0x0  }
0x52: {  	[sflag:s15] =	ssyncadd.s32 $0xFFFFD300  }
0x53: {  	[tilespmem:s16], [sflag:$0x9] =	stream.linear.gather [hbm4b:s10+s2], $0x2D00, $0x38;
	v63 =	vld [tilespmem:$0x0]  }
0x54: {  	_ =	swait.ge [sflag:s15], $0x2D00  }
0x55: {  	[sflag:s15] =	ssyncset.done $0x0  }
0x56: {  	[sflag:s15] =	ssyncadd.s32 $0xFFFFD300  }
0x57: {  	[bflag:$0x0] =	sbarrier.arrive $0xFFFF  }
0x58: {  	[tilespmem:s18], [sflag:$0x1] =	stream.indirect.gather [hbm4b:s6+s17], $0x80, s2, s17, $0xb8;
	v63 =	vld [tilespmem:$0x0]  }
0x59: {  	s19 =	simm.s32 $0x80  }
0x5a: {  	[tilespmem:s20], [sflag:$0x2] =	stream.indirect.gather [hbm4b:s6+s17], $0x80, s19, s17, $0xb8;
	v63 =	vld [tilespmem:$0x0]  }
0x5b: {  	s21 =	simm.s32 $0x100  }
0x5c: {  	[tilespmem:s22], [sflag:$0x3] =	stream.indirect.gather [hbm4b:s6+s17], $0x80, s21, s17, $0xb8;
	v63 =	vld [tilespmem:$0x0]  }
0x5d: {  	_ =	swait.ge [sflag:s23], $0x3800  }
0x5e: {  	[sflag:s23] =	ssyncset.done $0x0  }
0x5f: {  	[sflag:s23] =	ssyncadd.s32 $0xFFFFC800  }
0x60: {  	[spmem:s3] =	stream.indirect.scatter.add.f32 [tilespmem:s18], [sflag:$0x5], $0x80, s16, s17, $0xb8;
	v63 =	vld [tilespmem:$0x0]  }
0x61: {  	s19 =	simm.s32 $0x180  }
0x62: {  	[tilespmem:s25], [sflag:$0x4] =	stream.indirect.gather [hbm4b:s6+s17], $0x80, s19, s17, $0xb8;
	v63 =	vld [tilespmem:$0x0]  }
0x63: {  	_ =	swait.ge [sflag:s26], $0x3800  }
0x64: {  	[sflag:s26] =	ssyncset.done $0x0  }
0x65: {  	s21 =	simm.s32 $0x3080;
	[sflag:s26] =	ssyncadd.s32 $0xFFFFC800  }
0x66: {  	[spmem:s3] =	stream.indirect.scatter.add.f32 [tilespmem:s20], [sflag:$0x6], $0x80, s21, s17, $0xb8;
	v63 =	vld [tilespmem:$0x0]  }
0x67: {  	_ =	swait.ge [sflag:s29], $0x3800  }
0x68: {  	[sflag:s29] =	ssyncset.done $0x0  }
0x69: {  	s19 =	simm.s32 $0x200;
	[sflag:s29] =	ssyncadd.s32 $0xFFFFC800  }
0x6a: {  	[tilespmem:s18], [sflag:$0x1] =	stream.indirect.gather [hbm4b:s6+s17], $0x80, s19, s17, $0xb8;
	v63 =	vld [tilespmem:$0x0]  }
0x6b: {  	_ =	swait.ge [sflag:s31], $0x3800  }
0x6c: {  	[sflag:s31] =	ssyncset.done $0x0  }
0x6d: {  	s21 =	simm.s32 $0x3100;
	[sflag:s31] =	ssyncadd.s32 $0xFFFFC800  }
0x6e: {  	[spmem:s3] =	stream.indirect.scatter.add.f32 [tilespmem:s22], [sflag:$0x7], $0x80, s21, s17, $0xb8;
	v63 =	vld [tilespmem:$0x0]  }
0x6f: {  	_ =	swait.ge [sflag:s1], $0x3800  }
0x70: {  	[sflag:s1] =	ssyncset.done $0x0  }
0x71: {  	s19 =	simm.s32 $0x280;
	[sflag:s1] =	ssyncadd.s32 $0xFFFFC800  }
0x72: {  	[tilespmem:s20], [sflag:$0x2] =	stream.indirect.gather [hbm4b:s6+s17], $0x80, s19, s17, $0xb8;
	v63 =	vld [tilespmem:$0x0]  }
0x73: {  	_ =	swait.ge [sflag:s7], $0x3800  }
0x74: {  	[sflag:s7] =	ssyncset.done $0x0  }
0x75: {  	s21 =	simm.s32 $0x3180;
	[sflag:s7] =	ssyncadd.s32 $0xFFFFC800  }
0x76: {  	[spmem:s3] =	stream.indirect.scatter.add.f32 [tilespmem:s25], [sflag:$0x8], $0x80, s21, s17, $0xb8;
	v63 =	vld [tilespmem:$0x0]  }
0x77: {  	_ =	swait.ge [sflag:s8], $0x3800  }
0x78: {  	[sflag:s8] =	ssyncset.done $0x0  }
0x79: {  	s19 =	simm.s32 $0x300;
	[sflag:s8] =	ssyncadd.s32 $0xFFFFC800  }
0x7a: {  	[tilespmem:s22], [sflag:$0x3] =	stream.indirect.gather [hbm4b:s6+s17], $0x80, s19, s17, $0xb8;
	v63 =	vld [tilespmem:$0x0]  }
0x7b: {  	_ =	swait.ge [sflag:s23], $0x3800  }
0x7c: {  	[sflag:s23] =	ssyncset.done $0x0  }
0x7d: {  	s21 =	simm.s32 $0x3200;
	[sflag:s23] =	ssyncadd.s32 $0xFFFFC800  }
0x7e: {  	[spmem:s3] =	stream.indirect.scatter.add.f32 [tilespmem:s18], [sflag:$0x5], $0x80, s21, s17, $0xb8;
	v63 =	vld [tilespmem:$0x0]  }
0x7f: {  	_ =	swait.ge [sflag:s24], $0x3800  }
0x80: {  	[sflag:s24] =	ssyncset.done $0x0  }
0x81: {  	s19 =	simm.s32 $0x380;
	[sflag:s24] =	ssyncadd.s32 $0xFFFFC800  }
0x82: {  	[tilespmem:s25], [sflag:$0x4] =	stream.indirect.gather [hbm4b:s6+s17], $0x80, s19, s17, $0xb8;
	v63 =	vld [tilespmem:$0x0]  }
0x83: {  	_ =	swait.ge [sflag:s26], $0x3800  }
0x84: {  	[sflag:s26] =	ssyncset.done $0x0  }
0x85: {  	s21 =	simm.s32 $0x3280;
	[sflag:s26] =	ssyncadd.s32 $0xFFFFC800  }
0x86: {  	[spmem:s3] =	stream.indirect.scatter.add.f32 [tilespmem:s20], [sflag:$0x6], $0x80, s21, s17, $0xb8;
	v63 =	vld [tilespmem:$0x0]  }
0x87: {  	_ =	swait.ge [sflag:s29], $0x3800  }
0x88: {  	[sflag:s29] =	ssyncset.done $0x0  }
0x89: {  	s19 =	simm.s32 $0x400;
	[sflag:s29] =	ssyncadd.s32 $0xFFFFC800  }
0x8a: {  	[tilespmem:s18], [sflag:$0x1] =	stream.indirect.gather [hbm4b:s6+s17], $0x80, s19, s17, $0xb8;
	v63 =	vld [tilespmem:$0x0]  }
0x8b: {  	_ =	swait.ge [sflag:s31], $0x3800  }
0x8c: {  	[sflag:s31] =	ssyncset.done $0x0  }
0x8d: {  	s21 =	simm.s32 $0x3300;
	[sflag:s31] =	ssyncadd.s32 $0xFFFFC800  }
0x8e: {  	[spmem:s3] =	stream.indirect.scatter.add.f32 [tilespmem:s22], [sflag:$0x7], $0x80, s21, s17, $0xb8;
	v63 =	vld [tilespmem:$0x0]  }
0x8f: {  	_ =	swait.ge [sflag:s1], $0x3800  }
0x90: {  	[sflag:s1] =	ssyncset.done $0x0  }
0x91: {  	s19 =	simm.s32 $0x480;
	[sflag:s1] =	ssyncadd.s32 $0xFFFFC800  }
0x92: {  	[tilespmem:s20], [sflag:$0x2] =	stream.indirect.gather [hbm4b:s6+s17], $0x80, s19, s17, $0xb8;
	v63 =	vld [tilespmem:$0x0]  }
0x93: {  	_ =	swait.ge [sflag:s7], $0x3800  }
0x94: {  	[sflag:s7] =	ssyncset.done $0x0  }
0x95: {  	s21 =	simm.s32 $0x3380;
	[sflag:s7] =	ssyncadd.s32 $0xFFFFC800  }
0x96: {  	[spmem:s3] =	stream.indirect.scatter.add.f32 [tilespmem:s25], [sflag:$0x8], $0x80, s21, s17, $0xb8;
	v63 =	vld [tilespmem:$0x0]  }
0x97: {  	_ =	swait.ge [sflag:s8], $0x3800  }
0x98: {  	[sflag:s8] =	ssyncset.done $0x0  }
0x99: {  	s2 =	simm.s32 $0x800;
	s19 =	simm.s32 $0x500;
	[sflag:s8] =	ssyncadd.s32 $0xFFFFC800  }
.LBB2_6:
0x9a: {  	[tilespmem:s22], [sflag:$0x3] =	stream.indirect.gather [hbm4b:s6+s17], $0x80, s19, s17, $0xb8;
	v63 =	vld [tilespmem:$0x0]  }
0x9b: {  	s19 =	smov.u32 s2  }
0x9c: {  	p1 =	seq.s32 s2, $0x9800;
	s2 =	sadd.s32 $0x800, s2;
	_ =	swait.ge [sflag:s23], $0x3800  }
0x9d: {  	s19 =	sshra.s32 s19, $0x2;
	[sflag:s23] =	ssyncset.done $0x0  }
0x9e: {  	s21 =	sadd.s32 $0x3200, s19;
	[sflag:s23] =	ssyncadd.s32 $0xFFFFC800  }
0x9f: {  	[spmem:s3] =	stream.indirect.scatter.add.f32 [tilespmem:s18], [sflag:$0x5], $0x80, s21, s17, $0xb8;
	v63 =	vld [tilespmem:$0x0]  }
0xa0: {  	_ =	swait.ge [sflag:s24], $0x3800  }
0xa1: {  	[sflag:s24] =	ssyncset.done $0x0  }
0xa2: {  	s21 =	sadd.s32 $0x380, s19;
	[sflag:s24] =	ssyncadd.s32 $0xFFFFC800  }
0xa3: {  	[tilespmem:s25], [sflag:$0x4] =	stream.indirect.gather [hbm4b:s6+s17], $0x80, s21, s17, $0xb8;
	v63 =	vld [tilespmem:$0x0]  }
0xa4: {  	_ =	swait.ge [sflag:s26], $0x3800  }
0xa5: {  	[sflag:s26] =	ssyncset.done $0x0  }
0xa6: {  	s21 =	sadd.s32 $0x3280, s19;
	[sflag:s26] =	ssyncadd.s32 $0xFFFFC800  }
0xa7: {  	[spmem:s3] =	stream.indirect.scatter.add.f32 [tilespmem:s20], [sflag:$0x6], $0x80, s21, s17, $0xb8;
	v63 =	vld [tilespmem:$0x0]  }
0xa8: {  	_ =	swait.ge [sflag:s29], $0x3800  }
0xa9: {  	[sflag:s29] =	ssyncset.done $0x0  }
0xaa: {  	s21 =	sadd.s32 $0x400, s19;
	[sflag:s29] =	ssyncadd.s32 $0xFFFFC800  }
0xab: {  	[tilespmem:s18], [sflag:$0x1] =	stream.indirect.gather [hbm4b:s6+s17], $0x80, s21, s17, $0xb8;
	v63 =	vld [tilespmem:$0x0]  }
0xac: {  	_ =	swait.ge [sflag:s31], $0x3800  }
0xad: {  	[sflag:s31] =	ssyncset.done $0x0  }
0xae: {  	s21 =	sadd.s32 $0x3300, s19;
	[sflag:s31] =	ssyncadd.s32 $0xFFFFC800  }
0xaf: {  	[spmem:s3] =	stream.indirect.scatter.add.f32 [tilespmem:s22], [sflag:$0x7], $0x80, s21, s17, $0xb8;
	v63 =	vld [tilespmem:$0x0]  }
0xb0: {  	_ =	swait.ge [sflag:s1], $0x3800  }
0xb1: {  	[sflag:s1] =	ssyncset.done $0x0  }
0xb2: {  	s21 =	sadd.s32 $0x480, s19;
	[sflag:s1] =	ssyncadd.s32 $0xFFFFC800  }
0xb3: {  	[tilespmem:s20], [sflag:$0x2] =	stream.indirect.gather [hbm4b:s6+s17], $0x80, s21, s17, $0xb8;
	v63 =	vld [tilespmem:$0x0]  }
0xb4: {  	_ =	swait.ge [sflag:s7], $0x3800  }
0xb5: {  	[sflag:s7] =	ssyncset.done $0x0  }
.Ltmp3:
0xb6: {  	s21 =	sadd.s32 $0x3380, s19;
	[sflag:s7] =	ssyncadd.s32 $0xFFFFC800;
	(pc) =	sbr.rel @!p1 .LBB2_6-.Ltmp3, $4  }
0xb7: {  	[spmem:s3] =	stream.indirect.scatter.add.f32 [tilespmem:s25], [sflag:$0x8], $0x80, s21, s17, $0xb8;
	v63 =	vld [tilespmem:$0x0]  }
0xb8: {  	_ =	swait.ge [sflag:s8], $0x3800  }
0xb9: {  	[sflag:s8] =	ssyncset.done $0x0  }
0xba: {  	s19 =	sadd.s32 $0x500, s19;
	[sflag:s8] =	ssyncadd.s32 $0xFFFFC800  }
.Ltmp4:
0xbb: {  	_ = 	snop;
	(pc) =	sbr.rel .LBB2_7-.Ltmp4, $1  }
0xbc: {  	_ =	sdelay $0x3  }
.LBB2_2:
0xbd: {  	[tilespmem:s2], [sflag:$0x9] =	stream.linear.gather [hbm4b:s10+s2], $0x2D00, $0x38;
	v63 =	vld [tilespmem:$0x0]  }
0xbe: {  	_ =	swait.ge [sflag:s15], $0x2D00  }
0xbf: {  	[sflag:s15] =	ssyncset.done $0x0  }
0xc0: {  	[sflag:s15] =	ssyncadd.s32 $0xFFFFD300  }
0xc1: {  	[tilespmem:s16], [sflag:$0x9] =	stream.linear.gather [hbm4b:s11+s2], $0x2D00, $0x38;
	v63 =	vld [tilespmem:$0x0]  }
0xc2: {  	_ =	swait.ge [sflag:s15], $0x2D00  }
0xc3: {  	[sflag:s15] =	ssyncset.done $0x0  }
0xc4: {  	[sflag:s15] =	ssyncadd.s32 $0xFFFFD300  }
0xc5: {  	[bflag:$0x0] =	sbarrier.arrive $0xFFFF  }
0xc6: {  	[tilespmem:s18], [sflag:$0x1] =	stream.indirect.gather [hbm4b:s5+s17], $0x80, s2, s17, $0xb8;
	v63 =	vld [tilespmem:$0x0]  }
0xc7: {  	s19 =	simm.s32 $0x80  }
0xc8: {  	[tilespmem:s20], [sflag:$0x2] =	stream.indirect.gather [hbm4b:s5+s17], $0x80, s19, s17, $0xb8;
	v63 =	vld [tilespmem:$0x0]  }
0xc9: {  	s21 =	simm.s32 $0x100  }
0xca: {  	[tilespmem:s22], [sflag:$0x3] =	stream.indirect.gather [hbm4b:s5+s17], $0x80, s21, s17, $0xb8;
	v63 =	vld [tilespmem:$0x0]  }
0xcb: {  	_ =	swait.ge [sflag:s23], $0x3800  }
0xcc: {  	[sflag:s23] =	ssyncset.done $0x0  }
0xcd: {  	[sflag:s23] =	ssyncadd.s32 $0xFFFFC800  }
0xce: {  	[spmem:s3] =	stream.indirect.scatter.add.f32 [tilespmem:s18], [sflag:$0x5], $0x80, s16, s17, $0xb8;
	v63 =	vld [tilespmem:$0x0]  }
0xcf: {  	s19 =	simm.s32 $0x180  }
0xd0: {  	[tilespmem:s25], [sflag:$0x4] =	stream.indirect.gather [hbm4b:s5+s17], $0x80, s19, s17, $0xb8;
	v63 =	vld [tilespmem:$0x0]  }
0xd1: {  	_ =	swait.ge [sflag:s26], $0x3800  }
0xd2: {  	[sflag:s26] =	ssyncset.done $0x0  }
0xd3: {  	s21 =	simm.s32 $0x3080;
	[sflag:s26] =	ssyncadd.s32 $0xFFFFC800  }
0xd4: {  	[spmem:s3] =	stream.indirect.scatter.add.f32 [tilespmem:s20], [sflag:$0x6], $0x80, s21, s17, $0xb8;
	v63 =	vld [tilespmem:$0x0]  }
0xd5: {  	_ =	swait.ge [sflag:s29], $0x3800  }
0xd6: {  	[sflag:s29] =	ssyncset.done $0x0  }
0xd7: {  	s19 =	simm.s32 $0x200;
	[sflag:s29] =	ssyncadd.s32 $0xFFFFC800  }
0xd8: {  	[tilespmem:s18], [sflag:$0x1] =	stream.indirect.gather [hbm4b:s5+s17], $0x80, s19, s17, $0xb8;
	v63 =	vld [tilespmem:$0x0]  }
0xd9: {  	_ =	swait.ge [sflag:s31], $0x3800  }
0xda: {  	[sflag:s31] =	ssyncset.done $0x0  }
0xdb: {  	s21 =	simm.s32 $0x3100;
	[sflag:s31] =	ssyncadd.s32 $0xFFFFC800  }
0xdc: {  	[spmem:s3] =	stream.indirect.scatter.add.f32 [tilespmem:s22], [sflag:$0x7], $0x80, s21, s17, $0xb8;
	v63 =	vld [tilespmem:$0x0]  }
0xdd: {  	_ =	swait.ge [sflag:s1], $0x3800  }
0xde: {  	[sflag:s1] =	ssyncset.done $0x0  }
0xdf: {  	s19 =	simm.s32 $0x280;
	[sflag:s1] =	ssyncadd.s32 $0xFFFFC800  }
0xe0: {  	[tilespmem:s20], [sflag:$0x2] =	stream.indirect.gather [hbm4b:s5+s17], $0x80, s19, s17, $0xb8;
	v63 =	vld [tilespmem:$0x0]  }
0xe1: {  	_ =	swait.ge [sflag:s7], $0x3800  }
0xe2: {  	[sflag:s7] =	ssyncset.done $0x0  }
0xe3: {  	s21 =	simm.s32 $0x3180;
	[sflag:s7] =	ssyncadd.s32 $0xFFFFC800  }
0xe4: {  	[spmem:s3] =	stream.indirect.scatter.add.f32 [tilespmem:s25], [sflag:$0x8], $0x80, s21, s17, $0xb8;
	v63 =	vld [tilespmem:$0x0]  }
0xe5: {  	_ =	swait.ge [sflag:s8], $0x3800  }
0xe6: {  	[sflag:s8] =	ssyncset.done $0x0  }
0xe7: {  	s19 =	simm.s32 $0x300;
	[sflag:s8] =	ssyncadd.s32 $0xFFFFC800  }
0xe8: {  	[tilespmem:s22], [sflag:$0x3] =	stream.indirect.gather [hbm4b:s5+s17], $0x80, s19, s17, $0xb8;
	v63 =	vld [tilespmem:$0x0]  }
0xe9: {  	_ =	swait.ge [sflag:s23], $0x3800  }
0xea: {  	[sflag:s23] =	ssyncset.done $0x0  }
0xeb: {  	s21 =	simm.s32 $0x3200;
	[sflag:s23] =	ssyncadd.s32 $0xFFFFC800  }
0xec: {  	[spmem:s3] =	stream.indirect.scatter.add.f32 [tilespmem:s18], [sflag:$0x5], $0x80, s21, s17, $0xb8;
	v63 =	vld [tilespmem:$0x0]  }
0xed: {  	_ =	swait.ge [sflag:s24], $0x3800  }
0xee: {  	[sflag:s24] =	ssyncset.done $0x0  }
0xef: {  	s19 =	simm.s32 $0x380;
	[sflag:s24] =	ssyncadd.s32 $0xFFFFC800  }
0xf0: {  	[tilespmem:s25], [sflag:$0x4] =	stream.indirect.gather [hbm4b:s5+s17], $0x80, s19, s17, $0xb8;
	v63 =	vld [tilespmem:$0x0]  }
0xf1: {  	_ =	swait.ge [sflag:s26], $0x3800  }
0xf2: {  	[sflag:s26] =	ssyncset.done $0x0  }
0xf3: {  	s21 =	simm.s32 $0x3280;
	[sflag:s26] =	ssyncadd.s32 $0xFFFFC800  }
0xf4: {  	[spmem:s3] =	stream.indirect.scatter.add.f32 [tilespmem:s20], [sflag:$0x6], $0x80, s21, s17, $0xb8;
	v63 =	vld [tilespmem:$0x0]  }
0xf5: {  	_ =	swait.ge [sflag:s29], $0x3800  }
0xf6: {  	[sflag:s29] =	ssyncset.done $0x0  }
0xf7: {  	s19 =	simm.s32 $0x400;
	[sflag:s29] =	ssyncadd.s32 $0xFFFFC800  }
0xf8: {  	[tilespmem:s18], [sflag:$0x1] =	stream.indirect.gather [hbm4b:s5+s17], $0x80, s19, s17, $0xb8;
	v63 =	vld [tilespmem:$0x0]  }
0xf9: {  	_ =	swait.ge [sflag:s31], $0x3800  }
0xfa: {  	[sflag:s31] =	ssyncset.done $0x0  }
0xfb: {  	s21 =	simm.s32 $0x3300;
	[sflag:s31] =	ssyncadd.s32 $0xFFFFC800  }
0xfc: {  	[spmem:s3] =	stream.indirect.scatter.add.f32 [tilespmem:s22], [sflag:$0x7], $0x80, s21, s17, $0xb8;
	v63 =	vld [tilespmem:$0x0]  }
0xfd: {  	_ =	swait.ge [sflag:s1], $0x3800  }
0xfe: {  	[sflag:s1] =	ssyncset.done $0x0  }
0xff: {  	s19 =	simm.s32 $0x480;
	[sflag:s1] =	ssyncadd.s32 $0xFFFFC800  }
0x100: {  	[tilespmem:s20], [sflag:$0x2] =	stream.indirect.gather [hbm4b:s5+s17], $0x80, s19, s17, $0xb8;
	v63 =	vld [tilespmem:$0x0]  }
0x101: {  	_ =	swait.ge [sflag:s7], $0x3800  }
0x102: {  	[sflag:s7] =	ssyncset.done $0x0  }
0x103: {  	s21 =	simm.s32 $0x3380;
	[sflag:s7] =	ssyncadd.s32 $0xFFFFC800  }
0x104: {  	[spmem:s3] =	stream.indirect.scatter.add.f32 [tilespmem:s25], [sflag:$0x8], $0x80, s21, s17, $0xb8;
	v63 =	vld [tilespmem:$0x0]  }
0x105: {  	_ =	swait.ge [sflag:s8], $0x3800  }
0x106: {  	[sflag:s8] =	ssyncset.done $0x0  }
0x107: {  	s2 =	simm.s32 $0x800;
	s19 =	simm.s32 $0x500;
	[sflag:s8] =	ssyncadd.s32 $0xFFFFC800  }
.LBB2_3:
0x108: {  	[tilespmem:s22], [sflag:$0x3] =	stream.indirect.gather [hbm4b:s5+s17], $0x80, s19, s17, $0xb8;
	v63 =	vld [tilespmem:$0x0]  }
0x109: {  	s19 =	smov.u32 s2  }
0x10a: {  	p1 =	sne.s32 s2, $0x9800;
	s2 =	sadd.s32 $0x800, s2;
	_ =	swait.ge [sflag:s23], $0x3800  }
0x10b: {  	s19 =	sshra.s32 s19, $0x2;
	[sflag:s23] =	ssyncset.done $0x0  }
0x10c: {  	s21 =	sadd.s32 $0x3200, s19;
	[sflag:s23] =	ssyncadd.s32 $0xFFFFC800  }
0x10d: {  	[spmem:s3] =	stream.indirect.scatter.add.f32 [tilespmem:s18], [sflag:$0x5], $0x80, s21, s17, $0xb8;
	v63 =	vld [tilespmem:$0x0]  }
0x10e: {  	_ =	swait.ge [sflag:s24], $0x3800  }
0x10f: {  	[sflag:s24] =	ssyncset.done $0x0  }
0x110: {  	s21 =	sadd.s32 $0x380, s19;
	[sflag:s24] =	ssyncadd.s32 $0xFFFFC800  }
0x111: {  	[tilespmem:s25], [sflag:$0x4] =	stream.indirect.gather [hbm4b:s5+s17], $0x80, s21, s17, $0xb8;
	v63 =	vld [tilespmem:$0x0]  }
0x112: {  	_ =	swait.ge [sflag:s26], $0x3800  }
0x113: {  	[sflag:s26] =	ssyncset.done $0x0  }
0x114: {  	s21 =	sadd.s32 $0x3280, s19;
	[sflag:s26] =	ssyncadd.s32 $0xFFFFC800  }
0x115: {  	[spmem:s3] =	stream.indirect.scatter.add.f32 [tilespmem:s20], [sflag:$0x6], $0x80, s21, s17, $0xb8;
	v63 =	vld [tilespmem:$0x0]  }
0x116: {  	_ =	swait.ge [sflag:s29], $0x3800  }
0x117: {  	[sflag:s29] =	ssyncset.done $0x0  }
0x118: {  	s21 =	sadd.s32 $0x400, s19;
	[sflag:s29] =	ssyncadd.s32 $0xFFFFC800  }
0x119: {  	[tilespmem:s18], [sflag:$0x1] =	stream.indirect.gather [hbm4b:s5+s17], $0x80, s21, s17, $0xb8;
	v63 =	vld [tilespmem:$0x0]  }
0x11a: {  	_ =	swait.ge [sflag:s31], $0x3800  }
0x11b: {  	[sflag:s31] =	ssyncset.done $0x0  }
0x11c: {  	s21 =	sadd.s32 $0x3300, s19;
	[sflag:s31] =	ssyncadd.s32 $0xFFFFC800  }
0x11d: {  	[spmem:s3] =	stream.indirect.scatter.add.f32 [tilespmem:s22], [sflag:$0x7], $0x80, s21, s17, $0xb8;
	v63 =	vld [tilespmem:$0x0]  }
0x11e: {  	_ =	swait.ge [sflag:s1], $0x3800  }
0x11f: {  	[sflag:s1] =	ssyncset.done $0x0  }
0x120: {  	s21 =	sadd.s32 $0x480, s19;
	[sflag:s1] =	ssyncadd.s32 $0xFFFFC800  }
0x121: {  	[tilespmem:s20], [sflag:$0x2] =	stream.indirect.gather [hbm4b:s5+s17], $0x80, s21, s17, $0xb8;
	v63 =	vld [tilespmem:$0x0]  }
0x122: {  	_ =	swait.ge [sflag:s7], $0x3800  }
0x123: {  	[sflag:s7] =	ssyncset.done $0x0  }
.Ltmp5:
0x124: {  	s21 =	sadd.s32 $0x3380, s19;
	[sflag:s7] =	ssyncadd.s32 $0xFFFFC800;
	(pc) =	sbr.rel @p1 .LBB2_3-.Ltmp5, $4  }
0x125: {  	[spmem:s3] =	stream.indirect.scatter.add.f32 [tilespmem:s25], [sflag:$0x8], $0x80, s21, s17, $0xb8;
	v63 =	vld [tilespmem:$0x0]  }
0x126: {  	_ =	swait.ge [sflag:s8], $0x3800  }
0x127: {  	[sflag:s8] =	ssyncset.done $0x0  }
0x128: {  	s19 =	sadd.s32 $0x500, s19;
	[sflag:s8] =	ssyncadd.s32 $0xFFFFC800  }
.Ltmp6:
0x129: {  	(pc) =	sbr.rel .LBB2_8-.Ltmp6, $3  }
0x12a: {  	_ =	sdelay $0x1  }
0x12b: {  	[tilespmem:s22], [sflag:$0x3] =	stream.indirect.gather [hbm4b:s5+s17], $0x80, s19, s17, $0xb8;
	v63 =	vld [tilespmem:$0x0]  }
0x12c: {  	s19 =	smov.u32 s5;
	s2 =	rddreg [dreg:$0x6]  }
.LBB2_9:
0x12d: {  	_ =	sfence.sel $0x180000  }
0x12e: {  	[bflag:$0x0] =	sbarrier.arrive $0xFFFF  }
0x12f: {  	_ =	strace $0x90000050  }
0x130: {  	s0 =	stileid.u32;
	[bflag:$0x2] =	sbarrier.arrive $0xFFFF  }
0x131: {  	p0 =	sne.s32 s0, $0x0;
	s0 =	rddreg [dreg:$0x4]  }
0x132: {  	s0 =	sadd.s32 @!p0 $0x100000, s0  }
0x133: {  	[sflag:s0] =	ssyncadd.tile.s32 @!p0 $0x1;
	_ =	shalt  }
.Lfunc_end2:
_tile_overlayer_lowered:
.L_overlay_start_2:
0x134: {  	(tag) =	ssettag $0x2  }
0x135: {  	s0 =	rddreg [dreg:$0x0];
	s2 =	stileid.u32  }
0x136: {  	s1 =	rddreg [dreg:$0x1];
	p0 =	sne.s32 s2, $0x0  }
0x137: {  	s3 =	rddreg [dreg:$0x2];
	[bflag:$0x3] =	sbarrier.arrive $0xFFFF;
	s2 =	simm.s32 @!p0 $0x1C09  }
0x138: {  	[timem:s3], [sflag:s2] =	dma.local @!p0 [hbm:s0], s1  }
0x139: {  	s0 =	simm.s32 @!p0 $0x9  }
0x13a: {  	_ =	swait.ge @!p0 [sflag:s0], s1  }
0x13b: {  	s1 =	ssub.s32 @!p0 $0x0, s1;
	[sflag:s0] =	ssyncset.done @!p0 $0x0  }
0x13c: {  	[sflag:s0] =	ssyncadd.s32 @!p0 s1  }
0x13d: {  	[bflag:$0x3] =	sbarrier.arrive $0xFFFF  }
0x13e: {  	_ =	shalt  }

</sc_bundles>
